<compile_context>
chip_gen: v7x
topology: tpu7x:2x2x1
jax: 0.10.2.dev20260603
libtpu: 0.0.44.dev20260713+nightly
codegen_flags: <defaults>
</compile_context>

<pallas_src>
import functools

import jax
import jax.numpy as jnp
from jax import lax
from jax.experimental import pallas as pl
from jax.experimental.pallas import tpu as pltpu
from jax.experimental.pallas import tpu_sc as plsc

N = 90000
ROIS = 90
BATCH = N // ROIS
E = 2880000
H0 = 3
HID = 16
NLAYERS = 3
HL = 64
NCLS = 2

SC_CORES = 2
SC_SUBCORES = 16
NW = SC_CORES * SC_SUBCORES
EPW = E // NW
CHUNK = 6000
NCH = EPW // CHUNK
N1 = 90112
NPS1 = N1 // SC_SUBCORES

_mesh = plsc.VectorSubcoreMesh(
    core_axis_name="c", subcore_axis_name="s",
    num_cores=SC_CORES, num_subcores=SC_SUBCORES)


def _worker_id():
    cid = lax.axis_index("c")
    sid = lax.axis_index("s")
    return cid, sid, sid * SC_CORES + cid


@functools.partial(
    pl.kernel, mesh=_mesh,
    compiler_params=pltpu.CompilerParams(use_tc_tiling_on_sc=False),
    out_type=(jax.ShapeDtypeStruct((E,), jnp.float32),
              jax.ShapeDtypeStruct((SC_CORES, N1), jnp.float32)),
    scratch_types=[
        pltpu.VMEM_SHARED((N1,), jnp.float32),
        pltpu.VMEM((CHUNK,), jnp.int32),
        pltpu.VMEM((CHUNK,), jnp.int32),
        pltpu.VMEM((CHUNK,), jnp.float32),
        pltpu.VMEM((CHUNK,), jnp.float32),
        pltpu.VMEM((CHUNK,), jnp.float32),
        pltpu.VMEM((CHUNK,), jnp.float32),
        pltpu.VMEM((CHUNK,), jnp.int32),
        pltpu.VMEM((CHUNK,), jnp.int32),
        pltpu.VMEM((CHUNK,), jnp.float32),
        pltpu.VMEM((CHUNK,), jnp.float32),
        pltpu.VMEM((CHUNK,), jnp.float32),
        pltpu.VMEM((CHUNK,), jnp.float32),
        pltpu.SemaphoreType.DMA,
        pltpu.SemaphoreType.DMA,
        pltpu.SemaphoreType.DMA,
        pltpu.SemaphoreType.DMA,
        pltpu.SemaphoreType.DMA,
        pltpu.SemaphoreType.DMA,
        pltpu.SemaphoreType.DMA,
        pltpu.SemaphoreType.DMA,
    ],
)
def _sc_edge_prob(a_hbm, b_hbm, src_hbm, dst_hbm, ew_hbm, zeros_hbm,
                  w_hbm, deg_hbm,
                  deg_sp,
                  sv0, dv0, ev0, ag0, bg0, wv0,
                  sv1, dv1, ev1, ag1, bg1, wv1,
                  semI0, semI1, semG0, semG1, semW0, semW1, semD0, semD1):
    cid, sid, wid = _worker_id()
    base = wid * EPW
    bufs = ((sv0, dv0, ev0, ag0, bg0, wv0, semI0, semG0, semW0, semD0),
            (sv1, dv1, ev1, ag1, bg1, wv1, semI1, semG1, semW1, semD1))

    def issue_idx(cc, b):
        sv, dv, ev, _, _, _, semI, _, _, _ = bufs[b]
        off = base + cc * CHUNK
        pltpu.async_copy(src_hbm.at[pl.ds(off, CHUNK)], sv, semI)
        pltpu.async_copy(dst_hbm.at[pl.ds(off, CHUNK)], dv, semI)
        pltpu.async_copy(ew_hbm.at[pl.ds(off, CHUNK)], ev, semI)

    def wait_idx(cc, b):
        sv, dv, ev, _, _, _, semI, _, _, _ = bufs[b]
        off = base + cc * CHUNK
        pltpu.make_async_copy(src_hbm.at[pl.ds(off, CHUNK)], sv, semI).wait()
        pltpu.make_async_copy(dst_hbm.at[pl.ds(off, CHUNK)], dv, semI).wait()
        pltpu.make_async_copy(ew_hbm.at[pl.ds(off, CHUNK)], ev, semI).wait()

    def issue_gathers(b):
        sv, dv, _, ag, bg, _, _, semG, _, _ = bufs[b]
        pltpu.async_copy(a_hbm.at[sv], ag, semG)
        pltpu.async_copy(b_hbm.at[dv], bg, semG)

    def wait_gathers(b):
        sv, dv, _, ag, bg, _, _, semG, _, _ = bufs[b]
        pltpu.make_async_copy(a_hbm.at[sv], ag, semG).wait()
        pltpu.make_async_copy(b_hbm.at[dv], bg, semG).wait()

    def issue_w(cc, b):
        _, _, _, _, _, wv, _, _, semW, _ = bufs[b]
        off = base + cc * CHUNK
        pltpu.async_copy(wv, w_hbm.at[pl.ds(off, CHUNK)], semW)

    def wait_w(cc, b):
        _, _, _, _, _, wv, _, _, semW, _ = bufs[b]
        off = base + cc * CHUNK
        pltpu.make_async_copy(wv, w_hbm.at[pl.ds(off, CHUNK)], semW).wait()

    def issue_d(b):
        _, dv, _, _, _, wv, _, _, _, semD = bufs[b]
        pltpu.async_copy(wv, deg_sp.at[dv], semD, add=True)

    def wait_d(b):
        _, dv, _, _, _, wv, _, _, _, semD = bufs[b]
        pltpu.make_async_copy(wv, deg_sp.at[dv], semD).wait()

    def compute(b):
        _, _, ev, ag, bg, wv, _, _, _, _ = bufs[b]

        def vec_body(k, c2):
            s = pl.ds(k * 16, 16)
            t = ag[s] + bg[s]
            p = 1.0 / (1.0 + jnp.exp(-t))
            wv[s] = ev[s] * p
            return c2

        lax.fori_loop(0, CHUNK // 16, vec_body, 0)

    pltpu.sync_copy(zeros_hbm.at[pl.ds(sid * NPS1, NPS1)],
                    deg_sp.at[pl.ds(sid * NPS1, NPS1)])
    plsc.subcore_barrier()

    issue_idx(0, 0)
    wait_idx(0, 0)
    issue_gathers(0)

    def pair_body(j, carry):
        @pl.when(j >= 1)
        def _():
            wait_d(1)
            wait_w(2 * j - 1, 1)
        issue_idx(2 * j + 1, 1)
        wait_gathers(0)
        compute(0)
        wait_idx(2 * j + 1, 1)
        issue_gathers(1)
        issue_w(2 * j, 0)
        issue_d(0)
        wait_d(0)
        wait_w(2 * j, 0)
        issue_idx(2 * j + 2, 0)
        wait_gathers(1)
        compute(1)
        wait_idx(2 * j + 2, 0)
        issue_gathers(0)
        issue_w(2 * j + 1, 1)
        issue_d(1)
        return carry

    lax.fori_loop(0, (NCH - 1) // 2, pair_body, 0)
    wait_d(1)
    wait_w(NCH - 2, 1)
    wait_gathers(0)
    compute(0)
    issue_w(NCH - 1, 0)
    issue_d(0)
    wait_d(0)
    wait_w(NCH - 1, 0)
    plsc.subcore_barrier()
    pltpu.sync_copy(deg_sp.at[pl.ds(sid * NPS1, NPS1)],
                    deg_hbm.at[cid, pl.ds(sid * NPS1, NPS1)])


CHUNK_G = 720
NCH_G = EPW // CHUNK_G


@functools.partial(
    pl.kernel, mesh=_mesh,
    compiler_params=pltpu.CompilerParams(use_tc_tiling_on_sc=False),
    out_type=jax.ShapeDtypeStruct((SC_CORES, N1, HID), jnp.float32),
    scratch_types=[
        pltpu.VMEM_SHARED((N1, HID), jnp.float32),
        pltpu.VMEM((CHUNK_G,), jnp.int32),
        pltpu.VMEM((CHUNK_G,), jnp.int32),
        pltpu.VMEM((CHUNK_G,), jnp.float32),
        pltpu.VMEM((CHUNK_G, HID), jnp.float32),
        pltpu.VMEM((CHUNK_G,), jnp.int32),
        pltpu.VMEM((CHUNK_G,), jnp.int32),
        pltpu.VMEM((CHUNK_G,), jnp.float32),
        pltpu.VMEM((CHUNK_G, HID), jnp.float32),
        pltpu.SemaphoreType.DMA,
        pltpu.SemaphoreType.DMA,
        pltpu.SemaphoreType.DMA,
        pltpu.SemaphoreType.DMA,
        pltpu.SemaphoreType.DMA,
        pltpu.SemaphoreType.DMA,
    ],
)
def _sc_agg(h_hbm, src_hbm, dst_hbm, norm_hbm, zseg_hbm,
            part_hbm,
            acc_sp, sv0, dv0, nv0, rows0, sv1, dv1, nv1, rows1,
            semI0, semI1, semG0, semG1, semS0, semS1):
    cid, sid, wid = _worker_id()
    base = wid * EPW
    bufs = ((sv0, dv0, nv0, rows0, semI0, semG0, semS0),
            (sv1, dv1, nv1, rows1, semI1, semG1, semS1))

    def issue_idx(cc, b):
        sv, dv, nv, _, semI, _, _ = bufs[b]
        off = base + cc * CHUNK_G
        pltpu.async_copy(src_hbm.at[pl.ds(off, CHUNK_G)], sv, semI)
        pltpu.async_copy(dst_hbm.at[pl.ds(off, CHUNK_G)], dv, semI)
        pltpu.async_copy(norm_hbm.at[pl.ds(off, CHUNK_G)], nv, semI)

    def wait_idx(cc, b):
        sv, dv, nv, _, semI, _, _ = bufs[b]
        off = base + cc * CHUNK_G
        pltpu.make_async_copy(src_hbm.at[pl.ds(off, CHUNK_G)], sv, semI).wait()
        pltpu.make_async_copy(dst_hbm.at[pl.ds(off, CHUNK_G)], dv, semI).wait()
        pltpu.make_async_copy(norm_hbm.at[pl.ds(off, CHUNK_G)], nv, semI).wait()

    def issue_gather(b):
        sv, _, _, rows, _, semG, _ = bufs[b]
        pltpu.async_copy(h_hbm.at[sv], rows, semG)

    def wait_gather(b):
        sv, _, _, rows, _, semG, _ = bufs[b]
        pltpu.make_async_copy(h_hbm.at[sv], rows, semG).wait()

    def issue_scat(b):
        _, dv, _, rows, _, _, semS = bufs[b]
        pltpu.async_copy(rows, acc_sp.at[dv], semS, add=True)

    def wait_scat(b):
        _, dv, _, rows, _, _, semS = bufs[b]
        pltpu.make_async_copy(rows, acc_sp.at[dv], semS).wait()

    def scale(b):
        _, _, nv, rows, _, _, _ = bufs[b]

        def scale_body(k, c2):
            nvec = nv[pl.ds(k * 16, 16)]
            for i in range(16):
                e = k * 16 + i
                rows[e] = rows[e] * jnp.full((16,), nvec[i], jnp.float32)
            return c2

        lax.fori_loop(0, CHUNK_G // 16, scale_body, 0)

    pltpu.sync_copy(zseg_hbm.at[pl.ds(sid * NPS1, NPS1)],
                    acc_sp.at[pl.ds(sid * NPS1, NPS1)])
    plsc.subcore_barrier()

    issue_idx(0, 0)
    wait_idx(0, 0)
    issue_gather(0)

    def pair_body(j, carry):
        @pl.when(j >= 1)
        def _():
            wait_scat(1)
        issue_idx(2 * j + 1, 1)
        wait_gather(0)
        scale(0)
        wait_idx(2 * j + 1, 1)
        issue_gather(1)
        issue_scat(0)
        wait_scat(0)
        issue_idx(2 * j + 2, 0)
        wait_gather(1)
        scale(1)
        wait_idx(2 * j + 2, 0)
        issue_gather(0)
        issue_scat(1)
        return carry

    lax.fori_loop(0, (NCH_G - 1) // 2, pair_body, 0)
    wait_scat(1)
    wait_gather(0)
    scale(0)
    issue_scat(0)
    wait_scat(0)
    plsc.subcore_barrier()
    pltpu.sync_copy(acc_sp.at[pl.ds(sid * NPS1, NPS1)],
                    part_hbm.at[cid, pl.ds(sid * NPS1, NPS1)])


def kernel(x, edge_index, edge_weight, temperature, prob, prob_bias,
           W1, b1, W2, b2, W3, b3, lin1_W, lin1_b, lin2_W, lin2_b):
    src = edge_index[0]
    dst = edge_index[1]
    xf = (x.reshape(BATCH, ROIS, H0) * prob[None, :, :]).reshape(N, H0)
    pb = prob_bias[:, 0]
    a = xf @ pb[:H0]
    bvec = xf @ pb[H0:]
    zeros1 = jnp.zeros((N1,), jnp.float32)
    zseg = jnp.zeros((N1, HID), jnp.float32)

    w, deg2 = _sc_edge_prob(a, bvec, src, dst, edge_weight, zeros1)
    deg = deg2[0, :N] + deg2[1, :N] + 1.0
    dis = jnp.where(deg > 0, lax.rsqrt(jnp.maximum(deg, 1e-12)), 0.0)
    dis2 = dis * dis

    xs = []
    xk = xf
    for W, b in ((W1, b1), (W2, b2), (W3, b3)):
        h = xk @ W
        hd = dis[:, None] * h
        part = _sc_agg(hd, src, dst, w, zseg)
        acc = (part[0] + part[1])[:N]
        xk = jax.nn.relu(dis[:, None] * (acc + hd) + b)
        xs.append(xk)

    xcat = jnp.concatenate(xs, axis=-1)
    feat = xcat.reshape(BATCH, ROIS * NLAYERS * HID)
    hdense = jax.nn.relu(feat @ lin1_W + lin1_b)
    return hdense @ lin2_W + lin2_b

# --- scband reference (transcript-rebuilt; emitter-appended) ---
"""Pipeline reference for scband-sgcn-gcn-imgsnp-75007308858122 (READ-ONLY COPY).

The authoritative reference and input builder live on the scoring server;
editing this copy changes nothing except your own understanding.
"""

import jax, jax.numpy as jnp
import numpy as np

N = 90000
ROIS = 90
B = N // ROIS
E = 2880000
H0 = 3
HID = 16
L = 3
HL = 64
NC = 2
LIN1_IN = ROIS * L * HID


def setup_inputs(seed: int = 0) -> dict:
    key = jax.random.key(seed)
    ks = jax.random.split(key, 16)
    x = jax.random.normal(ks[0], (N, H0), dtype=jnp.float32)
    edge_index = jax.random.randint(ks[1], (2, E), 0, N, dtype=jnp.int32)
    edge_weight = jax.random.uniform(ks[2], (E,), dtype=jnp.float32)
    prob = jax.random.normal(ks[3], (ROIS, H0), dtype=jnp.float32) * 0.5
    prob_bias = jax.random.normal(ks[4], (2 * H0, 1), dtype=jnp.float32) * 0.5
    W1 = jax.random.normal(ks[5], (H0, HID), dtype=jnp.float32) * (1.0 / np.sqrt(H0))
    b1 = jnp.zeros((HID,), dtype=jnp.float32)
    W2 = jax.random.normal(ks[6], (HID, HID), dtype=jnp.float32) * (1.0 / np.sqrt(HID))
    b2 = jnp.zeros((HID,), dtype=jnp.float32)
    W3 = jax.random.normal(ks[7], (HID, HID), dtype=jnp.float32) * (1.0 / np.sqrt(HID))
    b3 = jnp.zeros((HID,), dtype=jnp.float32)
    lin1_W = jax.random.normal(ks[8], (LIN1_IN, HL), dtype=jnp.float32) * (1.0 / np.sqrt(LIN1_IN))
    lin1_b = jnp.zeros((HL,), dtype=jnp.float32)
    lin2_W = jax.random.normal(ks[9], (HL, NC), dtype=jnp.float32) * (1.0 / np.sqrt(HL))
    lin2_b = jnp.zeros((NC,), dtype=jnp.float32)
    return {"x": x, "edge_index": edge_index, "edge_weight": edge_weight,
            "temperature": 1, "prob": prob, "prob_bias": prob_bias,
            "W1": W1, "b1": b1, "W2": W2, "b2": b2, "W3": W3, "b3": b3,
            "lin1_W": lin1_W, "lin1_b": lin1_b, "lin2_W": lin2_W, "lin2_b": lin2_b}


def _gcn_conv(x, W, b, src, dst, ew):
    # GCNConv with self-loops and symmetric edge-weight normalization.
    h = x @ W
    loop = jnp.arange(N, dtype=src.dtype)
    src2 = jnp.concatenate([src, loop])
    dst2 = jnp.concatenate([dst, loop])
    ew2 = jnp.concatenate([ew, jnp.ones((N,), dtype=ew.dtype)])
    deg = jax.ops.segment_sum(ew2, dst2, num_segments=N)
    dis = jnp.where(deg > 0, jax.lax.rsqrt(jnp.maximum(deg, 1e-12)), 0.0)
    norm = dis[src2] * ew2 * dis[dst2]
    out = jax.ops.segment_sum(norm[:, None] * h[src2], dst2, num_segments=N)
    return out + b


def reference(x, edge_index, edge_weight, temperature, prob, prob_bias,
              W1, b1, W2, b2, W3, b3, lin1_W, lin1_b, lin2_W, lin2_b):
    src = edge_index[0]
    dst = edge_index[1]
    # cal_probability: per-ROI feature gating + learned edge probability gating
    xr = x.reshape(B, ROIS, H0)
    x_feat_prob = (xr * prob[None, :, :]).reshape(N, H0)
    conat_prob = jnp.concatenate([x_feat_prob[src], x_feat_prob[dst]], axis=-1)
    edge_prob = jax.nn.sigmoid(conat_prob @ prob_bias).reshape(-1)
    ew_prob = edge_weight * edge_prob
    # stacked GCN layers with jumping-knowledge concat
    x1 = jax.nn.relu(_gcn_conv(x_feat_prob, W1, b1, src, dst, ew_prob))
    x2 = jax.nn.relu(_gcn_conv(x1, W2, b2, src, dst, ew_prob))
    x3 = jax.nn.relu(_gcn_conv(x2, W3, b3, src, dst, ew_prob))
    xcat = jnp.concatenate([x1, x2, x3], axis=-1)  # [N, L*HID]
    feat = xcat.reshape(B, ROIS * L * HID)
    h = jax.nn.relu(feat @ lin1_W + lin1_b)
    logits = h @ lin2_W + lin2_b
    return logits

if __name__ == "__main__":
    import jax
    _d = setup_inputs()
    print(jax.jit(kernel)(*tuple(_d.values())))

</pallas_src>

<mosaic_0001>
#map = affine_map<(d0, d1) -> (0, 0)>
#map1 = affine_map<(d0, d1) -> (0)>
#map2 = affine_map<(d0, d1) -> (0, 0, 0)>
module attributes {stable_mosaic.version = 14 : i64} {
  func.func @_sc_agg(%arg0: i32, %arg1: i32, %arg2: memref<90000x16xf32, #tpu.memory_space<hbm>>, %arg3: memref<2880000xi32, #tpu.memory_space<hbm>>, %arg4: memref<2880000xi32, #tpu.memory_space<hbm>>, %arg5: memref<2880000xf32, #tpu.memory_space<hbm>>, %arg6: memref<90112x16xf32, #tpu.memory_space<hbm>>, %arg7: memref<2x90112x16xf32, #tpu.memory_space<hbm>>, %arg8: memref<90112x16xf32, #tpu.memory_space<vmem_shared>>, %arg9: memref<720xi32, #tpu.memory_space<vmem>>, %arg10: memref<720xi32, #tpu.memory_space<vmem>>, %arg11: memref<720xf32, #tpu.memory_space<vmem>>, %arg12: memref<720x16xf32, #tpu.memory_space<vmem>>, %arg13: memref<720xi32, #tpu.memory_space<vmem>>, %arg14: memref<720xi32, #tpu.memory_space<vmem>>, %arg15: memref<720xf32, #tpu.memory_space<vmem>>, %arg16: memref<720x16xf32, #tpu.memory_space<vmem>>, %arg17: memref<!tpu.dma_semaphore, #tpu.memory_space<semaphore_mem>>, %arg18: memref<!tpu.dma_semaphore, #tpu.memory_space<semaphore_mem>>, %arg19: memref<!tpu.dma_semaphore, #tpu.memory_space<semaphore_mem>>, %arg20: memref<!tpu.dma_semaphore, #tpu.memory_space<semaphore_mem>>, %arg21: memref<!tpu.dma_semaphore, #tpu.memory_space<semaphore_mem>>, %arg22: memref<!tpu.dma_semaphore, #tpu.memory_space<semaphore_mem>>) attributes {dimension_semantics = [#tpu.dimension_semantics<core_parallel>, #tpu.dimension_semantics<subcore_parallel>], iteration_bounds = array<i64: 2, 16>, scalar_prefetch = 0 : i64, scratch_operands = 15 : i64, tpu.core_type = #tpu.core_type<sc_vector_subcore>, window_params = [{transform_indices = #map}, {transform_indices = #map1}, {transform_indices = #map1}, {transform_indices = #map1}, {transform_indices = #map}, {transform_indices = #map2}]} {
    %mul3A = arith.constant 2 : i32
    %mul3A_0 = arith.muli %arg1, %mul3A : i32
    %add3A = arith.addi %mul3A_0, %arg0 : i32
    %mul3A_1 = arith.constant 90000 : i32
    %mul3A_2 = arith.muli %add3A, %mul3A_1 : i32
    %mul3A_3 = arith.constant 5632 : i32
    %mul3A_4 = arith.muli %arg1, %mul3A_3 : i32
    %mul3A_5 = arith.constant 5632 : i32
    %mul3A_6 = arith.muli %arg1, %mul3A_5 : i32
    "tpu.region"() ({
      %run_scoped3A = tpu.sem_alloc : memref<!tpu.dma_semaphore, #tpu.memory_space<semaphore_mem>>
      %dma_start3A_52 = arith.constant 0 : i32
      %dma_start3A_53 = tpu.memref_slice %arg8[%mul3A_6, %dma_start3A_52] : memref<90112x16xf32, #tpu.memory_space<vmem_shared>> -> memref<5632x16xf32, #tpu.memory_space<vmem_shared>>
      %dma_start3A_54 = arith.constant 0 : i32
      %dma_start3A_55 = tpu.memref_slice %arg6[%mul3A_4, %dma_start3A_54] : memref<90112x16xf32, #tpu.memory_space<hbm>> -> memref<5632x16xf32, #tpu.memory_space<hbm>>
      tpu.enqueue_dma source(%dma_start3A_55 : memref<5632x16xf32, #tpu.memory_space<hbm>>) target(%dma_start3A_53 : memref<5632x16xf32, #tpu.memory_space<vmem_shared>>) target_semaphore(%run_scoped3A : memref<!tpu.dma_semaphore, #tpu.memory_space<semaphore_mem>>)
      %dma_wait3A_56 = arith.constant 0 : i32
      %dma_wait3A_57 = tpu.memref_slice %arg8[%mul3A_6, %dma_wait3A_56] : memref<90112x16xf32, #tpu.memory_space<vmem_shared>> -> memref<5632x16xf32, #tpu.memory_space<vmem_shared>>
      %dma_wait3A_58 = arith.constant 0 : i32
      %dma_wait3A_59 = tpu.memref_slice %arg6[%mul3A_4, %dma_wait3A_58] : memref<90112x16xf32, #tpu.memory_space<hbm>> -> memref<5632x16xf32, #tpu.memory_space<hbm>>
      tpu.wait_dma2 semaphore(%run_scoped3A : memref<!tpu.dma_semaphore, #tpu.memory_space<semaphore_mem>>) src(%dma_wait3A_59 : memref<5632x16xf32, #tpu.memory_space<hbm>>) dst(%dma_wait3A_57 : memref<5632x16xf32, #tpu.memory_space<vmem_shared>>)
      tpu.yield
    }) : () -> ()
    %barrier3A = arith.constant 0 : index
    tpu.barrier barrier_id(%barrier3A)
    %add3A_7 = arith.constant 0 : i32
    %add3A_8 = arith.addi %mul3A_2, %add3A_7 : i32
    %dma_start3A = tpu.memref_slice %arg3[%add3A_8] : memref<2880000xi32, #tpu.memory_space<hbm>> -> memref<720xi32, #tpu.memory_space<hbm>>
    %dma_start3A_9 = tpu.memref_slice %arg3[%add3A_8] : memref<2880000xi32, #tpu.memory_space<hbm>> -> memref<720xi32, #tpu.memory_space<hbm>>
    tpu.enqueue_dma source(%dma_start3A_9 : memref<720xi32, #tpu.memory_space<hbm>>) target(%arg9 : memref<720xi32, #tpu.memory_space<vmem>>) target_semaphore(%arg17 : memref<!tpu.dma_semaphore, #tpu.memory_space<semaphore_mem>>)
    %dma_start3A_10 = tpu.memref_slice %arg4[%add3A_8] : memref<2880000xi32, #tpu.memory_space<hbm>> -> memref<720xi32, #tpu.memory_space<hbm>>
    %dma_start3A_11 = tpu.memref_slice %arg4[%add3A_8] : memref<2880000xi32, #tpu.memory_space<hbm>> -> memref<720xi32, #tpu.memory_space<hbm>>
    tpu.enqueue_dma source(%dma_start3A_11 : memref<720xi32, #tpu.memory_space<hbm>>) target(%arg10 : memref<720xi32, #tpu.memory_space<vmem>>) target_semaphore(%arg17 : memref<!tpu.dma_semaphore, #tpu.memory_space<semaphore_mem>>)
    %dma_start3A_12 = tpu.memref_slice %arg5[%add3A_8] : memref<2880000xf32, #tpu.memory_space<hbm>> -> memref<720xf32, #tpu.memory_space<hbm>>
    %dma_start3A_13 = tpu.memref_slice %arg5[%add3A_8] : memref<2880000xf32, #tpu.memory_space<hbm>> -> memref<720xf32, #tpu.memory_space<hbm>>
    tpu.enqueue_dma source(%dma_start3A_13 : memref<720xf32, #tpu.memory_space<hbm>>) target(%arg11 : memref<720xf32, #tpu.memory_space<vmem>>) target_semaphore(%arg17 : memref<!tpu.dma_semaphore, #tpu.memory_space<semaphore_mem>>)
    %add3A_14 = arith.constant 0 : i32
    %add3A_15 = arith.addi %mul3A_2, %add3A_14 : i32
    %dma_wait3A = tpu.memref_slice %arg3[%add3A_15] : memref<2880000xi32, #tpu.memory_space<hbm>> -> memref<720xi32, #tpu.memory_space<hbm>>
    %dma_wait3A_16 = tpu.memref_slice %arg3[%add3A_15] : memref<2880000xi32, #tpu.memory_space<hbm>> -> memref<720xi32, #tpu.memory_space<hbm>>
    tpu.wait_dma2 semaphore(%arg17 : memref<!tpu.dma_semaphore, #tpu.memory_space<semaphore_mem>>) src(%dma_wait3A_16 : memref<720xi32, #tpu.memory_space<hbm>>) dst(%arg9 : memref<720xi32, #tpu.memory_space<vmem>>)
    %dma_wait3A_17 = tpu.memref_slice %arg4[%add3A_15] : memref<2880000xi32, #tpu.memory_space<hbm>> -> memref<720xi32, #tpu.memory_space<hbm>>
    %dma_wait3A_18 = tpu.memref_slice %arg4[%add3A_15] : memref<2880000xi32, #tpu.memory_space<hbm>> -> memref<720xi32, #tpu.memory_space<hbm>>
    tpu.wait_dma2 semaphore(%arg17 : memref<!tpu.dma_semaphore, #tpu.memory_space<semaphore_mem>>) src(%dma_wait3A_18 : memref<720xi32, #tpu.memory_space<hbm>>) dst(%arg10 : memref<720xi32, #tpu.memory_space<vmem>>)
    %dma_wait3A_19 = tpu.memref_slice %arg5[%add3A_15] : memref<2880000xf32, #tpu.memory_space<hbm>> -> memref<720xf32, #tpu.memory_space<hbm>>
    %dma_wait3A_20 = tpu.memref_slice %arg5[%add3A_15] : memref<2880000xf32, #tpu.memory_space<hbm>> -> memref<720xf32, #tpu.memory_space<hbm>>
    tpu.wait_dma2 semaphore(%arg17 : memref<!tpu.dma_semaphore, #tpu.memory_space<semaphore_mem>>) src(%dma_wait3A_20 : memref<720xf32, #tpu.memory_space<hbm>>) dst(%arg11 : memref<720xf32, #tpu.memory_space<vmem>>)
    %dma_start3A_21 = arith.constant 0 : i32
    %dma_start3A_22 = arith.constant 0 : i32
    %dma_start3A_23 = tpu.memref_slice %arg2[%dma_start3A_21, %dma_start3A_22] : memref<90000x16xf32, #tpu.memory_space<hbm>> -> memref<90000x16xf32, #tpu.memory_space<hbm>>
    tpu.enqueue_indirect_dma source(%dma_start3A_23 : memref<90000x16xf32, #tpu.memory_space<hbm>>) target(%arg12 : memref<720x16xf32, #tpu.memory_space<vmem>>) offsets(%arg9 : memref<720xi32, #tpu.memory_space<vmem>>) semaphore(%arg19 : memref<!tpu.dma_semaphore, #tpu.memory_space<semaphore_mem>>)
    %scan3A = arith.constant 0 : i32
    %scan3A_24 = arith.constant 0 : i32
    %scan3A_25 = arith.constant 62 : i32
    %scan3A_26 = arith.addi %scan3A_24, %scan3A_25 : i32
    %scan3A_27 = arith.constant 1 : i32
    scf.for %scan3A_52 = %scan3A_24 to %scan3A_26 step %scan3A_27  : i32 {
      %ge3A = arith.constant 1 : i32
      %ge3A_53 = arith.cmpi sge, %scan3A_52, %ge3A : i32
      %convert_element_type3A = arith.extui %ge3A_53 : i1 to i32
      %cond3A = arith.constant 0 : i32
      %cond3A_54 = arith.cmpi ne, %convert_element_type3A, %cond3A : i32
      scf.if %cond3A_54 {
        %dma_wait3A_140 = arith.constant 0 : i32
        %dma_wait3A_141 = arith.constant 0 : i32
        %dma_wait3A_142 = tpu.memref_slice %arg8[%dma_wait3A_140, %dma_wait3A_141] : memref<90112x16xf32, #tpu.memory_space<vmem_shared>> -> memref<90112x16xf32, #tpu.memory_space<vmem_shared>>
        tpu.wait_indirect_dma semaphore(%arg22 : memref<!tpu.dma_semaphore, #tpu.memory_space<semaphore_mem>>) src(%arg16 : memref<720x16xf32, #tpu.memory_space<vmem>>) dst(%dma_wait3A_142 : memref<90112x16xf32, #tpu.memory_space<vmem_shared>>)
      } else {
      }
      %mul3A_55 = arith.constant 2 : i32
      %mul3A_56 = arith.muli %mul3A_55, %scan3A_52 : i32
      %add3A_57 = arith.constant 1 : i32
      %add3A_58 = arith.addi %mul3A_56, %add3A_57 : i32
      %mul3A_59 = arith.constant 720 : i32
      %mul3A_60 = arith.muli %add3A_58, %mul3A_59 : i32
      %add3A_61 = arith.addi %mul3A_2, %mul3A_60 : i32
      %dma_start3A_62 = tpu.memref_slice %arg3[%add3A_61] : memref<2880000xi32, #tpu.memory_space<hbm>> -> memref<720xi32, #tpu.memory_space<hbm>>
      %dma_start3A_63 = tpu.memref_slice %arg3[%add3A_61] : memref<2880000xi32, #tpu.memory_space<hbm>> -> memref<720xi32, #tpu.memory_space<hbm>>
      tpu.enqueue_dma source(%dma_start3A_63 : memref<720xi32, #tpu.memory_space<hbm>>) target(%arg13 : memref<720xi32, #tpu.memory_space<vmem>>) target_semaphore(%arg18 : memref<!tpu.dma_semaphore, #tpu.memory_space<semaphore_mem>>)
      %dma_start3A_64 = tpu.memref_slice %arg4[%add3A_61] : memref<2880000xi32, #tpu.memory_space<hbm>> -> memref<720xi32, #tpu.memory_space<hbm>>
      %dma_start3A_65 = tpu.memref_slice %arg4[%add3A_61] : memref<2880000xi32, #tpu.memory_space<hbm>> -> memref<720xi32, #tpu.memory_space<hbm>>
      tpu.enqueue_dma source(%dma_start3A_65 : memref<720xi32, #tpu.memory_space<hbm>>) target(%arg14 : memref<720xi32, #tpu.memory_space<vmem>>) target_semaphore(%arg18 : memref<!tpu.dma_semaphore, #tpu.memory_space<semaphore_mem>>)
      %dma_start3A_66 = tpu.memref_slice %arg5[%add3A_61] : memref<2880000xf32, #tpu.memory_space<hbm>> -> memref<720xf32, #tpu.memory_space<hbm>>
      %dma_start3A_67 = tpu.memref_slice %arg5[%add3A_61] : memref<2880000xf32, #tpu.memory_space<hbm>> -> memref<720xf32, #tpu.memory_space<hbm>>
      tpu.enqueue_dma source(%dma_start3A_67 : memref<720xf32, #tpu.memory_space<hbm>>) target(%arg15 : memref<720xf32, #tpu.memory_space<vmem>>) target_semaphore(%arg18 : memref<!tpu.dma_semaphore, #tpu.memory_space<semaphore_mem>>)
      %dma_wait3A_68 = arith.constant 0 : i32
      %dma_wait3A_69 = arith.constant 0 : i32
      %dma_wait3A_70 = tpu.memref_slice %arg2[%dma_wait3A_68, %dma_wait3A_69] : memref<90000x16xf32, #tpu.memory_space<hbm>> -> memref<90000x16xf32, #tpu.memory_space<hbm>>
      tpu.wait_indirect_dma semaphore(%arg19 : memref<!tpu.dma_semaphore, #tpu.memory_space<semaphore_mem>>) src(%dma_wait3A_70 : memref<90000x16xf32, #tpu.memory_space<hbm>>) dst(%arg12 : memref<720x16xf32, #tpu.memory_space<vmem>>)
      %scan3A_71 = arith.constant 0 : i32
      %scan3A_72 = arith.constant 0 : i32
      %scan3A_73 = arith.constant 45 : i32
      %scan3A_74 = arith.addi %scan3A_72, %scan3A_73 : i32
      %scan3A_75 = arith.constant 1 : i32
      scf.for %scan3A_140 = %scan3A_72 to %scan3A_74 step %scan3A_75  : i32 {
        %mul3A_141 = arith.constant 16 : i32
        %mul3A_142 = arith.muli %scan3A_140, %mul3A_141 : i32
        %get3A = arith.index_cast %mul3A_142 : i32 to index
        %get3A_143 = tpu.vector_load %arg11[%get3A] {strides = array<i32>} : memref<720xf32, #tpu.memory_space<vmem>>, vector<16xf32>,
        %get3A_144 = vector.shape_cast %get3A_143 : vector<16xf32> to vector<16xf32>
        %mul3A_145 = arith.constant 16 : i32
        %mul3A_146 = arith.muli %scan3A_140, %mul3A_145 : i32
        %add3A_147 = arith.constant 0 : i32
        %add3A_148 = arith.addi %mul3A_146, %add3A_147 : i32
        %get3A_149 = arith.index_cast %add3A_148 : i32 to index
        %get3A_150 = arith.constant 0 : index
        %get3A_151 = tpu.vector_load %arg12[%get3A_149, %get3A_150] {strides = array<i32>} : memref<720x16xf32, #tpu.memory_space<vmem>>, vector<1x16xf32>,
        %get3A_152 = vector.shape_cast %get3A_151 : vector<1x16xf32> to vector<16xf32>
        %slice3A = vector.extract_strided_slice %get3A_144 {offsets = [0], sizes = [1], strides = [1]} : vector<16xf32> to vector<1xf32>
        %squeeze3A = vector.extract %slice3A[0] : f32 from vector<1xf32>
        %broadcast_in_dim3A = vector.broadcast %squeeze3A : f32 to vector<16xf32>
        %mul3A_153 = arith.mulf %get3A_152, %broadcast_in_dim3A : vector<16xf32>
        %swap3A = arith.index_cast %add3A_148 : i32 to index
        %swap3A_154 = arith.constant 0 : index
        %swap3A_155 = tpu.vector_load %arg12[%swap3A, %swap3A_154] {strides = array<i32>} : memref<720x16xf32, #tpu.memory_space<vmem>>, vector<1x16xf32>,
        %swap3A_156 = vector.shape_cast %swap3A_155 : vector<1x16xf32> to vector<16xf32>
        %swap3A_157 = vector.shape_cast %mul3A_153 : vector<16xf32> to vector<1x16xf32>
        tpu.vector_store %arg12[%swap3A, %swap3A_154], %swap3A_157 {strides = array<i32>} : memref<720x16xf32, #tpu.memory_space<vmem>>, vector<1x16xf32>,
        %mul3A_158 = arith.constant 16 : i32
        %mul3A_159 = arith.muli %scan3A_140, %mul3A_158 : i32
        %add3A_160 = arith.constant 1 : i32
        %add3A_161 = arith.addi %mul3A_159, %add3A_160 : i32
        %get3A_162 = arith.index_cast %add3A_161 : i32 to index
        %get3A_163 = arith.constant 0 : index
        %get3A_164 = tpu.vector_load %arg12[%get3A_162, %get3A_163] {strides = array<i32>} : memref<720x16xf32, #tpu.memory_space<vmem>>, vector<1x16xf32>,
        %get3A_165 = vector.shape_cast %get3A_164 : vector<1x16xf32> to vector<16xf32>
        %slice3A_166 = vector.extract_strided_slice %get3A_144 {offsets = [1], sizes = [1], strides = [1]} : vector<16xf32> to vector<1xf32>
        %squeeze3A_167 = vector.extract %slice3A_166[0] : f32 from vector<1xf32>
        %broadcast_in_dim3A_168 = vector.broadcast %squeeze3A_167 : f32 to vector<16xf32>
        %mul3A_169 = arith.mulf %get3A_165, %broadcast_in_dim3A_168 : vector<16xf32>
        %swap3A_170 = arith.index_cast %add3A_161 : i32 to index
        %swap3A_171 = arith.constant 0 : index
        %swap3A_172 = tpu.vector_load %arg12[%swap3A_170, %swap3A_171] {strides = array<i32>} : memref<720x16xf32, #tpu.memory_space<vmem>>, vector<1x16xf32>,
        %swap3A_173 = vector.shape_cast %swap3A_172 : vector<1x16xf32> to vector<16xf32>
        %swap3A_174 = vector.shape_cast %mul3A_169 : vector<16xf32> to vector<1x16xf32>
        tpu.vector_store %arg12[%swap3A_170, %swap3A_171], %swap3A_174 {strides = array<i32>} : memref<720x16xf32, #tpu.memory_space<vmem>>, vector<1x16xf32>,
        %mul3A_175 = arith.constant 16 : i32
        %mul3A_176 = arith.muli %scan3A_140, %mul3A_175 : i32
        %add3A_177 = arith.constant 2 : i32
        %add3A_178 = arith.addi %mul3A_176, %add3A_177 : i32
        %get3A_179 = arith.index_cast %add3A_178 : i32 to index
        %get3A_180 = arith.constant 0 : index
        %get3A_181 = tpu.vector_load %arg12[%get3A_179, %get3A_180] {strides = array<i32>} : memref<720x16xf32, #tpu.memory_space<vmem>>, vector<1x16xf32>,
        %get3A_182 = vector.shape_cast %get3A_181 : vector<1x16xf32> to vector<16xf32>
        %slice3A_183 = vector.extract_strided_slice %get3A_144 {offsets = [2], sizes = [1], strides = [1]} : vector<16xf32> to vector<1xf32>
        %squeeze3A_184 = vector.extract %slice3A_183[0] : f32 from vector<1xf32>
        %broadcast_in_dim3A_185 = vector.broadcast %squeeze3A_184 : f32 to vector<16xf32>
        %mul3A_186 = arith.mulf %get3A_182, %broadcast_in_dim3A_185 : vector<16xf32>
        %swap3A_187 = arith.index_cast %add3A_178 : i32 to index
        %swap3A_188 = arith.constant 0 : index
        %swap3A_189 = tpu.vector_load %arg12[%swap3A_187, %swap3A_188] {strides = array<i32>} : memref<720x16xf32, #tpu.memory_space<vmem>>, vector<1x16xf32>,
        %swap3A_190 = vector.shape_cast %swap3A_189 : vector<1x16xf32> to vector<16xf32>
        %swap3A_191 = vector.shape_cast %mul3A_186 : vector<16xf32> to vector<1x16xf32>
        tpu.vector_store %arg12[%swap3A_187, %swap3A_188], %swap3A_191 {strides = array<i32>} : memref<720x16xf32, #tpu.memory_space<vmem>>, vector<1x16xf32>,
        %mul3A_192 = arith.constant 16 : i32
        %mul3A_193 = arith.muli %scan3A_140, %mul3A_192 : i32
        %add3A_194 = arith.constant 3 : i32
        %add3A_195 = arith.addi %mul3A_193, %add3A_194 : i32
        %get3A_196 = arith.index_cast %add3A_195 : i32 to index
        %get3A_197 = arith.constant 0 : index
        %get3A_198 = tpu.vector_load %arg12[%get3A_196, %get3A_197] {strides = array<i32>} : memref<720x16xf32, #tpu.memory_space<vmem>>, vector<1x16xf32>,
        %get3A_199 = vector.shape_cast %get3A_198 : vector<1x16xf32> to vector<16xf32>
        %slice3A_200 = vector.extract_strided_slice %get3A_144 {offsets = [3], sizes = [1], strides = [1]} : vector<16xf32> to vector<1xf32>
        %squeeze3A_201 = vector.extract %slice3A_200[0] : f32 from vector<1xf32>
        %broadcast_in_dim3A_202 = vector.broadcast %squeeze3A_201 : f32 to vector<16xf32>
        %mul3A_203 = arith.mulf %get3A_199, %broadcast_in_dim3A_202 : vector<16xf32>
        %swap3A_204 = arith.index_cast %add3A_195 : i32 to index
        %swap3A_205 = arith.constant 0 : index
        %swap3A_206 = tpu.vector_load %arg12[%swap3A_204, %swap3A_205] {strides = array<i32>} : memref<720x16xf32, #tpu.memory_space<vmem>>, vector<1x16xf32>,
        %swap3A_207 = vector.shape_cast %swap3A_206 : vector<1x16xf32> to vector<16xf32>
        %swap3A_208 = vector.shape_cast %mul3A_203 : vector<16xf32> to vector<1x16xf32>
        tpu.vector_store %arg12[%swap3A_204, %swap3A_205], %swap3A_208 {strides = array<i32>} : memref<720x16xf32, #tpu.memory_space<vmem>>, vector<1x16xf32>,
        %mul3A_209 = arith.constant 16 : i32
        %mul3A_210 = arith.muli %scan3A_140, %mul3A_209 : i32
        %add3A_211 = arith.constant 4 : i32
        %add3A_212 = arith.addi %mul3A_210, %add3A_211 : i32
        %get3A_213 = arith.index_cast %add3A_212 : i32 to index
        %get3A_214 = arith.constant 0 : index
        %get3A_215 = tpu.vector_load %arg12[%get3A_213, %get3A_214] {strides = array<i32>} : memref<720x16xf32, #tpu.memory_space<vmem>>, vector<1x16xf32>,
        %get3A_216 = vector.shape_cast %get3A_215 : vector<1x16xf32> to vector<16xf32>
        %slice3A_217 = vector.extract_strided_slice %get3A_144 {offsets = [4], sizes = [1], strides = [1]} : vector<16xf32> to vector<1xf32>
        %squeeze3A_218 = vector.extract %slice3A_217[0] : f32 from vector<1xf32>
        %broadcast_in_dim3A_219 = vector.broadcast %squeeze3A_218 : f32 to vector<16xf32>
        %mul3A_220 = arith.mulf %get3A_216, %broadcast_in_dim3A_219 : vector<16xf32>
        %swap3A_221 = arith.index_cast %add3A_212 : i32 to index
        %swap3A_222 = arith.constant 0 : index
        %swap3A_223 = tpu.vector_load %arg12[%swap3A_221, %swap3A_222] {strides = array<i32>} : memref<720x16xf32, #tpu.memory_space<vmem>>, vector<1x16xf32>,
        %swap3A_224 = vector.shape_cast %swap3A_223 : vector<1x16xf32> to vector<16xf32>
        %swap3A_225 = vector.shape_cast %mul3A_220 : vector<16xf32> to vector<1x16xf32>
        tpu.vector_store %arg12[%swap3A_221, %swap3A_222], %swap3A_225 {strides = array<i32>} : memref<720x16xf32, #tpu.memory_space<vmem>>, vector<1x16xf32>,
        %mul3A_226 = arith.constant 16 : i32
        %mul3A_227 = arith.muli %scan3A_140, %mul3A_226 : i32
        %add3A_228 = arith.constant 5 : i32
        %add3A_229 = arith.addi %mul3A_227, %add3A_228 : i32
        %get3A_230 = arith.index_cast %add3A_229 : i32 to index
        %get3A_231 = arith.constant 0 : index
        %get3A_232 = tpu.vector_load %arg12[%get3A_230, %get3A_231] {strides = array<i32>} : memref<720x16xf32, #tpu.memory_space<vmem>>, vector<1x16xf32>,
        %get3A_233 = vector.shape_cast %get3A_232 : vector<1x16xf32> to vector<16xf32>
        %slice3A_234 = vector.extract_strided_slice %get3A_144 {offsets = [5], sizes = [1], strides = [1]} : vector<16xf32> to vector<1xf32>
        %squeeze3A_235 = vector.extract %slice3A_234[0] : f32 from vector<1xf32>
        %broadcast_in_dim3A_236 = vector.broadcast %squeeze3A_235 : f32 to vector<16xf32>
        %mul3A_237 = arith.mulf %get3A_233, %broadcast_in_dim3A_236 : vector<16xf32>
        %swap3A_238 = arith.index_cast %add3A_229 : i32 to index
        %swap3A_239 = arith.constant 0 : index
        %swap3A_240 = tpu.vector_load %arg12[%swap3A_238, %swap3A_239] {strides = array<i32>} : memref<720x16xf32, #tpu.memory_space<vmem>>, vector<1x16xf32>,
        %swap3A_241 = vector.shape_cast %swap3A_240 : vector<1x16xf32> to vector<16xf32>
        %swap3A_242 = vector.shape_cast %mul3A_237 : vector<16xf32> to vector<1x16xf32>
        tpu.vector_store %arg12[%swap3A_238, %swap3A_239], %swap3A_242 {strides = array<i32>} : memref<720x16xf32, #tpu.memory_space<vmem>>, vector<1x16xf32>,
        %mul3A_243 = arith.constant 16 : i32
        %mul3A_244 = arith.muli %scan3A_140, %mul3A_243 : i32
        %add3A_245 = arith.constant 6 : i32
        %add3A_246 = arith.addi %mul3A_244, %add3A_245 : i32
        %get3A_247 = arith.index_cast %add3A_246 : i32 to index
        %get3A_248 = arith.constant 0 : index
        %get3A_249 = tpu.vector_load %arg12[%get3A_247, %get3A_248] {strides = array<i32>} : memref<720x16xf32, #tpu.memory_space<vmem>>, vector<1x16xf32>,
        %get3A_250 = vector.shape_cast %get3A_249 : vector<1x16xf32> to vector<16xf32>
        %slice3A_251 = vector.extract_strided_slice %get3A_144 {offsets = [6], sizes = [1], strides = [1]} : vector<16xf32> to vector<1xf32>
        %squeeze3A_252 = vector.extract %slice3A_251[0] : f32 from vector<1xf32>
        %broadcast_in_dim3A_253 = vector.broadcast %squeeze3A_252 : f32 to vector<16xf32>
        %mul3A_254 = arith.mulf %get3A_250, %broadcast_in_dim3A_253 : vector<16xf32>
        %swap3A_255 = arith.index_cast %add3A_246 : i32 to index
        %swap3A_256 = arith.constant 0 : index
        %swap3A_257 = tpu.vector_load %arg12[%swap3A_255, %swap3A_256] {strides = array<i32>} : memref<720x16xf32, #tpu.memory_space<vmem>>, vector<1x16xf32>,
        %swap3A_258 = vector.shape_cast %swap3A_257 : vector<1x16xf32> to vector<16xf32>
        %swap3A_259 = vector.shape_cast %mul3A_254 : vector<16xf32> to vector<1x16xf32>
        tpu.vector_store %arg12[%swap3A_255, %swap3A_256], %swap3A_259 {strides = array<i32>} : memref<720x16xf32, #tpu.memory_space<vmem>>, vector<1x16xf32>,
        %mul3A_260 = arith.constant 16 : i32
        %mul3A_261 = arith.muli %scan3A_140, %mul3A_260 : i32
        %add3A_262 = arith.constant 7 : i32
        %add3A_263 = arith.addi %mul3A_261, %add3A_262 : i32
        %get3A_264 = arith.index_cast %add3A_263 : i32 to index
        %get3A_265 = arith.constant 0 : index
        %get3A_266 = tpu.vector_load %arg12[%get3A_264, %get3A_265] {strides = array<i32>} : memref<720x16xf32, #tpu.memory_space<vmem>>, vector<1x16xf32>,
        %get3A_267 = vector.shape_cast %get3A_266 : vector<1x16xf32> to vector<16xf32>
        %slice3A_268 = vector.extract_strided_slice %get3A_144 {offsets = [7], sizes = [1], strides = [1]} : vector<16xf32> to vector<1xf32>
        %squeeze3A_269 = vector.extract %slice3A_268[0] : f32 from vector<1xf32>
        %broadcast_in_dim3A_270 = vector.broadcast %squeeze3A_269 : f32 to vector<16xf32>
        %mul3A_271 = arith.mulf %get3A_267, %broadcast_in_dim3A_270 : vector<16xf32>
        %swap3A_272 = arith.index_cast %add3A_263 : i32 to index
        %swap3A_273 = arith.constant 0 : index
        %swap3A_274 = tpu.vector_load %arg12[%swap3A_272, %swap3A_273] {strides = array<i32>} : memref<720x16xf32, #tpu.memory_space<vmem>>, vector<1x16xf32>,
        %swap3A_275 = vector.shape_cast %swap3A_274 : vector<1x16xf32> to vector<16xf32>
        %swap3A_276 = vector.shape_cast %mul3A_271 : vector<16xf32> to vector<1x16xf32>
        tpu.vector_store %arg12[%swap3A_272, %swap3A_273], %swap3A_276 {strides = array<i32>} : memref<720x16xf32, #tpu.memory_space<vmem>>, vector<1x16xf32>,
        %mul3A_277 = arith.constant 16 : i32
        %mul3A_278 = arith.muli %scan3A_140, %mul3A_277 : i32
        %add3A_279 = arith.constant 8 : i32
        %add3A_280 = arith.addi %mul3A_278, %add3A_279 : i32
        %get3A_281 = arith.index_cast %add3A_280 : i32 to index
        %get3A_282 = arith.constant 0 : index
        %get3A_283 = tpu.vector_load %arg12[%get3A_281, %get3A_282] {strides = array<i32>} : memref<720x16xf32, #tpu.memory_space<vmem>>, vector<1x16xf32>,
        %get3A_284 = vector.shape_cast %get3A_283 : vector<1x16xf32> to vector<16xf32>
        %slice3A_285 = vector.extract_strided_slice %get3A_144 {offsets = [8], sizes = [1], strides = [1]} : vector<16xf32> to vector<1xf32>
        %squeeze3A_286 = vector.extract %slice3A_285[0] : f32 from vector<1xf32>
        %broadcast_in_dim3A_287 = vector.broadcast %squeeze3A_286 : f32 to vector<16xf32>
        %mul3A_288 = arith.mulf %get3A_284, %broadcast_in_dim3A_287 : vector<16xf32>
        %swap3A_289 = arith.index_cast %add3A_280 : i32 to index
        %swap3A_290 = arith.constant 0 : index
        %swap3A_291 = tpu.vector_load %arg12[%swap3A_289, %swap3A_290] {strides = array<i32>} : memref<720x16xf32, #tpu.memory_space<vmem>>, vector<1x16xf32>,
        %swap3A_292 = vector.shape_cast %swap3A_291 : vector<1x16xf32> to vector<16xf32>
        %swap3A_293 = vector.shape_cast %mul3A_288 : vector<16xf32> to vector<1x16xf32>
        tpu.vector_store %arg12[%swap3A_289, %swap3A_290], %swap3A_293 {strides = array<i32>} : memref<720x16xf32, #tpu.memory_space<vmem>>, vector<1x16xf32>,
        %mul3A_294 = arith.constant 16 : i32
        %mul3A_295 = arith.muli %scan3A_140, %mul3A_294 : i32
        %add3A_296 = arith.constant 9 : i32
        %add3A_297 = arith.addi %mul3A_295, %add3A_296 : i32
        %get3A_298 = arith.index_cast %add3A_297 : i32 to index
        %get3A_299 = arith.constant 0 : index
        %get3A_300 = tpu.vector_load %arg12[%get3A_298, %get3A_299] {strides = array<i32>} : memref<720x16xf32, #tpu.memory_space<vmem>>, vector<1x16xf32>,
        %get3A_301 = vector.shape_cast %get3A_300 : vector<1x16xf32> to vector<16xf32>
        %slice3A_302 = vector.extract_strided_slice %get3A_144 {offsets = [9], sizes = [1], strides = [1]} : vector<16xf32> to vector<1xf32>
        %squeeze3A_303 = vector.extract %slice3A_302[0] : f32 from vector<1xf32>
        %broadcast_in_dim3A_304 = vector.broadcast %squeeze3A_303 : f32 to vector<16xf32>
        %mul3A_305 = arith.mulf %get3A_301, %broadcast_in_dim3A_304 : vector<16xf32>
        %swap3A_306 = arith.index_cast %add3A_297 : i32 to index
        %swap3A_307 = arith.constant 0 : index
        %swap3A_308 = tpu.vector_load %arg12[%swap3A_306, %swap3A_307] {strides = array<i32>} : memref<720x16xf32, #tpu.memory_space<vmem>>, vector<1x16xf32>,
        %swap3A_309 = vector.shape_cast %swap3A_308 : vector<1x16xf32> to vector<16xf32>
        %swap3A_310 = vector.shape_cast %mul3A_305 : vector<16xf32> to vector<1x16xf32>
        tpu.vector_store %arg12[%swap3A_306, %swap3A_307], %swap3A_310 {strides = array<i32>} : memref<720x16xf32, #tpu.memory_space<vmem>>, vector<1x16xf32>,
        %mul3A_311 = arith.constant 16 : i32
        %mul3A_312 = arith.muli %scan3A_140, %mul3A_311 : i32
        %add3A_313 = arith.constant 10 : i32
        %add3A_314 = arith.addi %mul3A_312, %add3A_313 : i32
        %get3A_315 = arith.index_cast %add3A_314 : i32 to index
        %get3A_316 = arith.constant 0 : index
        %get3A_317 = tpu.vector_load %arg12[%get3A_315, %get3A_316] {strides = array<i32>} : memref<720x16xf32, #tpu.memory_space<vmem>>, vector<1x16xf32>,
        %get3A_318 = vector.shape_cast %get3A_317 : vector<1x16xf32> to vector<16xf32>
        %slice3A_319 = vector.extract_strided_slice %get3A_144 {offsets = [10], sizes = [1], strides = [1]} : vector<16xf32> to vector<1xf32>
        %squeeze3A_320 = vector.extract %slice3A_319[0] : f32 from vector<1xf32>
        %broadcast_in_dim3A_321 = vector.broadcast %squeeze3A_320 : f32 to vector<16xf32>
        %mul3A_322 = arith.mulf %get3A_318, %broadcast_in_dim3A_321 : vector<16xf32>
        %swap3A_323 = arith.index_cast %add3A_314 : i32 to index
        %swap3A_324 = arith.constant 0 : index
        %swap3A_325 = tpu.vector_load %arg12[%swap3A_323, %swap3A_324] {strides = array<i32>} : memref<720x16xf32, #tpu.memory_space<vmem>>, vector<1x16xf32>,
        %swap3A_326 = vector.shape_cast %swap3A_325 : vector<1x16xf32> to vector<16xf32>
        %swap3A_327 = vector.shape_cast %mul3A_322 : vector<16xf32> to vector<1x16xf32>
        tpu.vector_store %arg12[%swap3A_323, %swap3A_324], %swap3A_327 {strides = array<i32>} : memref<720x16xf32, #tpu.memory_space<vmem>>, vector<1x16xf32>,
        %mul3A_328 = arith.constant 16 : i32
        %mul3A_329 = arith.muli %scan3A_140, %mul3A_328 : i32
        %add3A_330 = arith.constant 11 : i32
        %add3A_331 = arith.addi %mul3A_329, %add3A_330 : i32
        %get3A_332 = arith.index_cast %add3A_331 : i32 to index
        %get3A_333 = arith.constant 0 : index
        %get3A_334 = tpu.vector_load %arg12[%get3A_332, %get3A_333] {strides = array<i32>} : memref<720x16xf32, #tpu.memory_space<vmem>>, vector<1x16xf32>,
        %get3A_335 = vector.shape_cast %get3A_334 : vector<1x16xf32> to vector<16xf32>
        %slice3A_336 = vector.extract_strided_slice %get3A_144 {offsets = [11], sizes = [1], strides = [1]} : vector<16xf32> to vector<1xf32>
        %squeeze3A_337 = vector.extract %slice3A_336[0] : f32 from vector<1xf32>
        %broadcast_in_dim3A_338 = vector.broadcast %squeeze3A_337 : f32 to vector<16xf32>
        %mul3A_339 = arith.mulf %get3A_335, %broadcast_in_dim3A_338 : vector<16xf32>
        %swap3A_340 = arith.index_cast %add3A_331 : i32 to index
        %swap3A_341 = arith.constant 0 : index
        %swap3A_342 = tpu.vector_load %arg12[%swap3A_340, %swap3A_341] {strides = array<i32>} : memref<720x16xf32, #tpu.memory_space<vmem>>, vector<1x16xf32>,
        %swap3A_343 = vector.shape_cast %swap3A_342 : vector<1x16xf32> to vector<16xf32>
        %swap3A_344 = vector.shape_cast %mul3A_339 : vector<16xf32> to vector<1x16xf32>
        tpu.vector_store %arg12[%swap3A_340, %swap3A_341], %swap3A_344 {strides = array<i32>} : memref<720x16xf32, #tpu.memory_space<vmem>>, vector<1x16xf32>,
        %mul3A_345 = arith.constant 16 : i32
        %mul3A_346 = arith.muli %scan3A_140, %mul3A_345 : i32
        %add3A_347 = arith.constant 12 : i32
        %add3A_348 = arith.addi %mul3A_346, %add3A_347 : i32
        %get3A_349 = arith.index_cast %add3A_348 : i32 to index
        %get3A_350 = arith.constant 0 : index
        %get3A_351 = tpu.vector_load %arg12[%get3A_349, %get3A_350] {strides = array<i32>} : memref<720x16xf32, #tpu.memory_space<vmem>>, vector<1x16xf32>,
        %get3A_352 = vector.shape_cast %get3A_351 : vector<1x16xf32> to vector<16xf32>
        %slice3A_353 = vector.extract_strided_slice %get3A_144 {offsets = [12], sizes = [1], strides = [1]} : vector<16xf32> to vector<1xf32>
        %squeeze3A_354 = vector.extract %slice3A_353[0] : f32 from vector<1xf32>
        %broadcast_in_dim3A_355 = vector.broadcast %squeeze3A_354 : f32 to vector<16xf32>
        %mul3A_356 = arith.mulf %get3A_352, %broadcast_in_dim3A_355 : vector<16xf32>
        %swap3A_357 = arith.index_cast %add3A_348 : i32 to index
        %swap3A_358 = arith.constant 0 : index
        %swap3A_359 = tpu.vector_load %arg12[%swap3A_357, %swap3A_358] {strides = array<i32>} : memref<720x16xf32, #tpu.memory_space<vmem>>, vector<1x16xf32>,
        %swap3A_360 = vector.shape_cast %swap3A_359 : vector<1x16xf32> to vector<16xf32>
        %swap3A_361 = vector.shape_cast %mul3A_356 : vector<16xf32> to vector<1x16xf32>
        tpu.vector_store %arg12[%swap3A_357, %swap3A_358], %swap3A_361 {strides = array<i32>} : memref<720x16xf32, #tpu.memory_space<vmem>>, vector<1x16xf32>,
        %mul3A_362 = arith.constant 16 : i32
        %mul3A_363 = arith.muli %scan3A_140, %mul3A_362 : i32
        %add3A_364 = arith.constant 13 : i32
        %add3A_365 = arith.addi %mul3A_363, %add3A_364 : i32
        %get3A_366 = arith.index_cast %add3A_365 : i32 to index
        %get3A_367 = arith.constant 0 : index
        %get3A_368 = tpu.vector_load %arg12[%get3A_366, %get3A_367] {strides = array<i32>} : memref<720x16xf32, #tpu.memory_space<vmem>>, vector<1x16xf32>,
        %get3A_369 = vector.shape_cast %get3A_368 : vector<1x16xf32> to vector<16xf32>
        %slice3A_370 = vector.extract_strided_slice %get3A_144 {offsets = [13], sizes = [1], strides = [1]} : vector<16xf32> to vector<1xf32>
        %squeeze3A_371 = vector.extract %slice3A_370[0] : f32 from vector<1xf32>
        %broadcast_in_dim3A_372 = vector.broadcast %squeeze3A_371 : f32 to vector<16xf32>
        %mul3A_373 = arith.mulf %get3A_369, %broadcast_in_dim3A_372 : vector<16xf32>
        %swap3A_374 = arith.index_cast %add3A_365 : i32 to index
        %swap3A_375 = arith.constant 0 : index
        %swap3A_376 = tpu.vector_load %arg12[%swap3A_374, %swap3A_375] {strides = array<i32>} : memref<720x16xf32, #tpu.memory_space<vmem>>, vector<1x16xf32>,
        %swap3A_377 = vector.shape_cast %swap3A_376 : vector<1x16xf32> to vector<16xf32>
        %swap3A_378 = vector.shape_cast %mul3A_373 : vector<16xf32> to vector<1x16xf32>
        tpu.vector_store %arg12[%swap3A_374, %swap3A_375], %swap3A_378 {strides = array<i32>} : memref<720x16xf32, #tpu.memory_space<vmem>>, vector<1x16xf32>,
        %mul3A_379 = arith.constant 16 : i32
        %mul3A_380 = arith.muli %scan3A_140, %mul3A_379 : i32
        %add3A_381 = arith.constant 14 : i32
        %add3A_382 = arith.addi %mul3A_380, %add3A_381 : i32
        %get3A_383 = arith.index_cast %add3A_382 : i32 to index
        %get3A_384 = arith.constant 0 : index
        %get3A_385 = tpu.vector_load %arg12[%get3A_383, %get3A_384] {strides = array<i32>} : memref<720x16xf32, #tpu.memory_space<vmem>>, vector<1x16xf32>,
        %get3A_386 = vector.shape_cast %get3A_385 : vector<1x16xf32> to vector<16xf32>
        %slice3A_387 = vector.extract_strided_slice %get3A_144 {offsets = [14], sizes = [1], strides = [1]} : vector<16xf32> to vector<1xf32>
        %squeeze3A_388 = vector.extract %slice3A_387[0] : f32 from vector<1xf32>
        %broadcast_in_dim3A_389 = vector.broadcast %squeeze3A_388 : f32 to vector<16xf32>
        %mul3A_390 = arith.mulf %get3A_386, %broadcast_in_dim3A_389 : vector<16xf32>
        %swap3A_391 = arith.index_cast %add3A_382 : i32 to index
        %swap3A_392 = arith.constant 0 : index
        %swap3A_393 = tpu.vector_load %arg12[%swap3A_391, %swap3A_392] {strides = array<i32>} : memref<720x16xf32, #tpu.memory_space<vmem>>, vector<1x16xf32>,
        %swap3A_394 = vector.shape_cast %swap3A_393 : vector<1x16xf32> to vector<16xf32>
        %swap3A_395 = vector.shape_cast %mul3A_390 : vector<16xf32> to vector<1x16xf32>
        tpu.vector_store %arg12[%swap3A_391, %swap3A_392], %swap3A_395 {strides = array<i32>} : memref<720x16xf32, #tpu.memory_space<vmem>>, vector<1x16xf32>,
        %mul3A_396 = arith.constant 16 : i32
        %mul3A_397 = arith.muli %scan3A_140, %mul3A_396 : i32
        %add3A_398 = arith.constant 15 : i32
        %add3A_399 = arith.addi %mul3A_397, %add3A_398 : i32
        %get3A_400 = arith.index_cast %add3A_399 : i32 to index
        %get3A_401 = arith.constant 0 : index
        %get3A_402 = tpu.vector_load %arg12[%get3A_400, %get3A_401] {strides = array<i32>} : memref<720x16xf32, #tpu.memory_space<vmem>>, vector<1x16xf32>,
        %get3A_403 = vector.shape_cast %get3A_402 : vector<1x16xf32> to vector<16xf32>
        %slice3A_404 = vector.extract_strided_slice %get3A_144 {offsets = [15], sizes = [1], strides = [1]} : vector<16xf32> to vector<1xf32>
        %squeeze3A_405 = vector.extract %slice3A_404[0] : f32 from vector<1xf32>
        %broadcast_in_dim3A_406 = vector.broadcast %squeeze3A_405 : f32 to vector<16xf32>
        %mul3A_407 = arith.mulf %get3A_403, %broadcast_in_dim3A_406 : vector<16xf32>
        %swap3A_408 = arith.index_cast %add3A_399 : i32 to index
        %swap3A_409 = arith.constant 0 : index
        %swap3A_410 = tpu.vector_load %arg12[%swap3A_408, %swap3A_409] {strides = array<i32>} : memref<720x16xf32, #tpu.memory_space<vmem>>, vector<1x16xf32>,
        %swap3A_411 = vector.shape_cast %swap3A_410 : vector<1x16xf32> to vector<16xf32>
        %swap3A_412 = vector.shape_cast %mul3A_407 : vector<16xf32> to vector<1x16xf32>
        tpu.vector_store %arg12[%swap3A_408, %swap3A_409], %swap3A_412 {strides = array<i32>} : memref<720x16xf32, #tpu.memory_space<vmem>>, vector<1x16xf32>,
      }
      %scan3A_76 = arith.constant 45 : i32
      %mul3A_77 = arith.constant 2 : i32
      %mul3A_78 = arith.muli %mul3A_77, %scan3A_52 : i32
      %add3A_79 = arith.constant 1 : i32
      %add3A_80 = arith.addi %mul3A_78, %add3A_79 : i32
      %mul3A_81 = arith.constant 720 : i32
      %mul3A_82 = arith.muli %add3A_80, %mul3A_81 : i32
      %add3A_83 = arith.addi %mul3A_2, %mul3A_82 : i32
      %dma_wait3A_84 = tpu.memref_slice %arg3[%add3A_83] : memref<2880000xi32, #tpu.memory_space<hbm>> -> memref<720xi32, #tpu.memory_space<hbm>>
      %dma_wait3A_85 = tpu.memref_slice %arg3[%add3A_83] : memref<2880000xi32, #tpu.memory_space<hbm>> -> memref<720xi32, #tpu.memory_space<hbm>>
      tpu.wait_dma2 semaphore(%arg18 : memref<!tpu.dma_semaphore, #tpu.memory_space<semaphore_mem>>) src(%dma_wait3A_85 : memref<720xi32, #tpu.memory_space<hbm>>) dst(%arg13 : memref<720xi32, #tpu.memory_space<vmem>>)
      %dma_wait3A_86 = tpu.memref_slice %arg4[%add3A_83] : memref<2880000xi32, #tpu.memory_space<hbm>> -> memref<720xi32, #tpu.memory_space<hbm>>
      %dma_wait3A_87 = tpu.memref_slice %arg4[%add3A_83] : memref<2880000xi32, #tpu.memory_space<hbm>> -> memref<720xi32, #tpu.memory_space<hbm>>
      tpu.wait_dma2 semaphore(%arg18 : memref<!tpu.dma_semaphore, #tpu.memory_space<semaphore_mem>>) src(%dma_wait3A_87 : memref<720xi32, #tpu.memory_space<hbm>>) dst(%arg14 : memref<720xi32, #tpu.memory_space<vmem>>)
      %dma_wait3A_88 = tpu.memref_slice %arg5[%add3A_83] : memref<2880000xf32, #tpu.memory_space<hbm>> -> memref<720xf32, #tpu.memory_space<hbm>>
      %dma_wait3A_89 = tpu.memref_slice %arg5[%add3A_83] : memref<2880000xf32, #tpu.memory_space<hbm>> -> memref<720xf32, #tpu.memory_space<hbm>>
      tpu.wait_dma2 semaphore(%arg18 : memref<!tpu.dma_semaphore, #tpu.memory_space<semaphore_mem>>) src(%dma_wait3A_89 : memref<720xf32, #tpu.memory_space<hbm>>) dst(%arg15 : memref<720xf32, #tpu.memory_space<vmem>>)
      %dma_start3A_90 = arith.constant 0 : i32
      %dma_start3A_91 = arith.constant 0 : i32
      %dma_start3A_92 = tpu.memref_slice %arg2[%dma_start3A_90, %dma_start3A_91] : memref<90000x16xf32, #tpu.memory_space<hbm>> -> memref<90000x16xf32, #tpu.memory_space<hbm>>
      tpu.enqueue_indirect_dma source(%dma_start3A_92 : memref<90000x16xf32, #tpu.memory_space<hbm>>) target(%arg16 : memref<720x16xf32, #tpu.memory_space<vmem>>) offsets(%arg13 : memref<720xi32, #tpu.memory_space<vmem>>) semaphore(%arg20 : memref<!tpu.dma_semaphore, #tpu.memory_space<semaphore_mem>>)
      %dma_start3A_93 = arith.constant 0 : i32
      %dma_start3A_94 = arith.constant 0 : i32
      %dma_start3A_95 = tpu.memref_slice %arg8[%dma_start3A_93, %dma_start3A_94] : memref<90112x16xf32, #tpu.memory_space<vmem_shared>> -> memref<90112x16xf32, #tpu.memory_space<vmem_shared>>
      tpu.enqueue_indirect_dma source(%arg12 : memref<720x16xf32, #tpu.memory_space<vmem>>) target(%dma_start3A_95 : memref<90112x16xf32, #tpu.memory_space<vmem_shared>>) offsets(%arg10 : memref<720xi32, #tpu.memory_space<vmem>>) semaphore(%arg21 : memref<!tpu.dma_semaphore, #tpu.memory_space<semaphore_mem>>) {add = true}
      %dma_wait3A_96 = arith.constant 0 : i32
      %dma_wait3A_97 = arith.constant 0 : i32
      %dma_wait3A_98 = tpu.memref_slice %arg8[%dma_wait3A_96, %dma_wait3A_97] : memref<90112x16xf32, #tpu.memory_space<vmem_shared>> -> memref<90112x16xf32, #tpu.memory_space<vmem_shared>>
      tpu.wait_indirect_dma semaphore(%arg21 : memref<!tpu.dma_semaphore, #tpu.memory_space<semaphore_mem>>) src(%arg12 : memref<720x16xf32, #tpu.memory_space<vmem>>) dst(%dma_wait3A_98 : memref<90112x16xf32, #tpu.memory_space<vmem_shared>>)
      %mul3A_99 = arith.constant 2 : i32
      %mul3A_100 = arith.muli %mul3A_99, %scan3A_52 : i32
      %add3A_101 = arith.constant 2 : i32
      %add3A_102 = arith.addi %mul3A_100, %add3A_101 : i32
      %mul3A_103 = arith.constant 720 : i32
      %mul3A_104 = arith.muli %add3A_102, %mul3A_103 : i32
      %add3A_105 = arith.addi %mul3A_2, %mul3A_104 : i32
      %dma_start3A_106 = tpu.memref_slice %arg3[%add3A_105] : memref<2880000xi32, #tpu.memory_space<hbm>> -> memref<720xi32, #tpu.memory_space<hbm>>
      %dma_start3A_107 = tpu.memref_slice %arg3[%add3A_105] : memref<2880000xi32, #tpu.memory_space<hbm>> -> memref<720xi32, #tpu.memory_space<hbm>>
      tpu.enqueue_dma source(%dma_start3A_107 : memref<720xi32, #tpu.memory_space<hbm>>) target(%arg9 : memref<720xi32, #tpu.memory_space<vmem>>) target_semaphore(%arg17 : memref<!tpu.dma_semaphore, #tpu.memory_space<semaphore_mem>>)
      %dma_start3A_108 = tpu.memref_slice %arg4[%add3A_105] : memref<2880000xi32, #tpu.memory_space<hbm>> -> memref<720xi32, #tpu.memory_space<hbm>>
      %dma_start3A_109 = tpu.memref_slice %arg4[%add3A_105] : memref<2880000xi32, #tpu.memory_space<hbm>> -> memref<720xi32, #tpu.memory_space<hbm>>
      tpu.enqueue_dma source(%dma_start3A_109 : memref<720xi32, #tpu.memory_space<hbm>>) target(%arg10 : memref<720xi32, #tpu.memory_space<vmem>>) target_semaphore(%arg17 : memref<!tpu.dma_semaphore, #tpu.memory_space<semaphore_mem>>)
      %dma_start3A_110 = tpu.memref_slice %arg5[%add3A_105] : memref<2880000xf32, #tpu.memory_space<hbm>> -> memref<720xf32, #tpu.memory_space<hbm>>
      %dma_start3A_111 = tpu.memref_slice %arg5[%add3A_105] : memref<2880000xf32, #tpu.memory_space<hbm>> -> memref<720xf32, #tpu.memory_space<hbm>>
      tpu.enqueue_dma source(%dma_start3A_111 : memref<720xf32, #tpu.memory_space<hbm>>) target(%arg11 : memref<720xf32, #tpu.memory_space<vmem>>) target_semaphore(%arg17 : memref<!tpu.dma_semaphore, #tpu.memory_space<semaphore_mem>>)
      %dma_wait3A_112 = arith.constant 0 : i32
      %dma_wait3A_113 = arith.constant 0 : i32
      %dma_wait3A_114 = tpu.memref_slice %arg2[%dma_wait3A_112, %dma_wait3A_113] : memref<90000x16xf32, #tpu.memory_space<hbm>> -> memref<90000x16xf32, #tpu.memory_space<hbm>>
      tpu.wait_indirect_dma semaphore(%arg20 : memref<!tpu.dma_semaphore, #tpu.memory_space<semaphore_mem>>) src(%dma_wait3A_114 : memref<90000x16xf32, #tpu.memory_space<hbm>>) dst(%arg16 : memref<720x16xf32, #tpu.memory_space<vmem>>)
      %scan3A_115 = arith.constant 0 : i32
      %scan3A_116 = arith.constant 0 : i32
      %scan3A_117 = arith.constant 45 : i32
      %scan3A_118 = arith.addi %scan3A_116, %scan3A_117 : i32
      %scan3A_119 = arith.constant 1 : i32
      scf.for %scan3A_140 = %scan3A_116 to %scan3A_118 step %scan3A_119  : i32 {
        %mul3A_141 = arith.constant 16 : i32
        %mul3A_142 = arith.muli %scan3A_140, %mul3A_141 : i32
        %get3A = arith.index_cast %mul3A_142 : i32 to index
        %get3A_143 = tpu.vector_load %arg15[%get3A] {strides = array<i32>} : memref<720xf32, #tpu.memory_space<vmem>>, vector<16xf32>,
        %get3A_144 = vector.shape_cast %get3A_143 : vector<16xf32> to vector<16xf32>
        %mul3A_145 = arith.constant 16 : i32
        %mul3A_146 = arith.muli %scan3A_140, %mul3A_145 : i32
        %add3A_147 = arith.constant 0 : i32
        %add3A_148 = arith.addi %mul3A_146, %add3A_147 : i32
        %get3A_149 = arith.index_cast %add3A_148 : i32 to index
        %get3A_150 = arith.constant 0 : index
        %get3A_151 = tpu.vector_load %arg16[%get3A_149, %get3A_150] {strides = array<i32>} : memref<720x16xf32, #tpu.memory_space<vmem>>, vector<1x16xf32>,
        %get3A_152 = vector.shape_cast %get3A_151 : vector<1x16xf32> to vector<16xf32>
        %slice3A = vector.extract_strided_slice %get3A_144 {offsets = [0], sizes = [1], strides = [1]} : vector<16xf32> to vector<1xf32>
        %squeeze3A = vector.extract %slice3A[0] : f32 from vector<1xf32>
        %broadcast_in_dim3A = vector.broadcast %squeeze3A : f32 to vector<16xf32>
        %mul3A_153 = arith.mulf %get3A_152, %broadcast_in_dim3A : vector<16xf32>
        %swap3A = arith.index_cast %add3A_148 : i32 to index
        %swap3A_154 = arith.constant 0 : index
        %swap3A_155 = tpu.vector_load %arg16[%swap3A, %swap3A_154] {strides = array<i32>} : memref<720x16xf32, #tpu.memory_space<vmem>>, vector<1x16xf32>,
        %swap3A_156 = vector.shape_cast %swap3A_155 : vector<1x16xf32> to vector<16xf32>
        %swap3A_157 = vector.shape_cast %mul3A_153 : vector<16xf32> to vector<1x16xf32>
        tpu.vector_store %arg16[%swap3A, %swap3A_154], %swap3A_157 {strides = array<i32>} : memref<720x16xf32, #tpu.memory_space<vmem>>, vector<1x16xf32>,
        %mul3A_158 = arith.constant 16 : i32
        %mul3A_159 = arith.muli %scan3A_140, %mul3A_158 : i32
        %add3A_160 = arith.constant 1 : i32
        %add3A_161 = arith.addi %mul3A_159, %add3A_160 : i32
        %get3A_162 = arith.index_cast %add3A_161 : i32 to index
        %get3A_163 = arith.constant 0 : index
        %get3A_164 = tpu.vector_load %arg16[%get3A_162, %get3A_163] {strides = array<i32>} : memref<720x16xf32, #tpu.memory_space<vmem>>, vector<1x16xf32>,
        %get3A_165 = vector.shape_cast %get3A_164 : vector<1x16xf32> to vector<16xf32>
        %slice3A_166 = vector.extract_strided_slice %get3A_144 {offsets = [1], sizes = [1], strides = [1]} : vector<16xf32> to vector<1xf32>
        %squeeze3A_167 = vector.extract %slice3A_166[0] : f32 from vector<1xf32>
        %broadcast_in_dim3A_168 = vector.broadcast %squeeze3A_167 : f32 to vector<16xf32>
        %mul3A_169 = arith.mulf %get3A_165, %broadcast_in_dim3A_168 : vector<16xf32>
        %swap3A_170 = arith.index_cast %add3A_161 : i32 to index
        %swap3A_171 = arith.constant 0 : index
        %swap3A_172 = tpu.vector_load %arg16[%swap3A_170, %swap3A_171] {strides = array<i32>} : memref<720x16xf32, #tpu.memory_space<vmem>>, vector<1x16xf32>,
        %swap3A_173 = vector.shape_cast %swap3A_172 : vector<1x16xf32> to vector<16xf32>
        %swap3A_174 = vector.shape_cast %mul3A_169 : vector<16xf32> to vector<1x16xf32>
        tpu.vector_store %arg16[%swap3A_170, %swap3A_171], %swap3A_174 {strides = array<i32>} : memref<720x16xf32, #tpu.memory_space<vmem>>, vector<1x16xf32>,
        %mul3A_175 = arith.constant 16 : i32
        %mul3A_176 = arith.muli %scan3A_140, %mul3A_175 : i32
        %add3A_177 = arith.constant 2 : i32
        %add3A_178 = arith.addi %mul3A_176, %add3A_177 : i32
        %get3A_179 = arith.index_cast %add3A_178 : i32 to index
        %get3A_180 = arith.constant 0 : index
        %get3A_181 = tpu.vector_load %arg16[%get3A_179, %get3A_180] {strides = array<i32>} : memref<720x16xf32, #tpu.memory_space<vmem>>, vector<1x16xf32>,
        %get3A_182 = vector.shape_cast %get3A_181 : vector<1x16xf32> to vector<16xf32>
        %slice3A_183 = vector.extract_strided_slice %get3A_144 {offsets = [2], sizes = [1], strides = [1]} : vector<16xf32> to vector<1xf32>
        %squeeze3A_184 = vector.extract %slice3A_183[0] : f32 from vector<1xf32>
        %broadcast_in_dim3A_185 = vector.broadcast %squeeze3A_184 : f32 to vector<16xf32>
        %mul3A_186 = arith.mulf %get3A_182, %broadcast_in_dim3A_185 : vector<16xf32>
        %swap3A_187 = arith.index_cast %add3A_178 : i32 to index
        %swap3A_188 = arith.constant 0 : index
        %swap3A_189 = tpu.vector_load %arg16[%swap3A_187, %swap3A_188] {strides = array<i32>} : memref<720x16xf32, #tpu.memory_space<vmem>>, vector<1x16xf32>,
        %swap3A_190 = vector.shape_cast %swap3A_189 : vector<1x16xf32> to vector<16xf32>
        %swap3A_191 = vector.shape_cast %mul3A_186 : vector<16xf32> to vector<1x16xf32>
        tpu.vector_store %arg16[%swap3A_187, %swap3A_188], %swap3A_191 {strides = array<i32>} : memref<720x16xf32, #tpu.memory_space<vmem>>, vector<1x16xf32>,
        %mul3A_192 = arith.constant 16 : i32
        %mul3A_193 = arith.muli %scan3A_140, %mul3A_192 : i32
        %add3A_194 = arith.constant 3 : i32
        %add3A_195 = arith.addi %mul3A_193, %add3A_194 : i32
        %get3A_196 = arith.index_cast %add3A_195 : i32 to index
        %get3A_197 = arith.constant 0 : index
        %get3A_198 = tpu.vector_load %arg16[%get3A_196, %get3A_197] {strides = array<i32>} : memref<720x16xf32, #tpu.memory_space<vmem>>, vector<1x16xf32>,
        %get3A_199 = vector.shape_cast %get3A_198 : vector<1x16xf32> to vector<16xf32>
        %slice3A_200 = vector.extract_strided_slice %get3A_144 {offsets = [3], sizes = [1], strides = [1]} : vector<16xf32> to vector<1xf32>
        %squeeze3A_201 = vector.extract %slice3A_200[0] : f32 from vector<1xf32>
        %broadcast_in_dim3A_202 = vector.broadcast %squeeze3A_201 : f32 to vector<16xf32>
        %mul3A_203 = arith.mulf %get3A_199, %broadcast_in_dim3A_202 : vector<16xf32>
        %swap3A_204 = arith.index_cast %add3A_195 : i32 to index
        %swap3A_205 = arith.constant 0 : index
        %swap3A_206 = tpu.vector_load %arg16[%swap3A_204, %swap3A_205] {strides = array<i32>} : memref<720x16xf32, #tpu.memory_space<vmem>>, vector<1x16xf32>,
        %swap3A_207 = vector.shape_cast %swap3A_206 : vector<1x16xf32> to vector<16xf32>
        %swap3A_208 = vector.shape_cast %mul3A_203 : vector<16xf32> to vector<1x16xf32>
        tpu.vector_store %arg16[%swap3A_204, %swap3A_205], %swap3A_208 {strides = array<i32>} : memref<720x16xf32, #tpu.memory_space<vmem>>, vector<1x16xf32>,
        %mul3A_209 = arith.constant 16 : i32
        %mul3A_210 = arith.muli %scan3A_140, %mul3A_209 : i32
        %add3A_211 = arith.constant 4 : i32
        %add3A_212 = arith.addi %mul3A_210, %add3A_211 : i32
        %get3A_213 = arith.index_cast %add3A_212 : i32 to index
        %get3A_214 = arith.constant 0 : index
        %get3A_215 = tpu.vector_load %arg16[%get3A_213, %get3A_214] {strides = array<i32>} : memref<720x16xf32, #tpu.memory_space<vmem>>, vector<1x16xf32>,
        %get3A_216 = vector.shape_cast %get3A_215 : vector<1x16xf32> to vector<16xf32>
        %slice3A_217 = vector.extract_strided_slice %get3A_144 {offsets = [4], sizes = [1], strides = [1]} : vector<16xf32> to vector<1xf32>
        %squeeze3A_218 = vector.extract %slice3A_217[0] : f32 from vector<1xf32>
        %broadcast_in_dim3A_219 = vector.broadcast %squeeze3A_218 : f32 to vector<16xf32>
        %mul3A_220 = arith.mulf %get3A_216, %broadcast_in_dim3A_219 : vector<16xf32>
        %swap3A_221 = arith.index_cast %add3A_212 : i32 to index
        %swap3A_222 = arith.constant 0 : index
        %swap3A_223 = tpu.vector_load %arg16[%swap3A_221, %swap3A_222] {strides = array<i32>} : memref<720x16xf32, #tpu.memory_space<vmem>>, vector<1x16xf32>,
        %swap3A_224 = vector.shape_cast %swap3A_223 : vector<1x16xf32> to vector<16xf32>
        %swap3A_225 = vector.shape_cast %mul3A_220 : vector<16xf32> to vector<1x16xf32>
        tpu.vector_store %arg16[%swap3A_221, %swap3A_222], %swap3A_225 {strides = array<i32>} : memref<720x16xf32, #tpu.memory_space<vmem>>, vector<1x16xf32>,
        %mul3A_226 = arith.constant 16 : i32
        %mul3A_227 = arith.muli %scan3A_140, %mul3A_226 : i32
        %add3A_228 = arith.constant 5 : i32
        %add3A_229 = arith.addi %mul3A_227, %add3A_228 : i32
        %get3A_230 = arith.index_cast %add3A_229 : i32 to index
        %get3A_231 = arith.constant 0 : index
        %get3A_232 = tpu.vector_load %arg16[%get3A_230, %get3A_231] {strides = array<i32>} : memref<720x16xf32, #tpu.memory_space<vmem>>, vector<1x16xf32>,
        %get3A_233 = vector.shape_cast %get3A_232 : vector<1x16xf32> to vector<16xf32>
        %slice3A_234 = vector.extract_strided_slice %get3A_144 {offsets = [5], sizes = [1], strides = [1]} : vector<16xf32> to vector<1xf32>
        %squeeze3A_235 = vector.extract %slice3A_234[0] : f32 from vector<1xf32>
        %broadcast_in_dim3A_236 = vector.broadcast %squeeze3A_235 : f32 to vector<16xf32>
        %mul3A_237 = arith.mulf %get3A_233, %broadcast_in_dim3A_236 : vector<16xf32>
        %swap3A_238 = arith.index_cast %add3A_229 : i32 to index
        %swap3A_239 = arith.constant 0 : index
        %swap3A_240 = tpu.vector_load %arg16[%swap3A_238, %swap3A_239] {strides = array<i32>} : memref<720x16xf32, #tpu.memory_space<vmem>>, vector<1x16xf32>,
        %swap3A_241 = vector.shape_cast %swap3A_240 : vector<1x16xf32> to vector<16xf32>
        %swap3A_242 = vector.shape_cast %mul3A_237 : vector<16xf32> to vector<1x16xf32>
        tpu.vector_store %arg16[%swap3A_238, %swap3A_239], %swap3A_242 {strides = array<i32>} : memref<720x16xf32, #tpu.memory_space<vmem>>, vector<1x16xf32>,
        %mul3A_243 = arith.constant 16 : i32
        %mul3A_244 = arith.muli %scan3A_140, %mul3A_243 : i32
        %add3A_245 = arith.constant 6 : i32
        %add3A_246 = arith.addi %mul3A_244, %add3A_245 : i32
        %get3A_247 = arith.index_cast %add3A_246 : i32 to index
        %get3A_248 = arith.constant 0 : index
        %get3A_249 = tpu.vector_load %arg16[%get3A_247, %get3A_248] {strides = array<i32>} : memref<720x16xf32, #tpu.memory_space<vmem>>, vector<1x16xf32>,
        %get3A_250 = vector.shape_cast %get3A_249 : vector<1x16xf32> to vector<16xf32>
        %slice3A_251 = vector.extract_strided_slice %get3A_144 {offsets = [6], sizes = [1], strides = [1]} : vector<16xf32> to vector<1xf32>
        %squeeze3A_252 = vector.extract %slice3A_251[0] : f32 from vector<1xf32>
        %broadcast_in_dim3A_253 = vector.broadcast %squeeze3A_252 : f32 to vector<16xf32>
        %mul3A_254 = arith.mulf %get3A_250, %broadcast_in_dim3A_253 : vector<16xf32>
        %swap3A_255 = arith.index_cast %add3A_246 : i32 to index
        %swap3A_256 = arith.constant 0 : index
        %swap3A_257 = tpu.vector_load %arg16[%swap3A_255, %swap3A_256] {strides = array<i32>} : memref<720x16xf32, #tpu.memory_space<vmem>>, vector<1x16xf32>,
        %swap3A_258 = vector.shape_cast %swap3A_257 : vector<1x16xf32> to vector<16xf32>
        %swap3A_259 = vector.shape_cast %mul3A_254 : vector<16xf32> to vector<1x16xf32>
        tpu.vector_store %arg16[%swap3A_255, %swap3A_256], %swap3A_259 {strides = array<i32>} : memref<720x16xf32, #tpu.memory_space<vmem>>, vector<1x16xf32>,
        %mul3A_260 = arith.constant 16 : i32
        %mul3A_261 = arith.muli %scan3A_140, %mul3A_260 : i32
        %add3A_262 = arith.constant 7 : i32
        %add3A_263 = arith.addi %mul3A_261, %add3A_262 : i32
        %get3A_264 = arith.index_cast %add3A_263 : i32 to index
        %get3A_265 = arith.constant 0 : index
        %get3A_266 = tpu.vector_load %arg16[%get3A_264, %get3A_265] {strides = array<i32>} : memref<720x16xf32, #tpu.memory_space<vmem>>, vector<1x16xf32>,
        %get3A_267 = vector.shape_cast %get3A_266 : vector<1x16xf32> to vector<16xf32>
        %slice3A_268 = vector.extract_strided_slice %get3A_144 {offsets = [7], sizes = [1], strides = [1]} : vector<16xf32> to vector<1xf32>
        %squeeze3A_269 = vector.extract %slice3A_268[0] : f32 from vector<1xf32>
        %broadcast_in_dim3A_270 = vector.broadcast %squeeze3A_269 : f32 to vector<16xf32>
        %mul3A_271 = arith.mulf %get3A_267, %broadcast_in_dim3A_270 : vector<16xf32>
        %swap3A_272 = arith.index_cast %add3A_263 : i32 to index
        %swap3A_273 = arith.constant 0 : index
        %swap3A_274 = tpu.vector_load %arg16[%swap3A_272, %swap3A_273] {strides = array<i32>} : memref<720x16xf32, #tpu.memory_space<vmem>>, vector<1x16xf32>,
        %swap3A_275 = vector.shape_cast %swap3A_274 : vector<1x16xf32> to vector<16xf32>
        %swap3A_276 = vector.shape_cast %mul3A_271 : vector<16xf32> to vector<1x16xf32>
        tpu.vector_store %arg16[%swap3A_272, %swap3A_273], %swap3A_276 {strides = array<i32>} : memref<720x16xf32, #tpu.memory_space<vmem>>, vector<1x16xf32>,
        %mul3A_277 = arith.constant 16 : i32
        %mul3A_278 = arith.muli %scan3A_140, %mul3A_277 : i32
        %add3A_279 = arith.constant 8 : i32
        %add3A_280 = arith.addi %mul3A_278, %add3A_279 : i32
        %get3A_281 = arith.index_cast %add3A_280 : i32 to index
        %get3A_282 = arith.constant 0 : index
        %get3A_283 = tpu.vector_load %arg16[%get3A_281, %get3A_282] {strides = array<i32>} : memref<720x16xf32, #tpu.memory_space<vmem>>, vector<1x16xf32>,
        %get3A_284 = vector.shape_cast %get3A_283 : vector<1x16xf32> to vector<16xf32>
        %slice3A_285 = vector.extract_strided_slice %get3A_144 {offsets = [8], sizes = [1], strides = [1]} : vector<16xf32> to vector<1xf32>
        %squeeze3A_286 = vector.extract %slice3A_285[0] : f32 from vector<1xf32>
        %broadcast_in_dim3A_287 = vector.broadcast %squeeze3A_286 : f32 to vector<16xf32>
        %mul3A_288 = arith.mulf %get3A_284, %broadcast_in_dim3A_287 : vector<16xf32>
        %swap3A_289 = arith.index_cast %add3A_280 : i32 to index
        %swap3A_290 = arith.constant 0 : index
        %swap3A_291 = tpu.vector_load %arg16[%swap3A_289, %swap3A_290] {strides = array<i32>} : memref<720x16xf32, #tpu.memory_space<vmem>>, vector<1x16xf32>,
        %swap3A_292 = vector.shape_cast %swap3A_291 : vector<1x16xf32> to vector<16xf32>
        %swap3A_293 = vector.shape_cast %mul3A_288 : vector<16xf32> to vector<1x16xf32>
        tpu.vector_store %arg16[%swap3A_289, %swap3A_290], %swap3A_293 {strides = array<i32>} : memref<720x16xf32, #tpu.memory_space<vmem>>, vector<1x16xf32>,
        %mul3A_294 = arith.constant 16 : i32
        %mul3A_295 = arith.muli %scan3A_140, %mul3A_294 : i32
        %add3A_296 = arith.constant 9 : i32
        %add3A_297 = arith.addi %mul3A_295, %add3A_296 : i32
        %get3A_298 = arith.index_cast %add3A_297 : i32 to index
        %get3A_299 = arith.constant 0 : index
        %get3A_300 = tpu.vector_load %arg16[%get3A_298, %get3A_299] {strides = array<i32>} : memref<720x16xf32, #tpu.memory_space<vmem>>, vector<1x16xf32>,
        %get3A_301 = vector.shape_cast %get3A_300 : vector<1x16xf32> to vector<16xf32>
        %slice3A_302 = vector.extract_strided_slice %get3A_144 {offsets = [9], sizes = [1], strides = [1]} : vector<16xf32> to vector<1xf32>
        %squeeze3A_303 = vector.extract %slice3A_302[0] : f32 from vector<1xf32>
        %broadcast_in_dim3A_304 = vector.broadcast %squeeze3A_303 : f32 to vector<16xf32>
        %mul3A_305 = arith.mulf %get3A_301, %broadcast_in_dim3A_304 : vector<16xf32>
        %swap3A_306 = arith.index_cast %add3A_297 : i32 to index
        %swap3A_307 = arith.constant 0 : index
        %swap3A_308 = tpu.vector_load %arg16[%swap3A_306, %swap3A_307] {strides = array<i32>} : memref<720x16xf32, #tpu.memory_space<vmem>>, vector<1x16xf32>,
        %swap3A_309 = vector.shape_cast %swap3A_308 : vector<1x16xf32> to vector<16xf32>
        %swap3A_310 = vector.shape_cast %mul3A_305 : vector<16xf32> to vector<1x16xf32>
        tpu.vector_store %arg16[%swap3A_306, %swap3A_307], %swap3A_310 {strides = array<i32>} : memref<720x16xf32, #tpu.memory_space<vmem>>, vector<1x16xf32>,
        %mul3A_311 = arith.constant 16 : i32
        %mul3A_312 = arith.muli %scan3A_140, %mul3A_311 : i32
        %add3A_313 = arith.constant 10 : i32
        %add3A_314 = arith.addi %mul3A_312, %add3A_313 : i32
        %get3A_315 = arith.index_cast %add3A_314 : i32 to index
        %get3A_316 = arith.constant 0 : index
        %get3A_317 = tpu.vector_load %arg16[%get3A_315, %get3A_316] {strides = array<i32>} : memref<720x16xf32, #tpu.memory_space<vmem>>, vector<1x16xf32>,
        %get3A_318 = vector.shape_cast %get3A_317 : vector<1x16xf32> to vector<16xf32>
        %slice3A_319 = vector.extract_strided_slice %get3A_144 {offsets = [10], sizes = [1], strides = [1]} : vector<16xf32> to vector<1xf32>
        %squeeze3A_320 = vector.extract %slice3A_319[0] : f32 from vector<1xf32>
        %broadcast_in_dim3A_321 = vector.broadcast %squeeze3A_320 : f32 to vector<16xf32>
        %mul3A_322 = arith.mulf %get3A_318, %broadcast_in_dim3A_321 : vector<16xf32>
        %swap3A_323 = arith.index_cast %add3A_314 : i32 to index
        %swap3A_324 = arith.constant 0 : index
        %swap3A_325 = tpu.vector_load %arg16[%swap3A_323, %swap3A_324] {strides = array<i32>} : memref<720x16xf32, #tpu.memory_space<vmem>>, vector<1x16xf32>,
        %swap3A_326 = vector.shape_cast %swap3A_325 : vector<1x16xf32> to vector<16xf32>
        %swap3A_327 = vector.shape_cast %mul3A_322 : vector<16xf32> to vector<1x16xf32>
        tpu.vector_store %arg16[%swap3A_323, %swap3A_324], %swap3A_327 {strides = array<i32>} : memref<720x16xf32, #tpu.memory_space<vmem>>, vector<1x16xf32>,
        %mul3A_328 = arith.constant 16 : i32
        %mul3A_329 = arith.muli %scan3A_140, %mul3A_328 : i32
        %add3A_330 = arith.constant 11 : i32
        %add3A_331 = arith.addi %mul3A_329, %add3A_330 : i32
        %get3A_332 = arith.index_cast %add3A_331 : i32 to index
        %get3A_333 = arith.constant 0 : index
        %get3A_334 = tpu.vector_load %arg16[%get3A_332, %get3A_333] {strides = array<i32>} : memref<720x16xf32, #tpu.memory_space<vmem>>, vector<1x16xf32>,
        %get3A_335 = vector.shape_cast %get3A_334 : vector<1x16xf32> to vector<16xf32>
        %slice3A_336 = vector.extract_strided_slice %get3A_144 {offsets = [11], sizes = [1], strides = [1]} : vector<16xf32> to vector<1xf32>
        %squeeze3A_337 = vector.extract %slice3A_336[0] : f32 from vector<1xf32>
        %broadcast_in_dim3A_338 = vector.broadcast %squeeze3A_337 : f32 to vector<16xf32>
        %mul3A_339 = arith.mulf %get3A_335, %broadcast_in_dim3A_338 : vector<16xf32>
        %swap3A_340 = arith.index_cast %add3A_331 : i32 to index
        %swap3A_341 = arith.constant 0 : index
        %swap3A_342 = tpu.vector_load %arg16[%swap3A_340, %swap3A_341] {strides = array<i32>} : memref<720x16xf32, #tpu.memory_space<vmem>>, vector<1x16xf32>,
        %swap3A_343 = vector.shape_cast %swap3A_342 : vector<1x16xf32> to vector<16xf32>
        %swap3A_344 = vector.shape_cast %mul3A_339 : vector<16xf32> to vector<1x16xf32>
        tpu.vector_store %arg16[%swap3A_340, %swap3A_341], %swap3A_344 {strides = array<i32>} : memref<720x16xf32, #tpu.memory_space<vmem>>, vector<1x16xf32>,
        %mul3A_345 = arith.constant 16 : i32
        %mul3A_346 = arith.muli %scan3A_140, %mul3A_345 : i32
        %add3A_347 = arith.constant 12 : i32
        %add3A_348 = arith.addi %mul3A_346, %add3A_347 : i32
        %get3A_349 = arith.index_cast %add3A_348 : i32 to index
        %get3A_350 = arith.constant 0 : index
        %get3A_351 = tpu.vector_load %arg16[%get3A_349, %get3A_350] {strides = array<i32>} : memref<720x16xf32, #tpu.memory_space<vmem>>, vector<1x16xf32>,
        %get3A_352 = vector.shape_cast %get3A_351 : vector<1x16xf32> to vector<16xf32>
        %slice3A_353 = vector.extract_strided_slice %get3A_144 {offsets = [12], sizes = [1], strides = [1]} : vector<16xf32> to vector<1xf32>
        %squeeze3A_354 = vector.extract %slice3A_353[0] : f32 from vector<1xf32>
        %broadcast_in_dim3A_355 = vector.broadcast %squeeze3A_354 : f32 to vector<16xf32>
        %mul3A_356 = arith.mulf %get3A_352, %broadcast_in_dim3A_355 : vector<16xf32>
        %swap3A_357 = arith.index_cast %add3A_348 : i32 to index
        %swap3A_358 = arith.constant 0 : index
        %swap3A_359 = tpu.vector_load %arg16[%swap3A_357, %swap3A_358] {strides = array<i32>} : memref<720x16xf32, #tpu.memory_space<vmem>>, vector<1x16xf32>,
        %swap3A_360 = vector.shape_cast %swap3A_359 : vector<1x16xf32> to vector<16xf32>
        %swap3A_361 = vector.shape_cast %mul3A_356 : vector<16xf32> to vector<1x16xf32>
        tpu.vector_store %arg16[%swap3A_357, %swap3A_358], %swap3A_361 {strides = array<i32>} : memref<720x16xf32, #tpu.memory_space<vmem>>, vector<1x16xf32>,
        %mul3A_362 = arith.constant 16 : i32
        %mul3A_363 = arith.muli %scan3A_140, %mul3A_362 : i32
        %add3A_364 = arith.constant 13 : i32
        %add3A_365 = arith.addi %mul3A_363, %add3A_364 : i32
        %get3A_366 = arith.index_cast %add3A_365 : i32 to index
        %get3A_367 = arith.constant 0 : index
        %get3A_368 = tpu.vector_load %arg16[%get3A_366, %get3A_367] {strides = array<i32>} : memref<720x16xf32, #tpu.memory_space<vmem>>, vector<1x16xf32>,
        %get3A_369 = vector.shape_cast %get3A_368 : vector<1x16xf32> to vector<16xf32>
        %slice3A_370 = vector.extract_strided_slice %get3A_144 {offsets = [13], sizes = [1], strides = [1]} : vector<16xf32> to vector<1xf32>
        %squeeze3A_371 = vector.extract %slice3A_370[0] : f32 from vector<1xf32>
        %broadcast_in_dim3A_372 = vector.broadcast %squeeze3A_371 : f32 to vector<16xf32>
        %mul3A_373 = arith.mulf %get3A_369, %broadcast_in_dim3A_372 : vector<16xf32>
        %swap3A_374 = arith.index_cast %add3A_365 : i32 to index
        %swap3A_375 = arith.constant 0 : index
        %swap3A_376 = tpu.vector_load %arg16[%swap3A_374, %swap3A_375] {strides = array<i32>} : memref<720x16xf32, #tpu.memory_space<vmem>>, vector<1x16xf32>,
        %swap3A_377 = vector.shape_cast %swap3A_376 : vector<1x16xf32> to vector<16xf32>
        %swap3A_378 = vector.shape_cast %mul3A_373 : vector<16xf32> to vector<1x16xf32>
        tpu.vector_store %arg16[%swap3A_374, %swap3A_375], %swap3A_378 {strides = array<i32>} : memref<720x16xf32, #tpu.memory_space<vmem>>, vector<1x16xf32>,
        %mul3A_379 = arith.constant 16 : i32
        %mul3A_380 = arith.muli %scan3A_140, %mul3A_379 : i32
        %add3A_381 = arith.constant 14 : i32
        %add3A_382 = arith.addi %mul3A_380, %add3A_381 : i32
        %get3A_383 = arith.index_cast %add3A_382 : i32 to index
        %get3A_384 = arith.constant 0 : index
        %get3A_385 = tpu.vector_load %arg16[%get3A_383, %get3A_384] {strides = array<i32>} : memref<720x16xf32, #tpu.memory_space<vmem>>, vector<1x16xf32>,
        %get3A_386 = vector.shape_cast %get3A_385 : vector<1x16xf32> to vector<16xf32>
        %slice3A_387 = vector.extract_strided_slice %get3A_144 {offsets = [14], sizes = [1], strides = [1]} : vector<16xf32> to vector<1xf32>
        %squeeze3A_388 = vector.extract %slice3A_387[0] : f32 from vector<1xf32>
        %broadcast_in_dim3A_389 = vector.broadcast %squeeze3A_388 : f32 to vector<16xf32>
        %mul3A_390 = arith.mulf %get3A_386, %broadcast_in_dim3A_389 : vector<16xf32>
        %swap3A_391 = arith.index_cast %add3A_382 : i32 to index
        %swap3A_392 = arith.constant 0 : index
        %swap3A_393 = tpu.vector_load %arg16[%swap3A_391, %swap3A_392] {strides = array<i32>} : memref<720x16xf32, #tpu.memory_space<vmem>>, vector<1x16xf32>,
        %swap3A_394 = vector.shape_cast %swap3A_393 : vector<1x16xf32> to vector<16xf32>
        %swap3A_395 = vector.shape_cast %mul3A_390 : vector<16xf32> to vector<1x16xf32>
        tpu.vector_store %arg16[%swap3A_391, %swap3A_392], %swap3A_395 {strides = array<i32>} : memref<720x16xf32, #tpu.memory_space<vmem>>, vector<1x16xf32>,
        %mul3A_396 = arith.constant 16 : i32
        %mul3A_397 = arith.muli %scan3A_140, %mul3A_396 : i32
        %add3A_398 = arith.constant 15 : i32
        %add3A_399 = arith.addi %mul3A_397, %add3A_398 : i32
        %get3A_400 = arith.index_cast %add3A_399 : i32 to index
        %get3A_401 = arith.constant 0 : index
        %get3A_402 = tpu.vector_load %arg16[%get3A_400, %get3A_401] {strides = array<i32>} : memref<720x16xf32, #tpu.memory_space<vmem>>, vector<1x16xf32>,
        %get3A_403 = vector.shape_cast %get3A_402 : vector<1x16xf32> to vector<16xf32>
        %slice3A_404 = vector.extract_strided_slice %get3A_144 {offsets = [15], sizes = [1], strides = [1]} : vector<16xf32> to vector<1xf32>
        %squeeze3A_405 = vector.extract %slice3A_404[0] : f32 from vector<1xf32>
        %broadcast_in_dim3A_406 = vector.broadcast %squeeze3A_405 : f32 to vector<16xf32>
        %mul3A_407 = arith.mulf %get3A_403, %broadcast_in_dim3A_406 : vector<16xf32>
        %swap3A_408 = arith.index_cast %add3A_399 : i32 to index
        %swap3A_409 = arith.constant 0 : index
        %swap3A_410 = tpu.vector_load %arg16[%swap3A_408, %swap3A_409] {strides = array<i32>} : memref<720x16xf32, #tpu.memory_space<vmem>>, vector<1x16xf32>,
        %swap3A_411 = vector.shape_cast %swap3A_410 : vector<1x16xf32> to vector<16xf32>
        %swap3A_412 = vector.shape_cast %mul3A_407 : vector<16xf32> to vector<1x16xf32>
        tpu.vector_store %arg16[%swap3A_408, %swap3A_409], %swap3A_412 {strides = array<i32>} : memref<720x16xf32, #tpu.memory_space<vmem>>, vector<1x16xf32>,
      }
      %scan3A_120 = arith.constant 45 : i32
      %mul3A_121 = arith.constant 2 : i32
      %mul3A_122 = arith.muli %mul3A_121, %scan3A_52 : i32
      %add3A_123 = arith.constant 2 : i32
      %add3A_124 = arith.addi %mul3A_122, %add3A_123 : i32
      %mul3A_125 = arith.constant 720 : i32
      %mul3A_126 = arith.muli %add3A_124, %mul3A_125 : i32
      %add3A_127 = arith.addi %mul3A_2, %mul3A_126 : i32
      %dma_wait3A_128 = tpu.memref_slice %arg3[%add3A_127] : memref<2880000xi32, #tpu.memory_space<hbm>> -> memref<720xi32, #tpu.memory_space<hbm>>
      %dma_wait3A_129 = tpu.memref_slice %arg3[%add3A_127] : memref<2880000xi32, #tpu.memory_space<hbm>> -> memref<720xi32, #tpu.memory_space<hbm>>
      tpu.wait_dma2 semaphore(%arg17 : memref<!tpu.dma_semaphore, #tpu.memory_space<semaphore_mem>>) src(%dma_wait3A_129 : memref<720xi32, #tpu.memory_space<hbm>>) dst(%arg9 : memref<720xi32, #tpu.memory_space<vmem>>)
      %dma_wait3A_130 = tpu.memref_slice %arg4[%add3A_127] : memref<2880000xi32, #tpu.memory_space<hbm>> -> memref<720xi32, #tpu.memory_space<hbm>>
      %dma_wait3A_131 = tpu.memref_slice %arg4[%add3A_127] : memref<2880000xi32, #tpu.memory_space<hbm>> -> memref<720xi32, #tpu.memory_space<hbm>>
      tpu.wait_dma2 semaphore(%arg17 : memref<!tpu.dma_semaphore, #tpu.memory_space<semaphore_mem>>) src(%dma_wait3A_131 : memref<720xi32, #tpu.memory_space<hbm>>) dst(%arg10 : memref<720xi32, #tpu.memory_space<vmem>>)
      %dma_wait3A_132 = tpu.memref_slice %arg5[%add3A_127] : memref<2880000xf32, #tpu.memory_space<hbm>> -> memref<720xf32, #tpu.memory_space<hbm>>
      %dma_wait3A_133 = tpu.memref_slice %arg5[%add3A_127] : memref<2880000xf32, #tpu.memory_space<hbm>> -> memref<720xf32, #tpu.memory_space<hbm>>
      tpu.wait_dma2 semaphore(%arg17 : memref<!tpu.dma_semaphore, #tpu.memory_space<semaphore_mem>>) src(%dma_wait3A_133 : memref<720xf32, #tpu.memory_space<hbm>>) dst(%arg11 : memref<720xf32, #tpu.memory_space<vmem>>)
      %dma_start3A_134 = arith.constant 0 : i32
      %dma_start3A_135 = arith.constant 0 : i32
      %dma_start3A_136 = tpu.memref_slice %arg2[%dma_start3A_134, %dma_start3A_135] : memref<90000x16xf32, #tpu.memory_space<hbm>> -> memref<90000x16xf32, #tpu.memory_space<hbm>>
      tpu.enqueue_indirect_dma source(%dma_start3A_136 : memref<90000x16xf32, #tpu.memory_space<hbm>>) target(%arg12 : memref<720x16xf32, #tpu.memory_space<vmem>>) offsets(%arg9 : memref<720xi32, #tpu.memory_space<vmem>>) semaphore(%arg19 : memref<!tpu.dma_semaphore, #tpu.memory_space<semaphore_mem>>)
      %dma_start3A_137 = arith.constant 0 : i32
      %dma_start3A_138 = arith.constant 0 : i32
      %dma_start3A_139 = tpu.memref_slice %arg8[%dma_start3A_137, %dma_start3A_138] : memref<90112x16xf32, #tpu.memory_space<vmem_shared>> -> memref<90112x16xf32, #tpu.memory_space<vmem_shared>>
      tpu.enqueue_indirect_dma source(%arg16 : memref<720x16xf32, #tpu.memory_space<vmem>>) target(%dma_start3A_139 : memref<90112x16xf32, #tpu.memory_space<vmem_shared>>) offsets(%arg14 : memref<720xi32, #tpu.memory_space<vmem>>) semaphore(%arg22 : memref<!tpu.dma_semaphore, #tpu.memory_space<semaphore_mem>>) {add = true}
    }
    %scan3A_28 = arith.constant 62 : i32
    %dma_wait3A_29 = arith.constant 0 : i32
    %dma_wait3A_30 = arith.constant 0 : i32
    %dma_wait3A_31 = tpu.memref_slice %arg8[%dma_wait3A_29, %dma_wait3A_30] : memref<90112x16xf32, #tpu.memory_space<vmem_shared>> -> memref<90112x16xf32, #tpu.memory_space<vmem_shared>>
    tpu.wait_indirect_dma semaphore(%arg22 : memref<!tpu.dma_semaphore, #tpu.memory_space<semaphore_mem>>) src(%arg16 : memref<720x16xf32, #tpu.memory_space<vmem>>) dst(%dma_wait3A_31 : memref<90112x16xf32, #tpu.memory_space<vmem_shared>>)
    %dma_wait3A_32 = arith.constant 0 : i32
    %dma_wait3A_33 = arith.constant 0 : i32
    %dma_wait3A_34 = tpu.memref_slice %arg2[%dma_wait3A_32, %dma_wait3A_33] : memref<90000x16xf32, #tpu.memory_space<hbm>> -> memref<90000x16xf32, #tpu.memory_space<hbm>>
    tpu.wait_indirect_dma semaphore(%arg19 : memref<!tpu.dma_semaphore, #tpu.memory_space<semaphore_mem>>) src(%dma_wait3A_34 : memref<90000x16xf32, #tpu.memory_space<hbm>>) dst(%arg12 : memref<720x16xf32, #tpu.memory_space<vmem>>)
    %scan3A_35 = arith.constant 0 : i32
    %scan3A_36 = arith.constant 0 : i32
    %scan3A_37 = arith.constant 45 : i32
    %scan3A_38 = arith.addi %scan3A_36, %scan3A_37 : i32
    %scan3A_39 = arith.constant 1 : i32
    scf.for %scan3A_52 = %scan3A_36 to %scan3A_38 step %scan3A_39  : i32 {
      %mul3A_53 = arith.constant 16 : i32
      %mul3A_54 = arith.muli %scan3A_52, %mul3A_53 : i32
      %get3A = arith.index_cast %mul3A_54 : i32 to index
      %get3A_55 = tpu.vector_load %arg11[%get3A] {strides = array<i32>} : memref<720xf32, #tpu.memory_space<vmem>>, vector<16xf32>,
      %get3A_56 = vector.shape_cast %get3A_55 : vector<16xf32> to vector<16xf32>
      %mul3A_57 = arith.constant 16 : i32
      %mul3A_58 = arith.muli %scan3A_52, %mul3A_57 : i32
      %add3A_59 = arith.constant 0 : i32
      %add3A_60 = arith.addi %mul3A_58, %add3A_59 : i32
      %get3A_61 = arith.index_cast %add3A_60 : i32 to index
      %get3A_62 = arith.constant 0 : index
      %get3A_63 = tpu.vector_load %arg12[%get3A_61, %get3A_62] {strides = array<i32>} : memref<720x16xf32, #tpu.memory_space<vmem>>, vector<1x16xf32>,
      %get3A_64 = vector.shape_cast %get3A_63 : vector<1x16xf32> to vector<16xf32>
      %slice3A = vector.extract_strided_slice %get3A_56 {offsets = [0], sizes = [1], strides = [1]} : vector<16xf32> to vector<1xf32>
      %squeeze3A = vector.extract %slice3A[0] : f32 from vector<1xf32>
      %broadcast_in_dim3A = vector.broadcast %squeeze3A : f32 to vector<16xf32>
      %mul3A_65 = arith.mulf %get3A_64, %broadcast_in_dim3A : vector<16xf32>
      %swap3A = arith.index_cast %add3A_60 : i32 to index
      %swap3A_66 = arith.constant 0 : index
      %swap3A_67 = tpu.vector_load %arg12[%swap3A, %swap3A_66] {strides = array<i32>} : memref<720x16xf32, #tpu.memory_space<vmem>>, vector<1x16xf32>,
      %swap3A_68 = vector.shape_cast %swap3A_67 : vector<1x16xf32> to vector<16xf32>
      %swap3A_69 = vector.shape_cast %mul3A_65 : vector<16xf32> to vector<1x16xf32>
      tpu.vector_store %arg12[%swap3A, %swap3A_66], %swap3A_69 {strides = array<i32>} : memref<720x16xf32, #tpu.memory_space<vmem>>, vector<1x16xf32>,
      %mul3A_70 = arith.constant 16 : i32
      %mul3A_71 = arith.muli %scan3A_52, %mul3A_70 : i32
      %add3A_72 = arith.constant 1 : i32
      %add3A_73 = arith.addi %mul3A_71, %add3A_72 : i32
      %get3A_74 = arith.index_cast %add3A_73 : i32 to index
      %get3A_75 = arith.constant 0 : index
      %get3A_76 = tpu.vector_load %arg12[%get3A_74, %get3A_75] {strides = array<i32>} : memref<720x16xf32, #tpu.memory_space<vmem>>, vector<1x16xf32>,
      %get3A_77 = vector.shape_cast %get3A_76 : vector<1x16xf32> to vector<16xf32>
      %slice3A_78 = vector.extract_strided_slice %get3A_56 {offsets = [1], sizes = [1], strides = [1]} : vector<16xf32> to vector<1xf32>
      %squeeze3A_79 = vector.extract %slice3A_78[0] : f32 from vector<1xf32>
      %broadcast_in_dim3A_80 = vector.broadcast %squeeze3A_79 : f32 to vector<16xf32>
      %mul3A_81 = arith.mulf %get3A_77, %broadcast_in_dim3A_80 : vector<16xf32>
      %swap3A_82 = arith.index_cast %add3A_73 : i32 to index
      %swap3A_83 = arith.constant 0 : index
      %swap3A_84 = tpu.vector_load %arg12[%swap3A_82, %swap3A_83] {strides = array<i32>} : memref<720x16xf32, #tpu.memory_space<vmem>>, vector<1x16xf32>,
      %swap3A_85 = vector.shape_cast %swap3A_84 : vector<1x16xf32> to vector<16xf32>
      %swap3A_86 = vector.shape_cast %mul3A_81 : vector<16xf32> to vector<1x16xf32>
      tpu.vector_store %arg12[%swap3A_82, %swap3A_83], %swap3A_86 {strides = array<i32>} : memref<720x16xf32, #tpu.memory_space<vmem>>, vector<1x16xf32>,
      %mul3A_87 = arith.constant 16 : i32
      %mul3A_88 = arith.muli %scan3A_52, %mul3A_87 : i32
      %add3A_89 = arith.constant 2 : i32
      %add3A_90 = arith.addi %mul3A_88, %add3A_89 : i32
      %get3A_91 = arith.index_cast %add3A_90 : i32 to index
      %get3A_92 = arith.constant 0 : index
      %get3A_93 = tpu.vector_load %arg12[%get3A_91, %get3A_92] {strides = array<i32>} : memref<720x16xf32, #tpu.memory_space<vmem>>, vector<1x16xf32>,
      %get3A_94 = vector.shape_cast %get3A_93 : vector<1x16xf32> to vector<16xf32>
      %slice3A_95 = vector.extract_strided_slice %get3A_56 {offsets = [2], sizes = [1], strides = [1]} : vector<16xf32> to vector<1xf32>
      %squeeze3A_96 = vector.extract %slice3A_95[0] : f32 from vector<1xf32>
      %broadcast_in_dim3A_97 = vector.broadcast %squeeze3A_96 : f32 to vector<16xf32>
      %mul3A_98 = arith.mulf %get3A_94, %broadcast_in_dim3A_97 : vector<16xf32>
      %swap3A_99 = arith.index_cast %add3A_90 : i32 to index
      %swap3A_100 = arith.constant 0 : index
      %swap3A_101 = tpu.vector_load %arg12[%swap3A_99, %swap3A_100] {strides = array<i32>} : memref<720x16xf32, #tpu.memory_space<vmem>>, vector<1x16xf32>,
      %swap3A_102 = vector.shape_cast %swap3A_101 : vector<1x16xf32> to vector<16xf32>
      %swap3A_103 = vector.shape_cast %mul3A_98 : vector<16xf32> to vector<1x16xf32>
      tpu.vector_store %arg12[%swap3A_99, %swap3A_100], %swap3A_103 {strides = array<i32>} : memref<720x16xf32, #tpu.memory_space<vmem>>, vector<1x16xf32>,
      %mul3A_104 = arith.constant 16 : i32
      %mul3A_105 = arith.muli %scan3A_52, %mul3A_104 : i32
      %add3A_106 = arith.constant 3 : i32
      %add3A_107 = arith.addi %mul3A_105, %add3A_106 : i32
      %get3A_108 = arith.index_cast %add3A_107 : i32 to index
      %get3A_109 = arith.constant 0 : index
      %get3A_110 = tpu.vector_load %arg12[%get3A_108, %get3A_109] {strides = array<i32>} : memref<720x16xf32, #tpu.memory_space<vmem>>, vector<1x16xf32>,
      %get3A_111 = vector.shape_cast %get3A_110 : vector<1x16xf32> to vector<16xf32>
      %slice3A_112 = vector.extract_strided_slice %get3A_56 {offsets = [3], sizes = [1], strides = [1]} : vector<16xf32> to vector<1xf32>
      %squeeze3A_113 = vector.extract %slice3A_112[0] : f32 from vector<1xf32>
      %broadcast_in_dim3A_114 = vector.broadcast %squeeze3A_113 : f32 to vector<16xf32>
      %mul3A_115 = arith.mulf %get3A_111, %broadcast_in_dim3A_114 : vector<16xf32>
      %swap3A_116 = arith.index_cast %add3A_107 : i32 to index
      %swap3A_117 = arith.constant 0 : index
      %swap3A_118 = tpu.vector_load %arg12[%swap3A_116, %swap3A_117] {strides = array<i32>} : memref<720x16xf32, #tpu.memory_space<vmem>>, vector<1x16xf32>,
      %swap3A_119 = vector.shape_cast %swap3A_118 : vector<1x16xf32> to vector<16xf32>
      %swap3A_120 = vector.shape_cast %mul3A_115 : vector<16xf32> to vector<1x16xf32>
      tpu.vector_store %arg12[%swap3A_116, %swap3A_117], %swap3A_120 {strides = array<i32>} : memref<720x16xf32, #tpu.memory_space<vmem>>, vector<1x16xf32>,
      %mul3A_121 = arith.constant 16 : i32
      %mul3A_122 = arith.muli %scan3A_52, %mul3A_121 : i32
      %add3A_123 = arith.constant 4 : i32
      %add3A_124 = arith.addi %mul3A_122, %add3A_123 : i32
      %get3A_125 = arith.index_cast %add3A_124 : i32 to index
      %get3A_126 = arith.constant 0 : index
      %get3A_127 = tpu.vector_load %arg12[%get3A_125, %get3A_126] {strides = array<i32>} : memref<720x16xf32, #tpu.memory_space<vmem>>, vector<1x16xf32>,
      %get3A_128 = vector.shape_cast %get3A_127 : vector<1x16xf32> to vector<16xf32>
      %slice3A_129 = vector.extract_strided_slice %get3A_56 {offsets = [4], sizes = [1], strides = [1]} : vector<16xf32> to vector<1xf32>
      %squeeze3A_130 = vector.extract %slice3A_129[0] : f32 from vector<1xf32>
      %broadcast_in_dim3A_131 = vector.broadcast %squeeze3A_130 : f32 to vector<16xf32>
      %mul3A_132 = arith.mulf %get3A_128, %broadcast_in_dim3A_131 : vector<16xf32>
      %swap3A_133 = arith.index_cast %add3A_124 : i32 to index
      %swap3A_134 = arith.constant 0 : index
      %swap3A_135 = tpu.vector_load %arg12[%swap3A_133, %swap3A_134] {strides = array<i32>} : memref<720x16xf32, #tpu.memory_space<vmem>>, vector<1x16xf32>,
      %swap3A_136 = vector.shape_cast %swap3A_135 : vector<1x16xf32> to vector<16xf32>
      %swap3A_137 = vector.shape_cast %mul3A_132 : vector<16xf32> to vector<1x16xf32>
      tpu.vector_store %arg12[%swap3A_133, %swap3A_134], %swap3A_137 {strides = array<i32>} : memref<720x16xf32, #tpu.memory_space<vmem>>, vector<1x16xf32>,
      %mul3A_138 = arith.constant 16 : i32
      %mul3A_139 = arith.muli %scan3A_52, %mul3A_138 : i32
      %add3A_140 = arith.constant 5 : i32
      %add3A_141 = arith.addi %mul3A_139, %add3A_140 : i32
      %get3A_142 = arith.index_cast %add3A_141 : i32 to index
      %get3A_143 = arith.constant 0 : index
      %get3A_144 = tpu.vector_load %arg12[%get3A_142, %get3A_143] {strides = array<i32>} : memref<720x16xf32, #tpu.memory_space<vmem>>, vector<1x16xf32>,
      %get3A_145 = vector.shape_cast %get3A_144 : vector<1x16xf32> to vector<16xf32>
      %slice3A_146 = vector.extract_strided_slice %get3A_56 {offsets = [5], sizes = [1], strides = [1]} : vector<16xf32> to vector<1xf32>
      %squeeze3A_147 = vector.extract %slice3A_146[0] : f32 from vector<1xf32>
      %broadcast_in_dim3A_148 = vector.broadcast %squeeze3A_147 : f32 to vector<16xf32>
      %mul3A_149 = arith.mulf %get3A_145, %broadcast_in_dim3A_148 : vector<16xf32>
      %swap3A_150 = arith.index_cast %add3A_141 : i32 to index
      %swap3A_151 = arith.constant 0 : index
      %swap3A_152 = tpu.vector_load %arg12[%swap3A_150, %swap3A_151] {strides = array<i32>} : memref<720x16xf32, #tpu.memory_space<vmem>>, vector<1x16xf32>,
      %swap3A_153 = vector.shape_cast %swap3A_152 : vector<1x16xf32> to vector<16xf32>
      %swap3A_154 = vector.shape_cast %mul3A_149 : vector<16xf32> to vector<1x16xf32>
      tpu.vector_store %arg12[%swap3A_150, %swap3A_151], %swap3A_154 {strides = array<i32>} : memref<720x16xf32, #tpu.memory_space<vmem>>, vector<1x16xf32>,
      %mul3A_155 = arith.constant 16 : i32
      %mul3A_156 = arith.muli %scan3A_52, %mul3A_155 : i32
      %add3A_157 = arith.constant 6 : i32
      %add3A_158 = arith.addi %mul3A_156, %add3A_157 : i32
      %get3A_159 = arith.index_cast %add3A_158 : i32 to index
      %get3A_160 = arith.constant 0 : index
      %get3A_161 = tpu.vector_load %arg12[%get3A_159, %get3A_160] {strides = array<i32>} : memref<720x16xf32, #tpu.memory_space<vmem>>, vector<1x16xf32>,
      %get3A_162 = vector.shape_cast %get3A_161 : vector<1x16xf32> to vector<16xf32>
      %slice3A_163 = vector.extract_strided_slice %get3A_56 {offsets = [6], sizes = [1], strides = [1]} : vector<16xf32> to vector<1xf32>
      %squeeze3A_164 = vector.extract %slice3A_163[0] : f32 from vector<1xf32>
      %broadcast_in_dim3A_165 = vector.broadcast %squeeze3A_164 : f32 to vector<16xf32>
      %mul3A_166 = arith.mulf %get3A_162, %broadcast_in_dim3A_165 : vector<16xf32>
      %swap3A_167 = arith.index_cast %add3A_158 : i32 to index
      %swap3A_168 = arith.constant 0 : index
      %swap3A_169 = tpu.vector_load %arg12[%swap3A_167, %swap3A_168] {strides = array<i32>} : memref<720x16xf32, #tpu.memory_space<vmem>>, vector<1x16xf32>,
      %swap3A_170 = vector.shape_cast %swap3A_169 : vector<1x16xf32> to vector<16xf32>
      %swap3A_171 = vector.shape_cast %mul3A_166 : vector<16xf32> to vector<1x16xf32>
      tpu.vector_store %arg12[%swap3A_167, %swap3A_168], %swap3A_171 {strides = array<i32>} : memref<720x16xf32, #tpu.memory_space<vmem>>, vector<1x16xf32>,
      %mul3A_172 = arith.constant 16 : i32
      %mul3A_173 = arith.muli %scan3A_52, %mul3A_172 : i32
      %add3A_174 = arith.constant 7 : i32
      %add3A_175 = arith.addi %mul3A_173, %add3A_174 : i32
      %get3A_176 = arith.index_cast %add3A_175 : i32 to index
      %get3A_177 = arith.constant 0 : index
      %get3A_178 = tpu.vector_load %arg12[%get3A_176, %get3A_177] {strides = array<i32>} : memref<720x16xf32, #tpu.memory_space<vmem>>, vector<1x16xf32>,
      %get3A_179 = vector.shape_cast %get3A_178 : vector<1x16xf32> to vector<16xf32>
      %slice3A_180 = vector.extract_strided_slice %get3A_56 {offsets = [7], sizes = [1], strides = [1]} : vector<16xf32> to vector<1xf32>
      %squeeze3A_181 = vector.extract %slice3A_180[0] : f32 from vector<1xf32>
      %broadcast_in_dim3A_182 = vector.broadcast %squeeze3A_181 : f32 to vector<16xf32>
      %mul3A_183 = arith.mulf %get3A_179, %broadcast_in_dim3A_182 : vector<16xf32>
      %swap3A_184 = arith.index_cast %add3A_175 : i32 to index
      %swap3A_185 = arith.constant 0 : index
      %swap3A_186 = tpu.vector_load %arg12[%swap3A_184, %swap3A_185] {strides = array<i32>} : memref<720x16xf32, #tpu.memory_space<vmem>>, vector<1x16xf32>,
      %swap3A_187 = vector.shape_cast %swap3A_186 : vector<1x16xf32> to vector<16xf32>
      %swap3A_188 = vector.shape_cast %mul3A_183 : vector<16xf32> to vector<1x16xf32>
      tpu.vector_store %arg12[%swap3A_184, %swap3A_185], %swap3A_188 {strides = array<i32>} : memref<720x16xf32, #tpu.memory_space<vmem>>, vector<1x16xf32>,
      %mul3A_189 = arith.constant 16 : i32
      %mul3A_190 = arith.muli %scan3A_52, %mul3A_189 : i32
      %add3A_191 = arith.constant 8 : i32
      %add3A_192 = arith.addi %mul3A_190, %add3A_191 : i32
      %get3A_193 = arith.index_cast %add3A_192 : i32 to index
      %get3A_194 = arith.constant 0 : index
      %get3A_195 = tpu.vector_load %arg12[%get3A_193, %get3A_194] {strides = array<i32>} : memref<720x16xf32, #tpu.memory_space<vmem>>, vector<1x16xf32>,
      %get3A_196 = vector.shape_cast %get3A_195 : vector<1x16xf32> to vector<16xf32>
      %slice3A_197 = vector.extract_strided_slice %get3A_56 {offsets = [8], sizes = [1], strides = [1]} : vector<16xf32> to vector<1xf32>
      %squeeze3A_198 = vector.extract %slice3A_197[0] : f32 from vector<1xf32>
      %broadcast_in_dim3A_199 = vector.broadcast %squeeze3A_198 : f32 to vector<16xf32>
      %mul3A_200 = arith.mulf %get3A_196, %broadcast_in_dim3A_199 : vector<16xf32>
      %swap3A_201 = arith.index_cast %add3A_192 : i32 to index
      %swap3A_202 = arith.constant 0 : index
      %swap3A_203 = tpu.vector_load %arg12[%swap3A_201, %swap3A_202] {strides = array<i32>} : memref<720x16xf32, #tpu.memory_space<vmem>>, vector<1x16xf32>,
      %swap3A_204 = vector.shape_cast %swap3A_203 : vector<1x16xf32> to vector<16xf32>
      %swap3A_205 = vector.shape_cast %mul3A_200 : vector<16xf32> to vector<1x16xf32>
      tpu.vector_store %arg12[%swap3A_201, %swap3A_202], %swap3A_205 {strides = array<i32>} : memref<720x16xf32, #tpu.memory_space<vmem>>, vector<1x16xf32>,
      %mul3A_206 = arith.constant 16 : i32
      %mul3A_207 = arith.muli %scan3A_52, %mul3A_206 : i32
      %add3A_208 = arith.constant 9 : i32
      %add3A_209 = arith.addi %mul3A_207, %add3A_208 : i32
      %get3A_210 = arith.index_cast %add3A_209 : i32 to index
      %get3A_211 = arith.constant 0 : index
      %get3A_212 = tpu.vector_load %arg12[%get3A_210, %get3A_211] {strides = array<i32>} : memref<720x16xf32, #tpu.memory_space<vmem>>, vector<1x16xf32>,
      %get3A_213 = vector.shape_cast %get3A_212 : vector<1x16xf32> to vector<16xf32>
      %slice3A_214 = vector.extract_strided_slice %get3A_56 {offsets = [9], sizes = [1], strides = [1]} : vector<16xf32> to vector<1xf32>
      %squeeze3A_215 = vector.extract %slice3A_214[0] : f32 from vector<1xf32>
      %broadcast_in_dim3A_216 = vector.broadcast %squeeze3A_215 : f32 to vector<16xf32>
      %mul3A_217 = arith.mulf %get3A_213, %broadcast_in_dim3A_216 : vector<16xf32>
      %swap3A_218 = arith.index_cast %add3A_209 : i32 to index
      %swap3A_219 = arith.constant 0 : index
      %swap3A_220 = tpu.vector_load %arg12[%swap3A_218, %swap3A_219] {strides = array<i32>} : memref<720x16xf32, #tpu.memory_space<vmem>>, vector<1x16xf32>,
      %swap3A_221 = vector.shape_cast %swap3A_220 : vector<1x16xf32> to vector<16xf32>
      %swap3A_222 = vector.shape_cast %mul3A_217 : vector<16xf32> to vector<1x16xf32>
      tpu.vector_store %arg12[%swap3A_218, %swap3A_219], %swap3A_222 {strides = array<i32>} : memref<720x16xf32, #tpu.memory_space<vmem>>, vector<1x16xf32>,
      %mul3A_223 = arith.constant 16 : i32
      %mul3A_224 = arith.muli %scan3A_52, %mul3A_223 : i32
      %add3A_225 = arith.constant 10 : i32
      %add3A_226 = arith.addi %mul3A_224, %add3A_225 : i32
      %get3A_227 = arith.index_cast %add3A_226 : i32 to index
      %get3A_228 = arith.constant 0 : index
      %get3A_229 = tpu.vector_load %arg12[%get3A_227, %get3A_228] {strides = array<i32>} : memref<720x16xf32, #tpu.memory_space<vmem>>, vector<1x16xf32>,
      %get3A_230 = vector.shape_cast %get3A_229 : vector<1x16xf32> to vector<16xf32>
      %slice3A_231 = vector.extract_strided_slice %get3A_56 {offsets = [10], sizes = [1], strides = [1]} : vector<16xf32> to vector<1xf32>
      %squeeze3A_232 = vector.extract %slice3A_231[0] : f32 from vector<1xf32>
      %broadcast_in_dim3A_233 = vector.broadcast %squeeze3A_232 : f32 to vector<16xf32>
      %mul3A_234 = arith.mulf %get3A_230, %broadcast_in_dim3A_233 : vector<16xf32>
      %swap3A_235 = arith.index_cast %add3A_226 : i32 to index
      %swap3A_236 = arith.constant 0 : index
      %swap3A_237 = tpu.vector_load %arg12[%swap3A_235, %swap3A_236] {strides = array<i32>} : memref<720x16xf32, #tpu.memory_space<vmem>>, vector<1x16xf32>,
      %swap3A_238 = vector.shape_cast %swap3A_237 : vector<1x16xf32> to vector<16xf32>
      %swap3A_239 = vector.shape_cast %mul3A_234 : vector<16xf32> to vector<1x16xf32>
      tpu.vector_store %arg12[%swap3A_235, %swap3A_236], %swap3A_239 {strides = array<i32>} : memref<720x16xf32, #tpu.memory_space<vmem>>, vector<1x16xf32>,
      %mul3A_240 = arith.constant 16 : i32
      %mul3A_241 = arith.muli %scan3A_52, %mul3A_240 : i32
      %add3A_242 = arith.constant 11 : i32
      %add3A_243 = arith.addi %mul3A_241, %add3A_242 : i32
      %get3A_244 = arith.index_cast %add3A_243 : i32 to index
      %get3A_245 = arith.constant 0 : index
      %get3A_246 = tpu.vector_load %arg12[%get3A_244, %get3A_245] {strides = array<i32>} : memref<720x16xf32, #tpu.memory_space<vmem>>, vector<1x16xf32>,
      %get3A_247 = vector.shape_cast %get3A_246 : vector<1x16xf32> to vector<16xf32>
      %slice3A_248 = vector.extract_strided_slice %get3A_56 {offsets = [11], sizes = [1], strides = [1]} : vector<16xf32> to vector<1xf32>
      %squeeze3A_249 = vector.extract %slice3A_248[0] : f32 from vector<1xf32>
      %broadcast_in_dim3A_250 = vector.broadcast %squeeze3A_249 : f32 to vector<16xf32>
      %mul3A_251 = arith.mulf %get3A_247, %broadcast_in_dim3A_250 : vector<16xf32>
      %swap3A_252 = arith.index_cast %add3A_243 : i32 to index
      %swap3A_253 = arith.constant 0 : index
      %swap3A_254 = tpu.vector_load %arg12[%swap3A_252, %swap3A_253] {strides = array<i32>} : memref<720x16xf32, #tpu.memory_space<vmem>>, vector<1x16xf32>,
      %swap3A_255 = vector.shape_cast %swap3A_254 : vector<1x16xf32> to vector<16xf32>
      %swap3A_256 = vector.shape_cast %mul3A_251 : vector<16xf32> to vector<1x16xf32>
      tpu.vector_store %arg12[%swap3A_252, %swap3A_253], %swap3A_256 {strides = array<i32>} : memref<720x16xf32, #tpu.memory_space<vmem>>, vector<1x16xf32>,
      %mul3A_257 = arith.constant 16 : i32
      %mul3A_258 = arith.muli %scan3A_52, %mul3A_257 : i32
      %add3A_259 = arith.constant 12 : i32
      %add3A_260 = arith.addi %mul3A_258, %add3A_259 : i32
      %get3A_261 = arith.index_cast %add3A_260 : i32 to index
      %get3A_262 = arith.constant 0 : index
      %get3A_263 = tpu.vector_load %arg12[%get3A_261, %get3A_262] {strides = array<i32>} : memref<720x16xf32, #tpu.memory_space<vmem>>, vector<1x16xf32>,
      %get3A_264 = vector.shape_cast %get3A_263 : vector<1x16xf32> to vector<16xf32>
      %slice3A_265 = vector.extract_strided_slice %get3A_56 {offsets = [12], sizes = [1], strides = [1]} : vector<16xf32> to vector<1xf32>
      %squeeze3A_266 = vector.extract %slice3A_265[0] : f32 from vector<1xf32>
      %broadcast_in_dim3A_267 = vector.broadcast %squeeze3A_266 : f32 to vector<16xf32>
      %mul3A_268 = arith.mulf %get3A_264, %broadcast_in_dim3A_267 : vector<16xf32>
      %swap3A_269 = arith.index_cast %add3A_260 : i32 to index
      %swap3A_270 = arith.constant 0 : index
      %swap3A_271 = tpu.vector_load %arg12[%swap3A_269, %swap3A_270] {strides = array<i32>} : memref<720x16xf32, #tpu.memory_space<vmem>>, vector<1x16xf32>,
      %swap3A_272 = vector.shape_cast %swap3A_271 : vector<1x16xf32> to vector<16xf32>
      %swap3A_273 = vector.shape_cast %mul3A_268 : vector<16xf32> to vector<1x16xf32>
      tpu.vector_store %arg12[%swap3A_269, %swap3A_270], %swap3A_273 {strides = array<i32>} : memref<720x16xf32, #tpu.memory_space<vmem>>, vector<1x16xf32>,
      %mul3A_274 = arith.constant 16 : i32
      %mul3A_275 = arith.muli %scan3A_52, %mul3A_274 : i32
      %add3A_276 = arith.constant 13 : i32
      %add3A_277 = arith.addi %mul3A_275, %add3A_276 : i32
      %get3A_278 = arith.index_cast %add3A_277 : i32 to index
      %get3A_279 = arith.constant 0 : index
      %get3A_280 = tpu.vector_load %arg12[%get3A_278, %get3A_279] {strides = array<i32>} : memref<720x16xf32, #tpu.memory_space<vmem>>, vector<1x16xf32>,
      %get3A_281 = vector.shape_cast %get3A_280 : vector<1x16xf32> to vector<16xf32>
      %slice3A_282 = vector.extract_strided_slice %get3A_56 {offsets = [13], sizes = [1], strides = [1]} : vector<16xf32> to vector<1xf32>
      %squeeze3A_283 = vector.extract %slice3A_282[0] : f32 from vector<1xf32>
      %broadcast_in_dim3A_284 = vector.broadcast %squeeze3A_283 : f32 to vector<16xf32>
      %mul3A_285 = arith.mulf %get3A_281, %broadcast_in_dim3A_284 : vector<16xf32>
      %swap3A_286 = arith.index_cast %add3A_277 : i32 to index
      %swap3A_287 = arith.constant 0 : index
      %swap3A_288 = tpu.vector_load %arg12[%swap3A_286, %swap3A_287] {strides = array<i32>} : memref<720x16xf32, #tpu.memory_space<vmem>>, vector<1x16xf32>,
      %swap3A_289 = vector.shape_cast %swap3A_288 : vector<1x16xf32> to vector<16xf32>
      %swap3A_290 = vector.shape_cast %mul3A_285 : vector<16xf32> to vector<1x16xf32>
      tpu.vector_store %arg12[%swap3A_286, %swap3A_287], %swap3A_290 {strides = array<i32>} : memref<720x16xf32, #tpu.memory_space<vmem>>, vector<1x16xf32>,
      %mul3A_291 = arith.constant 16 : i32
      %mul3A_292 = arith.muli %scan3A_52, %mul3A_291 : i32
      %add3A_293 = arith.constant 14 : i32
      %add3A_294 = arith.addi %mul3A_292, %add3A_293 : i32
      %get3A_295 = arith.index_cast %add3A_294 : i32 to index
      %get3A_296 = arith.constant 0 : index
      %get3A_297 = tpu.vector_load %arg12[%get3A_295, %get3A_296] {strides = array<i32>} : memref<720x16xf32, #tpu.memory_space<vmem>>, vector<1x16xf32>,
      %get3A_298 = vector.shape_cast %get3A_297 : vector<1x16xf32> to vector<16xf32>
      %slice3A_299 = vector.extract_strided_slice %get3A_56 {offsets = [14], sizes = [1], strides = [1]} : vector<16xf32> to vector<1xf32>
      %squeeze3A_300 = vector.extract %slice3A_299[0] : f32 from vector<1xf32>
      %broadcast_in_dim3A_301 = vector.broadcast %squeeze3A_300 : f32 to vector<16xf32>
      %mul3A_302 = arith.mulf %get3A_298, %broadcast_in_dim3A_301 : vector<16xf32>
      %swap3A_303 = arith.index_cast %add3A_294 : i32 to index
      %swap3A_304 = arith.constant 0 : index
      %swap3A_305 = tpu.vector_load %arg12[%swap3A_303, %swap3A_304] {strides = array<i32>} : memref<720x16xf32, #tpu.memory_space<vmem>>, vector<1x16xf32>,
      %swap3A_306 = vector.shape_cast %swap3A_305 : vector<1x16xf32> to vector<16xf32>
      %swap3A_307 = vector.shape_cast %mul3A_302 : vector<16xf32> to vector<1x16xf32>
      tpu.vector_store %arg12[%swap3A_303, %swap3A_304], %swap3A_307 {strides = array<i32>} : memref<720x16xf32, #tpu.memory_space<vmem>>, vector<1x16xf32>,
      %mul3A_308 = arith.constant 16 : i32
      %mul3A_309 = arith.muli %scan3A_52, %mul3A_308 : i32
      %add3A_310 = arith.constant 15 : i32
      %add3A_311 = arith.addi %mul3A_309, %add3A_310 : i32
      %get3A_312 = arith.index_cast %add3A_311 : i32 to index
      %get3A_313 = arith.constant 0 : index
      %get3A_314 = tpu.vector_load %arg12[%get3A_312, %get3A_313] {strides = array<i32>} : memref<720x16xf32, #tpu.memory_space<vmem>>, vector<1x16xf32>,
      %get3A_315 = vector.shape_cast %get3A_314 : vector<1x16xf32> to vector<16xf32>
      %slice3A_316 = vector.extract_strided_slice %get3A_56 {offsets = [15], sizes = [1], strides = [1]} : vector<16xf32> to vector<1xf32>
      %squeeze3A_317 = vector.extract %slice3A_316[0] : f32 from vector<1xf32>
      %broadcast_in_dim3A_318 = vector.broadcast %squeeze3A_317 : f32 to vector<16xf32>
      %mul3A_319 = arith.mulf %get3A_315, %broadcast_in_dim3A_318 : vector<16xf32>
      %swap3A_320 = arith.index_cast %add3A_311 : i32 to index
      %swap3A_321 = arith.constant 0 : index
      %swap3A_322 = tpu.vector_load %arg12[%swap3A_320, %swap3A_321] {strides = array<i32>} : memref<720x16xf32, #tpu.memory_space<vmem>>, vector<1x16xf32>,
      %swap3A_323 = vector.shape_cast %swap3A_322 : vector<1x16xf32> to vector<16xf32>
      %swap3A_324 = vector.shape_cast %mul3A_319 : vector<16xf32> to vector<1x16xf32>
      tpu.vector_store %arg12[%swap3A_320, %swap3A_321], %swap3A_324 {strides = array<i32>} : memref<720x16xf32, #tpu.memory_space<vmem>>, vector<1x16xf32>,
    }
    %scan3A_40 = arith.constant 45 : i32
    %dma_start3A_41 = arith.constant 0 : i32
    %dma_start3A_42 = arith.constant 0 : i32
    %dma_start3A_43 = tpu.memref_slice %arg8[%dma_start3A_41, %dma_start3A_42] : memref<90112x16xf32, #tpu.memory_space<vmem_shared>> -> memref<90112x16xf32, #tpu.memory_space<vmem_shared>>
    tpu.enqueue_indirect_dma source(%arg12 : memref<720x16xf32, #tpu.memory_space<vmem>>) target(%dma_start3A_43 : memref<90112x16xf32, #tpu.memory_space<vmem_shared>>) offsets(%arg10 : memref<720xi32, #tpu.memory_space<vmem>>) semaphore(%arg21 : memref<!tpu.dma_semaphore, #tpu.memory_space<semaphore_mem>>) {add = true}
    %dma_wait3A_44 = arith.constant 0 : i32
    %dma_wait3A_45 = arith.constant 0 : i32
    %dma_wait3A_46 = tpu.memref_slice %arg8[%dma_wait3A_44, %dma_wait3A_45] : memref<90112x16xf32, #tpu.memory_space<vmem_shared>> -> memref<90112x16xf32, #tpu.memory_space<vmem_shared>>
    tpu.wait_indirect_dma semaphore(%arg21 : memref<!tpu.dma_semaphore, #tpu.memory_space<semaphore_mem>>) src(%arg12 : memref<720x16xf32, #tpu.memory_space<vmem>>) dst(%dma_wait3A_46 : memref<90112x16xf32, #tpu.memory_space<vmem_shared>>)
    %barrier3A_47 = arith.constant 0 : index
    tpu.barrier barrier_id(%barrier3A_47)
    %mul3A_48 = arith.constant 5632 : i32
    %mul3A_49 = arith.muli %arg1, %mul3A_48 : i32
    %mul3A_50 = arith.constant 5632 : i32
    %mul3A_51 = arith.muli %arg1, %mul3A_50 : i32
    "tpu.region"() ({
      %run_scoped3A = tpu.sem_alloc : memref<!tpu.dma_semaphore, #tpu.memory_space<semaphore_mem>>
      %dma_start3A_52 = arith.constant 0 : i32
      %dma_start3A_53 = tpu.memref_slice %arg7[%arg0, %mul3A_51, %dma_start3A_52] : memref<2x90112x16xf32, #tpu.memory_space<hbm>> -> memref<1x5632x16xf32, #tpu.memory_space<hbm>>
      %dma_start3A_54 = tpu.memref_squeeze %dma_start3A_53 : memref<1x5632x16xf32, #tpu.memory_space<hbm>> -> memref<5632x16xf32, #tpu.memory_space<hbm>>
      %dma_start3A_55 = arith.constant 0 : i32
      %dma_start3A_56 = tpu.memref_slice %arg8[%mul3A_49, %dma_start3A_55] : memref<90112x16xf32, #tpu.memory_space<vmem_shared>> -> memref<5632x16xf32, #tpu.memory_space<vmem_shared>>
      tpu.enqueue_dma source(%dma_start3A_56 : memref<5632x16xf32, #tpu.memory_space<vmem_shared>>) target(%dma_start3A_54 : memref<5632x16xf32, #tpu.memory_space<hbm>>) target_semaphore(%run_scoped3A : memref<!tpu.dma_semaphore, #tpu.memory_space<semaphore_mem>>)
      %dma_wait3A_57 = arith.constant 0 : i32
      %dma_wait3A_58 = tpu.memref_slice %arg7[%arg0, %mul3A_51, %dma_wait3A_57] : memref<2x90112x16xf32, #tpu.memory_space<hbm>> -> memref<1x5632x16xf32, #tpu.memory_space<hbm>>
      %dma_wait3A_59 = tpu.memref_squeeze %dma_wait3A_58 : memref<1x5632x16xf32, #tpu.memory_space<hbm>> -> memref<5632x16xf32, #tpu.memory_space<hbm>>
      %dma_wait3A_60 = arith.constant 0 : i32
      %dma_wait3A_61 = tpu.memref_slice %arg8[%mul3A_49, %dma_wait3A_60] : memref<90112x16xf32, #tpu.memory_space<vmem_shared>> -> memref<5632x16xf32, #tpu.memory_space<vmem_shared>>
      tpu.wait_dma2 semaphore(%run_scoped3A : memref<!tpu.dma_semaphore, #tpu.memory_space<semaphore_mem>>) src(%dma_wait3A_61 : memref<5632x16xf32, #tpu.memory_space<vmem_shared>>) dst(%dma_wait3A_59 : memref<5632x16xf32, #tpu.memory_space<hbm>>)
      tpu.yield
    }) : () -> ()
    return
  }
}

#map = affine_map<(d0, d1) -> (0, 0)>
#map1 = affine_map<(d0, d1) -> (0)>
#map2 = affine_map<(d0, d1) -> (0, 0, 0)>
module attributes {stable_mosaic.version = 14 : i64} {
  func.func @_sc_agg(%arg0: i32, %arg1: i32, %arg2: memref<90000x16xf32, #tpu.memory_space<hbm>>, %arg3: memref<2880000xi32, #tpu.memory_space<hbm>>, %arg4: memref<2880000xi32, #tpu.memory_space<hbm>>, %arg5: memref<2880000xf32, #tpu.memory_space<hbm>>, %arg6: memref<90112x16xf32, #tpu.memory_space<hbm>>, %arg7: memref<2x90112x16xf32, #tpu.memory_space<hbm>>, %arg8: memref<90112x16xf32, #tpu.memory_space<vmem_shared>>, %arg9: memref<720xi32, #tpu.memory_space<vmem>>, %arg10: memref<720xi32, #tpu.memory_space<vmem>>, %arg11: memref<720xf32, #tpu.memory_space<vmem>>, %arg12: memref<720x16xf32, #tpu.memory_space<vmem>>, %arg13: memref<720xi32, #tpu.memory_space<vmem>>, %arg14: memref<720xi32, #tpu.memory_space<vmem>>, %arg15: memref<720xf32, #tpu.memory_space<vmem>>, %arg16: memref<720x16xf32, #tpu.memory_space<vmem>>, %arg17: memref<!tpu.dma_semaphore, #tpu.memory_space<semaphore_mem>>, %arg18: memref<!tpu.dma_semaphore, #tpu.memory_space<semaphore_mem>>, %arg19: memref<!tpu.dma_semaphore, #tpu.memory_space<semaphore_mem>>, %arg20: memref<!tpu.dma_semaphore, #tpu.memory_space<semaphore_mem>>, %arg21: memref<!tpu.dma_semaphore, #tpu.memory_space<semaphore_mem>>, %arg22: memref<!tpu.dma_semaphore, #tpu.memory_space<semaphore_mem>>) attributes {dimension_semantics = [#tpu.dimension_semantics<core_parallel>, #tpu.dimension_semantics<subcore_parallel>], iteration_bounds = array<i64: 2, 16>, scalar_prefetch = 0 : i64, scratch_operands = 15 : i64, tpu.core_type = #tpu.core_type<sc_vector_subcore>, window_params = [{transform_indices = #map}, {transform_indices = #map1}, {transform_indices = #map1}, {transform_indices = #map1}, {transform_indices = #map}, {transform_indices = #map2}]} {
    %mul3A = arith.constant 2 : i32
    %mul3A_0 = arith.muli %arg1, %mul3A : i32
    %add3A = arith.addi %mul3A_0, %arg0 : i32
    %mul3A_1 = arith.constant 90000 : i32
    %mul3A_2 = arith.muli %add3A, %mul3A_1 : i32
    %mul3A_3 = arith.constant 5632 : i32
    %mul3A_4 = arith.muli %arg1, %mul3A_3 : i32
    %mul3A_5 = arith.constant 5632 : i32
    %mul3A_6 = arith.muli %arg1, %mul3A_5 : i32
    "tpu.region"() ({
      %run_scoped3A = tpu.sem_alloc : memref<!tpu.dma_semaphore, #tpu.memory_space<semaphore_mem>>
      %dma_start3A_52 = arith.constant 0 : i32
      %dma_start3A_53 = tpu.memref_slice %arg8[%mul3A_6, %dma_start3A_52] : memref<90112x16xf32, #tpu.memory_space<vmem_shared>> -> memref<5632x16xf32, #tpu.memory_space<vmem_shared>>
      %dma_start3A_54 = arith.constant 0 : i32
      %dma_start3A_55 = tpu.memref_slice %arg6[%mul3A_4, %dma_start3A_54] : memref<90112x16xf32, #tpu.memory_space<hbm>> -> memref<5632x16xf32, #tpu.memory_space<hbm>>
      tpu.enqueue_dma source(%dma_start3A_55 : memref<5632x16xf32, #tpu.memory_space<hbm>>) target(%dma_start3A_53 : memref<5632x16xf32, #tpu.memory_space<vmem_shared>>) target_semaphore(%run_scoped3A : memref<!tpu.dma_semaphore, #tpu.memory_space<semaphore_mem>>)
      %dma_wait3A_56 = arith.constant 0 : i32
      %dma_wait3A_57 = tpu.memref_slice %arg8[%mul3A_6, %dma_wait3A_56] : memref<90112x16xf32, #tpu.memory_space<vmem_shared>> -> memref<5632x16xf32, #tpu.memory_space<vmem_shared>>
      %dma_wait3A_58 = arith.constant 0 : i32
      %dma_wait3A_59 = tpu.memref_slice %arg6[%mul3A_4, %dma_wait3A_58] : memref<90112x16xf32, #tpu.memory_space<hbm>> -> memref<5632x16xf32, #tpu.memory_space<hbm>>
      tpu.wait_dma2 semaphore(%run_scoped3A : memref<!tpu.dma_semaphore, #tpu.memory_space<semaphore_mem>>) src(%dma_wait3A_59 : memref<5632x16xf32, #tpu.memory_space<hbm>>) dst(%dma_wait3A_57 : memref<5632x16xf32, #tpu.memory_space<vmem_shared>>)
      tpu.yield
    }) : () -> ()
    %barrier3A = arith.constant 0 : index
    tpu.barrier barrier_id(%barrier3A)
    %add3A_7 = arith.constant 0 : i32
    %add3A_8 = arith.addi %mul3A_2, %add3A_7 : i32
    %dma_start3A = tpu.memref_slice %arg3[%add3A_8] : memref<2880000xi32, #tpu.memory_space<hbm>> -> memref<720xi32, #tpu.memory_space<hbm>>
    %dma_start3A_9 = tpu.memref_slice %arg3[%add3A_8] : memref<2880000xi32, #tpu.memory_space<hbm>> -> memref<720xi32, #tpu.memory_space<hbm>>
    tpu.enqueue_dma source(%dma_start3A_9 : memref<720xi32, #tpu.memory_space<hbm>>) target(%arg9 : memref<720xi32, #tpu.memory_space<vmem>>) target_semaphore(%arg17 : memref<!tpu.dma_semaphore, #tpu.memory_space<semaphore_mem>>)
    %dma_start3A_10 = tpu.memref_slice %arg4[%add3A_8] : memref<2880000xi32, #tpu.memory_space<hbm>> -> memref<720xi32, #tpu.memory_space<hbm>>
    %dma_start3A_11 = tpu.memref_slice %arg4[%add3A_8] : memref<2880000xi32, #tpu.memory_space<hbm>> -> memref<720xi32, #tpu.memory_space<hbm>>
    tpu.enqueue_dma source(%dma_start3A_11 : memref<720xi32, #tpu.memory_space<hbm>>) target(%arg10 : memref<720xi32, #tpu.memory_space<vmem>>) target_semaphore(%arg17 : memref<!tpu.dma_semaphore, #tpu.memory_space<semaphore_mem>>)
    %dma_start3A_12 = tpu.memref_slice %arg5[%add3A_8] : memref<2880000xf32, #tpu.memory_space<hbm>> -> memref<720xf32, #tpu.memory_space<hbm>>
    %dma_start3A_13 = tpu.memref_slice %arg5[%add3A_8] : memref<2880000xf32, #tpu.memory_space<hbm>> -> memref<720xf32, #tpu.memory_space<hbm>>
    tpu.enqueue_dma source(%dma_start3A_13 : memref<720xf32, #tpu.memory_space<hbm>>) target(%arg11 : memref<720xf32, #tpu.memory_space<vmem>>) target_semaphore(%arg17 : memref<!tpu.dma_semaphore, #tpu.memory_space<semaphore_mem>>)
    %add3A_14 = arith.constant 0 : i32
    %add3A_15 = arith.addi %mul3A_2, %add3A_14 : i32
    %dma_wait3A = tpu.memref_slice %arg3[%add3A_15] : memref<2880000xi32, #tpu.memory_space<hbm>> -> memref<720xi32, #tpu.memory_space<hbm>>
    %dma_wait3A_16 = tpu.memref_slice %arg3[%add3A_15] : memref<2880000xi32, #tpu.memory_space<hbm>> -> memref<720xi32, #tpu.memory_space<hbm>>
    tpu.wait_dma2 semaphore(%arg17 : memref<!tpu.dma_semaphore, #tpu.memory_space<semaphore_mem>>) src(%dma_wait3A_16 : memref<720xi32, #tpu.memory_space<hbm>>) dst(%arg9 : memref<720xi32, #tpu.memory_space<vmem>>)
    %dma_wait3A_17 = tpu.memref_slice %arg4[%add3A_15] : memref<2880000xi32, #tpu.memory_space<hbm>> -> memref<720xi32, #tpu.memory_space<hbm>>
    %dma_wait3A_18 = tpu.memref_slice %arg4[%add3A_15] : memref<2880000xi32, #tpu.memory_space<hbm>> -> memref<720xi32, #tpu.memory_space<hbm>>
    tpu.wait_dma2 semaphore(%arg17 : memref<!tpu.dma_semaphore, #tpu.memory_space<semaphore_mem>>) src(%dma_wait3A_18 : memref<720xi32, #tpu.memory_space<hbm>>) dst(%arg10 : memref<720xi32, #tpu.memory_space<vmem>>)
    %dma_wait3A_19 = tpu.memref_slice %arg5[%add3A_15] : memref<2880000xf32, #tpu.memory_space<hbm>> -> memref<720xf32, #tpu.memory_space<hbm>>
    %dma_wait3A_20 = tpu.memref_slice %arg5[%add3A_15] : memref<2880000xf32, #tpu.memory_space<hbm>> -> memref<720xf32, #tpu.memory_space<hbm>>
    tpu.wait_dma2 semaphore(%arg17 : memref<!tpu.dma_semaphore, #tpu.memory_space<semaphore_mem>>) src(%dma_wait3A_20 : memref<720xf32, #tpu.memory_space<hbm>>) dst(%arg11 : memref<720xf32, #tpu.memory_space<vmem>>)
    %dma_start3A_21 = arith.constant 0 : i32
    %dma_start3A_22 = arith.constant 0 : i32
    %dma_start3A_23 = tpu.memref_slice %arg2[%dma_start3A_21, %dma_start3A_22] : memref<90000x16xf32, #tpu.memory_space<hbm>> -> memref<90000x16xf32, #tpu.memory_space<hbm>>
    tpu.enqueue_indirect_dma source(%dma_start3A_23 : memref<90000x16xf32, #tpu.memory_space<hbm>>) target(%arg12 : memref<720x16xf32, #tpu.memory_space<vmem>>) offsets(%arg9 : memref<720xi32, #tpu.memory_space<vmem>>) semaphore(%arg19 : memref<!tpu.dma_semaphore, #tpu.memory_space<semaphore_mem>>)
    %scan3A = arith.constant 0 : i32
    %scan3A_24 = arith.constant 0 : i32
    %scan3A_25 = arith.constant 62 : i32
    %scan3A_26 = arith.addi %scan3A_24, %scan3A_25 : i32
    %scan3A_27 = arith.constant 1 : i32
    scf.for %scan3A_52 = %scan3A_24 to %scan3A_26 step %scan3A_27  : i32 {
      %ge3A = arith.constant 1 : i32
      %ge3A_53 = arith.cmpi sge, %scan3A_52, %ge3A : i32
      %convert_element_type3A = arith.extui %ge3A_53 : i1 to i32
      %cond3A = arith.constant 0 : i32
      %cond3A_54 = arith.cmpi ne, %convert_element_type3A, %cond3A : i32
      scf.if %cond3A_54 {
        %dma_wait3A_140 = arith.constant 0 : i32
        %dma_wait3A_141 = arith.constant 0 : i32
        %dma_wait3A_142 = tpu.memref_slice %arg8[%dma_wait3A_140, %dma_wait3A_141] : memref<90112x16xf32, #tpu.memory_space<vmem_shared>> -> memref<90112x16xf32, #tpu.memory_space<vmem_shared>>
        tpu.wait_indirect_dma semaphore(%arg22 : memref<!tpu.dma_semaphore, #tpu.memory_space<semaphore_mem>>) src(%arg16 : memref<720x16xf32, #tpu.memory_space<vmem>>) dst(%dma_wait3A_142 : memref<90112x16xf32, #tpu.memory_space<vmem_shared>>)
      } else {
      }
      %mul3A_55 = arith.constant 2 : i32
      %mul3A_56 = arith.muli %mul3A_55, %scan3A_52 : i32
      %add3A_57 = arith.constant 1 : i32
      %add3A_58 = arith.addi %mul3A_56, %add3A_57 : i32
      %mul3A_59 = arith.constant 720 : i32
      %mul3A_60 = arith.muli %add3A_58, %mul3A_59 : i32
      %add3A_61 = arith.addi %mul3A_2, %mul3A_60 : i32
      %dma_start3A_62 = tpu.memref_slice %arg3[%add3A_61] : memref<2880000xi32, #tpu.memory_space<hbm>> -> memref<720xi32, #tpu.memory_space<hbm>>
      %dma_start3A_63 = tpu.memref_slice %arg3[%add3A_61] : memref<2880000xi32, #tpu.memory_space<hbm>> -> memref<720xi32, #tpu.memory_space<hbm>>
      tpu.enqueue_dma source(%dma_start3A_63 : memref<720xi32, #tpu.memory_space<hbm>>) target(%arg13 : memref<720xi32, #tpu.memory_space<vmem>>) target_semaphore(%arg18 : memref<!tpu.dma_semaphore, #tpu.memory_space<semaphore_mem>>)
      %dma_start3A_64 = tpu.memref_slice %arg4[%add3A_61] : memref<2880000xi32, #tpu.memory_space<hbm>> -> memref<720xi32, #tpu.memory_space<hbm>>
      %dma_start3A_65 = tpu.memref_slice %arg4[%add3A_61] : memref<2880000xi32, #tpu.memory_space<hbm>> -> memref<720xi32, #tpu.memory_space<hbm>>
      tpu.enqueue_dma source(%dma_start3A_65 : memref<720xi32, #tpu.memory_space<hbm>>) target(%arg14 : memref<720xi32, #tpu.memory_space<vmem>>) target_semaphore(%arg18 : memref<!tpu.dma_semaphore, #tpu.memory_space<semaphore_mem>>)
      %dma_start3A_66 = tpu.memref_slice %arg5[%add3A_61] : memref<2880000xf32, #tpu.memory_space<hbm>> -> memref<720xf32, #tpu.memory_space<hbm>>
      %dma_start3A_67 = tpu.memref_slice %arg5[%add3A_61] : memref<2880000xf32, #tpu.memory_space<hbm>> -> memref<720xf32, #tpu.memory_space<hbm>>
      tpu.enqueue_dma source(%dma_start3A_67 : memref<720xf32, #tpu.memory_space<hbm>>) target(%arg15 : memref<720xf32, #tpu.memory_space<vmem>>) target_semaphore(%arg18 : memref<!tpu.dma_semaphore, #tpu.memory_space<semaphore_mem>>)
      %dma_wait3A_68 = arith.constant 0 : i32
      %dma_wait3A_69 = arith.constant 0 : i32
      %dma_wait3A_70 = tpu.memref_slice %arg2[%dma_wait3A_68, %dma_wait3A_69] : memref<90000x16xf32, #tpu.memory_space<hbm>> -> memref<90000x16xf32, #tpu.memory_space<hbm>>
      tpu.wait_indirect_dma semaphore(%arg19 : memref<!tpu.dma_semaphore, #tpu.memory_space<semaphore_mem>>) src(%dma_wait3A_70 : memref<90000x16xf32, #tpu.memory_space<hbm>>) dst(%arg12 : memref<720x16xf32, #tpu.memory_space<vmem>>)
      %scan3A_71 = arith.constant 0 : i32
      %scan3A_72 = arith.constant 0 : i32
      %scan3A_73 = arith.constant 45 : i32
      %scan3A_74 = arith.addi %scan3A_72, %scan3A_73 : i32
      %scan3A_75 = arith.constant 1 : i32
      scf.for %scan3A_140 = %scan3A_72 to %scan3A_74 step %scan3A_75  : i32 {
        %mul3A_141 = arith.constant 16 : i32
        %mul3A_142 = arith.muli %scan3A_140, %mul3A_141 : i32
        %get3A = arith.index_cast %mul3A_142 : i32 to index
        %get3A_143 = tpu.vector_load %arg11[%get3A] {strides = array<i32>} : memref<720xf32, #tpu.memory_space<vmem>>, vector<16xf32>,
        %get3A_144 = vector.shape_cast %get3A_143 : vector<16xf32> to vector<16xf32>
        %mul3A_145 = arith.constant 16 : i32
        %mul3A_146 = arith.muli %scan3A_140, %mul3A_145 : i32
        %add3A_147 = arith.constant 0 : i32
        %add3A_148 = arith.addi %mul3A_146, %add3A_147 : i32
        %get3A_149 = arith.index_cast %add3A_148 : i32 to index
        %get3A_150 = arith.constant 0 : index
        %get3A_151 = tpu.vector_load %arg12[%get3A_149, %get3A_150] {strides = array<i32>} : memref<720x16xf32, #tpu.memory_space<vmem>>, vector<1x16xf32>,
        %get3A_152 = vector.shape_cast %get3A_151 : vector<1x16xf32> to vector<16xf32>
        %slice3A = vector.extract_strided_slice %get3A_144 {offsets = [0], sizes = [1], strides = [1]} : vector<16xf32> to vector<1xf32>
        %squeeze3A = vector.extract %slice3A[0] : f32 from vector<1xf32>
        %broadcast_in_dim3A = vector.broadcast %squeeze3A : f32 to vector<16xf32>
        %mul3A_153 = arith.mulf %get3A_152, %broadcast_in_dim3A : vector<16xf32>
        %swap3A = arith.index_cast %add3A_148 : i32 to index
        %swap3A_154 = arith.constant 0 : index
        %swap3A_155 = tpu.vector_load %arg12[%swap3A, %swap3A_154] {strides = array<i32>} : memref<720x16xf32, #tpu.memory_space<vmem>>, vector<1x16xf32>,
        %swap3A_156 = vector.shape_cast %swap3A_155 : vector<1x16xf32> to vector<16xf32>
        %swap3A_157 = vector.shape_cast %mul3A_153 : vector<16xf32> to vector<1x16xf32>
        tpu.vector_store %arg12[%swap3A, %swap3A_154], %swap3A_157 {strides = array<i32>} : memref<720x16xf32, #tpu.memory_space<vmem>>, vector<1x16xf32>,
        %mul3A_158 = arith.constant 16 : i32
        %mul3A_159 = arith.muli %scan3A_140, %mul3A_158 : i32
        %add3A_160 = arith.constant 1 : i32
        %add3A_161 = arith.addi %mul3A_159, %add3A_160 : i32
        %get3A_162 = arith.index_cast %add3A_161 : i32 to index
        %get3A_163 = arith.constant 0 : index
        %get3A_164 = tpu.vector_load %arg12[%get3A_162, %get3A_163] {strides = array<i32>} : memref<720x16xf32, #tpu.memory_space<vmem>>, vector<1x16xf32>,
        %get3A_165 = vector.shape_cast %get3A_164 : vector<1x16xf32> to vector<16xf32>
        %slice3A_166 = vector.extract_strided_slice %get3A_144 {offsets = [1], sizes = [1], strides = [1]} : vector<16xf32> to vector<1xf32>
        %squeeze3A_167 = vector.extract %slice3A_166[0] : f32 from vector<1xf32>
        %broadcast_in_dim3A_168 = vector.broadcast %squeeze3A_167 : f32 to vector<16xf32>
        %mul3A_169 = arith.mulf %get3A_165, %broadcast_in_dim3A_168 : vector<16xf32>
        %swap3A_170 = arith.index_cast %add3A_161 : i32 to index
        %swap3A_171 = arith.constant 0 : index
        %swap3A_172 = tpu.vector_load %arg12[%swap3A_170, %swap3A_171] {strides = array<i32>} : memref<720x16xf32, #tpu.memory_space<vmem>>, vector<1x16xf32>,
        %swap3A_173 = vector.shape_cast %swap3A_172 : vector<1x16xf32> to vector<16xf32>
        %swap3A_174 = vector.shape_cast %mul3A_169 : vector<16xf32> to vector<1x16xf32>
        tpu.vector_store %arg12[%swap3A_170, %swap3A_171], %swap3A_174 {strides = array<i32>} : memref<720x16xf32, #tpu.memory_space<vmem>>, vector<1x16xf32>,
        %mul3A_175 = arith.constant 16 : i32
        %mul3A_176 = arith.muli %scan3A_140, %mul3A_175 : i32
        %add3A_177 = arith.constant 2 : i32
        %add3A_178 = arith.addi %mul3A_176, %add3A_177 : i32
        %get3A_179 = arith.index_cast %add3A_178 : i32 to index
        %get3A_180 = arith.constant 0 : index
        %get3A_181 = tpu.vector_load %arg12[%get3A_179, %get3A_180] {strides = array<i32>} : memref<720x16xf32, #tpu.memory_space<vmem>>, vector<1x16xf32>,
        %get3A_182 = vector.shape_cast %get3A_181 : vector<1x16xf32> to vector<16xf32>
        %slice3A_183 = vector.extract_strided_slice %get3A_144 {offsets = [2], sizes = [1], strides = [1]} : vector<16xf32> to vector<1xf32>
        %squeeze3A_184 = vector.extract %slice3A_183[0] : f32 from vector<1xf32>
        %broadcast_in_dim3A_185 = vector.broadcast %squeeze3A_184 : f32 to vector<16xf32>
        %mul3A_186 = arith.mulf %get3A_182, %broadcast_in_dim3A_185 : vector<16xf32>
        %swap3A_187 = arith.index_cast %add3A_178 : i32 to index
        %swap3A_188 = arith.constant 0 : index
        %swap3A_189 = tpu.vector_load %arg12[%swap3A_187, %swap3A_188] {strides = array<i32>} : memref<720x16xf32, #tpu.memory_space<vmem>>, vector<1x16xf32>,
        %swap3A_190 = vector.shape_cast %swap3A_189 : vector<1x16xf32> to vector<16xf32>
        %swap3A_191 = vector.shape_cast %mul3A_186 : vector<16xf32> to vector<1x16xf32>
        tpu.vector_store %arg12[%swap3A_187, %swap3A_188], %swap3A_191 {strides = array<i32>} : memref<720x16xf32, #tpu.memory_space<vmem>>, vector<1x16xf32>,
        %mul3A_192 = arith.constant 16 : i32
        %mul3A_193 = arith.muli %scan3A_140, %mul3A_192 : i32
        %add3A_194 = arith.constant 3 : i32
        %add3A_195 = arith.addi %mul3A_193, %add3A_194 : i32
        %get3A_196 = arith.index_cast %add3A_195 : i32 to index
        %get3A_197 = arith.constant 0 : index
        %get3A_198 = tpu.vector_load %arg12[%get3A_196, %get3A_197] {strides = array<i32>} : memref<720x16xf32, #tpu.memory_space<vmem>>, vector<1x16xf32>,
        %get3A_199 = vector.shape_cast %get3A_198 : vector<1x16xf32> to vector<16xf32>
        %slice3A_200 = vector.extract_strided_slice %get3A_144 {offsets = [3], sizes = [1], strides = [1]} : vector<16xf32> to vector<1xf32>
        %squeeze3A_201 = vector.extract %slice3A_200[0] : f32 from vector<1xf32>
        %broadcast_in_dim3A_202 = vector.broadcast %squeeze3A_201 : f32 to vector<16xf32>
        %mul3A_203 = arith.mulf %get3A_199, %broadcast_in_dim3A_202 : vector<16xf32>
        %swap3A_204 = arith.index_cast %add3A_195 : i32 to index
        %swap3A_205 = arith.constant 0 : index
        %swap3A_206 = tpu.vector_load %arg12[%swap3A_204, %swap3A_205] {strides = array<i32>} : memref<720x16xf32, #tpu.memory_space<vmem>>, vector<1x16xf32>,
        %swap3A_207 = vector.shape_cast %swap3A_206 : vector<1x16xf32> to vector<16xf32>
        %swap3A_208 = vector.shape_cast %mul3A_203 : vector<16xf32> to vector<1x16xf32>
        tpu.vector_store %arg12[%swap3A_204, %swap3A_205], %swap3A_208 {strides = array<i32>} : memref<720x16xf32, #tpu.memory_space<vmem>>, vector<1x16xf32>,
        %mul3A_209 = arith.constant 16 : i32
        %mul3A_210 = arith.muli %scan3A_140, %mul3A_209 : i32
        %add3A_211 = arith.constant 4 : i32
        %add3A_212 = arith.addi %mul3A_210, %add3A_211 : i32
        %get3A_213 = arith.index_cast %add3A_212 : i32 to index
        %get3A_214 = arith.constant 0 : index
        %get3A_215 = tpu.vector_load %arg12[%get3A_213, %get3A_214] {strides = array<i32>} : memref<720x16xf32, #tpu.memory_space<vmem>>, vector<1x16xf32>,
        %get3A_216 = vector.shape_cast %get3A_215 : vector<1x16xf32> to vector<16xf32>
        %slice3A_217 = vector.extract_strided_slice %get3A_144 {offsets = [4], sizes = [1], strides = [1]} : vector<16xf32> to vector<1xf32>
        %squeeze3A_218 = vector.extract %slice3A_217[0] : f32 from vector<1xf32>
        %broadcast_in_dim3A_219 = vector.broadcast %squeeze3A_218 : f32 to vector<16xf32>
        %mul3A_220 = arith.mulf %get3A_216, %broadcast_in_dim3A_219 : vector<16xf32>
        %swap3A_221 = arith.index_cast %add3A_212 : i32 to index
        %swap3A_222 = arith.constant 0 : index
        %swap3A_223 = tpu.vector_load %arg12[%swap3A_221, %swap3A_222] {strides = array<i32>} : memref<720x16xf32, #tpu.memory_space<vmem>>, vector<1x16xf32>,
        %swap3A_224 = vector.shape_cast %swap3A_223 : vector<1x16xf32> to vector<16xf32>
        %swap3A_225 = vector.shape_cast %mul3A_220 : vector<16xf32> to vector<1x16xf32>
        tpu.vector_store %arg12[%swap3A_221, %swap3A_222], %swap3A_225 {strides = array<i32>} : memref<720x16xf32, #tpu.memory_space<vmem>>, vector<1x16xf32>,
        %mul3A_226 = arith.constant 16 : i32
        %mul3A_227 = arith.muli %scan3A_140, %mul3A_226 : i32
        %add3A_228 = arith.constant 5 : i32
        %add3A_229 = arith.addi %mul3A_227, %add3A_228 : i32
        %get3A_230 = arith.index_cast %add3A_229 : i32 to index
        %get3A_231 = arith.constant 0 : index
        %get3A_232 = tpu.vector_load %arg12[%get3A_230, %get3A_231] {strides = array<i32>} : memref<720x16xf32, #tpu.memory_space<vmem>>, vector<1x16xf32>,
        %get3A_233 = vector.shape_cast %get3A_232 : vector<1x16xf32> to vector<16xf32>
        %slice3A_234 = vector.extract_strided_slice %get3A_144 {offsets = [5], sizes = [1], strides = [1]} : vector<16xf32> to vector<1xf32>
        %squeeze3A_235 = vector.extract %slice3A_234[0] : f32 from vector<1xf32>
        %broadcast_in_dim3A_236 = vector.broadcast %squeeze3A_235 : f32 to vector<16xf32>
        %mul3A_237 = arith.mulf %get3A_233, %broadcast_in_dim3A_236 : vector<16xf32>
        %swap3A_238 = arith.index_cast %add3A_229 : i32 to index
        %swap3A_239 = arith.constant 0 : index
        %swap3A_240 = tpu.vector_load %arg12[%swap3A_238, %swap3A_239] {strides = array<i32>} : memref<720x16xf32, #tpu.memory_space<vmem>>, vector<1x16xf32>,
        %swap3A_241 = vector.shape_cast %swap3A_240 : vector<1x16xf32> to vector<16xf32>
        %swap3A_242 = vector.shape_cast %mul3A_237 : vector<16xf32> to vector<1x16xf32>
        tpu.vector_store %arg12[%swap3A_238, %swap3A_239], %swap3A_242 {strides = array<i32>} : memref<720x16xf32, #tpu.memory_space<vmem>>, vector<1x16xf32>,
        %mul3A_243 = arith.constant 16 : i32
        %mul3A_244 = arith.muli %scan3A_140, %mul3A_243 : i32
        %add3A_245 = arith.constant 6 : i32
        %add3A_246 = arith.addi %mul3A_244, %add3A_245 : i32
        %get3A_247 = arith.index_cast %add3A_246 : i32 to index
        %get3A_248 = arith.constant 0 : index
        %get3A_249 = tpu.vector_load %arg12[%get3A_247, %get3A_248] {strides = array<i32>} : memref<720x16xf32, #tpu.memory_space<vmem>>, vector<1x16xf32>,
        %get3A_250 = vector.shape_cast %get3A_249 : vector<1x16xf32> to vector<16xf32>
        %slice3A_251 = vector.extract_strided_slice %get3A_144 {offsets = [6], sizes = [1], strides = [1]} : vector<16xf32> to vector<1xf32>
        %squeeze3A_252 = vector.extract %slice3A_251[0] : f32 from vector<1xf32>
        %broadcast_in_dim3A_253 = vector.broadcast %squeeze3A_252 : f32 to vector<16xf32>
        %mul3A_254 = arith.mulf %get3A_250, %broadcast_in_dim3A_253 : vector<16xf32>
        %swap3A_255 = arith.index_cast %add3A_246 : i32 to index
        %swap3A_256 = arith.constant 0 : index
        %swap3A_257 = tpu.vector_load %arg12[%swap3A_255, %swap3A_256] {strides = array<i32>} : memref<720x16xf32, #tpu.memory_space<vmem>>, vector<1x16xf32>,
        %swap3A_258 = vector.shape_cast %swap3A_257 : vector<1x16xf32> to vector<16xf32>
        %swap3A_259 = vector.shape_cast %mul3A_254 : vector<16xf32> to vector<1x16xf32>
        tpu.vector_store %arg12[%swap3A_255, %swap3A_256], %swap3A_259 {strides = array<i32>} : memref<720x16xf32, #tpu.memory_space<vmem>>, vector<1x16xf32>,
        %mul3A_260 = arith.constant 16 : i32
        %mul3A_261 = arith.muli %scan3A_140, %mul3A_260 : i32
        %add3A_262 = arith.constant 7 : i32
        %add3A_263 = arith.addi %mul3A_261, %add3A_262 : i32
        %get3A_264 = arith.index_cast %add3A_263 : i32 to index
        %get3A_265 = arith.constant 0 : index
        %get3A_266 = tpu.vector_load %arg12[%get3A_264, %get3A_265] {strides = array<i32>} : memref<720x16xf32, #tpu.memory_space<vmem>>, vector<1x16xf32>,
        %get3A_267 = vector.shape_cast %get3A_266 : vector<1x16xf32> to vector<16xf32>
        %slice3A_268 = vector.extract_strided_slice %get3A_144 {offsets = [7], sizes = [1], strides = [1]} : vector<16xf32> to vector<1xf32>
        %squeeze3A_269 = vector.extract %slice3A_268[0] : f32 from vector<1xf32>
        %broadcast_in_dim3A_270 = vector.broadcast %squeeze3A_269 : f32 to vector<16xf32>
        %mul3A_271 = arith.mulf %get3A_267, %broadcast_in_dim3A_270 : vector<16xf32>
        %swap3A_272 = arith.index_cast %add3A_263 : i32 to index
        %swap3A_273 = arith.constant 0 : index
        %swap3A_274 = tpu.vector_load %arg12[%swap3A_272, %swap3A_273] {strides = array<i32>} : memref<720x16xf32, #tpu.memory_space<vmem>>, vector<1x16xf32>,
        %swap3A_275 = vector.shape_cast %swap3A_274 : vector<1x16xf32> to vector<16xf32>
        %swap3A_276 = vector.shape_cast %mul3A_271 : vector<16xf32> to vector<1x16xf32>
        tpu.vector_store %arg12[%swap3A_272, %swap3A_273], %swap3A_276 {strides = array<i32>} : memref<720x16xf32, #tpu.memory_space<vmem>>, vector<1x16xf32>,
        %mul3A_277 = arith.constant 16 : i32
        %mul3A_278 = arith.muli %scan3A_140, %mul3A_277 : i32
        %add3A_279 = arith.constant 8 : i32
        %add3A_280 = arith.addi %mul3A_278, %add3A_279 : i32
        %get3A_281 = arith.index_cast %add3A_280 : i32 to index
        %get3A_282 = arith.constant 0 : index
        %get3A_283 = tpu.vector_load %arg12[%get3A_281, %get3A_282] {strides = array<i32>} : memref<720x16xf32, #tpu.memory_space<vmem>>, vector<1x16xf32>,
        %get3A_284 = vector.shape_cast %get3A_283 : vector<1x16xf32> to vector<16xf32>
        %slice3A_285 = vector.extract_strided_slice %get3A_144 {offsets = [8], sizes = [1], strides = [1]} : vector<16xf32> to vector<1xf32>
        %squeeze3A_286 = vector.extract %slice3A_285[0] : f32 from vector<1xf32>
        %broadcast_in_dim3A_287 = vector.broadcast %squeeze3A_286 : f32 to vector<16xf32>
        %mul3A_288 = arith.mulf %get3A_284, %broadcast_in_dim3A_287 : vector<16xf32>
        %swap3A_289 = arith.index_cast %add3A_280 : i32 to index
        %swap3A_290 = arith.constant 0 : index
        %swap3A_291 = tpu.vector_load %arg12[%swap3A_289, %swap3A_290] {strides = array<i32>} : memref<720x16xf32, #tpu.memory_space<vmem>>, vector<1x16xf32>,
        %swap3A_292 = vector.shape_cast %swap3A_291 : vector<1x16xf32> to vector<16xf32>
        %swap3A_293 = vector.shape_cast %mul3A_288 : vector<16xf32> to vector<1x16xf32>
        tpu.vector_store %arg12[%swap3A_289, %swap3A_290], %swap3A_293 {strides = array<i32>} : memref<720x16xf32, #tpu.memory_space<vmem>>, vector<1x16xf32>,
        %mul3A_294 = arith.constant 16 : i32
        %mul3A_295 = arith.muli %scan3A_140, %mul3A_294 : i32
        %add3A_296 = arith.constant 9 : i32
        %add3A_297 = arith.addi %mul3A_295, %add3A_296 : i32
        %get3A_298 = arith.index_cast %add3A_297 : i32 to index
        %get3A_299 = arith.constant 0 : index
        %get3A_300 = tpu.vector_load %arg12[%get3A_298, %get3A_299] {strides = array<i32>} : memref<720x16xf32, #tpu.memory_space<vmem>>, vector<1x16xf32>,
        %get3A_301 = vector.shape_cast %get3A_300 : vector<1x16xf32> to vector<16xf32>
        %slice3A_302 = vector.extract_strided_slice %get3A_144 {offsets = [9], sizes = [1], strides = [1]} : vector<16xf32> to vector<1xf32>
        %squeeze3A_303 = vector.extract %slice3A_302[0] : f32 from vector<1xf32>
        %broadcast_in_dim3A_304 = vector.broadcast %squeeze3A_303 : f32 to vector<16xf32>
        %mul3A_305 = arith.mulf %get3A_301, %broadcast_in_dim3A_304 : vector<16xf32>
        %swap3A_306 = arith.index_cast %add3A_297 : i32 to index
        %swap3A_307 = arith.constant 0 : index
        %swap3A_308 = tpu.vector_load %arg12[%swap3A_306, %swap3A_307] {strides = array<i32>} : memref<720x16xf32, #tpu.memory_space<vmem>>, vector<1x16xf32>,
        %swap3A_309 = vector.shape_cast %swap3A_308 : vector<1x16xf32> to vector<16xf32>
        %swap3A_310 = vector.shape_cast %mul3A_305 : vector<16xf32> to vector<1x16xf32>
        tpu.vector_store %arg12[%swap3A_306, %swap3A_307], %swap3A_310 {strides = array<i32>} : memref<720x16xf32, #tpu.memory_space<vmem>>, vector<1x16xf32>,
        %mul3A_311 = arith.constant 16 : i32
        %mul3A_312 = arith.muli %scan3A_140, %mul3A_311 : i32
        %add3A_313 = arith.constant 10 : i32
        %add3A_314 = arith.addi %mul3A_312, %add3A_313 : i32
        %get3A_315 = arith.index_cast %add3A_314 : i32 to index
        %get3A_316 = arith.constant 0 : index
        %get3A_317 = tpu.vector_load %arg12[%get3A_315, %get3A_316] {strides = array<i32>} : memref<720x16xf32, #tpu.memory_space<vmem>>, vector<1x16xf32>,
        %get3A_318 = vector.shape_cast %get3A_317 : vector<1x16xf32> to vector<16xf32>
        %slice3A_319 = vector.extract_strided_slice %get3A_144 {offsets = [10], sizes = [1], strides = [1]} : vector<16xf32> to vector<1xf32>
        %squeeze3A_320 = vector.extract %slice3A_319[0] : f32 from vector<1xf32>
        %broadcast_in_dim3A_321 = vector.broadcast %squeeze3A_320 : f32 to vector<16xf32>
        %mul3A_322 = arith.mulf %get3A_318, %broadcast_in_dim3A_321 : vector<16xf32>
        %swap3A_323 = arith.index_cast %add3A_314 : i32 to index
        %swap3A_324 = arith.constant 0 : index
        %swap3A_325 = tpu.vector_load %arg12[%swap3A_323, %swap3A_324] {strides = array<i32>} : memref<720x16xf32, #tpu.memory_space<vmem>>, vector<1x16xf32>,
        %swap3A_326 = vector.shape_cast %swap3A_325 : vector<1x16xf32> to vector<16xf32>
        %swap3A_327 = vector.shape_cast %mul3A_322 : vector<16xf32> to vector<1x16xf32>
        tpu.vector_store %arg12[%swap3A_323, %swap3A_324], %swap3A_327 {strides = array<i32>} : memref<720x16xf32, #tpu.memory_space<vmem>>, vector<1x16xf32>,
        %mul3A_328 = arith.constant 16 : i32
        %mul3A_329 = arith.muli %scan3A_140, %mul3A_328 : i32
        %add3A_330 = arith.constant 11 : i32
        %add3A_331 = arith.addi %mul3A_329, %add3A_330 : i32
        %get3A_332 = arith.index_cast %add3A_331 : i32 to index
        %get3A_333 = arith.constant 0 : index
        %get3A_334 = tpu.vector_load %arg12[%get3A_332, %get3A_333] {strides = array<i32>} : memref<720x16xf32, #tpu.memory_space<vmem>>, vector<1x16xf32>,
        %get3A_335 = vector.shape_cast %get3A_334 : vector<1x16xf32> to vector<16xf32>
        %slice3A_336 = vector.extract_strided_slice %get3A_144 {offsets = [11], sizes = [1], strides = [1]} : vector<16xf32> to vector<1xf32>
        %squeeze3A_337 = vector.extract %slice3A_336[0] : f32 from vector<1xf32>
        %broadcast_in_dim3A_338 = vector.broadcast %squeeze3A_337 : f32 to vector<16xf32>
        %mul3A_339 = arith.mulf %get3A_335, %broadcast_in_dim3A_338 : vector<16xf32>
        %swap3A_340 = arith.index_cast %add3A_331 : i32 to index
        %swap3A_341 = arith.constant 0 : index
        %swap3A_342 = tpu.vector_load %arg12[%swap3A_340, %swap3A_341] {strides = array<i32>} : memref<720x16xf32, #tpu.memory_space<vmem>>, vector<1x16xf32>,
        %swap3A_343 = vector.shape_cast %swap3A_342 : vector<1x16xf32> to vector<16xf32>
        %swap3A_344 = vector.shape_cast %mul3A_339 : vector<16xf32> to vector<1x16xf32>
        tpu.vector_store %arg12[%swap3A_340, %swap3A_341], %swap3A_344 {strides = array<i32>} : memref<720x16xf32, #tpu.memory_space<vmem>>, vector<1x16xf32>,
        %mul3A_345 = arith.constant 16 : i32
        %mul3A_346 = arith.muli %scan3A_140, %mul3A_345 : i32
        %add3A_347 = arith.constant 12 : i32
        %add3A_348 = arith.addi %mul3A_346, %add3A_347 : i32
        %get3A_349 = arith.index_cast %add3A_348 : i32 to index
        %get3A_350 = arith.constant 0 : index
        %get3A_351 = tpu.vector_load %arg12[%get3A_349, %get3A_350] {strides = array<i32>} : memref<720x16xf32, #tpu.memory_space<vmem>>, vector<1x16xf32>,
        %get3A_352 = vector.shape_cast %get3A_351 : vector<1x16xf32> to vector<16xf32>
        %slice3A_353 = vector.extract_strided_slice %get3A_144 {offsets = [12], sizes = [1], strides = [1]} : vector<16xf32> to vector<1xf32>
        %squeeze3A_354 = vector.extract %slice3A_353[0] : f32 from vector<1xf32>
        %broadcast_in_dim3A_355 = vector.broadcast %squeeze3A_354 : f32 to vector<16xf32>
        %mul3A_356 = arith.mulf %get3A_352, %broadcast_in_dim3A_355 : vector<16xf32>
        %swap3A_357 = arith.index_cast %add3A_348 : i32 to index
        %swap3A_358 = arith.constant 0 : index
        %swap3A_359 = tpu.vector_load %arg12[%swap3A_357, %swap3A_358] {strides = array<i32>} : memref<720x16xf32, #tpu.memory_space<vmem>>, vector<1x16xf32>,
        %swap3A_360 = vector.shape_cast %swap3A_359 : vector<1x16xf32> to vector<16xf32>
        %swap3A_361 = vector.shape_cast %mul3A_356 : vector<16xf32> to vector<1x16xf32>
        tpu.vector_store %arg12[%swap3A_357, %swap3A_358], %swap3A_361 {strides = array<i32>} : memref<720x16xf32, #tpu.memory_space<vmem>>, vector<1x16xf32>,
        %mul3A_362 = arith.constant 16 : i32
        %mul3A_363 = arith.muli %scan3A_140, %mul3A_362 : i32
        %add3A_364 = arith.constant 13 : i32
        %add3A_365 = arith.addi %mul3A_363, %add3A_364 : i32
        %get3A_366 = arith.index_cast %add3A_365 : i32 to index
        %get3A_367 = arith.constant 0 : index
        %get3A_368 = tpu.vector_load %arg12[%get3A_366, %get3A_367] {strides = array<i32>} : memref<720x16xf32, #tpu.memory_space<vmem>>, vector<1x16xf32>,
        %get3A_369 = vector.shape_cast %get3A_368 : vector<1x16xf32> to vector<16xf32>
        %slice3A_370 = vector.extract_strided_slice %get3A_144 {offsets = [13], sizes = [1], strides = [1]} : vector<16xf32> to vector<1xf32>
        %squeeze3A_371 = vector.extract %slice3A_370[0] : f32 from vector<1xf32>
        %broadcast_in_dim3A_372 = vector.broadcast %squeeze3A_371 : f32 to vector<16xf32>
        %mul3A_373 = arith.mulf %get3A_369, %broadcast_in_dim3A_372 : vector<16xf32>
        %swap3A_374 = arith.index_cast %add3A_365 : i32 to index
        %swap3A_375 = arith.constant 0 : index
        %swap3A_376 = tpu.vector_load %arg12[%swap3A_374, %swap3A_375] {strides = array<i32>} : memref<720x16xf32, #tpu.memory_space<vmem>>, vector<1x16xf32>,
        %swap3A_377 = vector.shape_cast %swap3A_376 : vector<1x16xf32> to vector<16xf32>
        %swap3A_378 = vector.shape_cast %mul3A_373 : vector<16xf32> to vector<1x16xf32>
        tpu.vector_store %arg12[%swap3A_374, %swap3A_375], %swap3A_378 {strides = array<i32>} : memref<720x16xf32, #tpu.memory_space<vmem>>, vector<1x16xf32>,
        %mul3A_379 = arith.constant 16 : i32
        %mul3A_380 = arith.muli %scan3A_140, %mul3A_379 : i32
        %add3A_381 = arith.constant 14 : i32
        %add3A_382 = arith.addi %mul3A_380, %add3A_381 : i32
        %get3A_383 = arith.index_cast %add3A_382 : i32 to index
        %get3A_384 = arith.constant 0 : index
        %get3A_385 = tpu.vector_load %arg12[%get3A_383, %get3A_384] {strides = array<i32>} : memref<720x16xf32, #tpu.memory_space<vmem>>, vector<1x16xf32>,
        %get3A_386 = vector.shape_cast %get3A_385 : vector<1x16xf32> to vector<16xf32>
        %slice3A_387 = vector.extract_strided_slice %get3A_144 {offsets = [14], sizes = [1], strides = [1]} : vector<16xf32> to vector<1xf32>
        %squeeze3A_388 = vector.extract %slice3A_387[0] : f32 from vector<1xf32>
        %broadcast_in_dim3A_389 = vector.broadcast %squeeze3A_388 : f32 to vector<16xf32>
        %mul3A_390 = arith.mulf %get3A_386, %broadcast_in_dim3A_389 : vector<16xf32>
        %swap3A_391 = arith.index_cast %add3A_382 : i32 to index
        %swap3A_392 = arith.constant 0 : index
        %swap3A_393 = tpu.vector_load %arg12[%swap3A_391, %swap3A_392] {strides = array<i32>} : memref<720x16xf32, #tpu.memory_space<vmem>>, vector<1x16xf32>,
        %swap3A_394 = vector.shape_cast %swap3A_393 : vector<1x16xf32> to vector<16xf32>
        %swap3A_395 = vector.shape_cast %mul3A_390 : vector<16xf32> to vector<1x16xf32>
        tpu.vector_store %arg12[%swap3A_391, %swap3A_392], %swap3A_395 {strides = array<i32>} : memref<720x16xf32, #tpu.memory_space<vmem>>, vector<1x16xf32>,
        %mul3A_396 = arith.constant 16 : i32
        %mul3A_397 = arith.muli %scan3A_140, %mul3A_396 : i32
        %add3A_398 = arith.constant 15 : i32
        %add3A_399 = arith.addi %mul3A_397, %add3A_398 : i32
        %get3A_400 = arith.index_cast %add3A_399 : i32 to index
        %get3A_401 = arith.constant 0 : index
        %get3A_402 = tpu.vector_load %arg12[%get3A_400, %get3A_401] {strides = array<i32>} : memref<720x16xf32, #tpu.memory_space<vmem>>, vector<1x16xf32>,
        %get3A_403 = vector.shape_cast %get3A_402 : vector<1x16xf32> to vector<16xf32>
        %slice3A_404 = vector.extract_strided_slice %get3A_144 {offsets = [15], sizes = [1], strides = [1]} : vector<16xf32> to vector<1xf32>
        %squeeze3A_405 = vector.extract %slice3A_404[0] : f32 from vector<1xf32>
        %broadcast_in_dim3A_406 = vector.broadcast %squeeze3A_405 : f32 to vector<16xf32>
        %mul3A_407 = arith.mulf %get3A_403, %broadcast_in_dim3A_406 : vector<16xf32>
        %swap3A_408 = arith.index_cast %add3A_399 : i32 to index
        %swap3A_409 = arith.constant 0 : index
        %swap3A_410 = tpu.vector_load %arg12[%swap3A_408, %swap3A_409] {strides = array<i32>} : memref<720x16xf32, #tpu.memory_space<vmem>>, vector<1x16xf32>,
        %swap3A_411 = vector.shape_cast %swap3A_410 : vector<1x16xf32> to vector<16xf32>
        %swap3A_412 = vector.shape_cast %mul3A_407 : vector<16xf32> to vector<1x16xf32>
        tpu.vector_store %arg12[%swap3A_408, %swap3A_409], %swap3A_412 {strides = array<i32>} : memref<720x16xf32, #tpu.memory_space<vmem>>, vector<1x16xf32>,
      }
      %scan3A_76 = arith.constant 45 : i32
      %mul3A_77 = arith.constant 2 : i32
      %mul3A_78 = arith.muli %mul3A_77, %scan3A_52 : i32
      %add3A_79 = arith.constant 1 : i32
      %add3A_80 = arith.addi %mul3A_78, %add3A_79 : i32
      %mul3A_81 = arith.constant 720 : i32
      %mul3A_82 = arith.muli %add3A_80, %mul3A_81 : i32
      %add3A_83 = arith.addi %mul3A_2, %mul3A_82 : i32
      %dma_wait3A_84 = tpu.memref_slice %arg3[%add3A_83] : memref<2880000xi32, #tpu.memory_space<hbm>> -> memref<720xi32, #tpu.memory_space<hbm>>
      %dma_wait3A_85 = tpu.memref_slice %arg3[%add3A_83] : memref<2880000xi32, #tpu.memory_space<hbm>> -> memref<720xi32, #tpu.memory_space<hbm>>
      tpu.wait_dma2 semaphore(%arg18 : memref<!tpu.dma_semaphore, #tpu.memory_space<semaphore_mem>>) src(%dma_wait3A_85 : memref<720xi32, #tpu.memory_space<hbm>>) dst(%arg13 : memref<720xi32, #tpu.memory_space<vmem>>)
      %dma_wait3A_86 = tpu.memref_slice %arg4[%add3A_83] : memref<2880000xi32, #tpu.memory_space<hbm>> -> memref<720xi32, #tpu.memory_space<hbm>>
      %dma_wait3A_87 = tpu.memref_slice %arg4[%add3A_83] : memref<2880000xi32, #tpu.memory_space<hbm>> -> memref<720xi32, #tpu.memory_space<hbm>>
      tpu.wait_dma2 semaphore(%arg18 : memref<!tpu.dma_semaphore, #tpu.memory_space<semaphore_mem>>) src(%dma_wait3A_87 : memref<720xi32, #tpu.memory_space<hbm>>) dst(%arg14 : memref<720xi32, #tpu.memory_space<vmem>>)
      %dma_wait3A_88 = tpu.memref_slice %arg5[%add3A_83] : memref<2880000xf32, #tpu.memory_space<hbm>> -> memref<720xf32, #tpu.memory_space<hbm>>
      %dma_wait3A_89 = tpu.memref_slice %arg5[%add3A_83] : memref<2880000xf32, #tpu.memory_space<hbm>> -> memref<720xf32, #tpu.memory_space<hbm>>
      tpu.wait_dma2 semaphore(%arg18 : memref<!tpu.dma_semaphore, #tpu.memory_space<semaphore_mem>>) src(%dma_wait3A_89 : memref<720xf32, #tpu.memory_space<hbm>>) dst(%arg15 : memref<720xf32, #tpu.memory_space<vmem>>)
      %dma_start3A_90 = arith.constant 0 : i32
      %dma_start3A_91 = arith.constant 0 : i32
      %dma_start3A_92 = tpu.memref_slice %arg2[%dma_start3A_90, %dma_start3A_91] : memref<90000x16xf32, #tpu.memory_space<hbm>> -> memref<90000x16xf32, #tpu.memory_space<hbm>>
      tpu.enqueue_indirect_dma source(%dma_start3A_92 : memref<90000x16xf32, #tpu.memory_space<hbm>>) target(%arg16 : memref<720x16xf32, #tpu.memory_space<vmem>>) offsets(%arg13 : memref<720xi32, #tpu.memory_space<vmem>>) semaphore(%arg20 : memref<!tpu.dma_semaphore, #tpu.memory_space<semaphore_mem>>)
      %dma_start3A_93 = arith.constant 0 : i32
      %dma_start3A_94 = arith.constant 0 : i32
      %dma_start3A_95 = tpu.memref_slice %arg8[%dma_start3A_93, %dma_start3A_94] : memref<90112x16xf32, #tpu.memory_space<vmem_shared>> -> memref<90112x16xf32, #tpu.memory_space<vmem_shared>>
      tpu.enqueue_indirect_dma source(%arg12 : memref<720x16xf32, #tpu.memory_space<vmem>>) target(%dma_start3A_95 : memref<90112x16xf32, #tpu.memory_space<vmem_shared>>) offsets(%arg10 : memref<720xi32, #tpu.memory_space<vmem>>) semaphore(%arg21 : memref<!tpu.dma_semaphore, #tpu.memory_space<semaphore_mem>>) {add = true}
      %dma_wait3A_96 = arith.constant 0 : i32
      %dma_wait3A_97 = arith.constant 0 : i32
      %dma_wait3A_98 = tpu.memref_slice %arg8[%dma_wait3A_96, %dma_wait3A_97] : memref<90112x16xf32, #tpu.memory_space<vmem_shared>> -> memref<90112x16xf32, #tpu.memory_space<vmem_shared>>
      tpu.wait_indirect_dma semaphore(%arg21 : memref<!tpu.dma_semaphore, #tpu.memory_space<semaphore_mem>>) src(%arg12 : memref<720x16xf32, #tpu.memory_space<vmem>>) dst(%dma_wait3A_98 : memref<90112x16xf32, #tpu.memory_space<vmem_shared>>)
      %mul3A_99 = arith.constant 2 : i32
      %mul3A_100 = arith.muli %mul3A_99, %scan3A_52 : i32
      %add3A_101 = arith.constant 2 : i32
      %add3A_102 = arith.addi %mul3A_100, %add3A_101 : i32
      %mul3A_103 = arith.constant 720 : i32
      %mul3A_104 = arith.muli %add3A_102, %mul3A_103 : i32
      %add3A_105 = arith.addi %mul3A_2, %mul3A_104 : i32
      %dma_start3A_106 = tpu.memref_slice %arg3[%add3A_105] : memref<2880000xi32, #tpu.memory_space<hbm>> -> memref<720xi32, #tpu.memory_space<hbm>>
      %dma_start3A_107 = tpu.memref_slice %arg3[%add3A_105] : memref<2880000xi32, #tpu.memory_space<hbm>> -> memref<720xi32, #tpu.memory_space<hbm>>
      tpu.enqueue_dma source(%dma_start3A_107 : memref<720xi32, #tpu.memory_space<hbm>>) target(%arg9 : memref<720xi32, #tpu.memory_space<vmem>>) target_semaphore(%arg17 : memref<!tpu.dma_semaphore, #tpu.memory_space<semaphore_mem>>)
      %dma_start3A_108 = tpu.memref_slice %arg4[%add3A_105] : memref<2880000xi32, #tpu.memory_space<hbm>> -> memref<720xi32, #tpu.memory_space<hbm>>
      %dma_start3A_109 = tpu.memref_slice %arg4[%add3A_105] : memref<2880000xi32, #tpu.memory_space<hbm>> -> memref<720xi32, #tpu.memory_space<hbm>>
      tpu.enqueue_dma source(%dma_start3A_109 : memref<720xi32, #tpu.memory_space<hbm>>) target(%arg10 : memref<720xi32, #tpu.memory_space<vmem>>) target_semaphore(%arg17 : memref<!tpu.dma_semaphore, #tpu.memory_space<semaphore_mem>>)
      %dma_start3A_110 = tpu.memref_slice %arg5[%add3A_105] : memref<2880000xf32, #tpu.memory_space<hbm>> -> memref<720xf32, #tpu.memory_space<hbm>>
      %dma_start3A_111 = tpu.memref_slice %arg5[%add3A_105] : memref<2880000xf32, #tpu.memory_space<hbm>> -> memref<720xf32, #tpu.memory_space<hbm>>
      tpu.enqueue_dma source(%dma_start3A_111 : memref<720xf32, #tpu.memory_space<hbm>>) target(%arg11 : memref<720xf32, #tpu.memory_space<vmem>>) target_semaphore(%arg17 : memref<!tpu.dma_semaphore, #tpu.memory_space<semaphore_mem>>)
      %dma_wait3A_112 = arith.constant 0 : i32
      %dma_wait3A_113 = arith.constant 0 : i32
      %dma_wait3A_114 = tpu.memref_slice %arg2[%dma_wait3A_112, %dma_wait3A_113] : memref<90000x16xf32, #tpu.memory_space<hbm>> -> memref<90000x16xf32, #tpu.memory_space<hbm>>
      tpu.wait_indirect_dma semaphore(%arg20 : memref<!tpu.dma_semaphore, #tpu.memory_space<semaphore_mem>>) src(%dma_wait3A_114 : memref<90000x16xf32, #tpu.memory_space<hbm>>) dst(%arg16 : memref<720x16xf32, #tpu.memory_space<vmem>>)
      %scan3A_115 = arith.constant 0 : i32
      %scan3A_116 = arith.constant 0 : i32
      %scan3A_117 = arith.constant 45 : i32
      %scan3A_118 = arith.addi %scan3A_116, %scan3A_117 : i32
      %scan3A_119 = arith.constant 1 : i32
      scf.for %scan3A_140 = %scan3A_116 to %scan3A_118 step %scan3A_119  : i32 {
        %mul3A_141 = arith.constant 16 : i32
        %mul3A_142 = arith.muli %scan3A_140, %mul3A_141 : i32
        %get3A = arith.index_cast %mul3A_142 : i32 to index
        %get3A_143 = tpu.vector_load %arg15[%get3A] {strides = array<i32>} : memref<720xf32, #tpu.memory_space<vmem>>, vector<16xf32>,
        %get3A_144 = vector.shape_cast %get3A_143 : vector<16xf32> to vector<16xf32>
        %mul3A_145 = arith.constant 16 : i32
        %mul3A_146 = arith.muli %scan3A_140, %mul3A_145 : i32
        %add3A_147 = arith.constant 0 : i32
        %add3A_148 = arith.addi %mul3A_146, %add3A_147 : i32
        %get3A_149 = arith.index_cast %add3A_148 : i32 to index
        %get3A_150 = arith.constant 0 : index
        %get3A_151 = tpu.vector_load %arg16[%get3A_149, %get3A_150] {strides = array<i32>} : memref<720x16xf32, #tpu.memory_space<vmem>>, vector<1x16xf32>,
        %get3A_152 = vector.shape_cast %get3A_151 : vector<1x16xf32> to vector<16xf32>
        %slice3A = vector.extract_strided_slice %get3A_144 {offsets = [0], sizes = [1], strides = [1]} : vector<16xf32> to vector<1xf32>
        %squeeze3A = vector.extract %slice3A[0] : f32 from vector<1xf32>
        %broadcast_in_dim3A = vector.broadcast %squeeze3A : f32 to vector<16xf32>
        %mul3A_153 = arith.mulf %get3A_152, %broadcast_in_dim3A : vector<16xf32>
        %swap3A = arith.index_cast %add3A_148 : i32 to index
        %swap3A_154 = arith.constant 0 : index
        %swap3A_155 = tpu.vector_load %arg16[%swap3A, %swap3A_154] {strides = array<i32>} : memref<720x16xf32, #tpu.memory_space<vmem>>, vector<1x16xf32>,
        %swap3A_156 = vector.shape_cast %swap3A_155 : vector<1x16xf32> to vector<16xf32>
        %swap3A_157 = vector.shape_cast %mul3A_153 : vector<16xf32> to vector<1x16xf32>
        tpu.vector_store %arg16[%swap3A, %swap3A_154], %swap3A_157 {strides = array<i32>} : memref<720x16xf32, #tpu.memory_space<vmem>>, vector<1x16xf32>,
        %mul3A_158 = arith.constant 16 : i32
        %mul3A_159 = arith.muli %scan3A_140, %mul3A_158 : i32
        %add3A_160 = arith.constant 1 : i32
        %add3A_161 = arith.addi %mul3A_159, %add3A_160 : i32
        %get3A_162 = arith.index_cast %add3A_161 : i32 to index
        %get3A_163 = arith.constant 0 : index
        %get3A_164 = tpu.vector_load %arg16[%get3A_162, %get3A_163] {strides = array<i32>} : memref<720x16xf32, #tpu.memory_space<vmem>>, vector<1x16xf32>,
        %get3A_165 = vector.shape_cast %get3A_164 : vector<1x16xf32> to vector<16xf32>
        %slice3A_166 = vector.extract_strided_slice %get3A_144 {offsets = [1], sizes = [1], strides = [1]} : vector<16xf32> to vector<1xf32>
        %squeeze3A_167 = vector.extract %slice3A_166[0] : f32 from vector<1xf32>
        %broadcast_in_dim3A_168 = vector.broadcast %squeeze3A_167 : f32 to vector<16xf32>
        %mul3A_169 = arith.mulf %get3A_165, %broadcast_in_dim3A_168 : vector<16xf32>
        %swap3A_170 = arith.index_cast %add3A_161 : i32 to index
        %swap3A_171 = arith.constant 0 : index
        %swap3A_172 = tpu.vector_load %arg16[%swap3A_170, %swap3A_171] {strides = array<i32>} : memref<720x16xf32, #tpu.memory_space<vmem>>, vector<1x16xf32>,
        %swap3A_173 = vector.shape_cast %swap3A_172 : vector<1x16xf32> to vector<16xf32>
        %swap3A_174 = vector.shape_cast %mul3A_169 : vector<16xf32> to vector<1x16xf32>
        tpu.vector_store %arg16[%swap3A_170, %swap3A_171], %swap3A_174 {strides = array<i32>} : memref<720x16xf32, #tpu.memory_space<vmem>>, vector<1x16xf32>,
        %mul3A_175 = arith.constant 16 : i32
        %mul3A_176 = arith.muli %scan3A_140, %mul3A_175 : i32
        %add3A_177 = arith.constant 2 : i32
        %add3A_178 = arith.addi %mul3A_176, %add3A_177 : i32
        %get3A_179 = arith.index_cast %add3A_178 : i32 to index
        %get3A_180 = arith.constant 0 : index
        %get3A_181 = tpu.vector_load %arg16[%get3A_179, %get3A_180] {strides = array<i32>} : memref<720x16xf32, #tpu.memory_space<vmem>>, vector<1x16xf32>,
        %get3A_182 = vector.shape_cast %get3A_181 : vector<1x16xf32> to vector<16xf32>
        %slice3A_183 = vector.extract_strided_slice %get3A_144 {offsets = [2], sizes = [1], strides = [1]} : vector<16xf32> to vector<1xf32>
        %squeeze3A_184 = vector.extract %slice3A_183[0] : f32 from vector<1xf32>
        %broadcast_in_dim3A_185 = vector.broadcast %squeeze3A_184 : f32 to vector<16xf32>
        %mul3A_186 = arith.mulf %get3A_182, %broadcast_in_dim3A_185 : vector<16xf32>
        %swap3A_187 = arith.index_cast %add3A_178 : i32 to index
        %swap3A_188 = arith.constant 0 : index
        %swap3A_189 = tpu.vector_load %arg16[%swap3A_187, %swap3A_188] {strides = array<i32>} : memref<720x16xf32, #tpu.memory_space<vmem>>, vector<1x16xf32>,
        %swap3A_190 = vector.shape_cast %swap3A_189 : vector<1x16xf32> to vector<16xf32>
        %swap3A_191 = vector.shape_cast %mul3A_186 : vector<16xf32> to vector<1x16xf32>
        tpu.vector_store %arg16[%swap3A_187, %swap3A_188], %swap3A_191 {strides = array<i32>} : memref<720x16xf32, #tpu.memory_space<vmem>>, vector<1x16xf32>,
        %mul3A_192 = arith.constant 16 : i32
        %mul3A_193 = arith.muli %scan3A_140, %mul3A_192 : i32
        %add3A_194 = arith.constant 3 : i32
        %add3A_195 = arith.addi %mul3A_193, %add3A_194 : i32
        %get3A_196 = arith.index_cast %add3A_195 : i32 to index
        %get3A_197 = arith.constant 0 : index
        %get3A_198 = tpu.vector_load %arg16[%get3A_196, %get3A_197] {strides = array<i32>} : memref<720x16xf32, #tpu.memory_space<vmem>>, vector<1x16xf32>,
        %get3A_199 = vector.shape_cast %get3A_198 : vector<1x16xf32> to vector<16xf32>
        %slice3A_200 = vector.extract_strided_slice %get3A_144 {offsets = [3], sizes = [1], strides = [1]} : vector<16xf32> to vector<1xf32>
        %squeeze3A_201 = vector.extract %slice3A_200[0] : f32 from vector<1xf32>
        %broadcast_in_dim3A_202 = vector.broadcast %squeeze3A_201 : f32 to vector<16xf32>
        %mul3A_203 = arith.mulf %get3A_199, %broadcast_in_dim3A_202 : vector<16xf32>
        %swap3A_204 = arith.index_cast %add3A_195 : i32 to index
        %swap3A_205 = arith.constant 0 : index
        %swap3A_206 = tpu.vector_load %arg16[%swap3A_204, %swap3A_205] {strides = array<i32>} : memref<720x16xf32, #tpu.memory_space<vmem>>, vector<1x16xf32>,
        %swap3A_207 = vector.shape_cast %swap3A_206 : vector<1x16xf32> to vector<16xf32>
        %swap3A_208 = vector.shape_cast %mul3A_203 : vector<16xf32> to vector<1x16xf32>
        tpu.vector_store %arg16[%swap3A_204, %swap3A_205], %swap3A_208 {strides = array<i32>} : memref<720x16xf32, #tpu.memory_space<vmem>>, vector<1x16xf32>,
        %mul3A_209 = arith.constant 16 : i32
        %mul3A_210 = arith.muli %scan3A_140, %mul3A_209 : i32
        %add3A_211 = arith.constant 4 : i32
        %add3A_212 = arith.addi %mul3A_210, %add3A_211 : i32
        %get3A_213 = arith.index_cast %add3A_212 : i32 to index
        %get3A_214 = arith.constant 0 : index
        %get3A_215 = tpu.vector_load %arg16[%get3A_213, %get3A_214] {strides = array<i32>} : memref<720x16xf32, #tpu.memory_space<vmem>>, vector<1x16xf32>,
        %get3A_216 = vector.shape_cast %get3A_215 : vector<1x16xf32> to vector<16xf32>
        %slice3A_217 = vector.extract_strided_slice %get3A_144 {offsets = [4], sizes = [1], strides = [1]} : vector<16xf32> to vector<1xf32>
        %squeeze3A_218 = vector.extract %slice3A_217[0] : f32 from vector<1xf32>
        %broadcast_in_dim3A_219 = vector.broadcast %squeeze3A_218 : f32 to vector<16xf32>
        %mul3A_220 = arith.mulf %get3A_216, %broadcast_in_dim3A_219 : vector<16xf32>
        %swap3A_221 = arith.index_cast %add3A_212 : i32 to index
        %swap3A_222 = arith.constant 0 : index
        %swap3A_223 = tpu.vector_load %arg16[%swap3A_221, %swap3A_222] {strides = array<i32>} : memref<720x16xf32, #tpu.memory_space<vmem>>, vector<1x16xf32>,
        %swap3A_224 = vector.shape_cast %swap3A_223 : vector<1x16xf32> to vector<16xf32>
        %swap3A_225 = vector.shape_cast %mul3A_220 : vector<16xf32> to vector<1x16xf32>
        tpu.vector_store %arg16[%swap3A_221, %swap3A_222], %swap3A_225 {strides = array<i32>} : memref<720x16xf32, #tpu.memory_space<vmem>>, vector<1x16xf32>,
        %mul3A_226 = arith.constant 16 : i32
        %mul3A_227 = arith.muli %scan3A_140, %mul3A_226 : i32
        %add3A_228 = arith.constant 5 : i32
        %add3A_229 = arith.addi %mul3A_227, %add3A_228 : i32
        %get3A_230 = arith.index_cast %add3A_229 : i32 to index
        %get3A_231 = arith.constant 0 : index
        %get3A_232 = tpu.vector_load %arg16[%get3A_230, %get3A_231] {strides = array<i32>} : memref<720x16xf32, #tpu.memory_space<vmem>>, vector<1x16xf32>,
        %get3A_233 = vector.shape_cast %get3A_232 : vector<1x16xf32> to vector<16xf32>
        %slice3A_234 = vector.extract_strided_slice %get3A_144 {offsets = [5], sizes = [1], strides = [1]} : vector<16xf32> to vector<1xf32>
        %squeeze3A_235 = vector.extract %slice3A_234[0] : f32 from vector<1xf32>
        %broadcast_in_dim3A_236 = vector.broadcast %squeeze3A_235 : f32 to vector<16xf32>
        %mul3A_237 = arith.mulf %get3A_233, %broadcast_in_dim3A_236 : vector<16xf32>
        %swap3A_238 = arith.index_cast %add3A_229 : i32 to index
        %swap3A_239 = arith.constant 0 : index
        %swap3A_240 = tpu.vector_load %arg16[%swap3A_238, %swap3A_239] {strides = array<i32>} : memref<720x16xf32, #tpu.memory_space<vmem>>, vector<1x16xf32>,
        %swap3A_241 = vector.shape_cast %swap3A_240 : vector<1x16xf32> to vector<16xf32>
        %swap3A_242 = vector.shape_cast %mul3A_237 : vector<16xf32> to vector<1x16xf32>
        tpu.vector_store %arg16[%swap3A_238, %swap3A_239], %swap3A_242 {strides = array<i32>} : memref<720x16xf32, #tpu.memory_space<vmem>>, vector<1x16xf32>,
        %mul3A_243 = arith.constant 16 : i32
        %mul3A_244 = arith.muli %scan3A_140, %mul3A_243 : i32
        %add3A_245 = arith.constant 6 : i32
        %add3A_246 = arith.addi %mul3A_244, %add3A_245 : i32
        %get3A_247 = arith.index_cast %add3A_246 : i32 to index
        %get3A_248 = arith.constant 0 : index
        %get3A_249 = tpu.vector_load %arg16[%get3A_247, %get3A_248] {strides = array<i32>} : memref<720x16xf32, #tpu.memory_space<vmem>>, vector<1x16xf32>,
        %get3A_250 = vector.shape_cast %get3A_249 : vector<1x16xf32> to vector<16xf32>
        %slice3A_251 = vector.extract_strided_slice %get3A_144 {offsets = [6], sizes = [1], strides = [1]} : vector<16xf32> to vector<1xf32>
        %squeeze3A_252 = vector.extract %slice3A_251[0] : f32 from vector<1xf32>
        %broadcast_in_dim3A_253 = vector.broadcast %squeeze3A_252 : f32 to vector<16xf32>
        %mul3A_254 = arith.mulf %get3A_250, %broadcast_in_dim3A_253 : vector<16xf32>
        %swap3A_255 = arith.index_cast %add3A_246 : i32 to index
        %swap3A_256 = arith.constant 0 : index
        %swap3A_257 = tpu.vector_load %arg16[%swap3A_255, %swap3A_256] {strides = array<i32>} : memref<720x16xf32, #tpu.memory_space<vmem>>, vector<1x16xf32>,
        %swap3A_258 = vector.shape_cast %swap3A_257 : vector<1x16xf32> to vector<16xf32>
        %swap3A_259 = vector.shape_cast %mul3A_254 : vector<16xf32> to vector<1x16xf32>
        tpu.vector_store %arg16[%swap3A_255, %swap3A_256], %swap3A_259 {strides = array<i32>} : memref<720x16xf32, #tpu.memory_space<vmem>>, vector<1x16xf32>,
        %mul3A_260 = arith.constant 16 : i32
        %mul3A_261 = arith.muli %scan3A_140, %mul3A_260 : i32
        %add3A_262 = arith.constant 7 : i32
        %add3A_263 = arith.addi %mul3A_261, %add3A_262 : i32
        %get3A_264 = arith.index_cast %add3A_263 : i32 to index
        %get3A_265 = arith.constant 0 : index
        %get3A_266 = tpu.vector_load %arg16[%get3A_264, %get3A_265] {strides = array<i32>} : memref<720x16xf32, #tpu.memory_space<vmem>>, vector<1x16xf32>,
        %get3A_267 = vector.shape_cast %get3A_266 : vector<1x16xf32> to vector<16xf32>
        %slice3A_268 = vector.extract_strided_slice %get3A_144 {offsets = [7], sizes = [1], strides = [1]} : vector<16xf32> to vector<1xf32>
        %squeeze3A_269 = vector.extract %slice3A_268[0] : f32 from vector<1xf32>
        %broadcast_in_dim3A_270 = vector.broadcast %squeeze3A_269 : f32 to vector<16xf32>
        %mul3A_271 = arith.mulf %get3A_267, %broadcast_in_dim3A_270 : vector<16xf32>
        %swap3A_272 = arith.index_cast %add3A_263 : i32 to index
        %swap3A_273 = arith.constant 0 : index
        %swap3A_274 = tpu.vector_load %arg16[%swap3A_272, %swap3A_273] {strides = array<i32>} : memref<720x16xf32, #tpu.memory_space<vmem>>, vector<1x16xf32>,
        %swap3A_275 = vector.shape_cast %swap3A_274 : vector<1x16xf32> to vector<16xf32>
        %swap3A_276 = vector.shape_cast %mul3A_271 : vector<16xf32> to vector<1x16xf32>
        tpu.vector_store %arg16[%swap3A_272, %swap3A_273], %swap3A_276 {strides = array<i32>} : memref<720x16xf32, #tpu.memory_space<vmem>>, vector<1x16xf32>,
        %mul3A_277 = arith.constant 16 : i32
        %mul3A_278 = arith.muli %scan3A_140, %mul3A_277 : i32
        %add3A_279 = arith.constant 8 : i32
        %add3A_280 = arith.addi %mul3A_278, %add3A_279 : i32
        %get3A_281 = arith.index_cast %add3A_280 : i32 to index
        %get3A_282 = arith.constant 0 : index
        %get3A_283 = tpu.vector_load %arg16[%get3A_281, %get3A_282] {strides = array<i32>} : memref<720x16xf32, #tpu.memory_space<vmem>>, vector<1x16xf32>,
        %get3A_284 = vector.shape_cast %get3A_283 : vector<1x16xf32> to vector<16xf32>
        %slice3A_285 = vector.extract_strided_slice %get3A_144 {offsets = [8], sizes = [1], strides = [1]} : vector<16xf32> to vector<1xf32>
        %squeeze3A_286 = vector.extract %slice3A_285[0] : f32 from vector<1xf32>
        %broadcast_in_dim3A_287 = vector.broadcast %squeeze3A_286 : f32 to vector<16xf32>
        %mul3A_288 = arith.mulf %get3A_284, %broadcast_in_dim3A_287 : vector<16xf32>
        %swap3A_289 = arith.index_cast %add3A_280 : i32 to index
        %swap3A_290 = arith.constant 0 : index
        %swap3A_291 = tpu.vector_load %arg16[%swap3A_289, %swap3A_290] {strides = array<i32>} : memref<720x16xf32, #tpu.memory_space<vmem>>, vector<1x16xf32>,
        %swap3A_292 = vector.shape_cast %swap3A_291 : vector<1x16xf32> to vector<16xf32>
        %swap3A_293 = vector.shape_cast %mul3A_288 : vector<16xf32> to vector<1x16xf32>
        tpu.vector_store %arg16[%swap3A_289, %swap3A_290], %swap3A_293 {strides = array<i32>} : memref<720x16xf32, #tpu.memory_space<vmem>>, vector<1x16xf32>,
        %mul3A_294 = arith.constant 16 : i32
        %mul3A_295 = arith.muli %scan3A_140, %mul3A_294 : i32
        %add3A_296 = arith.constant 9 : i32
        %add3A_297 = arith.addi %mul3A_295, %add3A_296 : i32
        %get3A_298 = arith.index_cast %add3A_297 : i32 to index
        %get3A_299 = arith.constant 0 : index
        %get3A_300 = tpu.vector_load %arg16[%get3A_298, %get3A_299] {strides = array<i32>} : memref<720x16xf32, #tpu.memory_space<vmem>>, vector<1x16xf32>,
        %get3A_301 = vector.shape_cast %get3A_300 : vector<1x16xf32> to vector<16xf32>
        %slice3A_302 = vector.extract_strided_slice %get3A_144 {offsets = [9], sizes = [1], strides = [1]} : vector<16xf32> to vector<1xf32>
        %squeeze3A_303 = vector.extract %slice3A_302[0] : f32 from vector<1xf32>
        %broadcast_in_dim3A_304 = vector.broadcast %squeeze3A_303 : f32 to vector<16xf32>
        %mul3A_305 = arith.mulf %get3A_301, %broadcast_in_dim3A_304 : vector<16xf32>
        %swap3A_306 = arith.index_cast %add3A_297 : i32 to index
        %swap3A_307 = arith.constant 0 : index
        %swap3A_308 = tpu.vector_load %arg16[%swap3A_306, %swap3A_307] {strides = array<i32>} : memref<720x16xf32, #tpu.memory_space<vmem>>, vector<1x16xf32>,
        %swap3A_309 = vector.shape_cast %swap3A_308 : vector<1x16xf32> to vector<16xf32>
        %swap3A_310 = vector.shape_cast %mul3A_305 : vector<16xf32> to vector<1x16xf32>
        tpu.vector_store %arg16[%swap3A_306, %swap3A_307], %swap3A_310 {strides = array<i32>} : memref<720x16xf32, #tpu.memory_space<vmem>>, vector<1x16xf32>,
        %mul3A_311 = arith.constant 16 : i32
        %mul3A_312 = arith.muli %scan3A_140, %mul3A_311 : i32
        %add3A_313 = arith.constant 10 : i32
        %add3A_314 = arith.addi %mul3A_312, %add3A_313 : i32
        %get3A_315 = arith.index_cast %add3A_314 : i32 to index
        %get3A_316 = arith.constant 0 : index
        %get3A_317 = tpu.vector_load %arg16[%get3A_315, %get3A_316] {strides = array<i32>} : memref<720x16xf32, #tpu.memory_space<vmem>>, vector<1x16xf32>,
        %get3A_318 = vector.shape_cast %get3A_317 : vector<1x16xf32> to vector<16xf32>
        %slice3A_319 = vector.extract_strided_slice %get3A_144 {offsets = [10], sizes = [1], strides = [1]} : vector<16xf32> to vector<1xf32>
        %squeeze3A_320 = vector.extract %slice3A_319[0] : f32 from vector<1xf32>
        %broadcast_in_dim3A_321 = vector.broadcast %squeeze3A_320 : f32 to vector<16xf32>
        %mul3A_322 = arith.mulf %get3A_318, %broadcast_in_dim3A_321 : vector<16xf32>
        %swap3A_323 = arith.index_cast %add3A_314 : i32 to index
        %swap3A_324 = arith.constant 0 : index
        %swap3A_325 = tpu.vector_load %arg16[%swap3A_323, %swap3A_324] {strides = array<i32>} : memref<720x16xf32, #tpu.memory_space<vmem>>, vector<1x16xf32>,
        %swap3A_326 = vector.shape_cast %swap3A_325 : vector<1x16xf32> to vector<16xf32>
        %swap3A_327 = vector.shape_cast %mul3A_322 : vector<16xf32> to vector<1x16xf32>
        tpu.vector_store %arg16[%swap3A_323, %swap3A_324], %swap3A_327 {strides = array<i32>} : memref<720x16xf32, #tpu.memory_space<vmem>>, vector<1x16xf32>,
        %mul3A_328 = arith.constant 16 : i32
        %mul3A_329 = arith.muli %scan3A_140, %mul3A_328 : i32
        %add3A_330 = arith.constant 11 : i32
        %add3A_331 = arith.addi %mul3A_329, %add3A_330 : i32
        %get3A_332 = arith.index_cast %add3A_331 : i32 to index
        %get3A_333 = arith.constant 0 : index
        %get3A_334 = tpu.vector_load %arg16[%get3A_332, %get3A_333] {strides = array<i32>} : memref<720x16xf32, #tpu.memory_space<vmem>>, vector<1x16xf32>,
        %get3A_335 = vector.shape_cast %get3A_334 : vector<1x16xf32> to vector<16xf32>
        %slice3A_336 = vector.extract_strided_slice %get3A_144 {offsets = [11], sizes = [1], strides = [1]} : vector<16xf32> to vector<1xf32>
        %squeeze3A_337 = vector.extract %slice3A_336[0] : f32 from vector<1xf32>
        %broadcast_in_dim3A_338 = vector.broadcast %squeeze3A_337 : f32 to vector<16xf32>
        %mul3A_339 = arith.mulf %get3A_335, %broadcast_in_dim3A_338 : vector<16xf32>
        %swap3A_340 = arith.index_cast %add3A_331 : i32 to index
        %swap3A_341 = arith.constant 0 : index
        %swap3A_342 = tpu.vector_load %arg16[%swap3A_340, %swap3A_341] {strides = array<i32>} : memref<720x16xf32, #tpu.memory_space<vmem>>, vector<1x16xf32>,
        %swap3A_343 = vector.shape_cast %swap3A_342 : vector<1x16xf32> to vector<16xf32>
        %swap3A_344 = vector.shape_cast %mul3A_339 : vector<16xf32> to vector<1x16xf32>
        tpu.vector_store %arg16[%swap3A_340, %swap3A_341], %swap3A_344 {strides = array<i32>} : memref<720x16xf32, #tpu.memory_space<vmem>>, vector<1x16xf32>,
        %mul3A_345 = arith.constant 16 : i32
        %mul3A_346 = arith.muli %scan3A_140, %mul3A_345 : i32
        %add3A_347 = arith.constant 12 : i32
        %add3A_348 = arith.addi %mul3A_346, %add3A_347 : i32
        %get3A_349 = arith.index_cast %add3A_348 : i32 to index
        %get3A_350 = arith.constant 0 : index
        %get3A_351 = tpu.vector_load %arg16[%get3A_349, %get3A_350] {strides = array<i32>} : memref<720x16xf32, #tpu.memory_space<vmem>>, vector<1x16xf32>,
        %get3A_352 = vector.shape_cast %get3A_351 : vector<1x16xf32> to vector<16xf32>
        %slice3A_353 = vector.extract_strided_slice %get3A_144 {offsets = [12], sizes = [1], strides = [1]} : vector<16xf32> to vector<1xf32>
        %squeeze3A_354 = vector.extract %slice3A_353[0] : f32 from vector<1xf32>
        %broadcast_in_dim3A_355 = vector.broadcast %squeeze3A_354 : f32 to vector<16xf32>
        %mul3A_356 = arith.mulf %get3A_352, %broadcast_in_dim3A_355 : vector<16xf32>
        %swap3A_357 = arith.index_cast %add3A_348 : i32 to index
        %swap3A_358 = arith.constant 0 : index
        %swap3A_359 = tpu.vector_load %arg16[%swap3A_357, %swap3A_358] {strides = array<i32>} : memref<720x16xf32, #tpu.memory_space<vmem>>, vector<1x16xf32>,
        %swap3A_360 = vector.shape_cast %swap3A_359 : vector<1x16xf32> to vector<16xf32>
        %swap3A_361 = vector.shape_cast %mul3A_356 : vector<16xf32> to vector<1x16xf32>
        tpu.vector_store %arg16[%swap3A_357, %swap3A_358], %swap3A_361 {strides = array<i32>} : memref<720x16xf32, #tpu.memory_space<vmem>>, vector<1x16xf32>,
        %mul3A_362 = arith.constant 16 : i32
        %mul3A_363 = arith.muli %scan3A_140, %mul3A_362 : i32
        %add3A_364 = arith.constant 13 : i32
        %add3A_365 = arith.addi %mul3A_363, %add3A_364 : i32
        %get3A_366 = arith.index_cast %add3A_365 : i32 to index
        %get3A_367 = arith.constant 0 : index
        %get3A_368 = tpu.vector_load %arg16[%get3A_366, %get3A_367] {strides = array<i32>} : memref<720x16xf32, #tpu.memory_space<vmem>>, vector<1x16xf32>,
        %get3A_369 = vector.shape_cast %get3A_368 : vector<1x16xf32> to vector<16xf32>
        %slice3A_370 = vector.extract_strided_slice %get3A_144 {offsets = [13], sizes = [1], strides = [1]} : vector<16xf32> to vector<1xf32>
        %squeeze3A_371 = vector.extract %slice3A_370[0] : f32 from vector<1xf32>
        %broadcast_in_dim3A_372 = vector.broadcast %squeeze3A_371 : f32 to vector<16xf32>
        %mul3A_373 = arith.mulf %get3A_369, %broadcast_in_dim3A_372 : vector<16xf32>
        %swap3A_374 = arith.index_cast %add3A_365 : i32 to index
        %swap3A_375 = arith.constant 0 : index
        %swap3A_376 = tpu.vector_load %arg16[%swap3A_374, %swap3A_375] {strides = array<i32>} : memref<720x16xf32, #tpu.memory_space<vmem>>, vector<1x16xf32>,
        %swap3A_377 = vector.shape_cast %swap3A_376 : vector<1x16xf32> to vector<16xf32>
        %swap3A_378 = vector.shape_cast %mul3A_373 : vector<16xf32> to vector<1x16xf32>
        tpu.vector_store %arg16[%swap3A_374, %swap3A_375], %swap3A_378 {strides = array<i32>} : memref<720x16xf32, #tpu.memory_space<vmem>>, vector<1x16xf32>,
        %mul3A_379 = arith.constant 16 : i32
        %mul3A_380 = arith.muli %scan3A_140, %mul3A_379 : i32
        %add3A_381 = arith.constant 14 : i32
        %add3A_382 = arith.addi %mul3A_380, %add3A_381 : i32
        %get3A_383 = arith.index_cast %add3A_382 : i32 to index
        %get3A_384 = arith.constant 0 : index
        %get3A_385 = tpu.vector_load %arg16[%get3A_383, %get3A_384] {strides = array<i32>} : memref<720x16xf32, #tpu.memory_space<vmem>>, vector<1x16xf32>,
        %get3A_386 = vector.shape_cast %get3A_385 : vector<1x16xf32> to vector<16xf32>
        %slice3A_387 = vector.extract_strided_slice %get3A_144 {offsets = [14], sizes = [1], strides = [1]} : vector<16xf32> to vector<1xf32>
        %squeeze3A_388 = vector.extract %slice3A_387[0] : f32 from vector<1xf32>
        %broadcast_in_dim3A_389 = vector.broadcast %squeeze3A_388 : f32 to vector<16xf32>
        %mul3A_390 = arith.mulf %get3A_386, %broadcast_in_dim3A_389 : vector<16xf32>
        %swap3A_391 = arith.index_cast %add3A_382 : i32 to index
        %swap3A_392 = arith.constant 0 : index
        %swap3A_393 = tpu.vector_load %arg16[%swap3A_391, %swap3A_392] {strides = array<i32>} : memref<720x16xf32, #tpu.memory_space<vmem>>, vector<1x16xf32>,
        %swap3A_394 = vector.shape_cast %swap3A_393 : vector<1x16xf32> to vector<16xf32>
        %swap3A_395 = vector.shape_cast %mul3A_390 : vector<16xf32> to vector<1x16xf32>
        tpu.vector_store %arg16[%swap3A_391, %swap3A_392], %swap3A_395 {strides = array<i32>} : memref<720x16xf32, #tpu.memory_space<vmem>>, vector<1x16xf32>,
        %mul3A_396 = arith.constant 16 : i32
        %mul3A_397 = arith.muli %scan3A_140, %mul3A_396 : i32
        %add3A_398 = arith.constant 15 : i32
        %add3A_399 = arith.addi %mul3A_397, %add3A_398 : i32
        %get3A_400 = arith.index_cast %add3A_399 : i32 to index
        %get3A_401 = arith.constant 0 : index
        %get3A_402 = tpu.vector_load %arg16[%get3A_400, %get3A_401] {strides = array<i32>} : memref<720x16xf32, #tpu.memory_space<vmem>>, vector<1x16xf32>,
        %get3A_403 = vector.shape_cast %get3A_402 : vector<1x16xf32> to vector<16xf32>
        %slice3A_404 = vector.extract_strided_slice %get3A_144 {offsets = [15], sizes = [1], strides = [1]} : vector<16xf32> to vector<1xf32>
        %squeeze3A_405 = vector.extract %slice3A_404[0] : f32 from vector<1xf32>
        %broadcast_in_dim3A_406 = vector.broadcast %squeeze3A_405 : f32 to vector<16xf32>
        %mul3A_407 = arith.mulf %get3A_403, %broadcast_in_dim3A_406 : vector<16xf32>
        %swap3A_408 = arith.index_cast %add3A_399 : i32 to index
        %swap3A_409 = arith.constant 0 : index
        %swap3A_410 = tpu.vector_load %arg16[%swap3A_408, %swap3A_409] {strides = array<i32>} : memref<720x16xf32, #tpu.memory_space<vmem>>, vector<1x16xf32>,
        %swap3A_411 = vector.shape_cast %swap3A_410 : vector<1x16xf32> to vector<16xf32>
        %swap3A_412 = vector.shape_cast %mul3A_407 : vector<16xf32> to vector<1x16xf32>
        tpu.vector_store %arg16[%swap3A_408, %swap3A_409], %swap3A_412 {strides = array<i32>} : memref<720x16xf32, #tpu.memory_space<vmem>>, vector<1x16xf32>,
      }
      %scan3A_120 = arith.constant 45 : i32
      %mul3A_121 = arith.constant 2 : i32
      %mul3A_122 = arith.muli %mul3A_121, %scan3A_52 : i32
      %add3A_123 = arith.constant 2 : i32
      %add3A_124 = arith.addi %mul3A_122, %add3A_123 : i32
      %mul3A_125 = arith.constant 720 : i32
      %mul3A_126 = arith.muli %add3A_124, %mul3A_125 : i32
      %add3A_127 = arith.addi %mul3A_2, %mul3A_126 : i32
      %dma_wait3A_128 = tpu.memref_slice %arg3[%add3A_127] : memref<2880000xi32, #tpu.memory_space<hbm>> -> memref<720xi32, #tpu.memory_space<hbm>>
      %dma_wait3A_129 = tpu.memref_slice %arg3[%add3A_127] : memref<2880000xi32, #tpu.memory_space<hbm>> -> memref<720xi32, #tpu.memory_space<hbm>>
      tpu.wait_dma2 semaphore(%arg17 : memref<!tpu.dma_semaphore, #tpu.memory_space<semaphore_mem>>) src(%dma_wait3A_129 : memref<720xi32, #tpu.memory_space<hbm>>) dst(%arg9 : memref<720xi32, #tpu.memory_space<vmem>>)
      %dma_wait3A_130 = tpu.memref_slice %arg4[%add3A_127] : memref<2880000xi32, #tpu.memory_space<hbm>> -> memref<720xi32, #tpu.memory_space<hbm>>
      %dma_wait3A_131 = tpu.memref_slice %arg4[%add3A_127] : memref<2880000xi32, #tpu.memory_space<hbm>> -> memref<720xi32, #tpu.memory_space<hbm>>
      tpu.wait_dma2 semaphore(%arg17 : memref<!tpu.dma_semaphore, #tpu.memory_space<semaphore_mem>>) src(%dma_wait3A_131 : memref<720xi32, #tpu.memory_space<hbm>>) dst(%arg10 : memref<720xi32, #tpu.memory_space<vmem>>)
      %dma_wait3A_132 = tpu.memref_slice %arg5[%add3A_127] : memref<2880000xf32, #tpu.memory_space<hbm>> -> memref<720xf32, #tpu.memory_space<hbm>>
      %dma_wait3A_133 = tpu.memref_slice %arg5[%add3A_127] : memref<2880000xf32, #tpu.memory_space<hbm>> -> memref<720xf32, #tpu.memory_space<hbm>>
      tpu.wait_dma2 semaphore(%arg17 : memref<!tpu.dma_semaphore, #tpu.memory_space<semaphore_mem>>) src(%dma_wait3A_133 : memref<720xf32, #tpu.memory_space<hbm>>) dst(%arg11 : memref<720xf32, #tpu.memory_space<vmem>>)
      %dma_start3A_134 = arith.constant 0 : i32
      %dma_start3A_135 = arith.constant 0 : i32
      %dma_start3A_136 = tpu.memref_slice %arg2[%dma_start3A_134, %dma_start3A_135] : memref<90000x16xf32, #tpu.memory_space<hbm>> -> memref<90000x16xf32, #tpu.memory_space<hbm>>
      tpu.enqueue_indirect_dma source(%dma_start3A_136 : memref<90000x16xf32, #tpu.memory_space<hbm>>) target(%arg12 : memref<720x16xf32, #tpu.memory_space<vmem>>) offsets(%arg9 : memref<720xi32, #tpu.memory_space<vmem>>) semaphore(%arg19 : memref<!tpu.dma_semaphore, #tpu.memory_space<semaphore_mem>>)
      %dma_start3A_137 = arith.constant 0 : i32
      %dma_start3A_138 = arith.constant 0 : i32
      %dma_start3A_139 = tpu.memref_slice %arg8[%dma_start3A_137, %dma_start3A_138] : memref<90112x16xf32, #tpu.memory_space<vmem_shared>> -> memref<90112x16xf32, #tpu.memory_space<vmem_shared>>
      tpu.enqueue_indirect_dma source(%arg16 : memref<720x16xf32, #tpu.memory_space<vmem>>) target(%dma_start3A_139 : memref<90112x16xf32, #tpu.memory_space<vmem_shared>>) offsets(%arg14 : memref<720xi32, #tpu.memory_space<vmem>>) semaphore(%arg22 : memref<!tpu.dma_semaphore, #tpu.memory_space<semaphore_mem>>) {add = true}
    }
    %scan3A_28 = arith.constant 62 : i32
    %dma_wait3A_29 = arith.constant 0 : i32
    %dma_wait3A_30 = arith.constant 0 : i32
    %dma_wait3A_31 = tpu.memref_slice %arg8[%dma_wait3A_29, %dma_wait3A_30] : memref<90112x16xf32, #tpu.memory_space<vmem_shared>> -> memref<90112x16xf32, #tpu.memory_space<vmem_shared>>
    tpu.wait_indirect_dma semaphore(%arg22 : memref<!tpu.dma_semaphore, #tpu.memory_space<semaphore_mem>>) src(%arg16 : memref<720x16xf32, #tpu.memory_space<vmem>>) dst(%dma_wait3A_31 : memref<90112x16xf32, #tpu.memory_space<vmem_shared>>)
    %dma_wait3A_32 = arith.constant 0 : i32
    %dma_wait3A_33 = arith.constant 0 : i32
    %dma_wait3A_34 = tpu.memref_slice %arg2[%dma_wait3A_32, %dma_wait3A_33] : memref<90000x16xf32, #tpu.memory_space<hbm>> -> memref<90000x16xf32, #tpu.memory_space<hbm>>
    tpu.wait_indirect_dma semaphore(%arg19 : memref<!tpu.dma_semaphore, #tpu.memory_space<semaphore_mem>>) src(%dma_wait3A_34 : memref<90000x16xf32, #tpu.memory_space<hbm>>) dst(%arg12 : memref<720x16xf32, #tpu.memory_space<vmem>>)
    %scan3A_35 = arith.constant 0 : i32
    %scan3A_36 = arith.constant 0 : i32
    %scan3A_37 = arith.constant 45 : i32
    %scan3A_38 = arith.addi %scan3A_36, %scan3A_37 : i32
    %scan3A_39 = arith.constant 1 : i32
    scf.for %scan3A_52 = %scan3A_36 to %scan3A_38 step %scan3A_39  : i32 {
      %mul3A_53 = arith.constant 16 : i32
      %mul3A_54 = arith.muli %scan3A_52, %mul3A_53 : i32
      %get3A = arith.index_cast %mul3A_54 : i32 to index
      %get3A_55 = tpu.vector_load %arg11[%get3A] {strides = array<i32>} : memref<720xf32, #tpu.memory_space<vmem>>, vector<16xf32>,
      %get3A_56 = vector.shape_cast %get3A_55 : vector<16xf32> to vector<16xf32>
      %mul3A_57 = arith.constant 16 : i32
      %mul3A_58 = arith.muli %scan3A_52, %mul3A_57 : i32
      %add3A_59 = arith.constant 0 : i32
      %add3A_60 = arith.addi %mul3A_58, %add3A_59 : i32
      %get3A_61 = arith.index_cast %add3A_60 : i32 to index
      %get3A_62 = arith.constant 0 : index
      %get3A_63 = tpu.vector_load %arg12[%get3A_61, %get3A_62] {strides = array<i32>} : memref<720x16xf32, #tpu.memory_space<vmem>>, vector<1x16xf32>,
      %get3A_64 = vector.shape_cast %get3A_63 : vector<1x16xf32> to vector<16xf32>
      %slice3A = vector.extract_strided_slice %get3A_56 {offsets = [0], sizes = [1], strides = [1]} : vector<16xf32> to vector<1xf32>
      %squeeze3A = vector.extract %slice3A[0] : f32 from vector<1xf32>
      %broadcast_in_dim3A = vector.broadcast %squeeze3A : f32 to vector<16xf32>
      %mul3A_65 = arith.mulf %get3A_64, %broadcast_in_dim3A : vector<16xf32>
      %swap3A = arith.index_cast %add3A_60 : i32 to index
      %swap3A_66 = arith.constant 0 : index
      %swap3A_67 = tpu.vector_load %arg12[%swap3A, %swap3A_66] {strides = array<i32>} : memref<720x16xf32, #tpu.memory_space<vmem>>, vector<1x16xf32>,
      %swap3A_68 = vector.shape_cast %swap3A_67 : vector<1x16xf32> to vector<16xf32>
      %swap3A_69 = vector.shape_cast %mul3A_65 : vector<16xf32> to vector<1x16xf32>
      tpu.vector_store %arg12[%swap3A, %swap3A_66], %swap3A_69 {strides = array<i32>} : memref<720x16xf32, #tpu.memory_space<vmem>>, vector<1x16xf32>,
      %mul3A_70 = arith.constant 16 : i32
      %mul3A_71 = arith.muli %scan3A_52, %mul3A_70 : i32
      %add3A_72 = arith.constant 1 : i32
      %add3A_73 = arith.addi %mul3A_71, %add3A_72 : i32
      %get3A_74 = arith.index_cast %add3A_73 : i32 to index
      %get3A_75 = arith.constant 0 : index
      %get3A_76 = tpu.vector_load %arg12[%get3A_74, %get3A_75] {strides = array<i32>} : memref<720x16xf32, #tpu.memory_space<vmem>>, vector<1x16xf32>,
      %get3A_77 = vector.shape_cast %get3A_76 : vector<1x16xf32> to vector<16xf32>
      %slice3A_78 = vector.extract_strided_slice %get3A_56 {offsets = [1], sizes = [1], strides = [1]} : vector<16xf32> to vector<1xf32>
      %squeeze3A_79 = vector.extract %slice3A_78[0] : f32 from vector<1xf32>
      %broadcast_in_dim3A_80 = vector.broadcast %squeeze3A_79 : f32 to vector<16xf32>
      %mul3A_81 = arith.mulf %get3A_77, %broadcast_in_dim3A_80 : vector<16xf32>
      %swap3A_82 = arith.index_cast %add3A_73 : i32 to index
      %swap3A_83 = arith.constant 0 : index
      %swap3A_84 = tpu.vector_load %arg12[%swap3A_82, %swap3A_83] {strides = array<i32>} : memref<720x16xf32, #tpu.memory_space<vmem>>, vector<1x16xf32>,
      %swap3A_85 = vector.shape_cast %swap3A_84 : vector<1x16xf32> to vector<16xf32>
      %swap3A_86 = vector.shape_cast %mul3A_81 : vector<16xf32> to vector<1x16xf32>
      tpu.vector_store %arg12[%swap3A_82, %swap3A_83], %swap3A_86 {strides = array<i32>} : memref<720x16xf32, #tpu.memory_space<vmem>>, vector<1x16xf32>,
      %mul3A_87 = arith.constant 16 : i32
      %mul3A_88 = arith.muli %scan3A_52, %mul3A_87 : i32
      %add3A_89 = arith.constant 2 : i32
      %add3A_90 = arith.addi %mul3A_88, %add3A_89 : i32
      %get3A_91 = arith.index_cast %add3A_90 : i32 to index
      %get3A_92 = arith.constant 0 : index
      %get3A_93 = tpu.vector_load %arg12[%get3A_91, %get3A_92] {strides = array<i32>} : memref<720x16xf32, #tpu.memory_space<vmem>>, vector<1x16xf32>,
      %get3A_94 = vector.shape_cast %get3A_93 : vector<1x16xf32> to vector<16xf32>
      %slice3A_95 = vector.extract_strided_slice %get3A_56 {offsets = [2], sizes = [1], strides = [1]} : vector<16xf32> to vector<1xf32>
      %squeeze3A_96 = vector.extract %slice3A_95[0] : f32 from vector<1xf32>
      %broadcast_in_dim3A_97 = vector.broadcast %squeeze3A_96 : f32 to vector<16xf32>
      %mul3A_98 = arith.mulf %get3A_94, %broadcast_in_dim3A_97 : vector<16xf32>
      %swap3A_99 = arith.index_cast %add3A_90 : i32 to index
      %swap3A_100 = arith.constant 0 : index
      %swap3A_101 = tpu.vector_load %arg12[%swap3A_99, %swap3A_100] {strides = array<i32>} : memref<720x16xf32, #tpu.memory_space<vmem>>, vector<1x16xf32>,
      %swap3A_102 = vector.shape_cast %swap3A_101 : vector<1x16xf32> to vector<16xf32>
      %swap3A_103 = vector.shape_cast %mul3A_98 : vector<16xf32> to vector<1x16xf32>
      tpu.vector_store %arg12[%swap3A_99, %swap3A_100], %swap3A_103 {strides = array<i32>} : memref<720x16xf32, #tpu.memory_space<vmem>>, vector<1x16xf32>,
      %mul3A_104 = arith.constant 16 : i32
      %mul3A_105 = arith.muli %scan3A_52, %mul3A_104 : i32
      %add3A_106 = arith.constant 3 : i32
      %add3A_107 = arith.addi %mul3A_105, %add3A_106 : i32
      %get3A_108 = arith.index_cast %add3A_107 : i32 to index
      %get3A_109 = arith.constant 0 : index
      %get3A_110 = tpu.vector_load %arg12[%get3A_108, %get3A_109] {strides = array<i32>} : memref<720x16xf32, #tpu.memory_space<vmem>>, vector<1x16xf32>,
      %get3A_111 = vector.shape_cast %get3A_110 : vector<1x16xf32> to vector<16xf32>
      %slice3A_112 = vector.extract_strided_slice %get3A_56 {offsets = [3], sizes = [1], strides = [1]} : vector<16xf32> to vector<1xf32>
      %squeeze3A_113 = vector.extract %slice3A_112[0] : f32 from vector<1xf32>
      %broadcast_in_dim3A_114 = vector.broadcast %squeeze3A_113 : f32 to vector<16xf32>
      %mul3A_115 = arith.mulf %get3A_111, %broadcast_in_dim3A_114 : vector<16xf32>
      %swap3A_116 = arith.index_cast %add3A_107 : i32 to index
      %swap3A_117 = arith.constant 0 : index
      %swap3A_118 = tpu.vector_load %arg12[%swap3A_116, %swap3A_117] {strides = array<i32>} : memref<720x16xf32, #tpu.memory_space<vmem>>, vector<1x16xf32>,
      %swap3A_119 = vector.shape_cast %swap3A_118 : vector<1x16xf32> to vector<16xf32>
      %swap3A_120 = vector.shape_cast %mul3A_115 : vector<16xf32> to vector<1x16xf32>
      tpu.vector_store %arg12[%swap3A_116, %swap3A_117], %swap3A_120 {strides = array<i32>} : memref<720x16xf32, #tpu.memory_space<vmem>>, vector<1x16xf32>,
      %mul3A_121 = arith.constant 16 : i32
      %mul3A_122 = arith.muli %scan3A_52, %mul3A_121 : i32
      %add3A_123 = arith.constant 4 : i32
      %add3A_124 = arith.addi %mul3A_122, %add3A_123 : i32
      %get3A_125 = arith.index_cast %add3A_124 : i32 to index
      %get3A_126 = arith.constant 0 : index
      %get3A_127 = tpu.vector_load %arg12[%get3A_125, %get3A_126] {strides = array<i32>} : memref<720x16xf32, #tpu.memory_space<vmem>>, vector<1x16xf32>,
      %get3A_128 = vector.shape_cast %get3A_127 : vector<1x16xf32> to vector<16xf32>
      %slice3A_129 = vector.extract_strided_slice %get3A_56 {offsets = [4], sizes = [1], strides = [1]} : vector<16xf32> to vector<1xf32>
      %squeeze3A_130 = vector.extract %slice3A_129[0] : f32 from vector<1xf32>
      %broadcast_in_dim3A_131 = vector.broadcast %squeeze3A_130 : f32 to vector<16xf32>
      %mul3A_132 = arith.mulf %get3A_128, %broadcast_in_dim3A_131 : vector<16xf32>
      %swap3A_133 = arith.index_cast %add3A_124 : i32 to index
      %swap3A_134 = arith.constant 0 : index
      %swap3A_135 = tpu.vector_load %arg12[%swap3A_133, %swap3A_134] {strides = array<i32>} : memref<720x16xf32, #tpu.memory_space<vmem>>, vector<1x16xf32>,
      %swap3A_136 = vector.shape_cast %swap3A_135 : vector<1x16xf32> to vector<16xf32>
      %swap3A_137 = vector.shape_cast %mul3A_132 : vector<16xf32> to vector<1x16xf32>
      tpu.vector_store %arg12[%swap3A_133, %swap3A_134], %swap3A_137 {strides = array<i32>} : memref<720x16xf32, #tpu.memory_space<vmem>>, vector<1x16xf32>,
      %mul3A_138 = arith.constant 16 : i32
      %mul3A_139 = arith.muli %scan3A_52, %mul3A_138 : i32
      %add3A_140 = arith.constant 5 : i32
      %add3A_141 = arith.addi %mul3A_139, %add3A_140 : i32
      %get3A_142 = arith.index_cast %add3A_141 : i32 to index
      %get3A_143 = arith.constant 0 : index
      %get3A_144 = tpu.vector_load %arg12[%get3A_142, %get3A_143] {strides = array<i32>} : memref<720x16xf32, #tpu.memory_space<vmem>>, vector<1x16xf32>,
      %get3A_145 = vector.shape_cast %get3A_144 : vector<1x16xf32> to vector<16xf32>
      %slice3A_146 = vector.extract_strided_slice %get3A_56 {offsets = [5], sizes = [1], strides = [1]} : vector<16xf32> to vector<1xf32>
      %squeeze3A_147 = vector.extract %slice3A_146[0] : f32 from vector<1xf32>
      %broadcast_in_dim3A_148 = vector.broadcast %squeeze3A_147 : f32 to vector<16xf32>
      %mul3A_149 = arith.mulf %get3A_145, %broadcast_in_dim3A_148 : vector<16xf32>
      %swap3A_150 = arith.index_cast %add3A_141 : i32 to index
      %swap3A_151 = arith.constant 0 : index
      %swap3A_152 = tpu.vector_load %arg12[%swap3A_150, %swap3A_151] {strides = array<i32>} : memref<720x16xf32, #tpu.memory_space<vmem>>, vector<1x16xf32>,
      %swap3A_153 = vector.shape_cast %swap3A_152 : vector<1x16xf32> to vector<16xf32>
      %swap3A_154 = vector.shape_cast %mul3A_149 : vector<16xf32> to vector<1x16xf32>
      tpu.vector_store %arg12[%swap3A_150, %swap3A_151], %swap3A_154 {strides = array<i32>} : memref<720x16xf32, #tpu.memory_space<vmem>>, vector<1x16xf32>,
      %mul3A_155 = arith.constant 16 : i32
      %mul3A_156 = arith.muli %scan3A_52, %mul3A_155 : i32
      %add3A_157 = arith.constant 6 : i32
      %add3A_158 = arith.addi %mul3A_156, %add3A_157 : i32
      %get3A_159 = arith.index_cast %add3A_158 : i32 to index
      %get3A_160 = arith.constant 0 : index
      %get3A_161 = tpu.vector_load %arg12[%get3A_159, %get3A_160] {strides = array<i32>} : memref<720x16xf32, #tpu.memory_space<vmem>>, vector<1x16xf32>,
      %get3A_162 = vector.shape_cast %get3A_161 : vector<1x16xf32> to vector<16xf32>
      %slice3A_163 = vector.extract_strided_slice %get3A_56 {offsets = [6], sizes = [1], strides = [1]} : vector<16xf32> to vector<1xf32>
      %squeeze3A_164 = vector.extract %slice3A_163[0] : f32 from vector<1xf32>
      %broadcast_in_dim3A_165 = vector.broadcast %squeeze3A_164 : f32 to vector<16xf32>
      %mul3A_166 = arith.mulf %get3A_162, %broadcast_in_dim3A_165 : vector<16xf32>
      %swap3A_167 = arith.index_cast %add3A_158 : i32 to index
      %swap3A_168 = arith.constant 0 : index
      %swap3A_169 = tpu.vector_load %arg12[%swap3A_167, %swap3A_168] {strides = array<i32>} : memref<720x16xf32, #tpu.memory_space<vmem>>, vector<1x16xf32>,
      %swap3A_170 = vector.shape_cast %swap3A_169 : vector<1x16xf32> to vector<16xf32>
      %swap3A_171 = vector.shape_cast %mul3A_166 : vector<16xf32> to vector<1x16xf32>
      tpu.vector_store %arg12[%swap3A_167, %swap3A_168], %swap3A_171 {strides = array<i32>} : memref<720x16xf32, #tpu.memory_space<vmem>>, vector<1x16xf32>,
      %mul3A_172 = arith.constant 16 : i32
      %mul3A_173 = arith.muli %scan3A_52, %mul3A_172 : i32
      %add3A_174 = arith.constant 7 : i32
      %add3A_175 = arith.addi %mul3A_173, %add3A_174 : i32
      %get3A_176 = arith.index_cast %add3A_175 : i32 to index
      %get3A_177 = arith.constant 0 : index
      %get3A_178 = tpu.vector_load %arg12[%get3A_176, %get3A_177] {strides = array<i32>} : memref<720x16xf32, #tpu.memory_space<vmem>>, vector<1x16xf32>,
      %get3A_179 = vector.shape_cast %get3A_178 : vector<1x16xf32> to vector<16xf32>
      %slice3A_180 = vector.extract_strided_slice %get3A_56 {offsets = [7], sizes = [1], strides = [1]} : vector<16xf32> to vector<1xf32>
      %squeeze3A_181 = vector.extract %slice3A_180[0] : f32 from vector<1xf32>
      %broadcast_in_dim3A_182 = vector.broadcast %squeeze3A_181 : f32 to vector<16xf32>
      %mul3A_183 = arith.mulf %get3A_179, %broadcast_in_dim3A_182 : vector<16xf32>
      %swap3A_184 = arith.index_cast %add3A_175 : i32 to index
      %swap3A_185 = arith.constant 0 : index
      %swap3A_186 = tpu.vector_load %arg12[%swap3A_184, %swap3A_185] {strides = array<i32>} : memref<720x16xf32, #tpu.memory_space<vmem>>, vector<1x16xf32>,
      %swap3A_187 = vector.shape_cast %swap3A_186 : vector<1x16xf32> to vector<16xf32>
      %swap3A_188 = vector.shape_cast %mul3A_183 : vector<16xf32> to vector<1x16xf32>
      tpu.vector_store %arg12[%swap3A_184, %swap3A_185], %swap3A_188 {strides = array<i32>} : memref<720x16xf32, #tpu.memory_space<vmem>>, vector<1x16xf32>,
      %mul3A_189 = arith.constant 16 : i32
      %mul3A_190 = arith.muli %scan3A_52, %mul3A_189 : i32
      %add3A_191 = arith.constant 8 : i32
      %add3A_192 = arith.addi %mul3A_190, %add3A_191 : i32
      %get3A_193 = arith.index_cast %add3A_192 : i32 to index
      %get3A_194 = arith.constant 0 : index
      %get3A_195 = tpu.vector_load %arg12[%get3A_193, %get3A_194] {strides = array<i32>} : memref<720x16xf32, #tpu.memory_space<vmem>>, vector<1x16xf32>,
      %get3A_196 = vector.shape_cast %get3A_195 : vector<1x16xf32> to vector<16xf32>
      %slice3A_197 = vector.extract_strided_slice %get3A_56 {offsets = [8], sizes = [1], strides = [1]} : vector<16xf32> to vector<1xf32>
      %squeeze3A_198 = vector.extract %slice3A_197[0] : f32 from vector<1xf32>
      %broadcast_in_dim3A_199 = vector.broadcast %squeeze3A_198 : f32 to vector<16xf32>
      %mul3A_200 = arith.mulf %get3A_196, %broadcast_in_dim3A_199 : vector<16xf32>
      %swap3A_201 = arith.index_cast %add3A_192 : i32 to index
      %swap3A_202 = arith.constant 0 : index
      %swap3A_203 = tpu.vector_load %arg12[%swap3A_201, %swap3A_202] {strides = array<i32>} : memref<720x16xf32, #tpu.memory_space<vmem>>, vector<1x16xf32>,
      %swap3A_204 = vector.shape_cast %swap3A_203 : vector<1x16xf32> to vector<16xf32>
      %swap3A_205 = vector.shape_cast %mul3A_200 : vector<16xf32> to vector<1x16xf32>
      tpu.vector_store %arg12[%swap3A_201, %swap3A_202], %swap3A_205 {strides = array<i32>} : memref<720x16xf32, #tpu.memory_space<vmem>>, vector<1x16xf32>,
      %mul3A_206 = arith.constant 16 : i32
      %mul3A_207 = arith.muli %scan3A_52, %mul3A_206 : i32
      %add3A_208 = arith.constant 9 : i32
      %add3A_209 = arith.addi %mul3A_207, %add3A_208 : i32
      %get3A_210 = arith.index_cast %add3A_209 : i32 to index
      %get3A_211 = arith.constant 0 : index
      %get3A_212 = tpu.vector_load %arg12[%get3A_210, %get3A_211] {strides = array<i32>} : memref<720x16xf32, #tpu.memory_space<vmem>>, vector<1x16xf32>,
      %get3A_213 = vector.shape_cast %get3A_212 : vector<1x16xf32> to vector<16xf32>
      %slice3A_214 = vector.extract_strided_slice %get3A_56 {offsets = [9], sizes = [1], strides = [1]} : vector<16xf32> to vector<1xf32>
      %squeeze3A_215 = vector.extract %slice3A_214[0] : f32 from vector<1xf32>
      %broadcast_in_dim3A_216 = vector.broadcast %squeeze3A_215 : f32 to vector<16xf32>
      %mul3A_217 = arith.mulf %get3A_213, %broadcast_in_dim3A_216 : vector<16xf32>
      %swap3A_218 = arith.index_cast %add3A_209 : i32 to index
      %swap3A_219 = arith.constant 0 : index
      %swap3A_220 = tpu.vector_load %arg12[%swap3A_218, %swap3A_219] {strides = array<i32>} : memref<720x16xf32, #tpu.memory_space<vmem>>, vector<1x16xf32>,
      %swap3A_221 = vector.shape_cast %swap3A_220 : vector<1x16xf32> to vector<16xf32>
      %swap3A_222 = vector.shape_cast %mul3A_217 : vector<16xf32> to vector<1x16xf32>
      tpu.vector_store %arg12[%swap3A_218, %swap3A_219], %swap3A_222 {strides = array<i32>} : memref<720x16xf32, #tpu.memory_space<vmem>>, vector<1x16xf32>,
      %mul3A_223 = arith.constant 16 : i32
      %mul3A_224 = arith.muli %scan3A_52, %mul3A_223 : i32
      %add3A_225 = arith.constant 10 : i32
      %add3A_226 = arith.addi %mul3A_224, %add3A_225 : i32
      %get3A_227 = arith.index_cast %add3A_226 : i32 to index
      %get3A_228 = arith.constant 0 : index
      %get3A_229 = tpu.vector_load %arg12[%get3A_227, %get3A_228] {strides = array<i32>} : memref<720x16xf32, #tpu.memory_space<vmem>>, vector<1x16xf32>,
      %get3A_230 = vector.shape_cast %get3A_229 : vector<1x16xf32> to vector<16xf32>
      %slice3A_231 = vector.extract_strided_slice %get3A_56 {offsets = [10], sizes = [1], strides = [1]} : vector<16xf32> to vector<1xf32>
      %squeeze3A_232 = vector.extract %slice3A_231[0] : f32 from vector<1xf32>
      %broadcast_in_dim3A_233 = vector.broadcast %squeeze3A_232 : f32 to vector<16xf32>
      %mul3A_234 = arith.mulf %get3A_230, %broadcast_in_dim3A_233 : vector<16xf32>
      %swap3A_235 = arith.index_cast %add3A_226 : i32 to index
      %swap3A_236 = arith.constant 0 : index
      %swap3A_237 = tpu.vector_load %arg12[%swap3A_235, %swap3A_236] {strides = array<i32>} : memref<720x16xf32, #tpu.memory_space<vmem>>, vector<1x16xf32>,
      %swap3A_238 = vector.shape_cast %swap3A_237 : vector<1x16xf32> to vector<16xf32>
      %swap3A_239 = vector.shape_cast %mul3A_234 : vector<16xf32> to vector<1x16xf32>
      tpu.vector_store %arg12[%swap3A_235, %swap3A_236], %swap3A_239 {strides = array<i32>} : memref<720x16xf32, #tpu.memory_space<vmem>>, vector<1x16xf32>,
      %mul3A_240 = arith.constant 16 : i32
      %mul3A_241 = arith.muli %scan3A_52, %mul3A_240 : i32
      %add3A_242 = arith.constant 11 : i32
      %add3A_243 = arith.addi %mul3A_241, %add3A_242 : i32
      %get3A_244 = arith.index_cast %add3A_243 : i32 to index
      %get3A_245 = arith.constant 0 : index
      %get3A_246 = tpu.vector_load %arg12[%get3A_244, %get3A_245] {strides = array<i32>} : memref<720x16xf32, #tpu.memory_space<vmem>>, vector<1x16xf32>,
      %get3A_247 = vector.shape_cast %get3A_246 : vector<1x16xf32> to vector<16xf32>
      %slice3A_248 = vector.extract_strided_slice %get3A_56 {offsets = [11], sizes = [1], strides = [1]} : vector<16xf32> to vector<1xf32>
      %squeeze3A_249 = vector.extract %slice3A_248[0] : f32 from vector<1xf32>
      %broadcast_in_dim3A_250 = vector.broadcast %squeeze3A_249 : f32 to vector<16xf32>
      %mul3A_251 = arith.mulf %get3A_247, %broadcast_in_dim3A_250 : vector<16xf32>
      %swap3A_252 = arith.index_cast %add3A_243 : i32 to index
      %swap3A_253 = arith.constant 0 : index
      %swap3A_254 = tpu.vector_load %arg12[%swap3A_252, %swap3A_253] {strides = array<i32>} : memref<720x16xf32, #tpu.memory_space<vmem>>, vector<1x16xf32>,
      %swap3A_255 = vector.shape_cast %swap3A_254 : vector<1x16xf32> to vector<16xf32>
      %swap3A_256 = vector.shape_cast %mul3A_251 : vector<16xf32> to vector<1x16xf32>
      tpu.vector_store %arg12[%swap3A_252, %swap3A_253], %swap3A_256 {strides = array<i32>} : memref<720x16xf32, #tpu.memory_space<vmem>>, vector<1x16xf32>,
      %mul3A_257 = arith.constant 16 : i32
      %mul3A_258 = arith.muli %scan3A_52, %mul3A_257 : i32
      %add3A_259 = arith.constant 12 : i32
      %add3A_260 = arith.addi %mul3A_258, %add3A_259 : i32
      %get3A_261 = arith.index_cast %add3A_260 : i32 to index
      %get3A_262 = arith.constant 0 : index
      %get3A_263 = tpu.vector_load %arg12[%get3A_261, %get3A_262] {strides = array<i32>} : memref<720x16xf32, #tpu.memory_space<vmem>>, vector<1x16xf32>,
      %get3A_264 = vector.shape_cast %get3A_263 : vector<1x16xf32> to vector<16xf32>
      %slice3A_265 = vector.extract_strided_slice %get3A_56 {offsets = [12], sizes = [1], strides = [1]} : vector<16xf32> to vector<1xf32>
      %squeeze3A_266 = vector.extract %slice3A_265[0] : f32 from vector<1xf32>
      %broadcast_in_dim3A_267 = vector.broadcast %squeeze3A_266 : f32 to vector<16xf32>
      %mul3A_268 = arith.mulf %get3A_264, %broadcast_in_dim3A_267 : vector<16xf32>
      %swap3A_269 = arith.index_cast %add3A_260 : i32 to index
      %swap3A_270 = arith.constant 0 : index
      %swap3A_271 = tpu.vector_load %arg12[%swap3A_269, %swap3A_270] {strides = array<i32>} : memref<720x16xf32, #tpu.memory_space<vmem>>, vector<1x16xf32>,
      %swap3A_272 = vector.shape_cast %swap3A_271 : vector<1x16xf32> to vector<16xf32>
      %swap3A_273 = vector.shape_cast %mul3A_268 : vector<16xf32> to vector<1x16xf32>
      tpu.vector_store %arg12[%swap3A_269, %swap3A_270], %swap3A_273 {strides = array<i32>} : memref<720x16xf32, #tpu.memory_space<vmem>>, vector<1x16xf32>,
      %mul3A_274 = arith.constant 16 : i32
      %mul3A_275 = arith.muli %scan3A_52, %mul3A_274 : i32
      %add3A_276 = arith.constant 13 : i32
      %add3A_277 = arith.addi %mul3A_275, %add3A_276 : i32
      %get3A_278 = arith.index_cast %add3A_277 : i32 to index
      %get3A_279 = arith.constant 0 : index
      %get3A_280 = tpu.vector_load %arg12[%get3A_278, %get3A_279] {strides = array<i32>} : memref<720x16xf32, #tpu.memory_space<vmem>>, vector<1x16xf32>,
      %get3A_281 = vector.shape_cast %get3A_280 : vector<1x16xf32> to vector<16xf32>
      %slice3A_282 = vector.extract_strided_slice %get3A_56 {offsets = [13], sizes = [1], strides = [1]} : vector<16xf32> to vector<1xf32>
      %squeeze3A_283 = vector.extract %slice3A_282[0] : f32 from vector<1xf32>
      %broadcast_in_dim3A_284 = vector.broadcast %squeeze3A_283 : f32 to vector<16xf32>
      %mul3A_285 = arith.mulf %get3A_281, %broadcast_in_dim3A_284 : vector<16xf32>
      %swap3A_286 = arith.index_cast %add3A_277 : i32 to index
      %swap3A_287 = arith.constant 0 : index
      %swap3A_288 = tpu.vector_load %arg12[%swap3A_286, %swap3A_287] {strides = array<i32>} : memref<720x16xf32, #tpu.memory_space<vmem>>, vector<1x16xf32>,
      %swap3A_289 = vector.shape_cast %swap3A_288 : vector<1x16xf32> to vector<16xf32>
      %swap3A_290 = vector.shape_cast %mul3A_285 : vector<16xf32> to vector<1x16xf32>
      tpu.vector_store %arg12[%swap3A_286, %swap3A_287], %swap3A_290 {strides = array<i32>} : memref<720x16xf32, #tpu.memory_space<vmem>>, vector<1x16xf32>,
      %mul3A_291 = arith.constant 16 : i32
      %mul3A_292 = arith.muli %scan3A_52, %mul3A_291 : i32
      %add3A_293 = arith.constant 14 : i32
      %add3A_294 = arith.addi %mul3A_292, %add3A_293 : i32
      %get3A_295 = arith.index_cast %add3A_294 : i32 to index
      %get3A_296 = arith.constant 0 : index
      %get3A_297 = tpu.vector_load %arg12[%get3A_295, %get3A_296] {strides = array<i32>} : memref<720x16xf32, #tpu.memory_space<vmem>>, vector<1x16xf32>,
      %get3A_298 = vector.shape_cast %get3A_297 : vector<1x16xf32> to vector<16xf32>
      %slice3A_299 = vector.extract_strided_slice %get3A_56 {offsets = [14], sizes = [1], strides = [1]} : vector<16xf32> to vector<1xf32>
      %squeeze3A_300 = vector.extract %slice3A_299[0] : f32 from vector<1xf32>
      %broadcast_in_dim3A_301 = vector.broadcast %squeeze3A_300 : f32 to vector<16xf32>
      %mul3A_302 = arith.mulf %get3A_298, %broadcast_in_dim3A_301 : vector<16xf32>
      %swap3A_303 = arith.index_cast %add3A_294 : i32 to index
      %swap3A_304 = arith.constant 0 : index
      %swap3A_305 = tpu.vector_load %arg12[%swap3A_303, %swap3A_304] {strides = array<i32>} : memref<720x16xf32, #tpu.memory_space<vmem>>, vector<1x16xf32>,
      %swap3A_306 = vector.shape_cast %swap3A_305 : vector<1x16xf32> to vector<16xf32>
      %swap3A_307 = vector.shape_cast %mul3A_302 : vector<16xf32> to vector<1x16xf32>
      tpu.vector_store %arg12[%swap3A_303, %swap3A_304], %swap3A_307 {strides = array<i32>} : memref<720x16xf32, #tpu.memory_space<vmem>>, vector<1x16xf32>,
      %mul3A_308 = arith.constant 16 : i32
      %mul3A_309 = arith.muli %scan3A_52, %mul3A_308 : i32
      %add3A_310 = arith.constant 15 : i32
      %add3A_311 = arith.addi %mul3A_309, %add3A_310 : i32
      %get3A_312 = arith.index_cast %add3A_311 : i32 to index
      %get3A_313 = arith.constant 0 : index
      %get3A_314 = tpu.vector_load %arg12[%get3A_312, %get3A_313] {strides = array<i32>} : memref<720x16xf32, #tpu.memory_space<vmem>>, vector<1x16xf32>,
      %get3A_315 = vector.shape_cast %get3A_314 : vector<1x16xf32> to vector<16xf32>
      %slice3A_316 = vector.extract_strided_slice %get3A_56 {offsets = [15], sizes = [1], strides = [1]} : vector<16xf32> to vector<1xf32>
      %squeeze3A_317 = vector.extract %slice3A_316[0] : f32 from vector<1xf32>
      %broadcast_in_dim3A_318 = vector.broadcast %squeeze3A_317 : f32 to vector<16xf32>
      %mul3A_319 = arith.mulf %get3A_315, %broadcast_in_dim3A_318 : vector<16xf32>
      %swap3A_320 = arith.index_cast %add3A_311 : i32 to index
      %swap3A_321 = arith.constant 0 : index
      %swap3A_322 = tpu.vector_load %arg12[%swap3A_320, %swap3A_321] {strides = array<i32>} : memref<720x16xf32, #tpu.memory_space<vmem>>, vector<1x16xf32>,
      %swap3A_323 = vector.shape_cast %swap3A_322 : vector<1x16xf32> to vector<16xf32>
      %swap3A_324 = vector.shape_cast %mul3A_319 : vector<16xf32> to vector<1x16xf32>
      tpu.vector_store %arg12[%swap3A_320, %swap3A_321], %swap3A_324 {strides = array<i32>} : memref<720x16xf32, #tpu.memory_space<vmem>>, vector<1x16xf32>,
    }
    %scan3A_40 = arith.constant 45 : i32
    %dma_start3A_41 = arith.constant 0 : i32
    %dma_start3A_42 = arith.constant 0 : i32
    %dma_start3A_43 = tpu.memref_slice %arg8[%dma_start3A_41, %dma_start3A_42] : memref<90112x16xf32, #tpu.memory_space<vmem_shared>> -> memref<90112x16xf32, #tpu.memory_space<vmem_shared>>
    tpu.enqueue_indirect_dma source(%arg12 : memref<720x16xf32, #tpu.memory_space<vmem>>) target(%dma_start3A_43 : memref<90112x16xf32, #tpu.memory_space<vmem_shared>>) offsets(%arg10 : memref<720xi32, #tpu.memory_space<vmem>>) semaphore(%arg21 : memref<!tpu.dma_semaphore, #tpu.memory_space<semaphore_mem>>) {add = true}
    %dma_wait3A_44 = arith.constant 0 : i32
    %dma_wait3A_45 = arith.constant 0 : i32
    %dma_wait3A_46 = tpu.memref_slice %arg8[%dma_wait3A_44, %dma_wait3A_45] : memref<90112x16xf32, #tpu.memory_space<vmem_shared>> -> memref<90112x16xf32, #tpu.memory_space<vmem_shared>>
    tpu.wait_indirect_dma semaphore(%arg21 : memref<!tpu.dma_semaphore, #tpu.memory_space<semaphore_mem>>) src(%arg12 : memref<720x16xf32, #tpu.memory_space<vmem>>) dst(%dma_wait3A_46 : memref<90112x16xf32, #tpu.memory_space<vmem_shared>>)
    %barrier3A_47 = arith.constant 0 : index
    tpu.barrier barrier_id(%barrier3A_47)
    %mul3A_48 = arith.constant 5632 : i32
    %mul3A_49 = arith.muli %arg1, %mul3A_48 : i32
    %mul3A_50 = arith.constant 5632 : i32
    %mul3A_51 = arith.muli %arg1, %mul3A_50 : i32
    "tpu.region"() ({
      %run_scoped3A = tpu.sem_alloc : memref<!tpu.dma_semaphore, #tpu.memory_space<semaphore_mem>>
      %dma_start3A_52 = arith.constant 0 : i32
      %dma_start3A_53 = tpu.memref_slice %arg7[%arg0, %mul3A_51, %dma_start3A_52] : memref<2x90112x16xf32, #tpu.memory_space<hbm>> -> memref<1x5632x16xf32, #tpu.memory_space<hbm>>
      %dma_start3A_54 = tpu.memref_squeeze %dma_start3A_53 : memref<1x5632x16xf32, #tpu.memory_space<hbm>> -> memref<5632x16xf32, #tpu.memory_space<hbm>>
      %dma_start3A_55 = arith.constant 0 : i32
      %dma_start3A_56 = tpu.memref_slice %arg8[%mul3A_49, %dma_start3A_55] : memref<90112x16xf32, #tpu.memory_space<vmem_shared>> -> memref<5632x16xf32, #tpu.memory_space<vmem_shared>>
      tpu.enqueue_dma source(%dma_start3A_56 : memref<5632x16xf32, #tpu.memory_space<vmem_shared>>) target(%dma_start3A_54 : memref<5632x16xf32, #tpu.memory_space<hbm>>) target_semaphore(%run_scoped3A : memref<!tpu.dma_semaphore, #tpu.memory_space<semaphore_mem>>)
      %dma_wait3A_57 = arith.constant 0 : i32
      %dma_wait3A_58 = tpu.memref_slice %arg7[%arg0, %mul3A_51, %dma_wait3A_57] : memref<2x90112x16xf32, #tpu.memory_space<hbm>> -> memref<1x5632x16xf32, #tpu.memory_space<hbm>>
      %dma_wait3A_59 = tpu.memref_squeeze %dma_wait3A_58 : memref<1x5632x16xf32, #tpu.memory_space<hbm>> -> memref<5632x16xf32, #tpu.memory_space<hbm>>
      %dma_wait3A_60 = arith.constant 0 : i32
      %dma_wait3A_61 = tpu.memref_slice %arg8[%mul3A_49, %dma_wait3A_60] : memref<90112x16xf32, #tpu.memory_space<vmem_shared>> -> memref<5632x16xf32, #tpu.memory_space<vmem_shared>>
      tpu.wait_dma2 semaphore(%run_scoped3A : memref<!tpu.dma_semaphore, #tpu.memory_space<semaphore_mem>>) src(%dma_wait3A_61 : memref<5632x16xf32, #tpu.memory_space<vmem_shared>>) dst(%dma_wait3A_59 : memref<5632x16xf32, #tpu.memory_space<hbm>>)
      tpu.yield
    }) : () -> ()
    return
  }
}

#map = affine_map<(d0, d1) -> (0)>
#map1 = affine_map<(d0, d1) -> (0, 0)>
module attributes {stable_mosaic.version = 14 : i64} {
  func.func @_sc_edge_prob(%arg0: i32, %arg1: i32, %arg2: memref<90000xf32, #tpu.memory_space<hbm>>, %arg3: memref<90000xf32, #tpu.memory_space<hbm>>, %arg4: memref<2880000xi32, #tpu.memory_space<hbm>>, %arg5: memref<2880000xi32, #tpu.memory_space<hbm>>, %arg6: memref<2880000xf32, #tpu.memory_space<hbm>>, %arg7: memref<90112xf32, #tpu.memory_space<hbm>>, %arg8: memref<2880000xf32, #tpu.memory_space<hbm>>, %arg9: memref<2x90112xf32, #tpu.memory_space<hbm>>, %arg10: memref<90112xf32, #tpu.memory_space<vmem_shared>>, %arg11: memref<6000xi32, #tpu.memory_space<vmem>>, %arg12: memref<6000xi32, #tpu.memory_space<vmem>>, %arg13: memref<6000xf32, #tpu.memory_space<vmem>>, %arg14: memref<6000xf32, #tpu.memory_space<vmem>>, %arg15: memref<6000xf32, #tpu.memory_space<vmem>>, %arg16: memref<6000xf32, #tpu.memory_space<vmem>>, %arg17: memref<6000xi32, #tpu.memory_space<vmem>>, %arg18: memref<6000xi32, #tpu.memory_space<vmem>>, %arg19: memref<6000xf32, #tpu.memory_space<vmem>>, %arg20: memref<6000xf32, #tpu.memory_space<vmem>>, %arg21: memref<6000xf32, #tpu.memory_space<vmem>>, %arg22: memref<6000xf32, #tpu.memory_space<vmem>>, %arg23: memref<!tpu.dma_semaphore, #tpu.memory_space<semaphore_mem>>, %arg24: memref<!tpu.dma_semaphore, #tpu.memory_space<semaphore_mem>>, %arg25: memref<!tpu.dma_semaphore, #tpu.memory_space<semaphore_mem>>, %arg26: memref<!tpu.dma_semaphore, #tpu.memory_space<semaphore_mem>>, %arg27: memref<!tpu.dma_semaphore, #tpu.memory_space<semaphore_mem>>, %arg28: memref<!tpu.dma_semaphore, #tpu.memory_space<semaphore_mem>>, %arg29: memref<!tpu.dma_semaphore, #tpu.memory_space<semaphore_mem>>, %arg30: memref<!tpu.dma_semaphore, #tpu.memory_space<semaphore_mem>>) attributes {dimension_semantics = [#tpu.dimension_semantics<core_parallel>, #tpu.dimension_semantics<subcore_parallel>], iteration_bounds = array<i64: 2, 16>, scalar_prefetch = 0 : i64, scratch_operands = 21 : i64, tpu.core_type = #tpu.core_type<sc_vector_subcore>, window_params = [{transform_indices = #map}, {transform_indices = #map}, {transform_indices = #map}, {transform_indices = #map}, {transform_indices = #map}, {transform_indices = #map}, {transform_indices = #map}, {transform_indices = #map1}]} {
    %mul3A = arith.constant 2 : i32
    %mul3A_0 = arith.muli %arg1, %mul3A : i32
    %add3A = arith.addi %mul3A_0, %arg0 : i32
    %mul3A_1 = arith.constant 90000 : i32
    %mul3A_2 = arith.muli %add3A, %mul3A_1 : i32
    %mul3A_3 = arith.constant 5632 : i32
    %mul3A_4 = arith.muli %arg1, %mul3A_3 : i32
    %mul3A_5 = arith.constant 5632 : i32
    %mul3A_6 = arith.muli %arg1, %mul3A_5 : i32
    "tpu.region"() ({
      %run_scoped3A = tpu.sem_alloc : memref<!tpu.dma_semaphore, #tpu.memory_space<semaphore_mem>>
      %dma_start3A_63 = tpu.memref_slice %arg10[%mul3A_6] : memref<90112xf32, #tpu.memory_space<vmem_shared>> -> memref<5632xf32, #tpu.memory_space<vmem_shared>>
      %dma_start3A_64 = tpu.memref_slice %arg7[%mul3A_4] : memref<90112xf32, #tpu.memory_space<hbm>> -> memref<5632xf32, #tpu.memory_space<hbm>>
      tpu.enqueue_dma source(%dma_start3A_64 : memref<5632xf32, #tpu.memory_space<hbm>>) target(%dma_start3A_63 : memref<5632xf32, #tpu.memory_space<vmem_shared>>) target_semaphore(%run_scoped3A : memref<!tpu.dma_semaphore, #tpu.memory_space<semaphore_mem>>)
      %dma_wait3A_65 = tpu.memref_slice %arg10[%mul3A_6] : memref<90112xf32, #tpu.memory_space<vmem_shared>> -> memref<5632xf32, #tpu.memory_space<vmem_shared>>
      %dma_wait3A_66 = tpu.memref_slice %arg7[%mul3A_4] : memref<90112xf32, #tpu.memory_space<hbm>> -> memref<5632xf32, #tpu.memory_space<hbm>>
      tpu.wait_dma2 semaphore(%run_scoped3A : memref<!tpu.dma_semaphore, #tpu.memory_space<semaphore_mem>>) src(%dma_wait3A_66 : memref<5632xf32, #tpu.memory_space<hbm>>) dst(%dma_wait3A_65 : memref<5632xf32, #tpu.memory_space<vmem_shared>>)
      tpu.yield
    }) : () -> ()
    %barrier3A = arith.constant 0 : index
    tpu.barrier barrier_id(%barrier3A)
    %add3A_7 = arith.constant 0 : i32
    %add3A_8 = arith.addi %mul3A_2, %add3A_7 : i32
    %dma_start3A = tpu.memref_slice %arg4[%add3A_8] : memref<2880000xi32, #tpu.memory_space<hbm>> -> memref<6000xi32, #tpu.memory_space<hbm>>
    %dma_start3A_9 = tpu.memref_slice %arg4[%add3A_8] : memref<2880000xi32, #tpu.memory_space<hbm>> -> memref<6000xi32, #tpu.memory_space<hbm>>
    tpu.enqueue_dma source(%dma_start3A_9 : memref<6000xi32, #tpu.memory_space<hbm>>) target(%arg11 : memref<6000xi32, #tpu.memory_space<vmem>>) target_semaphore(%arg23 : memref<!tpu.dma_semaphore, #tpu.memory_space<semaphore_mem>>)
    %dma_start3A_10 = tpu.memref_slice %arg5[%add3A_8] : memref<2880000xi32, #tpu.memory_space<hbm>> -> memref<6000xi32, #tpu.memory_space<hbm>>
    %dma_start3A_11 = tpu.memref_slice %arg5[%add3A_8] : memref<2880000xi32, #tpu.memory_space<hbm>> -> memref<6000xi32, #tpu.memory_space<hbm>>
    tpu.enqueue_dma source(%dma_start3A_11 : memref<6000xi32, #tpu.memory_space<hbm>>) target(%arg12 : memref<6000xi32, #tpu.memory_space<vmem>>) target_semaphore(%arg23 : memref<!tpu.dma_semaphore, #tpu.memory_space<semaphore_mem>>)
    %dma_start3A_12 = tpu.memref_slice %arg6[%add3A_8] : memref<2880000xf32, #tpu.memory_space<hbm>> -> memref<6000xf32, #tpu.memory_space<hbm>>
    %dma_start3A_13 = tpu.memref_slice %arg6[%add3A_8] : memref<2880000xf32, #tpu.memory_space<hbm>> -> memref<6000xf32, #tpu.memory_space<hbm>>
    tpu.enqueue_dma source(%dma_start3A_13 : memref<6000xf32, #tpu.memory_space<hbm>>) target(%arg13 : memref<6000xf32, #tpu.memory_space<vmem>>) target_semaphore(%arg23 : memref<!tpu.dma_semaphore, #tpu.memory_space<semaphore_mem>>)
    %add3A_14 = arith.constant 0 : i32
    %add3A_15 = arith.addi %mul3A_2, %add3A_14 : i32
    %dma_wait3A = tpu.memref_slice %arg4[%add3A_15] : memref<2880000xi32, #tpu.memory_space<hbm>> -> memref<6000xi32, #tpu.memory_space<hbm>>
    %dma_wait3A_16 = tpu.memref_slice %arg4[%add3A_15] : memref<2880000xi32, #tpu.memory_space<hbm>> -> memref<6000xi32, #tpu.memory_space<hbm>>
    tpu.wait_dma2 semaphore(%arg23 : memref<!tpu.dma_semaphore, #tpu.memory_space<semaphore_mem>>) src(%dma_wait3A_16 : memref<6000xi32, #tpu.memory_space<hbm>>) dst(%arg11 : memref<6000xi32, #tpu.memory_space<vmem>>)
    %dma_wait3A_17 = tpu.memref_slice %arg5[%add3A_15] : memref<2880000xi32, #tpu.memory_space<hbm>> -> memref<6000xi32, #tpu.memory_space<hbm>>
    %dma_wait3A_18 = tpu.memref_slice %arg5[%add3A_15] : memref<2880000xi32, #tpu.memory_space<hbm>> -> memref<6000xi32, #tpu.memory_space<hbm>>
    tpu.wait_dma2 semaphore(%arg23 : memref<!tpu.dma_semaphore, #tpu.memory_space<semaphore_mem>>) src(%dma_wait3A_18 : memref<6000xi32, #tpu.memory_space<hbm>>) dst(%arg12 : memref<6000xi32, #tpu.memory_space<vmem>>)
    %dma_wait3A_19 = tpu.memref_slice %arg6[%add3A_15] : memref<2880000xf32, #tpu.memory_space<hbm>> -> memref<6000xf32, #tpu.memory_space<hbm>>
    %dma_wait3A_20 = tpu.memref_slice %arg6[%add3A_15] : memref<2880000xf32, #tpu.memory_space<hbm>> -> memref<6000xf32, #tpu.memory_space<hbm>>
    tpu.wait_dma2 semaphore(%arg23 : memref<!tpu.dma_semaphore, #tpu.memory_space<semaphore_mem>>) src(%dma_wait3A_20 : memref<6000xf32, #tpu.memory_space<hbm>>) dst(%arg13 : memref<6000xf32, #tpu.memory_space<vmem>>)
    %dma_start3A_21 = arith.constant 0 : i32
    %dma_start3A_22 = tpu.memref_slice %arg2[%dma_start3A_21] : memref<90000xf32, #tpu.memory_space<hbm>> -> memref<90000xf32, #tpu.memory_space<hbm>>
    tpu.enqueue_indirect_dma source(%dma_start3A_22 : memref<90000xf32, #tpu.memory_space<hbm>>) target(%arg14 : memref<6000xf32, #tpu.memory_space<vmem>>) offsets(%arg11 : memref<6000xi32, #tpu.memory_space<vmem>>) semaphore(%arg25 : memref<!tpu.dma_semaphore, #tpu.memory_space<semaphore_mem>>)
    %dma_start3A_23 = arith.constant 0 : i32
    %dma_start3A_24 = tpu.memref_slice %arg3[%dma_start3A_23] : memref<90000xf32, #tpu.memory_space<hbm>> -> memref<90000xf32, #tpu.memory_space<hbm>>
    tpu.enqueue_indirect_dma source(%dma_start3A_24 : memref<90000xf32, #tpu.memory_space<hbm>>) target(%arg15 : memref<6000xf32, #tpu.memory_space<vmem>>) offsets(%arg12 : memref<6000xi32, #tpu.memory_space<vmem>>) semaphore(%arg25 : memref<!tpu.dma_semaphore, #tpu.memory_space<semaphore_mem>>)
    %scan3A = arith.constant 0 : i32
    %scan3A_25 = arith.constant 0 : i32
    %scan3A_26 = arith.constant 7 : i32
    %scan3A_27 = arith.addi %scan3A_25, %scan3A_26 : i32
    %scan3A_28 = arith.constant 1 : i32
    scf.for %scan3A_63 = %scan3A_25 to %scan3A_27 step %scan3A_28  : i32 {
      %ge3A = arith.constant 1 : i32
      %ge3A_64 = arith.cmpi sge, %scan3A_63, %ge3A : i32
      %convert_element_type3A = arith.extui %ge3A_64 : i1 to i32
      %cond3A = arith.constant 0 : i32
      %cond3A_65 = arith.cmpi ne, %convert_element_type3A, %cond3A : i32
      scf.if %cond3A_65 {
        %dma_wait3A_175 = arith.constant 0 : i32
        %dma_wait3A_176 = tpu.memref_slice %arg10[%dma_wait3A_175] : memref<90112xf32, #tpu.memory_space<vmem_shared>> -> memref<90112xf32, #tpu.memory_space<vmem_shared>>
        tpu.wait_indirect_dma semaphore(%arg30 : memref<!tpu.dma_semaphore, #tpu.memory_space<semaphore_mem>>) src(%arg22 : memref<6000xf32, #tpu.memory_space<vmem>>) dst(%dma_wait3A_176 : memref<90112xf32, #tpu.memory_space<vmem_shared>>)
        %mul3A_177 = arith.constant 2 : i32
        %mul3A_178 = arith.muli %mul3A_177, %scan3A_63 : i32
        %sub3A = arith.constant 1 : i32
        %sub3A_179 = arith.subi %mul3A_178, %sub3A : i32
        %mul3A_180 = arith.constant 6000 : i32
        %mul3A_181 = arith.muli %sub3A_179, %mul3A_180 : i32
        %add3A_182 = arith.addi %mul3A_2, %mul3A_181 : i32
        %dma_wait3A_183 = tpu.memref_slice %arg8[%add3A_182] : memref<2880000xf32, #tpu.memory_space<hbm>> -> memref<6000xf32, #tpu.memory_space<hbm>>
        %dma_wait3A_184 = tpu.memref_slice %arg8[%add3A_182] : memref<2880000xf32, #tpu.memory_space<hbm>> -> memref<6000xf32, #tpu.memory_space<hbm>>
        tpu.wait_dma2 semaphore(%arg28 : memref<!tpu.dma_semaphore, #tpu.memory_space<semaphore_mem>>) src(%arg22 : memref<6000xf32, #tpu.memory_space<vmem>>) dst(%dma_wait3A_184 : memref<6000xf32, #tpu.memory_space<hbm>>)
      } else {
      }
      %mul3A_66 = arith.constant 2 : i32
      %mul3A_67 = arith.muli %mul3A_66, %scan3A_63 : i32
      %add3A_68 = arith.constant 1 : i32
      %add3A_69 = arith.addi %mul3A_67, %add3A_68 : i32
      %mul3A_70 = arith.constant 6000 : i32
      %mul3A_71 = arith.muli %add3A_69, %mul3A_70 : i32
      %add3A_72 = arith.addi %mul3A_2, %mul3A_71 : i32
      %dma_start3A_73 = tpu.memref_slice %arg4[%add3A_72] : memref<2880000xi32, #tpu.memory_space<hbm>> -> memref<6000xi32, #tpu.memory_space<hbm>>
      %dma_start3A_74 = tpu.memref_slice %arg4[%add3A_72] : memref<2880000xi32, #tpu.memory_space<hbm>> -> memref<6000xi32, #tpu.memory_space<hbm>>
      tpu.enqueue_dma source(%dma_start3A_74 : memref<6000xi32, #tpu.memory_space<hbm>>) target(%arg17 : memref<6000xi32, #tpu.memory_space<vmem>>) target_semaphore(%arg24 : memref<!tpu.dma_semaphore, #tpu.memory_space<semaphore_mem>>)
      %dma_start3A_75 = tpu.memref_slice %arg5[%add3A_72] : memref<2880000xi32, #tpu.memory_space<hbm>> -> memref<6000xi32, #tpu.memory_space<hbm>>
      %dma_start3A_76 = tpu.memref_slice %arg5[%add3A_72] : memref<2880000xi32, #tpu.memory_space<hbm>> -> memref<6000xi32, #tpu.memory_space<hbm>>
      tpu.enqueue_dma source(%dma_start3A_76 : memref<6000xi32, #tpu.memory_space<hbm>>) target(%arg18 : memref<6000xi32, #tpu.memory_space<vmem>>) target_semaphore(%arg24 : memref<!tpu.dma_semaphore, #tpu.memory_space<semaphore_mem>>)
      %dma_start3A_77 = tpu.memref_slice %arg6[%add3A_72] : memref<2880000xf32, #tpu.memory_space<hbm>> -> memref<6000xf32, #tpu.memory_space<hbm>>
      %dma_start3A_78 = tpu.memref_slice %arg6[%add3A_72] : memref<2880000xf32, #tpu.memory_space<hbm>> -> memref<6000xf32, #tpu.memory_space<hbm>>
      tpu.enqueue_dma source(%dma_start3A_78 : memref<6000xf32, #tpu.memory_space<hbm>>) target(%arg19 : memref<6000xf32, #tpu.memory_space<vmem>>) target_semaphore(%arg24 : memref<!tpu.dma_semaphore, #tpu.memory_space<semaphore_mem>>)
      %dma_wait3A_79 = arith.constant 0 : i32
      %dma_wait3A_80 = tpu.memref_slice %arg2[%dma_wait3A_79] : memref<90000xf32, #tpu.memory_space<hbm>> -> memref<90000xf32, #tpu.memory_space<hbm>>
      tpu.wait_indirect_dma semaphore(%arg25 : memref<!tpu.dma_semaphore, #tpu.memory_space<semaphore_mem>>) src(%dma_wait3A_80 : memref<90000xf32, #tpu.memory_space<hbm>>) dst(%arg14 : memref<6000xf32, #tpu.memory_space<vmem>>)
      %dma_wait3A_81 = arith.constant 0 : i32
      %dma_wait3A_82 = tpu.memref_slice %arg3[%dma_wait3A_81] : memref<90000xf32, #tpu.memory_space<hbm>> -> memref<90000xf32, #tpu.memory_space<hbm>>
      tpu.wait_indirect_dma semaphore(%arg25 : memref<!tpu.dma_semaphore, #tpu.memory_space<semaphore_mem>>) src(%dma_wait3A_82 : memref<90000xf32, #tpu.memory_space<hbm>>) dst(%arg15 : memref<6000xf32, #tpu.memory_space<vmem>>)
      %scan3A_83 = arith.constant 0 : i32
      %scan3A_84 = arith.constant 0 : i32
      %scan3A_85 = arith.constant 375 : i32
      %scan3A_86 = arith.addi %scan3A_84, %scan3A_85 : i32
      %scan3A_87 = arith.constant 1 : i32
      scf.for %scan3A_175 = %scan3A_84 to %scan3A_86 step %scan3A_87  : i32 {
        %mul3A_176 = arith.constant 16 : i32
        %mul3A_177 = arith.muli %scan3A_175, %mul3A_176 : i32
        %get3A = arith.index_cast %mul3A_177 : i32 to index
        %get3A_178 = tpu.vector_load %arg14[%get3A] {strides = array<i32>} : memref<6000xf32, #tpu.memory_space<vmem>>, vector<16xf32>,
        %get3A_179 = vector.shape_cast %get3A_178 : vector<16xf32> to vector<16xf32>
        %get3A_180 = arith.index_cast %mul3A_177 : i32 to index
        %get3A_181 = tpu.vector_load %arg15[%get3A_180] {strides = array<i32>} : memref<6000xf32, #tpu.memory_space<vmem>>, vector<16xf32>,
        %get3A_182 = vector.shape_cast %get3A_181 : vector<16xf32> to vector<16xf32>
        %add3A_183 = arith.addf %get3A_179, %get3A_182 : vector<16xf32>
        %neg3A = arith.constant 0.000000e+00 : f32
        %neg3A_184 = vector.broadcast %neg3A : f32 to vector<16xf32>
        %neg3A_185 = arith.subf %neg3A_184, %add3A_183 : vector<16xf32>
        %exp3A = math.exp %neg3A_185 : vector<16xf32>
        %add3A_186 = arith.constant 1.000000e+00 : f32
        %add3A_187 = vector.broadcast %add3A_186 : f32 to vector<16xf32>
        %add3A_188 = arith.addf %add3A_187, %exp3A : vector<16xf32>
        %div3A = arith.constant 1.000000e+00 : f32
        %div3A_189 = vector.broadcast %div3A : f32 to vector<16xf32>
        %div3A_190 = arith.divf %div3A_189, %add3A_188 : vector<16xf32>
        %get3A_191 = arith.index_cast %mul3A_177 : i32 to index
        %get3A_192 = tpu.vector_load %arg13[%get3A_191] {strides = array<i32>} : memref<6000xf32, #tpu.memory_space<vmem>>, vector<16xf32>,
        %get3A_193 = vector.shape_cast %get3A_192 : vector<16xf32> to vector<16xf32>
        %mul3A_194 = arith.mulf %get3A_193, %div3A_190 : vector<16xf32>
        %swap3A = arith.index_cast %mul3A_177 : i32 to index
        %swap3A_195 = tpu.vector_load %arg16[%swap3A] {strides = array<i32>} : memref<6000xf32, #tpu.memory_space<vmem>>, vector<16xf32>,
        %swap3A_196 = vector.shape_cast %swap3A_195 : vector<16xf32> to vector<16xf32>
        %swap3A_197 = vector.shape_cast %mul3A_194 : vector<16xf32> to vector<16xf32>
        tpu.vector_store %arg16[%swap3A], %swap3A_197 {strides = array<i32>} : memref<6000xf32, #tpu.memory_space<vmem>>, vector<16xf32>,
      }
      %scan3A_88 = arith.constant 375 : i32
      %mul3A_89 = arith.constant 2 : i32
      %mul3A_90 = arith.muli %mul3A_89, %scan3A_63 : i32
      %add3A_91 = arith.constant 1 : i32
      %add3A_92 = arith.addi %mul3A_90, %add3A_91 : i32
      %mul3A_93 = arith.constant 6000 : i32
      %mul3A_94 = arith.muli %add3A_92, %mul3A_93 : i32
      %add3A_95 = arith.addi %mul3A_2, %mul3A_94 : i32
      %dma_wait3A_96 = tpu.memref_slice %arg4[%add3A_95] : memref<2880000xi32, #tpu.memory_space<hbm>> -> memref<6000xi32, #tpu.memory_space<hbm>>
      %dma_wait3A_97 = tpu.memref_slice %arg4[%add3A_95] : memref<2880000xi32, #tpu.memory_space<hbm>> -> memref<6000xi32, #tpu.memory_space<hbm>>
      tpu.wait_dma2 semaphore(%arg24 : memref<!tpu.dma_semaphore, #tpu.memory_space<semaphore_mem>>) src(%dma_wait3A_97 : memref<6000xi32, #tpu.memory_space<hbm>>) dst(%arg17 : memref<6000xi32, #tpu.memory_space<vmem>>)
      %dma_wait3A_98 = tpu.memref_slice %arg5[%add3A_95] : memref<2880000xi32, #tpu.memory_space<hbm>> -> memref<6000xi32, #tpu.memory_space<hbm>>
      %dma_wait3A_99 = tpu.memref_slice %arg5[%add3A_95] : memref<2880000xi32, #tpu.memory_space<hbm>> -> memref<6000xi32, #tpu.memory_space<hbm>>
      tpu.wait_dma2 semaphore(%arg24 : memref<!tpu.dma_semaphore, #tpu.memory_space<semaphore_mem>>) src(%dma_wait3A_99 : memref<6000xi32, #tpu.memory_space<hbm>>) dst(%arg18 : memref<6000xi32, #tpu.memory_space<vmem>>)
      %dma_wait3A_100 = tpu.memref_slice %arg6[%add3A_95] : memref<2880000xf32, #tpu.memory_space<hbm>> -> memref<6000xf32, #tpu.memory_space<hbm>>
      %dma_wait3A_101 = tpu.memref_slice %arg6[%add3A_95] : memref<2880000xf32, #tpu.memory_space<hbm>> -> memref<6000xf32, #tpu.memory_space<hbm>>
      tpu.wait_dma2 semaphore(%arg24 : memref<!tpu.dma_semaphore, #tpu.memory_space<semaphore_mem>>) src(%dma_wait3A_101 : memref<6000xf32, #tpu.memory_space<hbm>>) dst(%arg19 : memref<6000xf32, #tpu.memory_space<vmem>>)
      %dma_start3A_102 = arith.constant 0 : i32
      %dma_start3A_103 = tpu.memref_slice %arg2[%dma_start3A_102] : memref<90000xf32, #tpu.memory_space<hbm>> -> memref<90000xf32, #tpu.memory_space<hbm>>
      tpu.enqueue_indirect_dma source(%dma_start3A_103 : memref<90000xf32, #tpu.memory_space<hbm>>) target(%arg20 : memref<6000xf32, #tpu.memory_space<vmem>>) offsets(%arg17 : memref<6000xi32, #tpu.memory_space<vmem>>) semaphore(%arg26 : memref<!tpu.dma_semaphore, #tpu.memory_space<semaphore_mem>>)
      %dma_start3A_104 = arith.constant 0 : i32
      %dma_start3A_105 = tpu.memref_slice %arg3[%dma_start3A_104] : memref<90000xf32, #tpu.memory_space<hbm>> -> memref<90000xf32, #tpu.memory_space<hbm>>
      tpu.enqueue_indirect_dma source(%dma_start3A_105 : memref<90000xf32, #tpu.memory_space<hbm>>) target(%arg21 : memref<6000xf32, #tpu.memory_space<vmem>>) offsets(%arg18 : memref<6000xi32, #tpu.memory_space<vmem>>) semaphore(%arg26 : memref<!tpu.dma_semaphore, #tpu.memory_space<semaphore_mem>>)
      %mul3A_106 = arith.constant 2 : i32
      %mul3A_107 = arith.muli %mul3A_106, %scan3A_63 : i32
      %mul3A_108 = arith.constant 6000 : i32
      %mul3A_109 = arith.muli %mul3A_107, %mul3A_108 : i32
      %add3A_110 = arith.addi %mul3A_2, %mul3A_109 : i32
      %dma_start3A_111 = tpu.memref_slice %arg8[%add3A_110] : memref<2880000xf32, #tpu.memory_space<hbm>> -> memref<6000xf32, #tpu.memory_space<hbm>>
      %dma_start3A_112 = tpu.memref_slice %arg8[%add3A_110] : memref<2880000xf32, #tpu.memory_space<hbm>> -> memref<6000xf32, #tpu.memory_space<hbm>>
      tpu.enqueue_dma source(%arg16 : memref<6000xf32, #tpu.memory_space<vmem>>) target(%dma_start3A_112 : memref<6000xf32, #tpu.memory_space<hbm>>) target_semaphore(%arg27 : memref<!tpu.dma_semaphore, #tpu.memory_space<semaphore_mem>>)
      %dma_start3A_113 = arith.constant 0 : i32
      %dma_start3A_114 = tpu.memref_slice %arg10[%dma_start3A_113] : memref<90112xf32, #tpu.memory_space<vmem_shared>> -> memref<90112xf32, #tpu.memory_space<vmem_shared>>
      tpu.enqueue_indirect_dma source(%arg16 : memref<6000xf32, #tpu.memory_space<vmem>>) target(%dma_start3A_114 : memref<90112xf32, #tpu.memory_space<vmem_shared>>) offsets(%arg12 : memref<6000xi32, #tpu.memory_space<vmem>>) semaphore(%arg29 : memref<!tpu.dma_semaphore, #tpu.memory_space<semaphore_mem>>) {add = true}
      %dma_wait3A_115 = arith.constant 0 : i32
      %dma_wait3A_116 = tpu.memref_slice %arg10[%dma_wait3A_115] : memref<90112xf32, #tpu.memory_space<vmem_shared>> -> memref<90112xf32, #tpu.memory_space<vmem_shared>>
      tpu.wait_indirect_dma semaphore(%arg29 : memref<!tpu.dma_semaphore, #tpu.memory_space<semaphore_mem>>) src(%arg16 : memref<6000xf32, #tpu.memory_space<vmem>>) dst(%dma_wait3A_116 : memref<90112xf32, #tpu.memory_space<vmem_shared>>)
      %mul3A_117 = arith.constant 2 : i32
      %mul3A_118 = arith.muli %mul3A_117, %scan3A_63 : i32
      %mul3A_119 = arith.constant 6000 : i32
      %mul3A_120 = arith.muli %mul3A_118, %mul3A_119 : i32
      %add3A_121 = arith.addi %mul3A_2, %mul3A_120 : i32
      %dma_wait3A_122 = tpu.memref_slice %arg8[%add3A_121] : memref<2880000xf32, #tpu.memory_space<hbm>> -> memref<6000xf32, #tpu.memory_space<hbm>>
      %dma_wait3A_123 = tpu.memref_slice %arg8[%add3A_121] : memref<2880000xf32, #tpu.memory_space<hbm>> -> memref<6000xf32, #tpu.memory_space<hbm>>
      tpu.wait_dma2 semaphore(%arg27 : memref<!tpu.dma_semaphore, #tpu.memory_space<semaphore_mem>>) src(%arg16 : memref<6000xf32, #tpu.memory_space<vmem>>) dst(%dma_wait3A_123 : memref<6000xf32, #tpu.memory_space<hbm>>)
      %mul3A_124 = arith.constant 2 : i32
      %mul3A_125 = arith.muli %mul3A_124, %scan3A_63 : i32
      %add3A_126 = arith.constant 2 : i32
      %add3A_127 = arith.addi %mul3A_125, %add3A_126 : i32
      %mul3A_128 = arith.constant 6000 : i32
      %mul3A_129 = arith.muli %add3A_127, %mul3A_128 : i32
      %add3A_130 = arith.addi %mul3A_2, %mul3A_129 : i32
      %dma_start3A_131 = tpu.memref_slice %arg4[%add3A_130] : memref<2880000xi32, #tpu.memory_space<hbm>> -> memref<6000xi32, #tpu.memory_space<hbm>>
      %dma_start3A_132 = tpu.memref_slice %arg4[%add3A_130] : memref<2880000xi32, #tpu.memory_space<hbm>> -> memref<6000xi32, #tpu.memory_space<hbm>>
      tpu.enqueue_dma source(%dma_start3A_132 : memref<6000xi32, #tpu.memory_space<hbm>>) target(%arg11 : memref<6000xi32, #tpu.memory_space<vmem>>) target_semaphore(%arg23 : memref<!tpu.dma_semaphore, #tpu.memory_space<semaphore_mem>>)
      %dma_start3A_133 = tpu.memref_slice %arg5[%add3A_130] : memref<2880000xi32, #tpu.memory_space<hbm>> -> memref<6000xi32, #tpu.memory_space<hbm>>
      %dma_start3A_134 = tpu.memref_slice %arg5[%add3A_130] : memref<2880000xi32, #tpu.memory_space<hbm>> -> memref<6000xi32, #tpu.memory_space<hbm>>
      tpu.enqueue_dma source(%dma_start3A_134 : memref<6000xi32, #tpu.memory_space<hbm>>) target(%arg12 : memref<6000xi32, #tpu.memory_space<vmem>>) target_semaphore(%arg23 : memref<!tpu.dma_semaphore, #tpu.memory_space<semaphore_mem>>)
      %dma_start3A_135 = tpu.memref_slice %arg6[%add3A_130] : memref<2880000xf32, #tpu.memory_space<hbm>> -> memref<6000xf32, #tpu.memory_space<hbm>>
      %dma_start3A_136 = tpu.memref_slice %arg6[%add3A_130] : memref<2880000xf32, #tpu.memory_space<hbm>> -> memref<6000xf32, #tpu.memory_space<hbm>>
      tpu.enqueue_dma source(%dma_start3A_136 : memref<6000xf32, #tpu.memory_space<hbm>>) target(%arg13 : memref<6000xf32, #tpu.memory_space<vmem>>) target_semaphore(%arg23 : memref<!tpu.dma_semaphore, #tpu.memory_space<semaphore_mem>>)
      %dma_wait3A_137 = arith.constant 0 : i32
      %dma_wait3A_138 = tpu.memref_slice %arg2[%dma_wait3A_137] : memref<90000xf32, #tpu.memory_space<hbm>> -> memref<90000xf32, #tpu.memory_space<hbm>>
      tpu.wait_indirect_dma semaphore(%arg26 : memref<!tpu.dma_semaphore, #tpu.memory_space<semaphore_mem>>) src(%dma_wait3A_138 : memref<90000xf32, #tpu.memory_space<hbm>>) dst(%arg20 : memref<6000xf32, #tpu.memory_space<vmem>>)
      %dma_wait3A_139 = arith.constant 0 : i32
      %dma_wait3A_140 = tpu.memref_slice %arg3[%dma_wait3A_139] : memref<90000xf32, #tpu.memory_space<hbm>> -> memref<90000xf32, #tpu.memory_space<hbm>>
      tpu.wait_indirect_dma semaphore(%arg26 : memref<!tpu.dma_semaphore, #tpu.memory_space<semaphore_mem>>) src(%dma_wait3A_140 : memref<90000xf32, #tpu.memory_space<hbm>>) dst(%arg21 : memref<6000xf32, #tpu.memory_space<vmem>>)
      %scan3A_141 = arith.constant 0 : i32
      %scan3A_142 = arith.constant 0 : i32
      %scan3A_143 = arith.constant 375 : i32
      %scan3A_144 = arith.addi %scan3A_142, %scan3A_143 : i32
      %scan3A_145 = arith.constant 1 : i32
      scf.for %scan3A_175 = %scan3A_142 to %scan3A_144 step %scan3A_145  : i32 {
        %mul3A_176 = arith.constant 16 : i32
        %mul3A_177 = arith.muli %scan3A_175, %mul3A_176 : i32
        %get3A = arith.index_cast %mul3A_177 : i32 to index
        %get3A_178 = tpu.vector_load %arg20[%get3A] {strides = array<i32>} : memref<6000xf32, #tpu.memory_space<vmem>>, vector<16xf32>,
        %get3A_179 = vector.shape_cast %get3A_178 : vector<16xf32> to vector<16xf32>
        %get3A_180 = arith.index_cast %mul3A_177 : i32 to index
        %get3A_181 = tpu.vector_load %arg21[%get3A_180] {strides = array<i32>} : memref<6000xf32, #tpu.memory_space<vmem>>, vector<16xf32>,
        %get3A_182 = vector.shape_cast %get3A_181 : vector<16xf32> to vector<16xf32>
        %add3A_183 = arith.addf %get3A_179, %get3A_182 : vector<16xf32>
        %neg3A = arith.constant 0.000000e+00 : f32
        %neg3A_184 = vector.broadcast %neg3A : f32 to vector<16xf32>
        %neg3A_185 = arith.subf %neg3A_184, %add3A_183 : vector<16xf32>
        %exp3A = math.exp %neg3A_185 : vector<16xf32>
        %add3A_186 = arith.constant 1.000000e+00 : f32
        %add3A_187 = vector.broadcast %add3A_186 : f32 to vector<16xf32>
        %add3A_188 = arith.addf %add3A_187, %exp3A : vector<16xf32>
        %div3A = arith.constant 1.000000e+00 : f32
        %div3A_189 = vector.broadcast %div3A : f32 to vector<16xf32>
        %div3A_190 = arith.divf %div3A_189, %add3A_188 : vector<16xf32>
        %get3A_191 = arith.index_cast %mul3A_177 : i32 to index
        %get3A_192 = tpu.vector_load %arg19[%get3A_191] {strides = array<i32>} : memref<6000xf32, #tpu.memory_space<vmem>>, vector<16xf32>,
        %get3A_193 = vector.shape_cast %get3A_192 : vector<16xf32> to vector<16xf32>
        %mul3A_194 = arith.mulf %get3A_193, %div3A_190 : vector<16xf32>
        %swap3A = arith.index_cast %mul3A_177 : i32 to index
        %swap3A_195 = tpu.vector_load %arg22[%swap3A] {strides = array<i32>} : memref<6000xf32, #tpu.memory_space<vmem>>, vector<16xf32>,
        %swap3A_196 = vector.shape_cast %swap3A_195 : vector<16xf32> to vector<16xf32>
        %swap3A_197 = vector.shape_cast %mul3A_194 : vector<16xf32> to vector<16xf32>
        tpu.vector_store %arg22[%swap3A], %swap3A_197 {strides = array<i32>} : memref<6000xf32, #tpu.memory_space<vmem>>, vector<16xf32>,
      }
      %scan3A_146 = arith.constant 375 : i32
      %mul3A_147 = arith.constant 2 : i32
      %mul3A_148 = arith.muli %mul3A_147, %scan3A_63 : i32
      %add3A_149 = arith.constant 2 : i32
      %add3A_150 = arith.addi %mul3A_148, %add3A_149 : i32
      %mul3A_151 = arith.constant 6000 : i32
      %mul3A_152 = arith.muli %add3A_150, %mul3A_151 : i32
      %add3A_153 = arith.addi %mul3A_2, %mul3A_152 : i32
      %dma_wait3A_154 = tpu.memref_slice %arg4[%add3A_153] : memref<2880000xi32, #tpu.memory_space<hbm>> -> memref<6000xi32, #tpu.memory_space<hbm>>
      %dma_wait3A_155 = tpu.memref_slice %arg4[%add3A_153] : memref<2880000xi32, #tpu.memory_space<hbm>> -> memref<6000xi32, #tpu.memory_space<hbm>>
      tpu.wait_dma2 semaphore(%arg23 : memref<!tpu.dma_semaphore, #tpu.memory_space<semaphore_mem>>) src(%dma_wait3A_155 : memref<6000xi32, #tpu.memory_space<hbm>>) dst(%arg11 : memref<6000xi32, #tpu.memory_space<vmem>>)
      %dma_wait3A_156 = tpu.memref_slice %arg5[%add3A_153] : memref<2880000xi32, #tpu.memory_space<hbm>> -> memref<6000xi32, #tpu.memory_space<hbm>>
      %dma_wait3A_157 = tpu.memref_slice %arg5[%add3A_153] : memref<2880000xi32, #tpu.memory_space<hbm>> -> memref<6000xi32, #tpu.memory_space<hbm>>
      tpu.wait_dma2 semaphore(%arg23 : memref<!tpu.dma_semaphore, #tpu.memory_space<semaphore_mem>>) src(%dma_wait3A_157 : memref<6000xi32, #tpu.memory_space<hbm>>) dst(%arg12 : memref<6000xi32, #tpu.memory_space<vmem>>)
      %dma_wait3A_158 = tpu.memref_slice %arg6[%add3A_153] : memref<2880000xf32, #tpu.memory_space<hbm>> -> memref<6000xf32, #tpu.memory_space<hbm>>
      %dma_wait3A_159 = tpu.memref_slice %arg6[%add3A_153] : memref<2880000xf32, #tpu.memory_space<hbm>> -> memref<6000xf32, #tpu.memory_space<hbm>>
      tpu.wait_dma2 semaphore(%arg23 : memref<!tpu.dma_semaphore, #tpu.memory_space<semaphore_mem>>) src(%dma_wait3A_159 : memref<6000xf32, #tpu.memory_space<hbm>>) dst(%arg13 : memref<6000xf32, #tpu.memory_space<vmem>>)
      %dma_start3A_160 = arith.constant 0 : i32
      %dma_start3A_161 = tpu.memref_slice %arg2[%dma_start3A_160] : memref<90000xf32, #tpu.memory_space<hbm>> -> memref<90000xf32, #tpu.memory_space<hbm>>
      tpu.enqueue_indirect_dma source(%dma_start3A_161 : memref<90000xf32, #tpu.memory_space<hbm>>) target(%arg14 : memref<6000xf32, #tpu.memory_space<vmem>>) offsets(%arg11 : memref<6000xi32, #tpu.memory_space<vmem>>) semaphore(%arg25 : memref<!tpu.dma_semaphore, #tpu.memory_space<semaphore_mem>>)
      %dma_start3A_162 = arith.constant 0 : i32
      %dma_start3A_163 = tpu.memref_slice %arg3[%dma_start3A_162] : memref<90000xf32, #tpu.memory_space<hbm>> -> memref<90000xf32, #tpu.memory_space<hbm>>
      tpu.enqueue_indirect_dma source(%dma_start3A_163 : memref<90000xf32, #tpu.memory_space<hbm>>) target(%arg15 : memref<6000xf32, #tpu.memory_space<vmem>>) offsets(%arg12 : memref<6000xi32, #tpu.memory_space<vmem>>) semaphore(%arg25 : memref<!tpu.dma_semaphore, #tpu.memory_space<semaphore_mem>>)
      %mul3A_164 = arith.constant 2 : i32
      %mul3A_165 = arith.muli %mul3A_164, %scan3A_63 : i32
      %add3A_166 = arith.constant 1 : i32
      %add3A_167 = arith.addi %mul3A_165, %add3A_166 : i32
      %mul3A_168 = arith.constant 6000 : i32
      %mul3A_169 = arith.muli %add3A_167, %mul3A_168 : i32
      %add3A_170 = arith.addi %mul3A_2, %mul3A_169 : i32
      %dma_start3A_171 = tpu.memref_slice %arg8[%add3A_170] : memref<2880000xf32, #tpu.memory_space<hbm>> -> memref<6000xf32, #tpu.memory_space<hbm>>
      %dma_start3A_172 = tpu.memref_slice %arg8[%add3A_170] : memref<2880000xf32, #tpu.memory_space<hbm>> -> memref<6000xf32, #tpu.memory_space<hbm>>
      tpu.enqueue_dma source(%arg22 : memref<6000xf32, #tpu.memory_space<vmem>>) target(%dma_start3A_172 : memref<6000xf32, #tpu.memory_space<hbm>>) target_semaphore(%arg28 : memref<!tpu.dma_semaphore, #tpu.memory_space<semaphore_mem>>)
      %dma_start3A_173 = arith.constant 0 : i32
      %dma_start3A_174 = tpu.memref_slice %arg10[%dma_start3A_173] : memref<90112xf32, #tpu.memory_space<vmem_shared>> -> memref<90112xf32, #tpu.memory_space<vmem_shared>>
      tpu.enqueue_indirect_dma source(%arg22 : memref<6000xf32, #tpu.memory_space<vmem>>) target(%dma_start3A_174 : memref<90112xf32, #tpu.memory_space<vmem_shared>>) offsets(%arg18 : memref<6000xi32, #tpu.memory_space<vmem>>) semaphore(%arg30 : memref<!tpu.dma_semaphore, #tpu.memory_space<semaphore_mem>>) {add = true}
    }
    %scan3A_29 = arith.constant 7 : i32
    %dma_wait3A_30 = arith.constant 0 : i32
    %dma_wait3A_31 = tpu.memref_slice %arg10[%dma_wait3A_30] : memref<90112xf32, #tpu.memory_space<vmem_shared>> -> memref<90112xf32, #tpu.memory_space<vmem_shared>>
    tpu.wait_indirect_dma semaphore(%arg30 : memref<!tpu.dma_semaphore, #tpu.memory_space<semaphore_mem>>) src(%arg22 : memref<6000xf32, #tpu.memory_space<vmem>>) dst(%dma_wait3A_31 : memref<90112xf32, #tpu.memory_space<vmem_shared>>)
    %add3A_32 = arith.constant 78000 : i32
    %add3A_33 = arith.addi %mul3A_2, %add3A_32 : i32
    %dma_wait3A_34 = tpu.memref_slice %arg8[%add3A_33] : memref<2880000xf32, #tpu.memory_space<hbm>> -> memref<6000xf32, #tpu.memory_space<hbm>>
    %dma_wait3A_35 = tpu.memref_slice %arg8[%add3A_33] : memref<2880000xf32, #tpu.memory_space<hbm>> -> memref<6000xf32, #tpu.memory_space<hbm>>
    tpu.wait_dma2 semaphore(%arg28 : memref<!tpu.dma_semaphore, #tpu.memory_space<semaphore_mem>>) src(%arg22 : memref<6000xf32, #tpu.memory_space<vmem>>) dst(%dma_wait3A_35 : memref<6000xf32, #tpu.memory_space<hbm>>)
    %dma_wait3A_36 = arith.constant 0 : i32
    %dma_wait3A_37 = tpu.memref_slice %arg2[%dma_wait3A_36] : memref<90000xf32, #tpu.memory_space<hbm>> -> memref<90000xf32, #tpu.memory_space<hbm>>
    tpu.wait_indirect_dma semaphore(%arg25 : memref<!tpu.dma_semaphore, #tpu.memory_space<semaphore_mem>>) src(%dma_wait3A_37 : memref<90000xf32, #tpu.memory_space<hbm>>) dst(%arg14 : memref<6000xf32, #tpu.memory_space<vmem>>)
    %dma_wait3A_38 = arith.constant 0 : i32
    %dma_wait3A_39 = tpu.memref_slice %arg3[%dma_wait3A_38] : memref<90000xf32, #tpu.memory_space<hbm>> -> memref<90000xf32, #tpu.memory_space<hbm>>
    tpu.wait_indirect_dma semaphore(%arg25 : memref<!tpu.dma_semaphore, #tpu.memory_space<semaphore_mem>>) src(%dma_wait3A_39 : memref<90000xf32, #tpu.memory_space<hbm>>) dst(%arg15 : memref<6000xf32, #tpu.memory_space<vmem>>)
    %scan3A_40 = arith.constant 0 : i32
    %scan3A_41 = arith.constant 0 : i32
    %scan3A_42 = arith.constant 375 : i32
    %scan3A_43 = arith.addi %scan3A_41, %scan3A_42 : i32
    %scan3A_44 = arith.constant 1 : i32
    scf.for %scan3A_63 = %scan3A_41 to %scan3A_43 step %scan3A_44  : i32 {
      %mul3A_64 = arith.constant 16 : i32
      %mul3A_65 = arith.muli %scan3A_63, %mul3A_64 : i32
      %get3A = arith.index_cast %mul3A_65 : i32 to index
      %get3A_66 = tpu.vector_load %arg14[%get3A] {strides = array<i32>} : memref<6000xf32, #tpu.memory_space<vmem>>, vector<16xf32>,
      %get3A_67 = vector.shape_cast %get3A_66 : vector<16xf32> to vector<16xf32>
      %get3A_68 = arith.index_cast %mul3A_65 : i32 to index
      %get3A_69 = tpu.vector_load %arg15[%get3A_68] {strides = array<i32>} : memref<6000xf32, #tpu.memory_space<vmem>>, vector<16xf32>,
      %get3A_70 = vector.shape_cast %get3A_69 : vector<16xf32> to vector<16xf32>
      %add3A_71 = arith.addf %get3A_67, %get3A_70 : vector<16xf32>
      %neg3A = arith.constant 0.000000e+00 : f32
      %neg3A_72 = vector.broadcast %neg3A : f32 to vector<16xf32>
      %neg3A_73 = arith.subf %neg3A_72, %add3A_71 : vector<16xf32>
      %exp3A = math.exp %neg3A_73 : vector<16xf32>
      %add3A_74 = arith.constant 1.000000e+00 : f32
      %add3A_75 = vector.broadcast %add3A_74 : f32 to vector<16xf32>
      %add3A_76 = arith.addf %add3A_75, %exp3A : vector<16xf32>
      %div3A = arith.constant 1.000000e+00 : f32
      %div3A_77 = vector.broadcast %div3A : f32 to vector<16xf32>
      %div3A_78 = arith.divf %div3A_77, %add3A_76 : vector<16xf32>
      %get3A_79 = arith.index_cast %mul3A_65 : i32 to index
      %get3A_80 = tpu.vector_load %arg13[%get3A_79] {strides = array<i32>} : memref<6000xf32, #tpu.memory_space<vmem>>, vector<16xf32>,
      %get3A_81 = vector.shape_cast %get3A_80 : vector<16xf32> to vector<16xf32>
      %mul3A_82 = arith.mulf %get3A_81, %div3A_78 : vector<16xf32>
      %swap3A = arith.index_cast %mul3A_65 : i32 to index
      %swap3A_83 = tpu.vector_load %arg16[%swap3A] {strides = array<i32>} : memref<6000xf32, #tpu.memory_space<vmem>>, vector<16xf32>,
      %swap3A_84 = vector.shape_cast %swap3A_83 : vector<16xf32> to vector<16xf32>
      %swap3A_85 = vector.shape_cast %mul3A_82 : vector<16xf32> to vector<16xf32>
      tpu.vector_store %arg16[%swap3A], %swap3A_85 {strides = array<i32>} : memref<6000xf32, #tpu.memory_space<vmem>>, vector<16xf32>,
    }
    %scan3A_45 = arith.constant 375 : i32
    %add3A_46 = arith.constant 84000 : i32
    %add3A_47 = arith.addi %mul3A_2, %add3A_46 : i32
    %dma_start3A_48 = tpu.memref_slice %arg8[%add3A_47] : memref<2880000xf32, #tpu.memory_space<hbm>> -> memref<6000xf32, #tpu.memory_space<hbm>>
    %dma_start3A_49 = tpu.memref_slice %arg8[%add3A_47] : memref<2880000xf32, #tpu.memory_space<hbm>> -> memref<6000xf32, #tpu.memory_space<hbm>>
    tpu.enqueue_dma source(%arg16 : memref<6000xf32, #tpu.memory_space<vmem>>) target(%dma_start3A_49 : memref<6000xf32, #tpu.memory_space<hbm>>) target_semaphore(%arg27 : memref<!tpu.dma_semaphore, #tpu.memory_space<semaphore_mem>>)
    %dma_start3A_50 = arith.constant 0 : i32
    %dma_start3A_51 = tpu.memref_slice %arg10[%dma_start3A_50] : memref<90112xf32, #tpu.memory_space<vmem_shared>> -> memref<90112xf32, #tpu.memory_space<vmem_shared>>
    tpu.enqueue_indirect_dma source(%arg16 : memref<6000xf32, #tpu.memory_space<vmem>>) target(%dma_start3A_51 : memref<90112xf32, #tpu.memory_space<vmem_shared>>) offsets(%arg12 : memref<6000xi32, #tpu.memory_space<vmem>>) semaphore(%arg29 : memref<!tpu.dma_semaphore, #tpu.memory_space<semaphore_mem>>) {add = true}
    %dma_wait3A_52 = arith.constant 0 : i32
    %dma_wait3A_53 = tpu.memref_slice %arg10[%dma_wait3A_52] : memref<90112xf32, #tpu.memory_space<vmem_shared>> -> memref<90112xf32, #tpu.memory_space<vmem_shared>>
    tpu.wait_indirect_dma semaphore(%arg29 : memref<!tpu.dma_semaphore, #tpu.memory_space<semaphore_mem>>) src(%arg16 : memref<6000xf32, #tpu.memory_space<vmem>>) dst(%dma_wait3A_53 : memref<90112xf32, #tpu.memory_space<vmem_shared>>)
    %add3A_54 = arith.constant 84000 : i32
    %add3A_55 = arith.addi %mul3A_2, %add3A_54 : i32
    %dma_wait3A_56 = tpu.memref_slice %arg8[%add3A_55] : memref<2880000xf32, #tpu.memory_space<hbm>> -> memref<6000xf32, #tpu.memory_space<hbm>>
    %dma_wait3A_57 = tpu.memref_slice %arg8[%add3A_55] : memref<2880000xf32, #tpu.memory_space<hbm>> -> memref<6000xf32, #tpu.memory_space<hbm>>
    tpu.wait_dma2 semaphore(%arg27 : memref<!tpu.dma_semaphore, #tpu.memory_space<semaphore_mem>>) src(%arg16 : memref<6000xf32, #tpu.memory_space<vmem>>) dst(%dma_wait3A_57 : memref<6000xf32, #tpu.memory_space<hbm>>)
    %barrier3A_58 = arith.constant 0 : index
    tpu.barrier barrier_id(%barrier3A_58)
    %mul3A_59 = arith.constant 5632 : i32
    %mul3A_60 = arith.muli %arg1, %mul3A_59 : i32
    %mul3A_61 = arith.constant 5632 : i32
    %mul3A_62 = arith.muli %arg1, %mul3A_61 : i32
    "tpu.region"() ({
      %run_scoped3A = tpu.sem_alloc : memref<!tpu.dma_semaphore, #tpu.memory_space<semaphore_mem>>
      %dma_start3A_63 = tpu.memref_slice %arg9[%arg0, %mul3A_62] : memref<2x90112xf32, #tpu.memory_space<hbm>> -> memref<1x5632xf32, #tpu.memory_space<hbm>>
      %dma_start3A_64 = tpu.memref_squeeze %dma_start3A_63 : memref<1x5632xf32, #tpu.memory_space<hbm>> -> memref<5632xf32, #tpu.memory_space<hbm>>
      %dma_start3A_65 = tpu.memref_slice %arg10[%mul3A_60] : memref<90112xf32, #tpu.memory_space<vmem_shared>> -> memref<5632xf32, #tpu.memory_space<vmem_shared>>
      tpu.enqueue_dma source(%dma_start3A_65 : memref<5632xf32, #tpu.memory_space<vmem_shared>>) target(%dma_start3A_64 : memref<5632xf32, #tpu.memory_space<hbm>>) target_semaphore(%run_scoped3A : memref<!tpu.dma_semaphore, #tpu.memory_space<semaphore_mem>>)
      %dma_wait3A_66 = tpu.memref_slice %arg9[%arg0, %mul3A_62] : memref<2x90112xf32, #tpu.memory_space<hbm>> -> memref<1x5632xf32, #tpu.memory_space<hbm>>
      %dma_wait3A_67 = tpu.memref_squeeze %dma_wait3A_66 : memref<1x5632xf32, #tpu.memory_space<hbm>> -> memref<5632xf32, #tpu.memory_space<hbm>>
      %dma_wait3A_68 = tpu.memref_slice %arg10[%mul3A_60] : memref<90112xf32, #tpu.memory_space<vmem_shared>> -> memref<5632xf32, #tpu.memory_space<vmem_shared>>
      tpu.wait_dma2 semaphore(%run_scoped3A : memref<!tpu.dma_semaphore, #tpu.memory_space<semaphore_mem>>) src(%dma_wait3A_68 : memref<5632xf32, #tpu.memory_space<vmem_shared>>) dst(%dma_wait3A_67 : memref<5632xf32, #tpu.memory_space<hbm>>)
      tpu.yield
    }) : () -> ()
    return
  }
}

#map = affine_map<(d0, d1) -> (0, 0)>
#map1 = affine_map<(d0, d1) -> (0)>
#map2 = affine_map<(d0, d1) -> (0, 0, 0)>
module attributes {stable_mosaic.version = 14 : i64} {
  func.func @_sc_agg(%arg0: i32, %arg1: i32, %arg2: memref<90000x16xf32, #tpu.memory_space<hbm>>, %arg3: memref<2880000xi32, #tpu.memory_space<hbm>>, %arg4: memref<2880000xi32, #tpu.memory_space<hbm>>, %arg5: memref<2880000xf32, #tpu.memory_space<hbm>>, %arg6: memref<90112x16xf32, #tpu.memory_space<hbm>>, %arg7: memref<2x90112x16xf32, #tpu.memory_space<hbm>>, %arg8: memref<90112x16xf32, #tpu.memory_space<vmem_shared>>, %arg9: memref<720xi32, #tpu.memory_space<vmem>>, %arg10: memref<720xi32, #tpu.memory_space<vmem>>, %arg11: memref<720xf32, #tpu.memory_space<vmem>>, %arg12: memref<720x16xf32, #tpu.memory_space<vmem>>, %arg13: memref<720xi32, #tpu.memory_space<vmem>>, %arg14: memref<720xi32, #tpu.memory_space<vmem>>, %arg15: memref<720xf32, #tpu.memory_space<vmem>>, %arg16: memref<720x16xf32, #tpu.memory_space<vmem>>, %arg17: memref<!tpu.dma_semaphore, #tpu.memory_space<semaphore_mem>>, %arg18: memref<!tpu.dma_semaphore, #tpu.memory_space<semaphore_mem>>, %arg19: memref<!tpu.dma_semaphore, #tpu.memory_space<semaphore_mem>>, %arg20: memref<!tpu.dma_semaphore, #tpu.memory_space<semaphore_mem>>, %arg21: memref<!tpu.dma_semaphore, #tpu.memory_space<semaphore_mem>>, %arg22: memref<!tpu.dma_semaphore, #tpu.memory_space<semaphore_mem>>) attributes {dimension_semantics = [#tpu.dimension_semantics<core_parallel>, #tpu.dimension_semantics<subcore_parallel>], iteration_bounds = array<i64: 2, 16>, scalar_prefetch = 0 : i64, scratch_operands = 15 : i64, tpu.core_type = #tpu.core_type<sc_vector_subcore>, window_params = [{transform_indices = #map}, {transform_indices = #map1}, {transform_indices = #map1}, {transform_indices = #map1}, {transform_indices = #map}, {transform_indices = #map2}]} {
    %mul3A = arith.constant 2 : i32
    %mul3A_0 = arith.muli %arg1, %mul3A : i32
    %add3A = arith.addi %mul3A_0, %arg0 : i32
    %mul3A_1 = arith.constant 90000 : i32
    %mul3A_2 = arith.muli %add3A, %mul3A_1 : i32
    %mul3A_3 = arith.constant 5632 : i32
    %mul3A_4 = arith.muli %arg1, %mul3A_3 : i32
    %mul3A_5 = arith.constant 5632 : i32
    %mul3A_6 = arith.muli %arg1, %mul3A_5 : i32
    "tpu.region"() ({
      %run_scoped3A = tpu.sem_alloc : memref<!tpu.dma_semaphore, #tpu.memory_space<semaphore_mem>>
      %dma_start3A_52 = arith.constant 0 : i32
      %dma_start3A_53 = tpu.memref_slice %arg8[%mul3A_6, %dma_start3A_52] : memref<90112x16xf32, #tpu.memory_space<vmem_shared>> -> memref<5632x16xf32, #tpu.memory_space<vmem_shared>>
      %dma_start3A_54 = arith.constant 0 : i32
      %dma_start3A_55 = tpu.memref_slice %arg6[%mul3A_4, %dma_start3A_54] : memref<90112x16xf32, #tpu.memory_space<hbm>> -> memref<5632x16xf32, #tpu.memory_space<hbm>>
      tpu.enqueue_dma source(%dma_start3A_55 : memref<5632x16xf32, #tpu.memory_space<hbm>>) target(%dma_start3A_53 : memref<5632x16xf32, #tpu.memory_space<vmem_shared>>) target_semaphore(%run_scoped3A : memref<!tpu.dma_semaphore, #tpu.memory_space<semaphore_mem>>)
      %dma_wait3A_56 = arith.constant 0 : i32
      %dma_wait3A_57 = tpu.memref_slice %arg8[%mul3A_6, %dma_wait3A_56] : memref<90112x16xf32, #tpu.memory_space<vmem_shared>> -> memref<5632x16xf32, #tpu.memory_space<vmem_shared>>
      %dma_wait3A_58 = arith.constant 0 : i32
      %dma_wait3A_59 = tpu.memref_slice %arg6[%mul3A_4, %dma_wait3A_58] : memref<90112x16xf32, #tpu.memory_space<hbm>> -> memref<5632x16xf32, #tpu.memory_space<hbm>>
      tpu.wait_dma2 semaphore(%run_scoped3A : memref<!tpu.dma_semaphore, #tpu.memory_space<semaphore_mem>>) src(%dma_wait3A_59 : memref<5632x16xf32, #tpu.memory_space<hbm>>) dst(%dma_wait3A_57 : memref<5632x16xf32, #tpu.memory_space<vmem_shared>>)
      tpu.yield
    }) : () -> ()
    %barrier3A = arith.constant 0 : index
    tpu.barrier barrier_id(%barrier3A)
    %add3A_7 = arith.constant 0 : i32
    %add3A_8 = arith.addi %mul3A_2, %add3A_7 : i32
    %dma_start3A = tpu.memref_slice %arg3[%add3A_8] : memref<2880000xi32, #tpu.memory_space<hbm>> -> memref<720xi32, #tpu.memory_space<hbm>>
    %dma_start3A_9 = tpu.memref_slice %arg3[%add3A_8] : memref<2880000xi32, #tpu.memory_space<hbm>> -> memref<720xi32, #tpu.memory_space<hbm>>
    tpu.enqueue_dma source(%dma_start3A_9 : memref<720xi32, #tpu.memory_space<hbm>>) target(%arg9 : memref<720xi32, #tpu.memory_space<vmem>>) target_semaphore(%arg17 : memref<!tpu.dma_semaphore, #tpu.memory_space<semaphore_mem>>)
    %dma_start3A_10 = tpu.memref_slice %arg4[%add3A_8] : memref<2880000xi32, #tpu.memory_space<hbm>> -> memref<720xi32, #tpu.memory_space<hbm>>
    %dma_start3A_11 = tpu.memref_slice %arg4[%add3A_8] : memref<2880000xi32, #tpu.memory_space<hbm>> -> memref<720xi32, #tpu.memory_space<hbm>>
    tpu.enqueue_dma source(%dma_start3A_11 : memref<720xi32, #tpu.memory_space<hbm>>) target(%arg10 : memref<720xi32, #tpu.memory_space<vmem>>) target_semaphore(%arg17 : memref<!tpu.dma_semaphore, #tpu.memory_space<semaphore_mem>>)
    %dma_start3A_12 = tpu.memref_slice %arg5[%add3A_8] : memref<2880000xf32, #tpu.memory_space<hbm>> -> memref<720xf32, #tpu.memory_space<hbm>>
    %dma_start3A_13 = tpu.memref_slice %arg5[%add3A_8] : memref<2880000xf32, #tpu.memory_space<hbm>> -> memref<720xf32, #tpu.memory_space<hbm>>
    tpu.enqueue_dma source(%dma_start3A_13 : memref<720xf32, #tpu.memory_space<hbm>>) target(%arg11 : memref<720xf32, #tpu.memory_space<vmem>>) target_semaphore(%arg17 : memref<!tpu.dma_semaphore, #tpu.memory_space<semaphore_mem>>)
    %add3A_14 = arith.constant 0 : i32
    %add3A_15 = arith.addi %mul3A_2, %add3A_14 : i32
    %dma_wait3A = tpu.memref_slice %arg3[%add3A_15] : memref<2880000xi32, #tpu.memory_space<hbm>> -> memref<720xi32, #tpu.memory_space<hbm>>
    %dma_wait3A_16 = tpu.memref_slice %arg3[%add3A_15] : memref<2880000xi32, #tpu.memory_space<hbm>> -> memref<720xi32, #tpu.memory_space<hbm>>
    tpu.wait_dma2 semaphore(%arg17 : memref<!tpu.dma_semaphore, #tpu.memory_space<semaphore_mem>>) src(%dma_wait3A_16 : memref<720xi32, #tpu.memory_space<hbm>>) dst(%arg9 : memref<720xi32, #tpu.memory_space<vmem>>)
    %dma_wait3A_17 = tpu.memref_slice %arg4[%add3A_15] : memref<2880000xi32, #tpu.memory_space<hbm>> -> memref<720xi32, #tpu.memory_space<hbm>>
    %dma_wait3A_18 = tpu.memref_slice %arg4[%add3A_15] : memref<2880000xi32, #tpu.memory_space<hbm>> -> memref<720xi32, #tpu.memory_space<hbm>>
    tpu.wait_dma2 semaphore(%arg17 : memref<!tpu.dma_semaphore, #tpu.memory_space<semaphore_mem>>) src(%dma_wait3A_18 : memref<720xi32, #tpu.memory_space<hbm>>) dst(%arg10 : memref<720xi32, #tpu.memory_space<vmem>>)
    %dma_wait3A_19 = tpu.memref_slice %arg5[%add3A_15] : memref<2880000xf32, #tpu.memory_space<hbm>> -> memref<720xf32, #tpu.memory_space<hbm>>
    %dma_wait3A_20 = tpu.memref_slice %arg5[%add3A_15] : memref<2880000xf32, #tpu.memory_space<hbm>> -> memref<720xf32, #tpu.memory_space<hbm>>
    tpu.wait_dma2 semaphore(%arg17 : memref<!tpu.dma_semaphore, #tpu.memory_space<semaphore_mem>>) src(%dma_wait3A_20 : memref<720xf32, #tpu.memory_space<hbm>>) dst(%arg11 : memref<720xf32, #tpu.memory_space<vmem>>)
    %dma_start3A_21 = arith.constant 0 : i32
    %dma_start3A_22 = arith.constant 0 : i32
    %dma_start3A_23 = tpu.memref_slice %arg2[%dma_start3A_21, %dma_start3A_22] : memref<90000x16xf32, #tpu.memory_space<hbm>> -> memref<90000x16xf32, #tpu.memory_space<hbm>>
    tpu.enqueue_indirect_dma source(%dma_start3A_23 : memref<90000x16xf32, #tpu.memory_space<hbm>>) target(%arg12 : memref<720x16xf32, #tpu.memory_space<vmem>>) offsets(%arg9 : memref<720xi32, #tpu.memory_space<vmem>>) semaphore(%arg19 : memref<!tpu.dma_semaphore, #tpu.memory_space<semaphore_mem>>)
    %scan3A = arith.constant 0 : i32
    %scan3A_24 = arith.constant 0 : i32
    %scan3A_25 = arith.constant 62 : i32
    %scan3A_26 = arith.addi %scan3A_24, %scan3A_25 : i32
    %scan3A_27 = arith.constant 1 : i32
    scf.for %scan3A_52 = %scan3A_24 to %scan3A_26 step %scan3A_27  : i32 {
      %ge3A = arith.constant 1 : i32
      %ge3A_53 = arith.cmpi sge, %scan3A_52, %ge3A : i32
      %convert_element_type3A = arith.extui %ge3A_53 : i1 to i32
      %cond3A = arith.constant 0 : i32
      %cond3A_54 = arith.cmpi ne, %convert_element_type3A, %cond3A : i32
      scf.if %cond3A_54 {
        %dma_wait3A_140 = arith.constant 0 : i32
        %dma_wait3A_141 = arith.constant 0 : i32
        %dma_wait3A_142 = tpu.memref_slice %arg8[%dma_wait3A_140, %dma_wait3A_141] : memref<90112x16xf32, #tpu.memory_space<vmem_shared>> -> memref<90112x16xf32, #tpu.memory_space<vmem_shared>>
        tpu.wait_indirect_dma semaphore(%arg22 : memref<!tpu.dma_semaphore, #tpu.memory_space<semaphore_mem>>) src(%arg16 : memref<720x16xf32, #tpu.memory_space<vmem>>) dst(%dma_wait3A_142 : memref<90112x16xf32, #tpu.memory_space<vmem_shared>>)
      } else {
      }
      %mul3A_55 = arith.constant 2 : i32
      %mul3A_56 = arith.muli %mul3A_55, %scan3A_52 : i32
      %add3A_57 = arith.constant 1 : i32
      %add3A_58 = arith.addi %mul3A_56, %add3A_57 : i32
      %mul3A_59 = arith.constant 720 : i32
      %mul3A_60 = arith.muli %add3A_58, %mul3A_59 : i32
      %add3A_61 = arith.addi %mul3A_2, %mul3A_60 : i32
      %dma_start3A_62 = tpu.memref_slice %arg3[%add3A_61] : memref<2880000xi32, #tpu.memory_space<hbm>> -> memref<720xi32, #tpu.memory_space<hbm>>
      %dma_start3A_63 = tpu.memref_slice %arg3[%add3A_61] : memref<2880000xi32, #tpu.memory_space<hbm>> -> memref<720xi32, #tpu.memory_space<hbm>>
      tpu.enqueue_dma source(%dma_start3A_63 : memref<720xi32, #tpu.memory_space<hbm>>) target(%arg13 : memref<720xi32, #tpu.memory_space<vmem>>) target_semaphore(%arg18 : memref<!tpu.dma_semaphore, #tpu.memory_space<semaphore_mem>>)
      %dma_start3A_64 = tpu.memref_slice %arg4[%add3A_61] : memref<2880000xi32, #tpu.memory_space<hbm>> -> memref<720xi32, #tpu.memory_space<hbm>>
      %dma_start3A_65 = tpu.memref_slice %arg4[%add3A_61] : memref<2880000xi32, #tpu.memory_space<hbm>> -> memref<720xi32, #tpu.memory_space<hbm>>
      tpu.enqueue_dma source(%dma_start3A_65 : memref<720xi32, #tpu.memory_space<hbm>>) target(%arg14 : memref<720xi32, #tpu.memory_space<vmem>>) target_semaphore(%arg18 : memref<!tpu.dma_semaphore, #tpu.memory_space<semaphore_mem>>)
      %dma_start3A_66 = tpu.memref_slice %arg5[%add3A_61] : memref<2880000xf32, #tpu.memory_space<hbm>> -> memref<720xf32, #tpu.memory_space<hbm>>
      %dma_start3A_67 = tpu.memref_slice %arg5[%add3A_61] : memref<2880000xf32, #tpu.memory_space<hbm>> -> memref<720xf32, #tpu.memory_space<hbm>>
      tpu.enqueue_dma source(%dma_start3A_67 : memref<720xf32, #tpu.memory_space<hbm>>) target(%arg15 : memref<720xf32, #tpu.memory_space<vmem>>) target_semaphore(%arg18 : memref<!tpu.dma_semaphore, #tpu.memory_space<semaphore_mem>>)
      %dma_wait3A_68 = arith.constant 0 : i32
      %dma_wait3A_69 = arith.constant 0 : i32
      %dma_wait3A_70 = tpu.memref_slice %arg2[%dma_wait3A_68, %dma_wait3A_69] : memref<90000x16xf32, #tpu.memory_space<hbm>> -> memref<90000x16xf32, #tpu.memory_space<hbm>>
      tpu.wait_indirect_dma semaphore(%arg19 : memref<!tpu.dma_semaphore, #tpu.memory_space<semaphore_mem>>) src(%dma_wait3A_70 : memref<90000x16xf32, #tpu.memory_space<hbm>>) dst(%arg12 : memref<720x16xf32, #tpu.memory_space<vmem>>)
      %scan3A_71 = arith.constant 0 : i32
      %scan3A_72 = arith.constant 0 : i32
      %scan3A_73 = arith.constant 45 : i32
      %scan3A_74 = arith.addi %scan3A_72, %scan3A_73 : i32
      %scan3A_75 = arith.constant 1 : i32
      scf.for %scan3A_140 = %scan3A_72 to %scan3A_74 step %scan3A_75  : i32 {
        %mul3A_141 = arith.constant 16 : i32
        %mul3A_142 = arith.muli %scan3A_140, %mul3A_141 : i32
        %get3A = arith.index_cast %mul3A_142 : i32 to index
        %get3A_143 = tpu.vector_load %arg11[%get3A] {strides = array<i32>} : memref<720xf32, #tpu.memory_space<vmem>>, vector<16xf32>,
        %get3A_144 = vector.shape_cast %get3A_143 : vector<16xf32> to vector<16xf32>
        %mul3A_145 = arith.constant 16 : i32
        %mul3A_146 = arith.muli %scan3A_140, %mul3A_145 : i32
        %add3A_147 = arith.constant 0 : i32
        %add3A_148 = arith.addi %mul3A_146, %add3A_147 : i32
        %get3A_149 = arith.index_cast %add3A_148 : i32 to index
        %get3A_150 = arith.constant 0 : index
        %get3A_151 = tpu.vector_load %arg12[%get3A_149, %get3A_150] {strides = array<i32>} : memref<720x16xf32, #tpu.memory_space<vmem>>, vector<1x16xf32>,
        %get3A_152 = vector.shape_cast %get3A_151 : vector<1x16xf32> to vector<16xf32>
        %slice3A = vector.extract_strided_slice %get3A_144 {offsets = [0], sizes = [1], strides = [1]} : vector<16xf32> to vector<1xf32>
        %squeeze3A = vector.extract %slice3A[0] : f32 from vector<1xf32>
        %broadcast_in_dim3A = vector.broadcast %squeeze3A : f32 to vector<16xf32>
        %mul3A_153 = arith.mulf %get3A_152, %broadcast_in_dim3A : vector<16xf32>
        %swap3A = arith.index_cast %add3A_148 : i32 to index
        %swap3A_154 = arith.constant 0 : index
        %swap3A_155 = tpu.vector_load %arg12[%swap3A, %swap3A_154] {strides = array<i32>} : memref<720x16xf32, #tpu.memory_space<vmem>>, vector<1x16xf32>,
        %swap3A_156 = vector.shape_cast %swap3A_155 : vector<1x16xf32> to vector<16xf32>
        %swap3A_157 = vector.shape_cast %mul3A_153 : vector<16xf32> to vector<1x16xf32>
        tpu.vector_store %arg12[%swap3A, %swap3A_154], %swap3A_157 {strides = array<i32>} : memref<720x16xf32, #tpu.memory_space<vmem>>, vector<1x16xf32>,
        %mul3A_158 = arith.constant 16 : i32
        %mul3A_159 = arith.muli %scan3A_140, %mul3A_158 : i32
        %add3A_160 = arith.constant 1 : i32
        %add3A_161 = arith.addi %mul3A_159, %add3A_160 : i32
        %get3A_162 = arith.index_cast %add3A_161 : i32 to index
        %get3A_163 = arith.constant 0 : index
        %get3A_164 = tpu.vector_load %arg12[%get3A_162, %get3A_163] {strides = array<i32>} : memref<720x16xf32, #tpu.memory_space<vmem>>, vector<1x16xf32>,
        %get3A_165 = vector.shape_cast %get3A_164 : vector<1x16xf32> to vector<16xf32>
        %slice3A_166 = vector.extract_strided_slice %get3A_144 {offsets = [1], sizes = [1], strides = [1]} : vector<16xf32> to vector<1xf32>
        %squeeze3A_167 = vector.extract %slice3A_166[0] : f32 from vector<1xf32>
        %broadcast_in_dim3A_168 = vector.broadcast %squeeze3A_167 : f32 to vector<16xf32>
        %mul3A_169 = arith.mulf %get3A_165, %broadcast_in_dim3A_168 : vector<16xf32>
        %swap3A_170 = arith.index_cast %add3A_161 : i32 to index
        %swap3A_171 = arith.constant 0 : index
        %swap3A_172 = tpu.vector_load %arg12[%swap3A_170, %swap3A_171] {strides = array<i32>} : memref<720x16xf32, #tpu.memory_space<vmem>>, vector<1x16xf32>,
        %swap3A_173 = vector.shape_cast %swap3A_172 : vector<1x16xf32> to vector<16xf32>
        %swap3A_174 = vector.shape_cast %mul3A_169 : vector<16xf32> to vector<1x16xf32>
        tpu.vector_store %arg12[%swap3A_170, %swap3A_171], %swap3A_174 {strides = array<i32>} : memref<720x16xf32, #tpu.memory_space<vmem>>, vector<1x16xf32>,
        %mul3A_175 = arith.constant 16 : i32
        %mul3A_176 = arith.muli %scan3A_140, %mul3A_175 : i32
        %add3A_177 = arith.constant 2 : i32
        %add3A_178 = arith.addi %mul3A_176, %add3A_177 : i32
        %get3A_179 = arith.index_cast %add3A_178 : i32 to index
        %get3A_180 = arith.constant 0 : index
        %get3A_181 = tpu.vector_load %arg12[%get3A_179, %get3A_180] {strides = array<i32>} : memref<720x16xf32, #tpu.memory_space<vmem>>, vector<1x16xf32>,
        %get3A_182 = vector.shape_cast %get3A_181 : vector<1x16xf32> to vector<16xf32>
        %slice3A_183 = vector.extract_strided_slice %get3A_144 {offsets = [2], sizes = [1], strides = [1]} : vector<16xf32> to vector<1xf32>
        %squeeze3A_184 = vector.extract %slice3A_183[0] : f32 from vector<1xf32>
        %broadcast_in_dim3A_185 = vector.broadcast %squeeze3A_184 : f32 to vector<16xf32>
        %mul3A_186 = arith.mulf %get3A_182, %broadcast_in_dim3A_185 : vector<16xf32>
        %swap3A_187 = arith.index_cast %add3A_178 : i32 to index
        %swap3A_188 = arith.constant 0 : index
        %swap3A_189 = tpu.vector_load %arg12[%swap3A_187, %swap3A_188] {strides = array<i32>} : memref<720x16xf32, #tpu.memory_space<vmem>>, vector<1x16xf32>,
        %swap3A_190 = vector.shape_cast %swap3A_189 : vector<1x16xf32> to vector<16xf32>
        %swap3A_191 = vector.shape_cast %mul3A_186 : vector<16xf32> to vector<1x16xf32>
        tpu.vector_store %arg12[%swap3A_187, %swap3A_188], %swap3A_191 {strides = array<i32>} : memref<720x16xf32, #tpu.memory_space<vmem>>, vector<1x16xf32>,
        %mul3A_192 = arith.constant 16 : i32
        %mul3A_193 = arith.muli %scan3A_140, %mul3A_192 : i32
        %add3A_194 = arith.constant 3 : i32
        %add3A_195 = arith.addi %mul3A_193, %add3A_194 : i32
        %get3A_196 = arith.index_cast %add3A_195 : i32 to index
        %get3A_197 = arith.constant 0 : index
        %get3A_198 = tpu.vector_load %arg12[%get3A_196, %get3A_197] {strides = array<i32>} : memref<720x16xf32, #tpu.memory_space<vmem>>, vector<1x16xf32>,
        %get3A_199 = vector.shape_cast %get3A_198 : vector<1x16xf32> to vector<16xf32>
        %slice3A_200 = vector.extract_strided_slice %get3A_144 {offsets = [3], sizes = [1], strides = [1]} : vector<16xf32> to vector<1xf32>
        %squeeze3A_201 = vector.extract %slice3A_200[0] : f32 from vector<1xf32>
        %broadcast_in_dim3A_202 = vector.broadcast %squeeze3A_201 : f32 to vector<16xf32>
        %mul3A_203 = arith.mulf %get3A_199, %broadcast_in_dim3A_202 : vector<16xf32>
        %swap3A_204 = arith.index_cast %add3A_195 : i32 to index
        %swap3A_205 = arith.constant 0 : index
        %swap3A_206 = tpu.vector_load %arg12[%swap3A_204, %swap3A_205] {strides = array<i32>} : memref<720x16xf32, #tpu.memory_space<vmem>>, vector<1x16xf32>,
        %swap3A_207 = vector.shape_cast %swap3A_206 : vector<1x16xf32> to vector<16xf32>
        %swap3A_208 = vector.shape_cast %mul3A_203 : vector<16xf32> to vector<1x16xf32>
        tpu.vector_store %arg12[%swap3A_204, %swap3A_205], %swap3A_208 {strides = array<i32>} : memref<720x16xf32, #tpu.memory_space<vmem>>, vector<1x16xf32>,
        %mul3A_209 = arith.constant 16 : i32
        %mul3A_210 = arith.muli %scan3A_140, %mul3A_209 : i32
        %add3A_211 = arith.constant 4 : i32
        %add3A_212 = arith.addi %mul3A_210, %add3A_211 : i32
        %get3A_213 = arith.index_cast %add3A_212 : i32 to index
        %get3A_214 = arith.constant 0 : index
        %get3A_215 = tpu.vector_load %arg12[%get3A_213, %get3A_214] {strides = array<i32>} : memref<720x16xf32, #tpu.memory_space<vmem>>, vector<1x16xf32>,
        %get3A_216 = vector.shape_cast %get3A_215 : vector<1x16xf32> to vector<16xf32>
        %slice3A_217 = vector.extract_strided_slice %get3A_144 {offsets = [4], sizes = [1], strides = [1]} : vector<16xf32> to vector<1xf32>
        %squeeze3A_218 = vector.extract %slice3A_217[0] : f32 from vector<1xf32>
        %broadcast_in_dim3A_219 = vector.broadcast %squeeze3A_218 : f32 to vector<16xf32>
        %mul3A_220 = arith.mulf %get3A_216, %broadcast_in_dim3A_219 : vector<16xf32>
        %swap3A_221 = arith.index_cast %add3A_212 : i32 to index
        %swap3A_222 = arith.constant 0 : index
        %swap3A_223 = tpu.vector_load %arg12[%swap3A_221, %swap3A_222] {strides = array<i32>} : memref<720x16xf32, #tpu.memory_space<vmem>>, vector<1x16xf32>,
        %swap3A_224 = vector.shape_cast %swap3A_223 : vector<1x16xf32> to vector<16xf32>
        %swap3A_225 = vector.shape_cast %mul3A_220 : vector<16xf32> to vector<1x16xf32>
        tpu.vector_store %arg12[%swap3A_221, %swap3A_222], %swap3A_225 {strides = array<i32>} : memref<720x16xf32, #tpu.memory_space<vmem>>, vector<1x16xf32>,
        %mul3A_226 = arith.constant 16 : i32
        %mul3A_227 = arith.muli %scan3A_140, %mul3A_226 : i32
        %add3A_228 = arith.constant 5 : i32
        %add3A_229 = arith.addi %mul3A_227, %add3A_228 : i32
        %get3A_230 = arith.index_cast %add3A_229 : i32 to index
        %get3A_231 = arith.constant 0 : index
        %get3A_232 = tpu.vector_load %arg12[%get3A_230, %get3A_231] {strides = array<i32>} : memref<720x16xf32, #tpu.memory_space<vmem>>, vector<1x16xf32>,
        %get3A_233 = vector.shape_cast %get3A_232 : vector<1x16xf32> to vector<16xf32>
        %slice3A_234 = vector.extract_strided_slice %get3A_144 {offsets = [5], sizes = [1], strides = [1]} : vector<16xf32> to vector<1xf32>
        %squeeze3A_235 = vector.extract %slice3A_234[0] : f32 from vector<1xf32>
        %broadcast_in_dim3A_236 = vector.broadcast %squeeze3A_235 : f32 to vector<16xf32>
        %mul3A_237 = arith.mulf %get3A_233, %broadcast_in_dim3A_236 : vector<16xf32>
        %swap3A_238 = arith.index_cast %add3A_229 : i32 to index
        %swap3A_239 = arith.constant 0 : index
        %swap3A_240 = tpu.vector_load %arg12[%swap3A_238, %swap3A_239] {strides = array<i32>} : memref<720x16xf32, #tpu.memory_space<vmem>>, vector<1x16xf32>,
        %swap3A_241 = vector.shape_cast %swap3A_240 : vector<1x16xf32> to vector<16xf32>
        %swap3A_242 = vector.shape_cast %mul3A_237 : vector<16xf32> to vector<1x16xf32>
        tpu.vector_store %arg12[%swap3A_238, %swap3A_239], %swap3A_242 {strides = array<i32>} : memref<720x16xf32, #tpu.memory_space<vmem>>, vector<1x16xf32>,
        %mul3A_243 = arith.constant 16 : i32
        %mul3A_244 = arith.muli %scan3A_140, %mul3A_243 : i32
        %add3A_245 = arith.constant 6 : i32
        %add3A_246 = arith.addi %mul3A_244, %add3A_245 : i32
        %get3A_247 = arith.index_cast %add3A_246 : i32 to index
        %get3A_248 = arith.constant 0 : index
        %get3A_249 = tpu.vector_load %arg12[%get3A_247, %get3A_248] {strides = array<i32>} : memref<720x16xf32, #tpu.memory_space<vmem>>, vector<1x16xf32>,
        %get3A_250 = vector.shape_cast %get3A_249 : vector<1x16xf32> to vector<16xf32>
        %slice3A_251 = vector.extract_strided_slice %get3A_144 {offsets = [6], sizes = [1], strides = [1]} : vector<16xf32> to vector<1xf32>
        %squeeze3A_252 = vector.extract %slice3A_251[0] : f32 from vector<1xf32>
        %broadcast_in_dim3A_253 = vector.broadcast %squeeze3A_252 : f32 to vector<16xf32>
        %mul3A_254 = arith.mulf %get3A_250, %broadcast_in_dim3A_253 : vector<16xf32>
        %swap3A_255 = arith.index_cast %add3A_246 : i32 to index
        %swap3A_256 = arith.constant 0 : index
        %swap3A_257 = tpu.vector_load %arg12[%swap3A_255, %swap3A_256] {strides = array<i32>} : memref<720x16xf32, #tpu.memory_space<vmem>>, vector<1x16xf32>,
        %swap3A_258 = vector.shape_cast %swap3A_257 : vector<1x16xf32> to vector<16xf32>
        %swap3A_259 = vector.shape_cast %mul3A_254 : vector<16xf32> to vector<1x16xf32>
        tpu.vector_store %arg12[%swap3A_255, %swap3A_256], %swap3A_259 {strides = array<i32>} : memref<720x16xf32, #tpu.memory_space<vmem>>, vector<1x16xf32>,
        %mul3A_260 = arith.constant 16 : i32
        %mul3A_261 = arith.muli %scan3A_140, %mul3A_260 : i32
        %add3A_262 = arith.constant 7 : i32
        %add3A_263 = arith.addi %mul3A_261, %add3A_262 : i32
        %get3A_264 = arith.index_cast %add3A_263 : i32 to index
        %get3A_265 = arith.constant 0 : index
        %get3A_266 = tpu.vector_load %arg12[%get3A_264, %get3A_265] {strides = array<i32>} : memref<720x16xf32, #tpu.memory_space<vmem>>, vector<1x16xf32>,
        %get3A_267 = vector.shape_cast %get3A_266 : vector<1x16xf32> to vector<16xf32>
        %slice3A_268 = vector.extract_strided_slice %get3A_144 {offsets = [7], sizes = [1], strides = [1]} : vector<16xf32> to vector<1xf32>
        %squeeze3A_269 = vector.extract %slice3A_268[0] : f32 from vector<1xf32>
        %broadcast_in_dim3A_270 = vector.broadcast %squeeze3A_269 : f32 to vector<16xf32>
        %mul3A_271 = arith.mulf %get3A_267, %broadcast_in_dim3A_270 : vector<16xf32>
        %swap3A_272 = arith.index_cast %add3A_263 : i32 to index
        %swap3A_273 = arith.constant 0 : index
        %swap3A_274 = tpu.vector_load %arg12[%swap3A_272, %swap3A_273] {strides = array<i32>} : memref<720x16xf32, #tpu.memory_space<vmem>>, vector<1x16xf32>,
        %swap3A_275 = vector.shape_cast %swap3A_274 : vector<1x16xf32> to vector<16xf32>
        %swap3A_276 = vector.shape_cast %mul3A_271 : vector<16xf32> to vector<1x16xf32>
        tpu.vector_store %arg12[%swap3A_272, %swap3A_273], %swap3A_276 {strides = array<i32>} : memref<720x16xf32, #tpu.memory_space<vmem>>, vector<1x16xf32>,
        %mul3A_277 = arith.constant 16 : i32
        %mul3A_278 = arith.muli %scan3A_140, %mul3A_277 : i32
        %add3A_279 = arith.constant 8 : i32
        %add3A_280 = arith.addi %mul3A_278, %add3A_279 : i32
        %get3A_281 = arith.index_cast %add3A_280 : i32 to index
        %get3A_282 = arith.constant 0 : index
        %get3A_283 = tpu.vector_load %arg12[%get3A_281, %get3A_282] {strides = array<i32>} : memref<720x16xf32, #tpu.memory_space<vmem>>, vector<1x16xf32>,
        %get3A_284 = vector.shape_cast %get3A_283 : vector<1x16xf32> to vector<16xf32>
        %slice3A_285 = vector.extract_strided_slice %get3A_144 {offsets = [8], sizes = [1], strides = [1]} : vector<16xf32> to vector<1xf32>
        %squeeze3A_286 = vector.extract %slice3A_285[0] : f32 from vector<1xf32>
        %broadcast_in_dim3A_287 = vector.broadcast %squeeze3A_286 : f32 to vector<16xf32>
        %mul3A_288 = arith.mulf %get3A_284, %broadcast_in_dim3A_287 : vector<16xf32>
        %swap3A_289 = arith.index_cast %add3A_280 : i32 to index
        %swap3A_290 = arith.constant 0 : index
        %swap3A_291 = tpu.vector_load %arg12[%swap3A_289, %swap3A_290] {strides = array<i32>} : memref<720x16xf32, #tpu.memory_space<vmem>>, vector<1x16xf32>,
        %swap3A_292 = vector.shape_cast %swap3A_291 : vector<1x16xf32> to vector<16xf32>
        %swap3A_293 = vector.shape_cast %mul3A_288 : vector<16xf32> to vector<1x16xf32>
        tpu.vector_store %arg12[%swap3A_289, %swap3A_290], %swap3A_293 {strides = array<i32>} : memref<720x16xf32, #tpu.memory_space<vmem>>, vector<1x16xf32>,
        %mul3A_294 = arith.constant 16 : i32
        %mul3A_295 = arith.muli %scan3A_140, %mul3A_294 : i32
        %add3A_296 = arith.constant 9 : i32
        %add3A_297 = arith.addi %mul3A_295, %add3A_296 : i32
        %get3A_298 = arith.index_cast %add3A_297 : i32 to index
        %get3A_299 = arith.constant 0 : index
        %get3A_300 = tpu.vector_load %arg12[%get3A_298, %get3A_299] {strides = array<i32>} : memref<720x16xf32, #tpu.memory_space<vmem>>, vector<1x16xf32>,
        %get3A_301 = vector.shape_cast %get3A_300 : vector<1x16xf32> to vector<16xf32>
        %slice3A_302 = vector.extract_strided_slice %get3A_144 {offsets = [9], sizes = [1], strides = [1]} : vector<16xf32> to vector<1xf32>
        %squeeze3A_303 = vector.extract %slice3A_302[0] : f32 from vector<1xf32>
        %broadcast_in_dim3A_304 = vector.broadcast %squeeze3A_303 : f32 to vector<16xf32>
        %mul3A_305 = arith.mulf %get3A_301, %broadcast_in_dim3A_304 : vector<16xf32>
        %swap3A_306 = arith.index_cast %add3A_297 : i32 to index
        %swap3A_307 = arith.constant 0 : index
        %swap3A_308 = tpu.vector_load %arg12[%swap3A_306, %swap3A_307] {strides = array<i32>} : memref<720x16xf32, #tpu.memory_space<vmem>>, vector<1x16xf32>,
        %swap3A_309 = vector.shape_cast %swap3A_308 : vector<1x16xf32> to vector<16xf32>
        %swap3A_310 = vector.shape_cast %mul3A_305 : vector<16xf32> to vector<1x16xf32>
        tpu.vector_store %arg12[%swap3A_306, %swap3A_307], %swap3A_310 {strides = array<i32>} : memref<720x16xf32, #tpu.memory_space<vmem>>, vector<1x16xf32>,
        %mul3A_311 = arith.constant 16 : i32
        %mul3A_312 = arith.muli %scan3A_140, %mul3A_311 : i32
        %add3A_313 = arith.constant 10 : i32
        %add3A_314 = arith.addi %mul3A_312, %add3A_313 : i32
        %get3A_315 = arith.index_cast %add3A_314 : i32 to index
        %get3A_316 = arith.constant 0 : index
        %get3A_317 = tpu.vector_load %arg12[%get3A_315, %get3A_316] {strides = array<i32>} : memref<720x16xf32, #tpu.memory_space<vmem>>, vector<1x16xf32>,
        %get3A_318 = vector.shape_cast %get3A_317 : vector<1x16xf32> to vector<16xf32>
        %slice3A_319 = vector.extract_strided_slice %get3A_144 {offsets = [10], sizes = [1], strides = [1]} : vector<16xf32> to vector<1xf32>
        %squeeze3A_320 = vector.extract %slice3A_319[0] : f32 from vector<1xf32>
        %broadcast_in_dim3A_321 = vector.broadcast %squeeze3A_320 : f32 to vector<16xf32>
        %mul3A_322 = arith.mulf %get3A_318, %broadcast_in_dim3A_321 : vector<16xf32>
        %swap3A_323 = arith.index_cast %add3A_314 : i32 to index
        %swap3A_324 = arith.constant 0 : index
        %swap3A_325 = tpu.vector_load %arg12[%swap3A_323, %swap3A_324] {strides = array<i32>} : memref<720x16xf32, #tpu.memory_space<vmem>>, vector<1x16xf32>,
        %swap3A_326 = vector.shape_cast %swap3A_325 : vector<1x16xf32> to vector<16xf32>
        %swap3A_327 = vector.shape_cast %mul3A_322 : vector<16xf32> to vector<1x16xf32>
        tpu.vector_store %arg12[%swap3A_323, %swap3A_324], %swap3A_327 {strides = array<i32>} : memref<720x16xf32, #tpu.memory_space<vmem>>, vector<1x16xf32>,
        %mul3A_328 = arith.constant 16 : i32
        %mul3A_329 = arith.muli %scan3A_140, %mul3A_328 : i32
        %add3A_330 = arith.constant 11 : i32
        %add3A_331 = arith.addi %mul3A_329, %add3A_330 : i32
        %get3A_332 = arith.index_cast %add3A_331 : i32 to index
        %get3A_333 = arith.constant 0 : index
        %get3A_334 = tpu.vector_load %arg12[%get3A_332, %get3A_333] {strides = array<i32>} : memref<720x16xf32, #tpu.memory_space<vmem>>, vector<1x16xf32>,
        %get3A_335 = vector.shape_cast %get3A_334 : vector<1x16xf32> to vector<16xf32>
        %slice3A_336 = vector.extract_strided_slice %get3A_144 {offsets = [11], sizes = [1], strides = [1]} : vector<16xf32> to vector<1xf32>
        %squeeze3A_337 = vector.extract %slice3A_336[0] : f32 from vector<1xf32>
        %broadcast_in_dim3A_338 = vector.broadcast %squeeze3A_337 : f32 to vector<16xf32>
        %mul3A_339 = arith.mulf %get3A_335, %broadcast_in_dim3A_338 : vector<16xf32>
        %swap3A_340 = arith.index_cast %add3A_331 : i32 to index
        %swap3A_341 = arith.constant 0 : index
        %swap3A_342 = tpu.vector_load %arg12[%swap3A_340, %swap3A_341] {strides = array<i32>} : memref<720x16xf32, #tpu.memory_space<vmem>>, vector<1x16xf32>,
        %swap3A_343 = vector.shape_cast %swap3A_342 : vector<1x16xf32> to vector<16xf32>
        %swap3A_344 = vector.shape_cast %mul3A_339 : vector<16xf32> to vector<1x16xf32>
        tpu.vector_store %arg12[%swap3A_340, %swap3A_341], %swap3A_344 {strides = array<i32>} : memref<720x16xf32, #tpu.memory_space<vmem>>, vector<1x16xf32>,
        %mul3A_345 = arith.constant 16 : i32
        %mul3A_346 = arith.muli %scan3A_140, %mul3A_345 : i32
        %add3A_347 = arith.constant 12 : i32
        %add3A_348 = arith.addi %mul3A_346, %add3A_347 : i32
        %get3A_349 = arith.index_cast %add3A_348 : i32 to index
        %get3A_350 = arith.constant 0 : index
        %get3A_351 = tpu.vector_load %arg12[%get3A_349, %get3A_350] {strides = array<i32>} : memref<720x16xf32, #tpu.memory_space<vmem>>, vector<1x16xf32>,
        %get3A_352 = vector.shape_cast %get3A_351 : vector<1x16xf32> to vector<16xf32>
        %slice3A_353 = vector.extract_strided_slice %get3A_144 {offsets = [12], sizes = [1], strides = [1]} : vector<16xf32> to vector<1xf32>
        %squeeze3A_354 = vector.extract %slice3A_353[0] : f32 from vector<1xf32>
        %broadcast_in_dim3A_355 = vector.broadcast %squeeze3A_354 : f32 to vector<16xf32>
        %mul3A_356 = arith.mulf %get3A_352, %broadcast_in_dim3A_355 : vector<16xf32>
        %swap3A_357 = arith.index_cast %add3A_348 : i32 to index
        %swap3A_358 = arith.constant 0 : index
        %swap3A_359 = tpu.vector_load %arg12[%swap3A_357, %swap3A_358] {strides = array<i32>} : memref<720x16xf32, #tpu.memory_space<vmem>>, vector<1x16xf32>,
        %swap3A_360 = vector.shape_cast %swap3A_359 : vector<1x16xf32> to vector<16xf32>
        %swap3A_361 = vector.shape_cast %mul3A_356 : vector<16xf32> to vector<1x16xf32>
        tpu.vector_store %arg12[%swap3A_357, %swap3A_358], %swap3A_361 {strides = array<i32>} : memref<720x16xf32, #tpu.memory_space<vmem>>, vector<1x16xf32>,
        %mul3A_362 = arith.constant 16 : i32
        %mul3A_363 = arith.muli %scan3A_140, %mul3A_362 : i32
        %add3A_364 = arith.constant 13 : i32
        %add3A_365 = arith.addi %mul3A_363, %add3A_364 : i32
        %get3A_366 = arith.index_cast %add3A_365 : i32 to index
        %get3A_367 = arith.constant 0 : index
        %get3A_368 = tpu.vector_load %arg12[%get3A_366, %get3A_367] {strides = array<i32>} : memref<720x16xf32, #tpu.memory_space<vmem>>, vector<1x16xf32>,
        %get3A_369 = vector.shape_cast %get3A_368 : vector<1x16xf32> to vector<16xf32>
        %slice3A_370 = vector.extract_strided_slice %get3A_144 {offsets = [13], sizes = [1], strides = [1]} : vector<16xf32> to vector<1xf32>
        %squeeze3A_371 = vector.extract %slice3A_370[0] : f32 from vector<1xf32>
        %broadcast_in_dim3A_372 = vector.broadcast %squeeze3A_371 : f32 to vector<16xf32>
        %mul3A_373 = arith.mulf %get3A_369, %broadcast_in_dim3A_372 : vector<16xf32>
        %swap3A_374 = arith.index_cast %add3A_365 : i32 to index
        %swap3A_375 = arith.constant 0 : index
        %swap3A_376 = tpu.vector_load %arg12[%swap3A_374, %swap3A_375] {strides = array<i32>} : memref<720x16xf32, #tpu.memory_space<vmem>>, vector<1x16xf32>,
        %swap3A_377 = vector.shape_cast %swap3A_376 : vector<1x16xf32> to vector<16xf32>
        %swap3A_378 = vector.shape_cast %mul3A_373 : vector<16xf32> to vector<1x16xf32>
        tpu.vector_store %arg12[%swap3A_374, %swap3A_375], %swap3A_378 {strides = array<i32>} : memref<720x16xf32, #tpu.memory_space<vmem>>, vector<1x16xf32>,
        %mul3A_379 = arith.constant 16 : i32
        %mul3A_380 = arith.muli %scan3A_140, %mul3A_379 : i32
        %add3A_381 = arith.constant 14 : i32
        %add3A_382 = arith.addi %mul3A_380, %add3A_381 : i32
        %get3A_383 = arith.index_cast %add3A_382 : i32 to index
        %get3A_384 = arith.constant 0 : index
        %get3A_385 = tpu.vector_load %arg12[%get3A_383, %get3A_384] {strides = array<i32>} : memref<720x16xf32, #tpu.memory_space<vmem>>, vector<1x16xf32>,
        %get3A_386 = vector.shape_cast %get3A_385 : vector<1x16xf32> to vector<16xf32>
        %slice3A_387 = vector.extract_strided_slice %get3A_144 {offsets = [14], sizes = [1], strides = [1]} : vector<16xf32> to vector<1xf32>
        %squeeze3A_388 = vector.extract %slice3A_387[0] : f32 from vector<1xf32>
        %broadcast_in_dim3A_389 = vector.broadcast %squeeze3A_388 : f32 to vector<16xf32>
        %mul3A_390 = arith.mulf %get3A_386, %broadcast_in_dim3A_389 : vector<16xf32>
        %swap3A_391 = arith.index_cast %add3A_382 : i32 to index
        %swap3A_392 = arith.constant 0 : index
        %swap3A_393 = tpu.vector_load %arg12[%swap3A_391, %swap3A_392] {strides = array<i32>} : memref<720x16xf32, #tpu.memory_space<vmem>>, vector<1x16xf32>,
        %swap3A_394 = vector.shape_cast %swap3A_393 : vector<1x16xf32> to vector<16xf32>
        %swap3A_395 = vector.shape_cast %mul3A_390 : vector<16xf32> to vector<1x16xf32>
        tpu.vector_store %arg12[%swap3A_391, %swap3A_392], %swap3A_395 {strides = array<i32>} : memref<720x16xf32, #tpu.memory_space<vmem>>, vector<1x16xf32>,
        %mul3A_396 = arith.constant 16 : i32
        %mul3A_397 = arith.muli %scan3A_140, %mul3A_396 : i32
        %add3A_398 = arith.constant 15 : i32
        %add3A_399 = arith.addi %mul3A_397, %add3A_398 : i32
        %get3A_400 = arith.index_cast %add3A_399 : i32 to index
        %get3A_401 = arith.constant 0 : index
        %get3A_402 = tpu.vector_load %arg12[%get3A_400, %get3A_401] {strides = array<i32>} : memref<720x16xf32, #tpu.memory_space<vmem>>, vector<1x16xf32>,
        %get3A_403 = vector.shape_cast %get3A_402 : vector<1x16xf32> to vector<16xf32>
        %slice3A_404 = vector.extract_strided_slice %get3A_144 {offsets = [15], sizes = [1], strides = [1]} : vector<16xf32> to vector<1xf32>
        %squeeze3A_405 = vector.extract %slice3A_404[0] : f32 from vector<1xf32>
        %broadcast_in_dim3A_406 = vector.broadcast %squeeze3A_405 : f32 to vector<16xf32>
        %mul3A_407 = arith.mulf %get3A_403, %broadcast_in_dim3A_406 : vector<16xf32>
        %swap3A_408 = arith.index_cast %add3A_399 : i32 to index
        %swap3A_409 = arith.constant 0 : index
        %swap3A_410 = tpu.vector_load %arg12[%swap3A_408, %swap3A_409] {strides = array<i32>} : memref<720x16xf32, #tpu.memory_space<vmem>>, vector<1x16xf32>,
        %swap3A_411 = vector.shape_cast %swap3A_410 : vector<1x16xf32> to vector<16xf32>
        %swap3A_412 = vector.shape_cast %mul3A_407 : vector<16xf32> to vector<1x16xf32>
        tpu.vector_store %arg12[%swap3A_408, %swap3A_409], %swap3A_412 {strides = array<i32>} : memref<720x16xf32, #tpu.memory_space<vmem>>, vector<1x16xf32>,
      }
      %scan3A_76 = arith.constant 45 : i32
      %mul3A_77 = arith.constant 2 : i32
      %mul3A_78 = arith.muli %mul3A_77, %scan3A_52 : i32
      %add3A_79 = arith.constant 1 : i32
      %add3A_80 = arith.addi %mul3A_78, %add3A_79 : i32
      %mul3A_81 = arith.constant 720 : i32
      %mul3A_82 = arith.muli %add3A_80, %mul3A_81 : i32
      %add3A_83 = arith.addi %mul3A_2, %mul3A_82 : i32
      %dma_wait3A_84 = tpu.memref_slice %arg3[%add3A_83] : memref<2880000xi32, #tpu.memory_space<hbm>> -> memref<720xi32, #tpu.memory_space<hbm>>
      %dma_wait3A_85 = tpu.memref_slice %arg3[%add3A_83] : memref<2880000xi32, #tpu.memory_space<hbm>> -> memref<720xi32, #tpu.memory_space<hbm>>
      tpu.wait_dma2 semaphore(%arg18 : memref<!tpu.dma_semaphore, #tpu.memory_space<semaphore_mem>>) src(%dma_wait3A_85 : memref<720xi32, #tpu.memory_space<hbm>>) dst(%arg13 : memref<720xi32, #tpu.memory_space<vmem>>)
      %dma_wait3A_86 = tpu.memref_slice %arg4[%add3A_83] : memref<2880000xi32, #tpu.memory_space<hbm>> -> memref<720xi32, #tpu.memory_space<hbm>>
      %dma_wait3A_87 = tpu.memref_slice %arg4[%add3A_83] : memref<2880000xi32, #tpu.memory_space<hbm>> -> memref<720xi32, #tpu.memory_space<hbm>>
      tpu.wait_dma2 semaphore(%arg18 : memref<!tpu.dma_semaphore, #tpu.memory_space<semaphore_mem>>) src(%dma_wait3A_87 : memref<720xi32, #tpu.memory_space<hbm>>) dst(%arg14 : memref<720xi32, #tpu.memory_space<vmem>>)
      %dma_wait3A_88 = tpu.memref_slice %arg5[%add3A_83] : memref<2880000xf32, #tpu.memory_space<hbm>> -> memref<720xf32, #tpu.memory_space<hbm>>
      %dma_wait3A_89 = tpu.memref_slice %arg5[%add3A_83] : memref<2880000xf32, #tpu.memory_space<hbm>> -> memref<720xf32, #tpu.memory_space<hbm>>
      tpu.wait_dma2 semaphore(%arg18 : memref<!tpu.dma_semaphore, #tpu.memory_space<semaphore_mem>>) src(%dma_wait3A_89 : memref<720xf32, #tpu.memory_space<hbm>>) dst(%arg15 : memref<720xf32, #tpu.memory_space<vmem>>)
      %dma_start3A_90 = arith.constant 0 : i32
      %dma_start3A_91 = arith.constant 0 : i32
      %dma_start3A_92 = tpu.memref_slice %arg2[%dma_start3A_90, %dma_start3A_91] : memref<90000x16xf32, #tpu.memory_space<hbm>> -> memref<90000x16xf32, #tpu.memory_space<hbm>>
      tpu.enqueue_indirect_dma source(%dma_start3A_92 : memref<90000x16xf32, #tpu.memory_space<hbm>>) target(%arg16 : memref<720x16xf32, #tpu.memory_space<vmem>>) offsets(%arg13 : memref<720xi32, #tpu.memory_space<vmem>>) semaphore(%arg20 : memref<!tpu.dma_semaphore, #tpu.memory_space<semaphore_mem>>)
      %dma_start3A_93 = arith.constant 0 : i32
      %dma_start3A_94 = arith.constant 0 : i32
      %dma_start3A_95 = tpu.memref_slice %arg8[%dma_start3A_93, %dma_start3A_94] : memref<90112x16xf32, #tpu.memory_space<vmem_shared>> -> memref<90112x16xf32, #tpu.memory_space<vmem_shared>>
      tpu.enqueue_indirect_dma source(%arg12 : memref<720x16xf32, #tpu.memory_space<vmem>>) target(%dma_start3A_95 : memref<90112x16xf32, #tpu.memory_space<vmem_shared>>) offsets(%arg10 : memref<720xi32, #tpu.memory_space<vmem>>) semaphore(%arg21 : memref<!tpu.dma_semaphore, #tpu.memory_space<semaphore_mem>>) {add = true}
      %dma_wait3A_96 = arith.constant 0 : i32
      %dma_wait3A_97 = arith.constant 0 : i32
      %dma_wait3A_98 = tpu.memref_slice %arg8[%dma_wait3A_96, %dma_wait3A_97] : memref<90112x16xf32, #tpu.memory_space<vmem_shared>> -> memref<90112x16xf32, #tpu.memory_space<vmem_shared>>
      tpu.wait_indirect_dma semaphore(%arg21 : memref<!tpu.dma_semaphore, #tpu.memory_space<semaphore_mem>>) src(%arg12 : memref<720x16xf32, #tpu.memory_space<vmem>>) dst(%dma_wait3A_98 : memref<90112x16xf32, #tpu.memory_space<vmem_shared>>)
      %mul3A_99 = arith.constant 2 : i32
      %mul3A_100 = arith.muli %mul3A_99, %scan3A_52 : i32
      %add3A_101 = arith.constant 2 : i32
      %add3A_102 = arith.addi %mul3A_100, %add3A_101 : i32
      %mul3A_103 = arith.constant 720 : i32
      %mul3A_104 = arith.muli %add3A_102, %mul3A_103 : i32
      %add3A_105 = arith.addi %mul3A_2, %mul3A_104 : i32
      %dma_start3A_106 = tpu.memref_slice %arg3[%add3A_105] : memref<2880000xi32, #tpu.memory_space<hbm>> -> memref<720xi32, #tpu.memory_space<hbm>>
      %dma_start3A_107 = tpu.memref_slice %arg3[%add3A_105] : memref<2880000xi32, #tpu.memory_space<hbm>> -> memref<720xi32, #tpu.memory_space<hbm>>
      tpu.enqueue_dma source(%dma_start3A_107 : memref<720xi32, #tpu.memory_space<hbm>>) target(%arg9 : memref<720xi32, #tpu.memory_space<vmem>>) target_semaphore(%arg17 : memref<!tpu.dma_semaphore, #tpu.memory_space<semaphore_mem>>)
      %dma_start3A_108 = tpu.memref_slice %arg4[%add3A_105] : memref<2880000xi32, #tpu.memory_space<hbm>> -> memref<720xi32, #tpu.memory_space<hbm>>
      %dma_start3A_109 = tpu.memref_slice %arg4[%add3A_105] : memref<2880000xi32, #tpu.memory_space<hbm>> -> memref<720xi32, #tpu.memory_space<hbm>>
      tpu.enqueue_dma source(%dma_start3A_109 : memref<720xi32, #tpu.memory_space<hbm>>) target(%arg10 : memref<720xi32, #tpu.memory_space<vmem>>) target_semaphore(%arg17 : memref<!tpu.dma_semaphore, #tpu.memory_space<semaphore_mem>>)
      %dma_start3A_110 = tpu.memref_slice %arg5[%add3A_105] : memref<2880000xf32, #tpu.memory_space<hbm>> -> memref<720xf32, #tpu.memory_space<hbm>>
      %dma_start3A_111 = tpu.memref_slice %arg5[%add3A_105] : memref<2880000xf32, #tpu.memory_space<hbm>> -> memref<720xf32, #tpu.memory_space<hbm>>
      tpu.enqueue_dma source(%dma_start3A_111 : memref<720xf32, #tpu.memory_space<hbm>>) target(%arg11 : memref<720xf32, #tpu.memory_space<vmem>>) target_semaphore(%arg17 : memref<!tpu.dma_semaphore, #tpu.memory_space<semaphore_mem>>)
      %dma_wait3A_112 = arith.constant 0 : i32
      %dma_wait3A_113 = arith.constant 0 : i32
      %dma_wait3A_114 = tpu.memref_slice %arg2[%dma_wait3A_112, %dma_wait3A_113] : memref<90000x16xf32, #tpu.memory_space<hbm>> -> memref<90000x16xf32, #tpu.memory_space<hbm>>
      tpu.wait_indirect_dma semaphore(%arg20 : memref<!tpu.dma_semaphore, #tpu.memory_space<semaphore_mem>>) src(%dma_wait3A_114 : memref<90000x16xf32, #tpu.memory_space<hbm>>) dst(%arg16 : memref<720x16xf32, #tpu.memory_space<vmem>>)
      %scan3A_115 = arith.constant 0 : i32
      %scan3A_116 = arith.constant 0 : i32
      %scan3A_117 = arith.constant 45 : i32
      %scan3A_118 = arith.addi %scan3A_116, %scan3A_117 : i32
      %scan3A_119 = arith.constant 1 : i32
      scf.for %scan3A_140 = %scan3A_116 to %scan3A_118 step %scan3A_119  : i32 {
        %mul3A_141 = arith.constant 16 : i32
        %mul3A_142 = arith.muli %scan3A_140, %mul3A_141 : i32
        %get3A = arith.index_cast %mul3A_142 : i32 to index
        %get3A_143 = tpu.vector_load %arg15[%get3A] {strides = array<i32>} : memref<720xf32, #tpu.memory_space<vmem>>, vector<16xf32>,
        %get3A_144 = vector.shape_cast %get3A_143 : vector<16xf32> to vector<16xf32>
        %mul3A_145 = arith.constant 16 : i32
        %mul3A_146 = arith.muli %scan3A_140, %mul3A_145 : i32
        %add3A_147 = arith.constant 0 : i32
        %add3A_148 = arith.addi %mul3A_146, %add3A_147 : i32
        %get3A_149 = arith.index_cast %add3A_148 : i32 to index
        %get3A_150 = arith.constant 0 : index
        %get3A_151 = tpu.vector_load %arg16[%get3A_149, %get3A_150] {strides = array<i32>} : memref<720x16xf32, #tpu.memory_space<vmem>>, vector<1x16xf32>,
        %get3A_152 = vector.shape_cast %get3A_151 : vector<1x16xf32> to vector<16xf32>
        %slice3A = vector.extract_strided_slice %get3A_144 {offsets = [0], sizes = [1], strides = [1]} : vector<16xf32> to vector<1xf32>
        %squeeze3A = vector.extract %slice3A[0] : f32 from vector<1xf32>
        %broadcast_in_dim3A = vector.broadcast %squeeze3A : f32 to vector<16xf32>
        %mul3A_153 = arith.mulf %get3A_152, %broadcast_in_dim3A : vector<16xf32>
        %swap3A = arith.index_cast %add3A_148 : i32 to index
        %swap3A_154 = arith.constant 0 : index
        %swap3A_155 = tpu.vector_load %arg16[%swap3A, %swap3A_154] {strides = array<i32>} : memref<720x16xf32, #tpu.memory_space<vmem>>, vector<1x16xf32>,
        %swap3A_156 = vector.shape_cast %swap3A_155 : vector<1x16xf32> to vector<16xf32>
        %swap3A_157 = vector.shape_cast %mul3A_153 : vector<16xf32> to vector<1x16xf32>
        tpu.vector_store %arg16[%swap3A, %swap3A_154], %swap3A_157 {strides = array<i32>} : memref<720x16xf32, #tpu.memory_space<vmem>>, vector<1x16xf32>,
        %mul3A_158 = arith.constant 16 : i32
        %mul3A_159 = arith.muli %scan3A_140, %mul3A_158 : i32
        %add3A_160 = arith.constant 1 : i32
        %add3A_161 = arith.addi %mul3A_159, %add3A_160 : i32
        %get3A_162 = arith.index_cast %add3A_161 : i32 to index
        %get3A_163 = arith.constant 0 : index
        %get3A_164 = tpu.vector_load %arg16[%get3A_162, %get3A_163] {strides = array<i32>} : memref<720x16xf32, #tpu.memory_space<vmem>>, vector<1x16xf32>,
        %get3A_165 = vector.shape_cast %get3A_164 : vector<1x16xf32> to vector<16xf32>
        %slice3A_166 = vector.extract_strided_slice %get3A_144 {offsets = [1], sizes = [1], strides = [1]} : vector<16xf32> to vector<1xf32>
        %squeeze3A_167 = vector.extract %slice3A_166[0] : f32 from vector<1xf32>
        %broadcast_in_dim3A_168 = vector.broadcast %squeeze3A_167 : f32 to vector<16xf32>
        %mul3A_169 = arith.mulf %get3A_165, %broadcast_in_dim3A_168 : vector<16xf32>
        %swap3A_170 = arith.index_cast %add3A_161 : i32 to index
        %swap3A_171 = arith.constant 0 : index
        %swap3A_172 = tpu.vector_load %arg16[%swap3A_170, %swap3A_171] {strides = array<i32>} : memref<720x16xf32, #tpu.memory_space<vmem>>, vector<1x16xf32>,
        %swap3A_173 = vector.shape_cast %swap3A_172 : vector<1x16xf32> to vector<16xf32>
        %swap3A_174 = vector.shape_cast %mul3A_169 : vector<16xf32> to vector<1x16xf32>
        tpu.vector_store %arg16[%swap3A_170, %swap3A_171], %swap3A_174 {strides = array<i32>} : memref<720x16xf32, #tpu.memory_space<vmem>>, vector<1x16xf32>,
        %mul3A_175 = arith.constant 16 : i32
        %mul3A_176 = arith.muli %scan3A_140, %mul3A_175 : i32
        %add3A_177 = arith.constant 2 : i32
        %add3A_178 = arith.addi %mul3A_176, %add3A_177 : i32
        %get3A_179 = arith.index_cast %add3A_178 : i32 to index
        %get3A_180 = arith.constant 0 : index
        %get3A_181 = tpu.vector_load %arg16[%get3A_179, %get3A_180] {strides = array<i32>} : memref<720x16xf32, #tpu.memory_space<vmem>>, vector<1x16xf32>,
        %get3A_182 = vector.shape_cast %get3A_181 : vector<1x16xf32> to vector<16xf32>
        %slice3A_183 = vector.extract_strided_slice %get3A_144 {offsets = [2], sizes = [1], strides = [1]} : vector<16xf32> to vector<1xf32>
        %squeeze3A_184 = vector.extract %slice3A_183[0] : f32 from vector<1xf32>
        %broadcast_in_dim3A_185 = vector.broadcast %squeeze3A_184 : f32 to vector<16xf32>
        %mul3A_186 = arith.mulf %get3A_182, %broadcast_in_dim3A_185 : vector<16xf32>
        %swap3A_187 = arith.index_cast %add3A_178 : i32 to index
        %swap3A_188 = arith.constant 0 : index
        %swap3A_189 = tpu.vector_load %arg16[%swap3A_187, %swap3A_188] {strides = array<i32>} : memref<720x16xf32, #tpu.memory_space<vmem>>, vector<1x16xf32>,
        %swap3A_190 = vector.shape_cast %swap3A_189 : vector<1x16xf32> to vector<16xf32>
        %swap3A_191 = vector.shape_cast %mul3A_186 : vector<16xf32> to vector<1x16xf32>
        tpu.vector_store %arg16[%swap3A_187, %swap3A_188], %swap3A_191 {strides = array<i32>} : memref<720x16xf32, #tpu.memory_space<vmem>>, vector<1x16xf32>,
        %mul3A_192 = arith.constant 16 : i32
        %mul3A_193 = arith.muli %scan3A_140, %mul3A_192 : i32
        %add3A_194 = arith.constant 3 : i32
        %add3A_195 = arith.addi %mul3A_193, %add3A_194 : i32
        %get3A_196 = arith.index_cast %add3A_195 : i32 to index
        %get3A_197 = arith.constant 0 : index
        %get3A_198 = tpu.vector_load %arg16[%get3A_196, %get3A_197] {strides = array<i32>} : memref<720x16xf32, #tpu.memory_space<vmem>>, vector<1x16xf32>,
        %get3A_199 = vector.shape_cast %get3A_198 : vector<1x16xf32> to vector<16xf32>
        %slice3A_200 = vector.extract_strided_slice %get3A_144 {offsets = [3], sizes = [1], strides = [1]} : vector<16xf32> to vector<1xf32>
        %squeeze3A_201 = vector.extract %slice3A_200[0] : f32 from vector<1xf32>
        %broadcast_in_dim3A_202 = vector.broadcast %squeeze3A_201 : f32 to vector<16xf32>
        %mul3A_203 = arith.mulf %get3A_199, %broadcast_in_dim3A_202 : vector<16xf32>
        %swap3A_204 = arith.index_cast %add3A_195 : i32 to index
        %swap3A_205 = arith.constant 0 : index
        %swap3A_206 = tpu.vector_load %arg16[%swap3A_204, %swap3A_205] {strides = array<i32>} : memref<720x16xf32, #tpu.memory_space<vmem>>, vector<1x16xf32>,
        %swap3A_207 = vector.shape_cast %swap3A_206 : vector<1x16xf32> to vector<16xf32>
        %swap3A_208 = vector.shape_cast %mul3A_203 : vector<16xf32> to vector<1x16xf32>
        tpu.vector_store %arg16[%swap3A_204, %swap3A_205], %swap3A_208 {strides = array<i32>} : memref<720x16xf32, #tpu.memory_space<vmem>>, vector<1x16xf32>,
        %mul3A_209 = arith.constant 16 : i32
        %mul3A_210 = arith.muli %scan3A_140, %mul3A_209 : i32
        %add3A_211 = arith.constant 4 : i32
        %add3A_212 = arith.addi %mul3A_210, %add3A_211 : i32
        %get3A_213 = arith.index_cast %add3A_212 : i32 to index
        %get3A_214 = arith.constant 0 : index
        %get3A_215 = tpu.vector_load %arg16[%get3A_213, %get3A_214] {strides = array<i32>} : memref<720x16xf32, #tpu.memory_space<vmem>>, vector<1x16xf32>,
        %get3A_216 = vector.shape_cast %get3A_215 : vector<1x16xf32> to vector<16xf32>
        %slice3A_217 = vector.extract_strided_slice %get3A_144 {offsets = [4], sizes = [1], strides = [1]} : vector<16xf32> to vector<1xf32>
        %squeeze3A_218 = vector.extract %slice3A_217[0] : f32 from vector<1xf32>
        %broadcast_in_dim3A_219 = vector.broadcast %squeeze3A_218 : f32 to vector<16xf32>
        %mul3A_220 = arith.mulf %get3A_216, %broadcast_in_dim3A_219 : vector<16xf32>
        %swap3A_221 = arith.index_cast %add3A_212 : i32 to index
        %swap3A_222 = arith.constant 0 : index
        %swap3A_223 = tpu.vector_load %arg16[%swap3A_221, %swap3A_222] {strides = array<i32>} : memref<720x16xf32, #tpu.memory_space<vmem>>, vector<1x16xf32>,
        %swap3A_224 = vector.shape_cast %swap3A_223 : vector<1x16xf32> to vector<16xf32>
        %swap3A_225 = vector.shape_cast %mul3A_220 : vector<16xf32> to vector<1x16xf32>
        tpu.vector_store %arg16[%swap3A_221, %swap3A_222], %swap3A_225 {strides = array<i32>} : memref<720x16xf32, #tpu.memory_space<vmem>>, vector<1x16xf32>,
        %mul3A_226 = arith.constant 16 : i32
        %mul3A_227 = arith.muli %scan3A_140, %mul3A_226 : i32
        %add3A_228 = arith.constant 5 : i32
        %add3A_229 = arith.addi %mul3A_227, %add3A_228 : i32
        %get3A_230 = arith.index_cast %add3A_229 : i32 to index
        %get3A_231 = arith.constant 0 : index
        %get3A_232 = tpu.vector_load %arg16[%get3A_230, %get3A_231] {strides = array<i32>} : memref<720x16xf32, #tpu.memory_space<vmem>>, vector<1x16xf32>,
        %get3A_233 = vector.shape_cast %get3A_232 : vector<1x16xf32> to vector<16xf32>
        %slice3A_234 = vector.extract_strided_slice %get3A_144 {offsets = [5], sizes = [1], strides = [1]} : vector<16xf32> to vector<1xf32>
        %squeeze3A_235 = vector.extract %slice3A_234[0] : f32 from vector<1xf32>
        %broadcast_in_dim3A_236 = vector.broadcast %squeeze3A_235 : f32 to vector<16xf32>
        %mul3A_237 = arith.mulf %get3A_233, %broadcast_in_dim3A_236 : vector<16xf32>
        %swap3A_238 = arith.index_cast %add3A_229 : i32 to index
        %swap3A_239 = arith.constant 0 : index
        %swap3A_240 = tpu.vector_load %arg16[%swap3A_238, %swap3A_239] {strides = array<i32>} : memref<720x16xf32, #tpu.memory_space<vmem>>, vector<1x16xf32>,
        %swap3A_241 = vector.shape_cast %swap3A_240 : vector<1x16xf32> to vector<16xf32>
        %swap3A_242 = vector.shape_cast %mul3A_237 : vector<16xf32> to vector<1x16xf32>
        tpu.vector_store %arg16[%swap3A_238, %swap3A_239], %swap3A_242 {strides = array<i32>} : memref<720x16xf32, #tpu.memory_space<vmem>>, vector<1x16xf32>,
        %mul3A_243 = arith.constant 16 : i32
        %mul3A_244 = arith.muli %scan3A_140, %mul3A_243 : i32
        %add3A_245 = arith.constant 6 : i32
        %add3A_246 = arith.addi %mul3A_244, %add3A_245 : i32
        %get3A_247 = arith.index_cast %add3A_246 : i32 to index
        %get3A_248 = arith.constant 0 : index
        %get3A_249 = tpu.vector_load %arg16[%get3A_247, %get3A_248] {strides = array<i32>} : memref<720x16xf32, #tpu.memory_space<vmem>>, vector<1x16xf32>,
        %get3A_250 = vector.shape_cast %get3A_249 : vector<1x16xf32> to vector<16xf32>
        %slice3A_251 = vector.extract_strided_slice %get3A_144 {offsets = [6], sizes = [1], strides = [1]} : vector<16xf32> to vector<1xf32>
        %squeeze3A_252 = vector.extract %slice3A_251[0] : f32 from vector<1xf32>
        %broadcast_in_dim3A_253 = vector.broadcast %squeeze3A_252 : f32 to vector<16xf32>
        %mul3A_254 = arith.mulf %get3A_250, %broadcast_in_dim3A_253 : vector<16xf32>
        %swap3A_255 = arith.index_cast %add3A_246 : i32 to index
        %swap3A_256 = arith.constant 0 : index
        %swap3A_257 = tpu.vector_load %arg16[%swap3A_255, %swap3A_256] {strides = array<i32>} : memref<720x16xf32, #tpu.memory_space<vmem>>, vector<1x16xf32>,
        %swap3A_258 = vector.shape_cast %swap3A_257 : vector<1x16xf32> to vector<16xf32>
        %swap3A_259 = vector.shape_cast %mul3A_254 : vector<16xf32> to vector<1x16xf32>
        tpu.vector_store %arg16[%swap3A_255, %swap3A_256], %swap3A_259 {strides = array<i32>} : memref<720x16xf32, #tpu.memory_space<vmem>>, vector<1x16xf32>,
        %mul3A_260 = arith.constant 16 : i32
        %mul3A_261 = arith.muli %scan3A_140, %mul3A_260 : i32
        %add3A_262 = arith.constant 7 : i32
        %add3A_263 = arith.addi %mul3A_261, %add3A_262 : i32
        %get3A_264 = arith.index_cast %add3A_263 : i32 to index
        %get3A_265 = arith.constant 0 : index
        %get3A_266 = tpu.vector_load %arg16[%get3A_264, %get3A_265] {strides = array<i32>} : memref<720x16xf32, #tpu.memory_space<vmem>>, vector<1x16xf32>,
        %get3A_267 = vector.shape_cast %get3A_266 : vector<1x16xf32> to vector<16xf32>
        %slice3A_268 = vector.extract_strided_slice %get3A_144 {offsets = [7], sizes = [1], strides = [1]} : vector<16xf32> to vector<1xf32>
        %squeeze3A_269 = vector.extract %slice3A_268[0] : f32 from vector<1xf32>
        %broadcast_in_dim3A_270 = vector.broadcast %squeeze3A_269 : f32 to vector<16xf32>
        %mul3A_271 = arith.mulf %get3A_267, %broadcast_in_dim3A_270 : vector<16xf32>
        %swap3A_272 = arith.index_cast %add3A_263 : i32 to index
        %swap3A_273 = arith.constant 0 : index
        %swap3A_274 = tpu.vector_load %arg16[%swap3A_272, %swap3A_273] {strides = array<i32>} : memref<720x16xf32, #tpu.memory_space<vmem>>, vector<1x16xf32>,
        %swap3A_275 = vector.shape_cast %swap3A_274 : vector<1x16xf32> to vector<16xf32>
        %swap3A_276 = vector.shape_cast %mul3A_271 : vector<16xf32> to vector<1x16xf32>
        tpu.vector_store %arg16[%swap3A_272, %swap3A_273], %swap3A_276 {strides = array<i32>} : memref<720x16xf32, #tpu.memory_space<vmem>>, vector<1x16xf32>,
        %mul3A_277 = arith.constant 16 : i32
        %mul3A_278 = arith.muli %scan3A_140, %mul3A_277 : i32
        %add3A_279 = arith.constant 8 : i32
        %add3A_280 = arith.addi %mul3A_278, %add3A_279 : i32
        %get3A_281 = arith.index_cast %add3A_280 : i32 to index
        %get3A_282 = arith.constant 0 : index
        %get3A_283 = tpu.vector_load %arg16[%get3A_281, %get3A_282] {strides = array<i32>} : memref<720x16xf32, #tpu.memory_space<vmem>>, vector<1x16xf32>,
        %get3A_284 = vector.shape_cast %get3A_283 : vector<1x16xf32> to vector<16xf32>
        %slice3A_285 = vector.extract_strided_slice %get3A_144 {offsets = [8], sizes = [1], strides = [1]} : vector<16xf32> to vector<1xf32>
        %squeeze3A_286 = vector.extract %slice3A_285[0] : f32 from vector<1xf32>
        %broadcast_in_dim3A_287 = vector.broadcast %squeeze3A_286 : f32 to vector<16xf32>
        %mul3A_288 = arith.mulf %get3A_284, %broadcast_in_dim3A_287 : vector<16xf32>
        %swap3A_289 = arith.index_cast %add3A_280 : i32 to index
        %swap3A_290 = arith.constant 0 : index
        %swap3A_291 = tpu.vector_load %arg16[%swap3A_289, %swap3A_290] {strides = array<i32>} : memref<720x16xf32, #tpu.memory_space<vmem>>, vector<1x16xf32>,
        %swap3A_292 = vector.shape_cast %swap3A_291 : vector<1x16xf32> to vector<16xf32>
        %swap3A_293 = vector.shape_cast %mul3A_288 : vector<16xf32> to vector<1x16xf32>
        tpu.vector_store %arg16[%swap3A_289, %swap3A_290], %swap3A_293 {strides = array<i32>} : memref<720x16xf32, #tpu.memory_space<vmem>>, vector<1x16xf32>,
        %mul3A_294 = arith.constant 16 : i32
        %mul3A_295 = arith.muli %scan3A_140, %mul3A_294 : i32
        %add3A_296 = arith.constant 9 : i32
        %add3A_297 = arith.addi %mul3A_295, %add3A_296 : i32
        %get3A_298 = arith.index_cast %add3A_297 : i32 to index
        %get3A_299 = arith.constant 0 : index
        %get3A_300 = tpu.vector_load %arg16[%get3A_298, %get3A_299] {strides = array<i32>} : memref<720x16xf32, #tpu.memory_space<vmem>>, vector<1x16xf32>,
        %get3A_301 = vector.shape_cast %get3A_300 : vector<1x16xf32> to vector<16xf32>
        %slice3A_302 = vector.extract_strided_slice %get3A_144 {offsets = [9], sizes = [1], strides = [1]} : vector<16xf32> to vector<1xf32>
        %squeeze3A_303 = vector.extract %slice3A_302[0] : f32 from vector<1xf32>
        %broadcast_in_dim3A_304 = vector.broadcast %squeeze3A_303 : f32 to vector<16xf32>
        %mul3A_305 = arith.mulf %get3A_301, %broadcast_in_dim3A_304 : vector<16xf32>
        %swap3A_306 = arith.index_cast %add3A_297 : i32 to index
        %swap3A_307 = arith.constant 0 : index
        %swap3A_308 = tpu.vector_load %arg16[%swap3A_306, %swap3A_307] {strides = array<i32>} : memref<720x16xf32, #tpu.memory_space<vmem>>, vector<1x16xf32>,
        %swap3A_309 = vector.shape_cast %swap3A_308 : vector<1x16xf32> to vector<16xf32>
        %swap3A_310 = vector.shape_cast %mul3A_305 : vector<16xf32> to vector<1x16xf32>
        tpu.vector_store %arg16[%swap3A_306, %swap3A_307], %swap3A_310 {strides = array<i32>} : memref<720x16xf32, #tpu.memory_space<vmem>>, vector<1x16xf32>,
        %mul3A_311 = arith.constant 16 : i32
        %mul3A_312 = arith.muli %scan3A_140, %mul3A_311 : i32
        %add3A_313 = arith.constant 10 : i32
        %add3A_314 = arith.addi %mul3A_312, %add3A_313 : i32
        %get3A_315 = arith.index_cast %add3A_314 : i32 to index
        %get3A_316 = arith.constant 0 : index
        %get3A_317 = tpu.vector_load %arg16[%get3A_315, %get3A_316] {strides = array<i32>} : memref<720x16xf32, #tpu.memory_space<vmem>>, vector<1x16xf32>,
        %get3A_318 = vector.shape_cast %get3A_317 : vector<1x16xf32> to vector<16xf32>
        %slice3A_319 = vector.extract_strided_slice %get3A_144 {offsets = [10], sizes = [1], strides = [1]} : vector<16xf32> to vector<1xf32>
        %squeeze3A_320 = vector.extract %slice3A_319[0] : f32 from vector<1xf32>
        %broadcast_in_dim3A_321 = vector.broadcast %squeeze3A_320 : f32 to vector<16xf32>
        %mul3A_322 = arith.mulf %get3A_318, %broadcast_in_dim3A_321 : vector<16xf32>
        %swap3A_323 = arith.index_cast %add3A_314 : i32 to index
        %swap3A_324 = arith.constant 0 : index
        %swap3A_325 = tpu.vector_load %arg16[%swap3A_323, %swap3A_324] {strides = array<i32>} : memref<720x16xf32, #tpu.memory_space<vmem>>, vector<1x16xf32>,
        %swap3A_326 = vector.shape_cast %swap3A_325 : vector<1x16xf32> to vector<16xf32>
        %swap3A_327 = vector.shape_cast %mul3A_322 : vector<16xf32> to vector<1x16xf32>
        tpu.vector_store %arg16[%swap3A_323, %swap3A_324], %swap3A_327 {strides = array<i32>} : memref<720x16xf32, #tpu.memory_space<vmem>>, vector<1x16xf32>,
        %mul3A_328 = arith.constant 16 : i32
        %mul3A_329 = arith.muli %scan3A_140, %mul3A_328 : i32
        %add3A_330 = arith.constant 11 : i32
        %add3A_331 = arith.addi %mul3A_329, %add3A_330 : i32
        %get3A_332 = arith.index_cast %add3A_331 : i32 to index
        %get3A_333 = arith.constant 0 : index
        %get3A_334 = tpu.vector_load %arg16[%get3A_332, %get3A_333] {strides = array<i32>} : memref<720x16xf32, #tpu.memory_space<vmem>>, vector<1x16xf32>,
        %get3A_335 = vector.shape_cast %get3A_334 : vector<1x16xf32> to vector<16xf32>
        %slice3A_336 = vector.extract_strided_slice %get3A_144 {offsets = [11], sizes = [1], strides = [1]} : vector<16xf32> to vector<1xf32>
        %squeeze3A_337 = vector.extract %slice3A_336[0] : f32 from vector<1xf32>
        %broadcast_in_dim3A_338 = vector.broadcast %squeeze3A_337 : f32 to vector<16xf32>
        %mul3A_339 = arith.mulf %get3A_335, %broadcast_in_dim3A_338 : vector<16xf32>
        %swap3A_340 = arith.index_cast %add3A_331 : i32 to index
        %swap3A_341 = arith.constant 0 : index
        %swap3A_342 = tpu.vector_load %arg16[%swap3A_340, %swap3A_341] {strides = array<i32>} : memref<720x16xf32, #tpu.memory_space<vmem>>, vector<1x16xf32>,
        %swap3A_343 = vector.shape_cast %swap3A_342 : vector<1x16xf32> to vector<16xf32>
        %swap3A_344 = vector.shape_cast %mul3A_339 : vector<16xf32> to vector<1x16xf32>
        tpu.vector_store %arg16[%swap3A_340, %swap3A_341], %swap3A_344 {strides = array<i32>} : memref<720x16xf32, #tpu.memory_space<vmem>>, vector<1x16xf32>,
        %mul3A_345 = arith.constant 16 : i32
        %mul3A_346 = arith.muli %scan3A_140, %mul3A_345 : i32
        %add3A_347 = arith.constant 12 : i32
        %add3A_348 = arith.addi %mul3A_346, %add3A_347 : i32
        %get3A_349 = arith.index_cast %add3A_348 : i32 to index
        %get3A_350 = arith.constant 0 : index
        %get3A_351 = tpu.vector_load %arg16[%get3A_349, %get3A_350] {strides = array<i32>} : memref<720x16xf32, #tpu.memory_space<vmem>>, vector<1x16xf32>,
        %get3A_352 = vector.shape_cast %get3A_351 : vector<1x16xf32> to vector<16xf32>
        %slice3A_353 = vector.extract_strided_slice %get3A_144 {offsets = [12], sizes = [1], strides = [1]} : vector<16xf32> to vector<1xf32>
        %squeeze3A_354 = vector.extract %slice3A_353[0] : f32 from vector<1xf32>
        %broadcast_in_dim3A_355 = vector.broadcast %squeeze3A_354 : f32 to vector<16xf32>
        %mul3A_356 = arith.mulf %get3A_352, %broadcast_in_dim3A_355 : vector<16xf32>
        %swap3A_357 = arith.index_cast %add3A_348 : i32 to index
        %swap3A_358 = arith.constant 0 : index
        %swap3A_359 = tpu.vector_load %arg16[%swap3A_357, %swap3A_358] {strides = array<i32>} : memref<720x16xf32, #tpu.memory_space<vmem>>, vector<1x16xf32>,
        %swap3A_360 = vector.shape_cast %swap3A_359 : vector<1x16xf32> to vector<16xf32>
        %swap3A_361 = vector.shape_cast %mul3A_356 : vector<16xf32> to vector<1x16xf32>
        tpu.vector_store %arg16[%swap3A_357, %swap3A_358], %swap3A_361 {strides = array<i32>} : memref<720x16xf32, #tpu.memory_space<vmem>>, vector<1x16xf32>,
        %mul3A_362 = arith.constant 16 : i32
        %mul3A_363 = arith.muli %scan3A_140, %mul3A_362 : i32
        %add3A_364 = arith.constant 13 : i32
        %add3A_365 = arith.addi %mul3A_363, %add3A_364 : i32
        %get3A_366 = arith.index_cast %add3A_365 : i32 to index
        %get3A_367 = arith.constant 0 : index
        %get3A_368 = tpu.vector_load %arg16[%get3A_366, %get3A_367] {strides = array<i32>} : memref<720x16xf32, #tpu.memory_space<vmem>>, vector<1x16xf32>,
        %get3A_369 = vector.shape_cast %get3A_368 : vector<1x16xf32> to vector<16xf32>
        %slice3A_370 = vector.extract_strided_slice %get3A_144 {offsets = [13], sizes = [1], strides = [1]} : vector<16xf32> to vector<1xf32>
        %squeeze3A_371 = vector.extract %slice3A_370[0] : f32 from vector<1xf32>
        %broadcast_in_dim3A_372 = vector.broadcast %squeeze3A_371 : f32 to vector<16xf32>
        %mul3A_373 = arith.mulf %get3A_369, %broadcast_in_dim3A_372 : vector<16xf32>
        %swap3A_374 = arith.index_cast %add3A_365 : i32 to index
        %swap3A_375 = arith.constant 0 : index
        %swap3A_376 = tpu.vector_load %arg16[%swap3A_374, %swap3A_375] {strides = array<i32>} : memref<720x16xf32, #tpu.memory_space<vmem>>, vector<1x16xf32>,
        %swap3A_377 = vector.shape_cast %swap3A_376 : vector<1x16xf32> to vector<16xf32>
        %swap3A_378 = vector.shape_cast %mul3A_373 : vector<16xf32> to vector<1x16xf32>
        tpu.vector_store %arg16[%swap3A_374, %swap3A_375], %swap3A_378 {strides = array<i32>} : memref<720x16xf32, #tpu.memory_space<vmem>>, vector<1x16xf32>,
        %mul3A_379 = arith.constant 16 : i32
        %mul3A_380 = arith.muli %scan3A_140, %mul3A_379 : i32
        %add3A_381 = arith.constant 14 : i32
        %add3A_382 = arith.addi %mul3A_380, %add3A_381 : i32
        %get3A_383 = arith.index_cast %add3A_382 : i32 to index
        %get3A_384 = arith.constant 0 : index
        %get3A_385 = tpu.vector_load %arg16[%get3A_383, %get3A_384] {strides = array<i32>} : memref<720x16xf32, #tpu.memory_space<vmem>>, vector<1x16xf32>,
        %get3A_386 = vector.shape_cast %get3A_385 : vector<1x16xf32> to vector<16xf32>
        %slice3A_387 = vector.extract_strided_slice %get3A_144 {offsets = [14], sizes = [1], strides = [1]} : vector<16xf32> to vector<1xf32>
        %squeeze3A_388 = vector.extract %slice3A_387[0] : f32 from vector<1xf32>
        %broadcast_in_dim3A_389 = vector.broadcast %squeeze3A_388 : f32 to vector<16xf32>
        %mul3A_390 = arith.mulf %get3A_386, %broadcast_in_dim3A_389 : vector<16xf32>
        %swap3A_391 = arith.index_cast %add3A_382 : i32 to index
        %swap3A_392 = arith.constant 0 : index
        %swap3A_393 = tpu.vector_load %arg16[%swap3A_391, %swap3A_392] {strides = array<i32>} : memref<720x16xf32, #tpu.memory_space<vmem>>, vector<1x16xf32>,
        %swap3A_394 = vector.shape_cast %swap3A_393 : vector<1x16xf32> to vector<16xf32>
        %swap3A_395 = vector.shape_cast %mul3A_390 : vector<16xf32> to vector<1x16xf32>
        tpu.vector_store %arg16[%swap3A_391, %swap3A_392], %swap3A_395 {strides = array<i32>} : memref<720x16xf32, #tpu.memory_space<vmem>>, vector<1x16xf32>,
        %mul3A_396 = arith.constant 16 : i32
        %mul3A_397 = arith.muli %scan3A_140, %mul3A_396 : i32
        %add3A_398 = arith.constant 15 : i32
        %add3A_399 = arith.addi %mul3A_397, %add3A_398 : i32
        %get3A_400 = arith.index_cast %add3A_399 : i32 to index
        %get3A_401 = arith.constant 0 : index
        %get3A_402 = tpu.vector_load %arg16[%get3A_400, %get3A_401] {strides = array<i32>} : memref<720x16xf32, #tpu.memory_space<vmem>>, vector<1x16xf32>,
        %get3A_403 = vector.shape_cast %get3A_402 : vector<1x16xf32> to vector<16xf32>
        %slice3A_404 = vector.extract_strided_slice %get3A_144 {offsets = [15], sizes = [1], strides = [1]} : vector<16xf32> to vector<1xf32>
        %squeeze3A_405 = vector.extract %slice3A_404[0] : f32 from vector<1xf32>
        %broadcast_in_dim3A_406 = vector.broadcast %squeeze3A_405 : f32 to vector<16xf32>
        %mul3A_407 = arith.mulf %get3A_403, %broadcast_in_dim3A_406 : vector<16xf32>
        %swap3A_408 = arith.index_cast %add3A_399 : i32 to index
        %swap3A_409 = arith.constant 0 : index
        %swap3A_410 = tpu.vector_load %arg16[%swap3A_408, %swap3A_409] {strides = array<i32>} : memref<720x16xf32, #tpu.memory_space<vmem>>, vector<1x16xf32>,
        %swap3A_411 = vector.shape_cast %swap3A_410 : vector<1x16xf32> to vector<16xf32>
        %swap3A_412 = vector.shape_cast %mul3A_407 : vector<16xf32> to vector<1x16xf32>
        tpu.vector_store %arg16[%swap3A_408, %swap3A_409], %swap3A_412 {strides = array<i32>} : memref<720x16xf32, #tpu.memory_space<vmem>>, vector<1x16xf32>,
      }
      %scan3A_120 = arith.constant 45 : i32
      %mul3A_121 = arith.constant 2 : i32
      %mul3A_122 = arith.muli %mul3A_121, %scan3A_52 : i32
      %add3A_123 = arith.constant 2 : i32
      %add3A_124 = arith.addi %mul3A_122, %add3A_123 : i32
      %mul3A_125 = arith.constant 720 : i32
      %mul3A_126 = arith.muli %add3A_124, %mul3A_125 : i32
      %add3A_127 = arith.addi %mul3A_2, %mul3A_126 : i32
      %dma_wait3A_128 = tpu.memref_slice %arg3[%add3A_127] : memref<2880000xi32, #tpu.memory_space<hbm>> -> memref<720xi32, #tpu.memory_space<hbm>>
      %dma_wait3A_129 = tpu.memref_slice %arg3[%add3A_127] : memref<2880000xi32, #tpu.memory_space<hbm>> -> memref<720xi32, #tpu.memory_space<hbm>>
      tpu.wait_dma2 semaphore(%arg17 : memref<!tpu.dma_semaphore, #tpu.memory_space<semaphore_mem>>) src(%dma_wait3A_129 : memref<720xi32, #tpu.memory_space<hbm>>) dst(%arg9 : memref<720xi32, #tpu.memory_space<vmem>>)
      %dma_wait3A_130 = tpu.memref_slice %arg4[%add3A_127] : memref<2880000xi32, #tpu.memory_space<hbm>> -> memref<720xi32, #tpu.memory_space<hbm>>
      %dma_wait3A_131 = tpu.memref_slice %arg4[%add3A_127] : memref<2880000xi32, #tpu.memory_space<hbm>> -> memref<720xi32, #tpu.memory_space<hbm>>
      tpu.wait_dma2 semaphore(%arg17 : memref<!tpu.dma_semaphore, #tpu.memory_space<semaphore_mem>>) src(%dma_wait3A_131 : memref<720xi32, #tpu.memory_space<hbm>>) dst(%arg10 : memref<720xi32, #tpu.memory_space<vmem>>)
      %dma_wait3A_132 = tpu.memref_slice %arg5[%add3A_127] : memref<2880000xf32, #tpu.memory_space<hbm>> -> memref<720xf32, #tpu.memory_space<hbm>>
      %dma_wait3A_133 = tpu.memref_slice %arg5[%add3A_127] : memref<2880000xf32, #tpu.memory_space<hbm>> -> memref<720xf32, #tpu.memory_space<hbm>>
      tpu.wait_dma2 semaphore(%arg17 : memref<!tpu.dma_semaphore, #tpu.memory_space<semaphore_mem>>) src(%dma_wait3A_133 : memref<720xf32, #tpu.memory_space<hbm>>) dst(%arg11 : memref<720xf32, #tpu.memory_space<vmem>>)
      %dma_start3A_134 = arith.constant 0 : i32
      %dma_start3A_135 = arith.constant 0 : i32
      %dma_start3A_136 = tpu.memref_slice %arg2[%dma_start3A_134, %dma_start3A_135] : memref<90000x16xf32, #tpu.memory_space<hbm>> -> memref<90000x16xf32, #tpu.memory_space<hbm>>
      tpu.enqueue_indirect_dma source(%dma_start3A_136 : memref<90000x16xf32, #tpu.memory_space<hbm>>) target(%arg12 : memref<720x16xf32, #tpu.memory_space<vmem>>) offsets(%arg9 : memref<720xi32, #tpu.memory_space<vmem>>) semaphore(%arg19 : memref<!tpu.dma_semaphore, #tpu.memory_space<semaphore_mem>>)
      %dma_start3A_137 = arith.constant 0 : i32
      %dma_start3A_138 = arith.constant 0 : i32
      %dma_start3A_139 = tpu.memref_slice %arg8[%dma_start3A_137, %dma_start3A_138] : memref<90112x16xf32, #tpu.memory_space<vmem_shared>> -> memref<90112x16xf32, #tpu.memory_space<vmem_shared>>
      tpu.enqueue_indirect_dma source(%arg16 : memref<720x16xf32, #tpu.memory_space<vmem>>) target(%dma_start3A_139 : memref<90112x16xf32, #tpu.memory_space<vmem_shared>>) offsets(%arg14 : memref<720xi32, #tpu.memory_space<vmem>>) semaphore(%arg22 : memref<!tpu.dma_semaphore, #tpu.memory_space<semaphore_mem>>) {add = true}
    }
    %scan3A_28 = arith.constant 62 : i32
    %dma_wait3A_29 = arith.constant 0 : i32
    %dma_wait3A_30 = arith.constant 0 : i32
    %dma_wait3A_31 = tpu.memref_slice %arg8[%dma_wait3A_29, %dma_wait3A_30] : memref<90112x16xf32, #tpu.memory_space<vmem_shared>> -> memref<90112x16xf32, #tpu.memory_space<vmem_shared>>
    tpu.wait_indirect_dma semaphore(%arg22 : memref<!tpu.dma_semaphore, #tpu.memory_space<semaphore_mem>>) src(%arg16 : memref<720x16xf32, #tpu.memory_space<vmem>>) dst(%dma_wait3A_31 : memref<90112x16xf32, #tpu.memory_space<vmem_shared>>)
    %dma_wait3A_32 = arith.constant 0 : i32
    %dma_wait3A_33 = arith.constant 0 : i32
    %dma_wait3A_34 = tpu.memref_slice %arg2[%dma_wait3A_32, %dma_wait3A_33] : memref<90000x16xf32, #tpu.memory_space<hbm>> -> memref<90000x16xf32, #tpu.memory_space<hbm>>
    tpu.wait_indirect_dma semaphore(%arg19 : memref<!tpu.dma_semaphore, #tpu.memory_space<semaphore_mem>>) src(%dma_wait3A_34 : memref<90000x16xf32, #tpu.memory_space<hbm>>) dst(%arg12 : memref<720x16xf32, #tpu.memory_space<vmem>>)
    %scan3A_35 = arith.constant 0 : i32
    %scan3A_36 = arith.constant 0 : i32
    %scan3A_37 = arith.constant 45 : i32
    %scan3A_38 = arith.addi %scan3A_36, %scan3A_37 : i32
    %scan3A_39 = arith.constant 1 : i32
    scf.for %scan3A_52 = %scan3A_36 to %scan3A_38 step %scan3A_39  : i32 {
      %mul3A_53 = arith.constant 16 : i32
      %mul3A_54 = arith.muli %scan3A_52, %mul3A_53 : i32
      %get3A = arith.index_cast %mul3A_54 : i32 to index
      %get3A_55 = tpu.vector_load %arg11[%get3A] {strides = array<i32>} : memref<720xf32, #tpu.memory_space<vmem>>, vector<16xf32>,
      %get3A_56 = vector.shape_cast %get3A_55 : vector<16xf32> to vector<16xf32>
      %mul3A_57 = arith.constant 16 : i32
      %mul3A_58 = arith.muli %scan3A_52, %mul3A_57 : i32
      %add3A_59 = arith.constant 0 : i32
      %add3A_60 = arith.addi %mul3A_58, %add3A_59 : i32
      %get3A_61 = arith.index_cast %add3A_60 : i32 to index
      %get3A_62 = arith.constant 0 : index
      %get3A_63 = tpu.vector_load %arg12[%get3A_61, %get3A_62] {strides = array<i32>} : memref<720x16xf32, #tpu.memory_space<vmem>>, vector<1x16xf32>,
      %get3A_64 = vector.shape_cast %get3A_63 : vector<1x16xf32> to vector<16xf32>
      %slice3A = vector.extract_strided_slice %get3A_56 {offsets = [0], sizes = [1], strides = [1]} : vector<16xf32> to vector<1xf32>
      %squeeze3A = vector.extract %slice3A[0] : f32 from vector<1xf32>
      %broadcast_in_dim3A = vector.broadcast %squeeze3A : f32 to vector<16xf32>
      %mul3A_65 = arith.mulf %get3A_64, %broadcast_in_dim3A : vector<16xf32>
      %swap3A = arith.index_cast %add3A_60 : i32 to index
      %swap3A_66 = arith.constant 0 : index
      %swap3A_67 = tpu.vector_load %arg12[%swap3A, %swap3A_66] {strides = array<i32>} : memref<720x16xf32, #tpu.memory_space<vmem>>, vector<1x16xf32>,
      %swap3A_68 = vector.shape_cast %swap3A_67 : vector<1x16xf32> to vector<16xf32>
      %swap3A_69 = vector.shape_cast %mul3A_65 : vector<16xf32> to vector<1x16xf32>
      tpu.vector_store %arg12[%swap3A, %swap3A_66], %swap3A_69 {strides = array<i32>} : memref<720x16xf32, #tpu.memory_space<vmem>>, vector<1x16xf32>,
      %mul3A_70 = arith.constant 16 : i32
      %mul3A_71 = arith.muli %scan3A_52, %mul3A_70 : i32
      %add3A_72 = arith.constant 1 : i32
      %add3A_73 = arith.addi %mul3A_71, %add3A_72 : i32
      %get3A_74 = arith.index_cast %add3A_73 : i32 to index
      %get3A_75 = arith.constant 0 : index
      %get3A_76 = tpu.vector_load %arg12[%get3A_74, %get3A_75] {strides = array<i32>} : memref<720x16xf32, #tpu.memory_space<vmem>>, vector<1x16xf32>,
      %get3A_77 = vector.shape_cast %get3A_76 : vector<1x16xf32> to vector<16xf32>
      %slice3A_78 = vector.extract_strided_slice %get3A_56 {offsets = [1], sizes = [1], strides = [1]} : vector<16xf32> to vector<1xf32>
      %squeeze3A_79 = vector.extract %slice3A_78[0] : f32 from vector<1xf32>
      %broadcast_in_dim3A_80 = vector.broadcast %squeeze3A_79 : f32 to vector<16xf32>
      %mul3A_81 = arith.mulf %get3A_77, %broadcast_in_dim3A_80 : vector<16xf32>
      %swap3A_82 = arith.index_cast %add3A_73 : i32 to index
      %swap3A_83 = arith.constant 0 : index
      %swap3A_84 = tpu.vector_load %arg12[%swap3A_82, %swap3A_83] {strides = array<i32>} : memref<720x16xf32, #tpu.memory_space<vmem>>, vector<1x16xf32>,
      %swap3A_85 = vector.shape_cast %swap3A_84 : vector<1x16xf32> to vector<16xf32>
      %swap3A_86 = vector.shape_cast %mul3A_81 : vector<16xf32> to vector<1x16xf32>
      tpu.vector_store %arg12[%swap3A_82, %swap3A_83], %swap3A_86 {strides = array<i32>} : memref<720x16xf32, #tpu.memory_space<vmem>>, vector<1x16xf32>,
      %mul3A_87 = arith.constant 16 : i32
      %mul3A_88 = arith.muli %scan3A_52, %mul3A_87 : i32
      %add3A_89 = arith.constant 2 : i32
      %add3A_90 = arith.addi %mul3A_88, %add3A_89 : i32
      %get3A_91 = arith.index_cast %add3A_90 : i32 to index
      %get3A_92 = arith.constant 0 : index
      %get3A_93 = tpu.vector_load %arg12[%get3A_91, %get3A_92] {strides = array<i32>} : memref<720x16xf32, #tpu.memory_space<vmem>>, vector<1x16xf32>,
      %get3A_94 = vector.shape_cast %get3A_93 : vector<1x16xf32> to vector<16xf32>
      %slice3A_95 = vector.extract_strided_slice %get3A_56 {offsets = [2], sizes = [1], strides = [1]} : vector<16xf32> to vector<1xf32>
      %squeeze3A_96 = vector.extract %slice3A_95[0] : f32 from vector<1xf32>
      %broadcast_in_dim3A_97 = vector.broadcast %squeeze3A_96 : f32 to vector<16xf32>
      %mul3A_98 = arith.mulf %get3A_94, %broadcast_in_dim3A_97 : vector<16xf32>
      %swap3A_99 = arith.index_cast %add3A_90 : i32 to index
      %swap3A_100 = arith.constant 0 : index
      %swap3A_101 = tpu.vector_load %arg12[%swap3A_99, %swap3A_100] {strides = array<i32>} : memref<720x16xf32, #tpu.memory_space<vmem>>, vector<1x16xf32>,
      %swap3A_102 = vector.shape_cast %swap3A_101 : vector<1x16xf32> to vector<16xf32>
      %swap3A_103 = vector.shape_cast %mul3A_98 : vector<16xf32> to vector<1x16xf32>
      tpu.vector_store %arg12[%swap3A_99, %swap3A_100], %swap3A_103 {strides = array<i32>} : memref<720x16xf32, #tpu.memory_space<vmem>>, vector<1x16xf32>,
      %mul3A_104 = arith.constant 16 : i32
      %mul3A_105 = arith.muli %scan3A_52, %mul3A_104 : i32
      %add3A_106 = arith.constant 3 : i32
      %add3A_107 = arith.addi %mul3A_105, %add3A_106 : i32
      %get3A_108 = arith.index_cast %add3A_107 : i32 to index
      %get3A_109 = arith.constant 0 : index
      %get3A_110 = tpu.vector_load %arg12[%get3A_108, %get3A_109] {strides = array<i32>} : memref<720x16xf32, #tpu.memory_space<vmem>>, vector<1x16xf32>,
      %get3A_111 = vector.shape_cast %get3A_110 : vector<1x16xf32> to vector<16xf32>
      %slice3A_112 = vector.extract_strided_slice %get3A_56 {offsets = [3], sizes = [1], strides = [1]} : vector<16xf32> to vector<1xf32>
      %squeeze3A_113 = vector.extract %slice3A_112[0] : f32 from vector<1xf32>
      %broadcast_in_dim3A_114 = vector.broadcast %squeeze3A_113 : f32 to vector<16xf32>
      %mul3A_115 = arith.mulf %get3A_111, %broadcast_in_dim3A_114 : vector<16xf32>
      %swap3A_116 = arith.index_cast %add3A_107 : i32 to index
      %swap3A_117 = arith.constant 0 : index
      %swap3A_118 = tpu.vector_load %arg12[%swap3A_116, %swap3A_117] {strides = array<i32>} : memref<720x16xf32, #tpu.memory_space<vmem>>, vector<1x16xf32>,
      %swap3A_119 = vector.shape_cast %swap3A_118 : vector<1x16xf32> to vector<16xf32>
      %swap3A_120 = vector.shape_cast %mul3A_115 : vector<16xf32> to vector<1x16xf32>
      tpu.vector_store %arg12[%swap3A_116, %swap3A_117], %swap3A_120 {strides = array<i32>} : memref<720x16xf32, #tpu.memory_space<vmem>>, vector<1x16xf32>,
      %mul3A_121 = arith.constant 16 : i32
      %mul3A_122 = arith.muli %scan3A_52, %mul3A_121 : i32
      %add3A_123 = arith.constant 4 : i32
      %add3A_124 = arith.addi %mul3A_122, %add3A_123 : i32
      %get3A_125 = arith.index_cast %add3A_124 : i32 to index
      %get3A_126 = arith.constant 0 : index
      %get3A_127 = tpu.vector_load %arg12[%get3A_125, %get3A_126] {strides = array<i32>} : memref<720x16xf32, #tpu.memory_space<vmem>>, vector<1x16xf32>,
      %get3A_128 = vector.shape_cast %get3A_127 : vector<1x16xf32> to vector<16xf32>
      %slice3A_129 = vector.extract_strided_slice %get3A_56 {offsets = [4], sizes = [1], strides = [1]} : vector<16xf32> to vector<1xf32>
      %squeeze3A_130 = vector.extract %slice3A_129[0] : f32 from vector<1xf32>
      %broadcast_in_dim3A_131 = vector.broadcast %squeeze3A_130 : f32 to vector<16xf32>
      %mul3A_132 = arith.mulf %get3A_128, %broadcast_in_dim3A_131 : vector<16xf32>
      %swap3A_133 = arith.index_cast %add3A_124 : i32 to index
      %swap3A_134 = arith.constant 0 : index
      %swap3A_135 = tpu.vector_load %arg12[%swap3A_133, %swap3A_134] {strides = array<i32>} : memref<720x16xf32, #tpu.memory_space<vmem>>, vector<1x16xf32>,
      %swap3A_136 = vector.shape_cast %swap3A_135 : vector<1x16xf32> to vector<16xf32>
      %swap3A_137 = vector.shape_cast %mul3A_132 : vector<16xf32> to vector<1x16xf32>
      tpu.vector_store %arg12[%swap3A_133, %swap3A_134], %swap3A_137 {strides = array<i32>} : memref<720x16xf32, #tpu.memory_space<vmem>>, vector<1x16xf32>,
      %mul3A_138 = arith.constant 16 : i32
      %mul3A_139 = arith.muli %scan3A_52, %mul3A_138 : i32
      %add3A_140 = arith.constant 5 : i32
      %add3A_141 = arith.addi %mul3A_139, %add3A_140 : i32
      %get3A_142 = arith.index_cast %add3A_141 : i32 to index
      %get3A_143 = arith.constant 0 : index
      %get3A_144 = tpu.vector_load %arg12[%get3A_142, %get3A_143] {strides = array<i32>} : memref<720x16xf32, #tpu.memory_space<vmem>>, vector<1x16xf32>,
      %get3A_145 = vector.shape_cast %get3A_144 : vector<1x16xf32> to vector<16xf32>
      %slice3A_146 = vector.extract_strided_slice %get3A_56 {offsets = [5], sizes = [1], strides = [1]} : vector<16xf32> to vector<1xf32>
      %squeeze3A_147 = vector.extract %slice3A_146[0] : f32 from vector<1xf32>
      %broadcast_in_dim3A_148 = vector.broadcast %squeeze3A_147 : f32 to vector<16xf32>
      %mul3A_149 = arith.mulf %get3A_145, %broadcast_in_dim3A_148 : vector<16xf32>
      %swap3A_150 = arith.index_cast %add3A_141 : i32 to index
      %swap3A_151 = arith.constant 0 : index
      %swap3A_152 = tpu.vector_load %arg12[%swap3A_150, %swap3A_151] {strides = array<i32>} : memref<720x16xf32, #tpu.memory_space<vmem>>, vector<1x16xf32>,
      %swap3A_153 = vector.shape_cast %swap3A_152 : vector<1x16xf32> to vector<16xf32>
      %swap3A_154 = vector.shape_cast %mul3A_149 : vector<16xf32> to vector<1x16xf32>
      tpu.vector_store %arg12[%swap3A_150, %swap3A_151], %swap3A_154 {strides = array<i32>} : memref<720x16xf32, #tpu.memory_space<vmem>>, vector<1x16xf32>,
      %mul3A_155 = arith.constant 16 : i32
      %mul3A_156 = arith.muli %scan3A_52, %mul3A_155 : i32
      %add3A_157 = arith.constant 6 : i32
      %add3A_158 = arith.addi %mul3A_156, %add3A_157 : i32
      %get3A_159 = arith.index_cast %add3A_158 : i32 to index
      %get3A_160 = arith.constant 0 : index
      %get3A_161 = tpu.vector_load %arg12[%get3A_159, %get3A_160] {strides = array<i32>} : memref<720x16xf32, #tpu.memory_space<vmem>>, vector<1x16xf32>,
      %get3A_162 = vector.shape_cast %get3A_161 : vector<1x16xf32> to vector<16xf32>
      %slice3A_163 = vector.extract_strided_slice %get3A_56 {offsets = [6], sizes = [1], strides = [1]} : vector<16xf32> to vector<1xf32>
      %squeeze3A_164 = vector.extract %slice3A_163[0] : f32 from vector<1xf32>
      %broadcast_in_dim3A_165 = vector.broadcast %squeeze3A_164 : f32 to vector<16xf32>
      %mul3A_166 = arith.mulf %get3A_162, %broadcast_in_dim3A_165 : vector<16xf32>
      %swap3A_167 = arith.index_cast %add3A_158 : i32 to index
      %swap3A_168 = arith.constant 0 : index
      %swap3A_169 = tpu.vector_load %arg12[%swap3A_167, %swap3A_168] {strides = array<i32>} : memref<720x16xf32, #tpu.memory_space<vmem>>, vector<1x16xf32>,
      %swap3A_170 = vector.shape_cast %swap3A_169 : vector<1x16xf32> to vector<16xf32>
      %swap3A_171 = vector.shape_cast %mul3A_166 : vector<16xf32> to vector<1x16xf32>
      tpu.vector_store %arg12[%swap3A_167, %swap3A_168], %swap3A_171 {strides = array<i32>} : memref<720x16xf32, #tpu.memory_space<vmem>>, vector<1x16xf32>,
      %mul3A_172 = arith.constant 16 : i32
      %mul3A_173 = arith.muli %scan3A_52, %mul3A_172 : i32
      %add3A_174 = arith.constant 7 : i32
      %add3A_175 = arith.addi %mul3A_173, %add3A_174 : i32
      %get3A_176 = arith.index_cast %add3A_175 : i32 to index
      %get3A_177 = arith.constant 0 : index
      %get3A_178 = tpu.vector_load %arg12[%get3A_176, %get3A_177] {strides = array<i32>} : memref<720x16xf32, #tpu.memory_space<vmem>>, vector<1x16xf32>,
      %get3A_179 = vector.shape_cast %get3A_178 : vector<1x16xf32> to vector<16xf32>
      %slice3A_180 = vector.extract_strided_slice %get3A_56 {offsets = [7], sizes = [1], strides = [1]} : vector<16xf32> to vector<1xf32>
      %squeeze3A_181 = vector.extract %slice3A_180[0] : f32 from vector<1xf32>
      %broadcast_in_dim3A_182 = vector.broadcast %squeeze3A_181 : f32 to vector<16xf32>
      %mul3A_183 = arith.mulf %get3A_179, %broadcast_in_dim3A_182 : vector<16xf32>
      %swap3A_184 = arith.index_cast %add3A_175 : i32 to index
      %swap3A_185 = arith.constant 0 : index
      %swap3A_186 = tpu.vector_load %arg12[%swap3A_184, %swap3A_185] {strides = array<i32>} : memref<720x16xf32, #tpu.memory_space<vmem>>, vector<1x16xf32>,
      %swap3A_187 = vector.shape_cast %swap3A_186 : vector<1x16xf32> to vector<16xf32>
      %swap3A_188 = vector.shape_cast %mul3A_183 : vector<16xf32> to vector<1x16xf32>
      tpu.vector_store %arg12[%swap3A_184, %swap3A_185], %swap3A_188 {strides = array<i32>} : memref<720x16xf32, #tpu.memory_space<vmem>>, vector<1x16xf32>,
      %mul3A_189 = arith.constant 16 : i32
      %mul3A_190 = arith.muli %scan3A_52, %mul3A_189 : i32
      %add3A_191 = arith.constant 8 : i32
      %add3A_192 = arith.addi %mul3A_190, %add3A_191 : i32
      %get3A_193 = arith.index_cast %add3A_192 : i32 to index
      %get3A_194 = arith.constant 0 : index
      %get3A_195 = tpu.vector_load %arg12[%get3A_193, %get3A_194] {strides = array<i32>} : memref<720x16xf32, #tpu.memory_space<vmem>>, vector<1x16xf32>,
      %get3A_196 = vector.shape_cast %get3A_195 : vector<1x16xf32> to vector<16xf32>
      %slice3A_197 = vector.extract_strided_slice %get3A_56 {offsets = [8], sizes = [1], strides = [1]} : vector<16xf32> to vector<1xf32>
      %squeeze3A_198 = vector.extract %slice3A_197[0] : f32 from vector<1xf32>
      %broadcast_in_dim3A_199 = vector.broadcast %squeeze3A_198 : f32 to vector<16xf32>
      %mul3A_200 = arith.mulf %get3A_196, %broadcast_in_dim3A_199 : vector<16xf32>
      %swap3A_201 = arith.index_cast %add3A_192 : i32 to index
      %swap3A_202 = arith.constant 0 : index
      %swap3A_203 = tpu.vector_load %arg12[%swap3A_201, %swap3A_202] {strides = array<i32>} : memref<720x16xf32, #tpu.memory_space<vmem>>, vector<1x16xf32>,
      %swap3A_204 = vector.shape_cast %swap3A_203 : vector<1x16xf32> to vector<16xf32>
      %swap3A_205 = vector.shape_cast %mul3A_200 : vector<16xf32> to vector<1x16xf32>
      tpu.vector_store %arg12[%swap3A_201, %swap3A_202], %swap3A_205 {strides = array<i32>} : memref<720x16xf32, #tpu.memory_space<vmem>>, vector<1x16xf32>,
      %mul3A_206 = arith.constant 16 : i32
      %mul3A_207 = arith.muli %scan3A_52, %mul3A_206 : i32
      %add3A_208 = arith.constant 9 : i32
      %add3A_209 = arith.addi %mul3A_207, %add3A_208 : i32
      %get3A_210 = arith.index_cast %add3A_209 : i32 to index
      %get3A_211 = arith.constant 0 : index
      %get3A_212 = tpu.vector_load %arg12[%get3A_210, %get3A_211] {strides = array<i32>} : memref<720x16xf32, #tpu.memory_space<vmem>>, vector<1x16xf32>,
      %get3A_213 = vector.shape_cast %get3A_212 : vector<1x16xf32> to vector<16xf32>
      %slice3A_214 = vector.extract_strided_slice %get3A_56 {offsets = [9], sizes = [1], strides = [1]} : vector<16xf32> to vector<1xf32>
      %squeeze3A_215 = vector.extract %slice3A_214[0] : f32 from vector<1xf32>
      %broadcast_in_dim3A_216 = vector.broadcast %squeeze3A_215 : f32 to vector<16xf32>
      %mul3A_217 = arith.mulf %get3A_213, %broadcast_in_dim3A_216 : vector<16xf32>
      %swap3A_218 = arith.index_cast %add3A_209 : i32 to index
      %swap3A_219 = arith.constant 0 : index
      %swap3A_220 = tpu.vector_load %arg12[%swap3A_218, %swap3A_219] {strides = array<i32>} : memref<720x16xf32, #tpu.memory_space<vmem>>, vector<1x16xf32>,
      %swap3A_221 = vector.shape_cast %swap3A_220 : vector<1x16xf32> to vector<16xf32>
      %swap3A_222 = vector.shape_cast %mul3A_217 : vector<16xf32> to vector<1x16xf32>
      tpu.vector_store %arg12[%swap3A_218, %swap3A_219], %swap3A_222 {strides = array<i32>} : memref<720x16xf32, #tpu.memory_space<vmem>>, vector<1x16xf32>,
      %mul3A_223 = arith.constant 16 : i32
      %mul3A_224 = arith.muli %scan3A_52, %mul3A_223 : i32
      %add3A_225 = arith.constant 10 : i32
      %add3A_226 = arith.addi %mul3A_224, %add3A_225 : i32
      %get3A_227 = arith.index_cast %add3A_226 : i32 to index
      %get3A_228 = arith.constant 0 : index
      %get3A_229 = tpu.vector_load %arg12[%get3A_227, %get3A_228] {strides = array<i32>} : memref<720x16xf32, #tpu.memory_space<vmem>>, vector<1x16xf32>,
      %get3A_230 = vector.shape_cast %get3A_229 : vector<1x16xf32> to vector<16xf32>
      %slice3A_231 = vector.extract_strided_slice %get3A_56 {offsets = [10], sizes = [1], strides = [1]} : vector<16xf32> to vector<1xf32>
      %squeeze3A_232 = vector.extract %slice3A_231[0] : f32 from vector<1xf32>
      %broadcast_in_dim3A_233 = vector.broadcast %squeeze3A_232 : f32 to vector<16xf32>
      %mul3A_234 = arith.mulf %get3A_230, %broadcast_in_dim3A_233 : vector<16xf32>
      %swap3A_235 = arith.index_cast %add3A_226 : i32 to index
      %swap3A_236 = arith.constant 0 : index
      %swap3A_237 = tpu.vector_load %arg12[%swap3A_235, %swap3A_236] {strides = array<i32>} : memref<720x16xf32, #tpu.memory_space<vmem>>, vector<1x16xf32>,
      %swap3A_238 = vector.shape_cast %swap3A_237 : vector<1x16xf32> to vector<16xf32>
      %swap3A_239 = vector.shape_cast %mul3A_234 : vector<16xf32> to vector<1x16xf32>
      tpu.vector_store %arg12[%swap3A_235, %swap3A_236], %swap3A_239 {strides = array<i32>} : memref<720x16xf32, #tpu.memory_space<vmem>>, vector<1x16xf32>,
      %mul3A_240 = arith.constant 16 : i32
      %mul3A_241 = arith.muli %scan3A_52, %mul3A_240 : i32
      %add3A_242 = arith.constant 11 : i32
      %add3A_243 = arith.addi %mul3A_241, %add3A_242 : i32
      %get3A_244 = arith.index_cast %add3A_243 : i32 to index
      %get3A_245 = arith.constant 0 : index
      %get3A_246 = tpu.vector_load %arg12[%get3A_244, %get3A_245] {strides = array<i32>} : memref<720x16xf32, #tpu.memory_space<vmem>>, vector<1x16xf32>,
      %get3A_247 = vector.shape_cast %get3A_246 : vector<1x16xf32> to vector<16xf32>
      %slice3A_248 = vector.extract_strided_slice %get3A_56 {offsets = [11], sizes = [1], strides = [1]} : vector<16xf32> to vector<1xf32>
      %squeeze3A_249 = vector.extract %slice3A_248[0] : f32 from vector<1xf32>
      %broadcast_in_dim3A_250 = vector.broadcast %squeeze3A_249 : f32 to vector<16xf32>
      %mul3A_251 = arith.mulf %get3A_247, %broadcast_in_dim3A_250 : vector<16xf32>
      %swap3A_252 = arith.index_cast %add3A_243 : i32 to index
      %swap3A_253 = arith.constant 0 : index
      %swap3A_254 = tpu.vector_load %arg12[%swap3A_252, %swap3A_253] {strides = array<i32>} : memref<720x16xf32, #tpu.memory_space<vmem>>, vector<1x16xf32>,
      %swap3A_255 = vector.shape_cast %swap3A_254 : vector<1x16xf32> to vector<16xf32>
      %swap3A_256 = vector.shape_cast %mul3A_251 : vector<16xf32> to vector<1x16xf32>
      tpu.vector_store %arg12[%swap3A_252, %swap3A_253], %swap3A_256 {strides = array<i32>} : memref<720x16xf32, #tpu.memory_space<vmem>>, vector<1x16xf32>,
      %mul3A_257 = arith.constant 16 : i32
      %mul3A_258 = arith.muli %scan3A_52, %mul3A_257 : i32
      %add3A_259 = arith.constant 12 : i32
      %add3A_260 = arith.addi %mul3A_258, %add3A_259 : i32
      %get3A_261 = arith.index_cast %add3A_260 : i32 to index
      %get3A_262 = arith.constant 0 : index
      %get3A_263 = tpu.vector_load %arg12[%get3A_261, %get3A_262] {strides = array<i32>} : memref<720x16xf32, #tpu.memory_space<vmem>>, vector<1x16xf32>,
      %get3A_264 = vector.shape_cast %get3A_263 : vector<1x16xf32> to vector<16xf32>
      %slice3A_265 = vector.extract_strided_slice %get3A_56 {offsets = [12], sizes = [1], strides = [1]} : vector<16xf32> to vector<1xf32>
      %squeeze3A_266 = vector.extract %slice3A_265[0] : f32 from vector<1xf32>
      %broadcast_in_dim3A_267 = vector.broadcast %squeeze3A_266 : f32 to vector<16xf32>
      %mul3A_268 = arith.mulf %get3A_264, %broadcast_in_dim3A_267 : vector<16xf32>
      %swap3A_269 = arith.index_cast %add3A_260 : i32 to index
      %swap3A_270 = arith.constant 0 : index
      %swap3A_271 = tpu.vector_load %arg12[%swap3A_269, %swap3A_270] {strides = array<i32>} : memref<720x16xf32, #tpu.memory_space<vmem>>, vector<1x16xf32>,
      %swap3A_272 = vector.shape_cast %swap3A_271 : vector<1x16xf32> to vector<16xf32>
      %swap3A_273 = vector.shape_cast %mul3A_268 : vector<16xf32> to vector<1x16xf32>
      tpu.vector_store %arg12[%swap3A_269, %swap3A_270], %swap3A_273 {strides = array<i32>} : memref<720x16xf32, #tpu.memory_space<vmem>>, vector<1x16xf32>,
      %mul3A_274 = arith.constant 16 : i32
      %mul3A_275 = arith.muli %scan3A_52, %mul3A_274 : i32
      %add3A_276 = arith.constant 13 : i32
      %add3A_277 = arith.addi %mul3A_275, %add3A_276 : i32
      %get3A_278 = arith.index_cast %add3A_277 : i32 to index
      %get3A_279 = arith.constant 0 : index
      %get3A_280 = tpu.vector_load %arg12[%get3A_278, %get3A_279] {strides = array<i32>} : memref<720x16xf32, #tpu.memory_space<vmem>>, vector<1x16xf32>,
      %get3A_281 = vector.shape_cast %get3A_280 : vector<1x16xf32> to vector<16xf32>
      %slice3A_282 = vector.extract_strided_slice %get3A_56 {offsets = [13], sizes = [1], strides = [1]} : vector<16xf32> to vector<1xf32>
      %squeeze3A_283 = vector.extract %slice3A_282[0] : f32 from vector<1xf32>
      %broadcast_in_dim3A_284 = vector.broadcast %squeeze3A_283 : f32 to vector<16xf32>
      %mul3A_285 = arith.mulf %get3A_281, %broadcast_in_dim3A_284 : vector<16xf32>
      %swap3A_286 = arith.index_cast %add3A_277 : i32 to index
      %swap3A_287 = arith.constant 0 : index
      %swap3A_288 = tpu.vector_load %arg12[%swap3A_286, %swap3A_287] {strides = array<i32>} : memref<720x16xf32, #tpu.memory_space<vmem>>, vector<1x16xf32>,
      %swap3A_289 = vector.shape_cast %swap3A_288 : vector<1x16xf32> to vector<16xf32>
      %swap3A_290 = vector.shape_cast %mul3A_285 : vector<16xf32> to vector<1x16xf32>
      tpu.vector_store %arg12[%swap3A_286, %swap3A_287], %swap3A_290 {strides = array<i32>} : memref<720x16xf32, #tpu.memory_space<vmem>>, vector<1x16xf32>,
      %mul3A_291 = arith.constant 16 : i32
      %mul3A_292 = arith.muli %scan3A_52, %mul3A_291 : i32
      %add3A_293 = arith.constant 14 : i32
      %add3A_294 = arith.addi %mul3A_292, %add3A_293 : i32
      %get3A_295 = arith.index_cast %add3A_294 : i32 to index
      %get3A_296 = arith.constant 0 : index
      %get3A_297 = tpu.vector_load %arg12[%get3A_295, %get3A_296] {strides = array<i32>} : memref<720x16xf32, #tpu.memory_space<vmem>>, vector<1x16xf32>,
      %get3A_298 = vector.shape_cast %get3A_297 : vector<1x16xf32> to vector<16xf32>
      %slice3A_299 = vector.extract_strided_slice %get3A_56 {offsets = [14], sizes = [1], strides = [1]} : vector<16xf32> to vector<1xf32>
      %squeeze3A_300 = vector.extract %slice3A_299[0] : f32 from vector<1xf32>
      %broadcast_in_dim3A_301 = vector.broadcast %squeeze3A_300 : f32 to vector<16xf32>
      %mul3A_302 = arith.mulf %get3A_298, %broadcast_in_dim3A_301 : vector<16xf32>
      %swap3A_303 = arith.index_cast %add3A_294 : i32 to index
      %swap3A_304 = arith.constant 0 : index
      %swap3A_305 = tpu.vector_load %arg12[%swap3A_303, %swap3A_304] {strides = array<i32>} : memref<720x16xf32, #tpu.memory_space<vmem>>, vector<1x16xf32>,
      %swap3A_306 = vector.shape_cast %swap3A_305 : vector<1x16xf32> to vector<16xf32>
      %swap3A_307 = vector.shape_cast %mul3A_302 : vector<16xf32> to vector<1x16xf32>
      tpu.vector_store %arg12[%swap3A_303, %swap3A_304], %swap3A_307 {strides = array<i32>} : memref<720x16xf32, #tpu.memory_space<vmem>>, vector<1x16xf32>,
      %mul3A_308 = arith.constant 16 : i32
      %mul3A_309 = arith.muli %scan3A_52, %mul3A_308 : i32
      %add3A_310 = arith.constant 15 : i32
      %add3A_311 = arith.addi %mul3A_309, %add3A_310 : i32
      %get3A_312 = arith.index_cast %add3A_311 : i32 to index
      %get3A_313 = arith.constant 0 : index
      %get3A_314 = tpu.vector_load %arg12[%get3A_312, %get3A_313] {strides = array<i32>} : memref<720x16xf32, #tpu.memory_space<vmem>>, vector<1x16xf32>,
      %get3A_315 = vector.shape_cast %get3A_314 : vector<1x16xf32> to vector<16xf32>
      %slice3A_316 = vector.extract_strided_slice %get3A_56 {offsets = [15], sizes = [1], strides = [1]} : vector<16xf32> to vector<1xf32>
      %squeeze3A_317 = vector.extract %slice3A_316[0] : f32 from vector<1xf32>
      %broadcast_in_dim3A_318 = vector.broadcast %squeeze3A_317 : f32 to vector<16xf32>
      %mul3A_319 = arith.mulf %get3A_315, %broadcast_in_dim3A_318 : vector<16xf32>
      %swap3A_320 = arith.index_cast %add3A_311 : i32 to index
      %swap3A_321 = arith.constant 0 : index
      %swap3A_322 = tpu.vector_load %arg12[%swap3A_320, %swap3A_321] {strides = array<i32>} : memref<720x16xf32, #tpu.memory_space<vmem>>, vector<1x16xf32>,
      %swap3A_323 = vector.shape_cast %swap3A_322 : vector<1x16xf32> to vector<16xf32>
      %swap3A_324 = vector.shape_cast %mul3A_319 : vector<16xf32> to vector<1x16xf32>
      tpu.vector_store %arg12[%swap3A_320, %swap3A_321], %swap3A_324 {strides = array<i32>} : memref<720x16xf32, #tpu.memory_space<vmem>>, vector<1x16xf32>,
    }
    %scan3A_40 = arith.constant 45 : i32
    %dma_start3A_41 = arith.constant 0 : i32
    %dma_start3A_42 = arith.constant 0 : i32
    %dma_start3A_43 = tpu.memref_slice %arg8[%dma_start3A_41, %dma_start3A_42] : memref<90112x16xf32, #tpu.memory_space<vmem_shared>> -> memref<90112x16xf32, #tpu.memory_space<vmem_shared>>
    tpu.enqueue_indirect_dma source(%arg12 : memref<720x16xf32, #tpu.memory_space<vmem>>) target(%dma_start3A_43 : memref<90112x16xf32, #tpu.memory_space<vmem_shared>>) offsets(%arg10 : memref<720xi32, #tpu.memory_space<vmem>>) semaphore(%arg21 : memref<!tpu.dma_semaphore, #tpu.memory_space<semaphore_mem>>) {add = true}
    %dma_wait3A_44 = arith.constant 0 : i32
    %dma_wait3A_45 = arith.constant 0 : i32
    %dma_wait3A_46 = tpu.memref_slice %arg8[%dma_wait3A_44, %dma_wait3A_45] : memref<90112x16xf32, #tpu.memory_space<vmem_shared>> -> memref<90112x16xf32, #tpu.memory_space<vmem_shared>>
    tpu.wait_indirect_dma semaphore(%arg21 : memref<!tpu.dma_semaphore, #tpu.memory_space<semaphore_mem>>) src(%arg12 : memref<720x16xf32, #tpu.memory_space<vmem>>) dst(%dma_wait3A_46 : memref<90112x16xf32, #tpu.memory_space<vmem_shared>>)
    %barrier3A_47 = arith.constant 0 : index
    tpu.barrier barrier_id(%barrier3A_47)
    %mul3A_48 = arith.constant 5632 : i32
    %mul3A_49 = arith.muli %arg1, %mul3A_48 : i32
    %mul3A_50 = arith.constant 5632 : i32
    %mul3A_51 = arith.muli %arg1, %mul3A_50 : i32
    "tpu.region"() ({
      %run_scoped3A = tpu.sem_alloc : memref<!tpu.dma_semaphore, #tpu.memory_space<semaphore_mem>>
      %dma_start3A_52 = arith.constant 0 : i32
      %dma_start3A_53 = tpu.memref_slice %arg7[%arg0, %mul3A_51, %dma_start3A_52] : memref<2x90112x16xf32, #tpu.memory_space<hbm>> -> memref<1x5632x16xf32, #tpu.memory_space<hbm>>
      %dma_start3A_54 = tpu.memref_squeeze %dma_start3A_53 : memref<1x5632x16xf32, #tpu.memory_space<hbm>> -> memref<5632x16xf32, #tpu.memory_space<hbm>>
      %dma_start3A_55 = arith.constant 0 : i32
      %dma_start3A_56 = tpu.memref_slice %arg8[%mul3A_49, %dma_start3A_55] : memref<90112x16xf32, #tpu.memory_space<vmem_shared>> -> memref<5632x16xf32, #tpu.memory_space<vmem_shared>>
      tpu.enqueue_dma source(%dma_start3A_56 : memref<5632x16xf32, #tpu.memory_space<vmem_shared>>) target(%dma_start3A_54 : memref<5632x16xf32, #tpu.memory_space<hbm>>) target_semaphore(%run_scoped3A : memref<!tpu.dma_semaphore, #tpu.memory_space<semaphore_mem>>)
      %dma_wait3A_57 = arith.constant 0 : i32
      %dma_wait3A_58 = tpu.memref_slice %arg7[%arg0, %mul3A_51, %dma_wait3A_57] : memref<2x90112x16xf32, #tpu.memory_space<hbm>> -> memref<1x5632x16xf32, #tpu.memory_space<hbm>>
      %dma_wait3A_59 = tpu.memref_squeeze %dma_wait3A_58 : memref<1x5632x16xf32, #tpu.memory_space<hbm>> -> memref<5632x16xf32, #tpu.memory_space<hbm>>
      %dma_wait3A_60 = arith.constant 0 : i32
      %dma_wait3A_61 = tpu.memref_slice %arg8[%mul3A_49, %dma_wait3A_60] : memref<90112x16xf32, #tpu.memory_space<vmem_shared>> -> memref<5632x16xf32, #tpu.memory_space<vmem_shared>>
      tpu.wait_dma2 semaphore(%run_scoped3A : memref<!tpu.dma_semaphore, #tpu.memory_space<semaphore_mem>>) src(%dma_wait3A_61 : memref<5632x16xf32, #tpu.memory_space<vmem_shared>>) dst(%dma_wait3A_59 : memref<5632x16xf32, #tpu.memory_space<hbm>>)
      tpu.yield
    }) : () -> ()
    return
  }
}

</mosaic_0001>

<sc_bundles>
// kernel: kernel.12.cloned.1.call-start
scs
__scs_entry_jumppad:
0x0: {  	(pc) =	sbr.rel $0x88, $3  }
0x1: {  	(tag) =	ssettag $0x0;
	lr =	simm.s32 $0x1  }
0x2: {  	[smem:$0x3F92] =	sst lr;
	_ =	strace $0xD0000000  }
0x3: {  	_ = 	snop  }
0x4: {  	_ = 	snop  }
0x5: {  	_ = 	snop  }
0x6: {  	_ = 	snop  }
0x7: {  	_ = 	snop  }
__scs_overlays_trampoline_lowered:
0x8: {  	[smem:$0x3FA1] =	sst s0  }
0x9: {  	[smem:$0x3FA2] =	sst s1  }
0xa: {  	[smem:$0x3FA3] =	sst s2  }
0xb: {  	[smem:$0x3FA4] =	sst s3  }
0xc: {  	[smem:$0x3FA5] =	sst s4  }
0xd: {  	[smem:$0x3FA6] =	sst s5  }
0xe: {  	[smem:$0x3FA7] =	sst s6  }
0xf: {  	[smem:$0x3FA8] =	sst s7  }
0x10: {  	[smem:$0x3FA9] =	sst s8  }
0x11: {  	[smem:$0x3FAA] =	sst s9;
	s0 =	simm.s32 @!p0 $0x0  }
0x12: {  	s1 =	sld [smem:$0x3F90];
	s0 =	simm.s32 @p0 $0x1  }
0x13: {  	[smem:$0x3FAB] =	sst s0;
	s0 =	simm.s32 @!p1 $0x0  }
0x14: {  	s2 =	sld [smem:$0x3F8F];
	s0 =	simm.s32 @p1 $0x1  }
0x15: {  	[smem:$0x3FAC] =	sst s0;
	s0 =	simm.s32 @!p2 $0x0  }
0x16: {  	s3 =	sld [smem:$0x3FDB];
	s0 =	simm.s32 @p2 $0x1  }
0x17: {  	s4 =	simm.s32 $0x1BF5;
	[smem:$0x3FAE] =	sst s0  }
0x18: {  	s0 =	sld [smem:$0x3F91];
	_ =	swait.ge [sflag:s4], $0x0  }
0x19: {  	s7 =	sld [smem:$0x3F92]  }
0x1a: {  	s8 =	sadd.s32 $0xFFFFE003, lr  }
0x1b: {  	s9 =	sadd.s32 $0xFFFFFEF7, lr;
	s5 =	simm.s32 $0xFFFFFFFF;
	p2 =	slt.u32 s8, $0xFFFFF086  }
0x1c: {  	p1 =	slt.u32 s9, $0xF7A;
	s5 =	simm.s32 @!p2 $0x0  }
0x1d: {  	s5 =	simm.s32 @p1 $0x1;
	p0 =	seq.s32 s7, s2  }
0x1e: {  	s7 =	smul.u32 @!p0 $0xF7A, s2;
	p2 =	seq.s32 @!p0 s5, $0x0  }
0x1f: {  	s9 =	smul.u32 $0xF7A, s1;
	s8 =	simm.s32 @!p0 $0x1BF5;
	p2 =	por !p2, p0  }
0x20: {  	[sflag:s8] =	ssyncset.s32 @!p0 $0xFFFFF086;
	s6 =	sadd.s32 @!p0 s3, s7;
	s7 =	simm.s32 @!p0 $0x108  }
0x21: {  	s3 =	sadd.s32 s3, s9;
	s6 =	sadd.s32 @!p0 $0x88, s6;
	s7 =	simm.s32 @p2 $0x1082  }
0x22: {  	[simem:s7], [sflag:s8] =	dma.local @!p0 [hbm:s6], $0xF7A  }
0x23: {  	s9 =	sor.u32 $0xD0000000, s2;
	s6 =	simm.s32 $0x108;
	_ =	swait.ge @!p0 [sflag:s8], $0x0  }
0x24: {  	s3 =	sadd.s32 $0x88, s3;
	s6 =	simm.s32 @!p1 $0x1082;
	[sflag:s4] =	ssyncset.s32 $0xFFFFF086  }
0x25: {  	[simem:s6], [sflag:s4] =	dma.local [hbm:s3], $0xF7A  }
0x26: {  	[smem:$0x3F92] =	sst s1;
	(tag) =	ssettag s2;
	_ =	strace s9  }
0x27: {  	s1 =	sld [smem:$0x3FA2]  }
0x28: {  	s2 =	sld [smem:$0x3FA3]  }
0x29: {  	s4 =	sld [smem:$0x3FA5]  }
0x2a: {  	p0 =	seq.s32 s5, $0x0;
	s5 =	sld [smem:$0x3FA6]  }
0x2b: {  	s6 =	sld [smem:$0x3FA7]  }
0x2c: {  	s7 =	sld [smem:$0x3FA8]  }
0x2d: {  	s3 =	simm.s32 $0x108;
	s8 =	sld [smem:$0x3FA9]  }
0x2e: {  	s3 =	simm.s32 @!p0 $0x1082;
	s9 =	sld [smem:$0x3FAA]  }
0x2f: {  	lr =	sadd.s32 s0, s3;
	s0 =	sld [smem:$0x3FA1]  }
0x30: {  	s3 =	sld [smem:$0x3FA4]  }
0x31: {  	[smem:$0x3FAD] =	sst s10  }
0x32: {  	s10 =	sld [smem:$0x3FAB];
	_ =	sdelay $0x3  }
0x33: {  	p0 =	seq.s32 s10, $0x1;
	s10 =	sld [smem:$0x3FAD];
	_ =	sdelay $0x3  }
0x34: {  	[smem:$0x3FAD] =	sst s10  }
0x35: {  	s10 =	sld [smem:$0x3FAC];
	_ =	sdelay $0x3  }
0x36: {  	p1 =	seq.s32 s10, $0x1;
	s10 =	sld [smem:$0x3FAD];
	_ =	sdelay $0x3  }
0x37: {  	[smem:$0x3FAD] =	sst s10  }
0x38: {  	s10 =	sld [smem:$0x3FAE]  }
0x39: {  	_ = 	snop;
	(pc) =	sbr.ind lr, $3  }
0x3a: {  	_ = 	snop  }
0x3b: {  	_ = 	snop  }
0x3c: {  	p2 =	seq.s32 s10, $0x1;
	s10 =	sld [smem:$0x3FAD]  }
0x3d: {  	_ =	shalt  }
0x3e: {  	_ =	shalt  }
0x3f: {  	_ =	shalt  }
0x40: {  	_ =	shalt  }
0x41: {  	_ =	shalt  }
0x42: {  	_ =	shalt  }
0x43: {  	_ =	shalt  }
0x44: {  	_ =	shalt  }
0x45: {  	_ =	shalt  }
0x46: {  	_ =	shalt  }
0x47: {  	_ =	shalt  }
0x48: {  	_ =	shalt  }
0x49: {  	_ =	shalt  }
0x4a: {  	_ =	shalt  }
0x4b: {  	_ =	shalt  }
0x4c: {  	_ =	shalt  }
0x4d: {  	_ =	shalt  }
0x4e: {  	_ =	shalt  }
0x4f: {  	_ =	shalt  }
0x50: {  	_ =	shalt  }
0x51: {  	_ =	shalt  }
0x52: {  	_ =	shalt  }
0x53: {  	_ =	shalt  }
0x54: {  	_ =	shalt  }
0x55: {  	_ =	shalt  }
0x56: {  	_ =	shalt  }
0x57: {  	_ =	shalt  }
0x58: {  	_ =	shalt  }
0x59: {  	_ =	shalt  }
0x5a: {  	_ =	shalt  }
0x5b: {  	_ =	shalt  }
0x5c: {  	_ =	shalt  }
0x5d: {  	_ =	shalt  }
0x5e: {  	_ =	shalt  }
0x5f: {  	_ =	shalt  }
0x60: {  	_ =	shalt  }
0x61: {  	_ =	shalt  }
0x62: {  	_ =	shalt  }
0x63: {  	_ =	shalt  }
0x64: {  	_ =	shalt  }
0x65: {  	_ =	shalt  }
0x66: {  	_ =	shalt  }
0x67: {  	_ =	shalt  }
0x68: {  	_ =	shalt  }
0x69: {  	_ =	shalt  }
0x6a: {  	_ =	shalt  }
0x6b: {  	_ =	shalt  }
0x6c: {  	_ =	shalt  }
0x6d: {  	_ =	shalt  }
0x6e: {  	_ =	shalt  }
0x6f: {  	_ =	shalt  }
0x70: {  	_ =	shalt  }
0x71: {  	_ =	shalt  }
0x72: {  	_ =	shalt  }
0x73: {  	_ =	shalt  }
0x74: {  	_ =	shalt  }
0x75: {  	_ =	shalt  }
0x76: {  	_ =	shalt  }
0x77: {  	_ =	shalt  }
0x78: {  	_ =	shalt  }
0x79: {  	_ =	shalt  }
0x7a: {  	_ =	shalt  }
0x7b: {  	_ =	shalt  }
0x7c: {  	_ =	shalt  }
0x7d: {  	_ =	shalt  }
0x7e: {  	_ =	shalt  }
0x7f: {  	_ =	shalt  }
0x80: {  	_ =	shalt  }
0x81: {  	_ =	shalt  }
0x82: {  	_ =	shalt  }
0x83: {  	_ =	shalt  }
0x84: {  	_ =	shalt  }
0x85: {  	_ =	shalt  }
0x86: {  	_ =	shalt  }
0x87: {  	_ =	shalt  }
.Lfunc_end0:
.L_simem_size_0:
called_computation.2_lowered:
.L_overlay_start_0:
0x88: {  	s2 =	sld [smem:$0x3FD9]  }
0x89: {  	s3 =	sld [smem:$0x3FFE];
	_ =	sdelay $0x1  }
0x8a: {  	s1 =	srdreg.scid  }
0x8b: {  	s0 =	sand.u32 $0x1, s1  }
0x8c: {  	s16 =	sshll.u32 s0, $0xA;
	s2 =	sadd.s32 s3, s2  }
0x8d: {  	s2 =	sadd.s32 s2, s16  }
0x8e: {  	[smem:$0x3FB9] =	sst s2  }
0x8f: {  	_ = 	snop  }
0x90: {  	(tm) =	ssettm $0x1  }
0x91: {  	s17 =	sld [smem:$0x3FFB];
	_ =	sdelay $0x3  }
0x92: {  	_ =	strace s17  }
0x93: {  	s2 =	sld [smem:$0x3FFC];
	_ =	sdelay $0x3  }
0x94: {  	_ =	strace s2  }
0x95: {  	s2 =	sld [smem:$0x3FFD];
	_ =	sdelay $0x3  }
0x96: {  	_ =	strace s2  }
0x97: {  	_ =	strace $0x8FFFFFFF  }
0x98: {  	s18 =	sld [smem:$0x3FDB];
	_ =	sdelay $0x1  }
0x99: {  	s19 =	simm.s32 $_scs_section_size  }
0x9a: {  	s4 =	simm.s32 $_size__tile_overlayer_lowered;
	s5 =	simm.s32 $_tile_overlayer_lowered  }
0x9b: {  	s22 =	simm.s32 $0x1BFF;
	s21 =	sshll.u32 s5, $0x1;
	s2 =	sadd.s32 s19, s18  }
0x9c: {  	s6 =	simm.s32 $0x0;
	s20 =	sshll.u32 s4, $0x1;
	s4 =	sadd.s32 s21, s2  }
0x9d: {  	[timem:s6], [sflag:s22] =	dma.local [hbm:s4], s20  }
0x9e: {  	_ =	swait.ge [sflag:s22], s20  }
0x9f: {  	s3 =	ssub.s32 $0x0, s20;
	[sflag:s22] =	ssyncset.done $0x0  }
0xa0: {  	[sflag:s22] =	ssyncadd.s32 s3;
	_ =	sdelay $0x1  }
0xa1: {  	s23 =	simm.s32 $0x1B8B  }
0xa2: {  	_ =	swait.ge [sflag:s23], $0x1  }
0xa3: {  	[sflag:s23] =	ssyncset.done $0x0  }
0xa4: {  	s25 =	simm.s32 $0x1B8E;
	s24 =	sld [smem:$0x3FFE];
	[sflag:s23] =	ssyncadd.s32 $0xFFFFFFFF  }
0xa5: {  	s26 =	simm.s32 $execute0_lowered;
	[smem:$0x3FD2] =	sst s25  }
0xa6: {  	s4 =	sshll.u32 s26, $0x1;
	_ =	strace $0x8000004C;
	[dreg:$0x1] =	wrdreg $0xFFFFFFFF  }
0xa7: {  	s28 =	simm.s32 $_size_execute0_lowered;
	s2 =	sadd.s32 s2, s4;
	[dreg:$0x0] =	wrdreg $0x0  }
0xa8: {  	s4 =	sshll.u32 s28, $0x1;
	[dreg:$0x2] =	wrdreg s2  }
0xa9: {  	[dreg:$0x3] =	wrdreg s4  }
0xaa: {  	[dreg:$0x4] =	wrdreg $0xC0  }
0xab: {  	_ =	task [dreg:s6], $0x5FFFF  }
0xac: {  	[dreg:$0x1] =	wrdreg $0xFFFFFFFF  }
0xad: {  	[dreg:$0x0] =	wrdreg $0x60  }
0xae: {  	[dreg:$0x2] =	wrdreg s24  }
0xaf: {  	[dreg:$0x3] =	wrdreg $0x0  }
0xb0: {  	[dreg:$0x4] =	wrdreg $0x9  }
0xb1: {  	_ =	task.clear_ibuf [dreg:s6], $0x5FFFF;
	_ =	strace $0x9000004C  }
0xb2: {  	s29 =	simm.s32 $0x9;
	_ =	strace $0x8000004E  }
0xb3: {  	_ =	swait.ge [sflag:s29], $0x1  }
0xb4: {  	[sflag:s29] =	ssyncadd.s32 $0xFFFFFFFF  }
0xb5: {  	_ =	strace $0x9000004E  }
0xb6: {  	_ =	sfence  }
0xb7: {  	s30 =	sld [smem:$0x0];
	_ =	sdelay $0x2  }
0xb8: {  	s31 =	sshll.u32 s1, $0xD;
	s1 =	sshrl.u32 s1, $0x2  }
0xb9: {  	s3 =	sand.u32 $0x4000, s31;
	s1 =	sadd.s32 s1, s30  }
0xba: {  	s0 =	sor.u32 s3, s0;
	s1 =	sshll.u32 s1, $0x11  }
0xbb: {  	s0 =	sor.u32 s1, s0  }
0xbc: {  	s0 =	sadd.s32 $0x8F2B, s0  }
0xbd: {  	[sflag:s0] =	ssyncadd.remote.s32 $0x1  }
0xbe: {  	_ =	sfence.sel $0xFFFF  }
0xbf: {  	[dreg:$0x0] =	wrdreg $0xFFFFFFFF;
	(pc) =	sbr.abs _section_cstart, $3  }
0xc0: {  	[dreg:$0x1] =	wrdreg $0xFFFFFFFF  }
0xc1: {  	_ =	task.clear_ibuf [dreg:s6], $0x2FFFF;
	_ =	strace $0x9FFFFFFF  }
0xc2: {  	(tm) =	ssettm $0x7FFFFFFF  }
0xc3: {  	_ =	shalt  }
tec
execute0_lowered:
.L_overlay_start_1:
0x0: {  	(tag) =	ssettag $0x1  }
0x1: {  	s0 =	rddreg [dreg:$0x0]  }
0x2: {  	s1 =	rddreg [dreg:$0x1];
	s2 =	simm.s32 $0x0  }
0x3: {  	s12 =	stileid.u32;
	s18 =	srdreg.scid;
	s28 =	simm.s32 $0x19B10  }
0x4: {  	s29 =	simm.s32 $0x3;
	s30 =	simm.s32 $0x2;
	s31 =	simm.s32 $0x19DE0  }
0x5: {  	[smem:$0x7FF] =	sst s2;
	s4 =	sadd.s32 $0x1C9E00, s0;
	s3 =	smul.u32 $0x16000, s12  }
0x6: {  	s2 =	sand.u32 $0x1, s18;
	s5 =	sadd.s32 $0x61C00, s0;
	s6 =	sadd.s32 $0x9C00, s0  }
0x7: {  	s7 =	sadd.s32 $0xC2000, s0;
	s10 =	sshll.u32 s12, $0x1;
	s21 =	sshll.u32 s12, $0x6  }
0x8: {  	s18 =	simm.s32 $0x7;
	_ =	strace $0x8000004D;
	s8 =	smul.u32 $0x160000, s2  }
0x9: {  	s11 =	ssub.s32 $0x2, s2;
	s2 =	sor.u32 s2, s10;
	s10 =	simm.s32 $0x0  }
0xa: {  	s9 =	sshrl.u32 s3, $0x3;
	s19 =	sshrl.u32 s11, $0x1;
	s2 =	smul.u32 $0x15F90, s2  }
0xb: {  	s8 =	sadd.s32 s3, s8;
	s9 =	sadd.s32 s9, s0;
	s20 =	ssub.s32 s11, s19  }
0xc: {  	s3 =	sadd.s32 s3, s1;
	s19 =	simm.s32 $0x16000;
	s8 =	sshrl.u32 s8, $0x3  }
0xd: {  	s22 =	sshrl.u32 s2, $0x3;
	s9 =	sadd.s32 $0x2A5A00, s9;
	s13 =	sadd.s32 $0x2D0, s2  }
0xe: {  	s14 =	sadd.s32 $0x5A0, s2;
	s26 =	smax.u32 s20, $0x1;
	s17 =	sshrl.u32 s3, $0x3  }
0xf: {  	s20 =	simm.s32 $0x162D0;
	s2 =	simm.s32 $0x4;
	[dreg:$0x3] =	wrdreg s9  }
0x10: {  	s0 =	sadd.s32 s8, s0;
	s23 =	sadd.s32 s5, s22;
	[dreg:$0x8] =	wrdreg s26  }
0x11: {  	s9 =	sor.u32 $0x1C07, s21;
	s24 =	sadd.s32 s6, s22;
	[dreg:$0x4] =	wrdreg s23  }
0x12: {  	s25 =	sadd.s32 s7, s22;
	s21 =	simm.s32 $0x165A0;
	[dreg:$0x5] =	wrdreg s24  }
0x13: {  	s22 =	simm.s32 $0x1;
	s26 =	simm.s32 $0x19840;
	[dreg:$0x6] =	wrdreg s25  }
0x14: {  	s0 =	sadd.s32 $0x1F5E00, s0;
	s23 =	simm.s32 $0x2D0;
	s24 =	simm.s32 $0x16870  }
0x15: {  	s25 =	simm.s32 $0x19570;
	[dreg:$0x7] =	wrdreg s0;
	s0 =	simm.s32 $0x5  }
.LBB2_1:
0x16: {  	s3 =	rddreg [dreg:$0x3]  }
0x17: {  	[spmem:s17], [sflag:s9] =	dma.local [hbm:s3], $0x2C00  }
0x18: {  	_ =	swait.ge [sflag:s18], $0x2C00  }
0x19: {  	[sflag:s18] =	ssyncset.done $0x0  }
0x1a: {  	[sflag:s18] =	ssyncadd.s32 $0xFFFFD400  }
0x1b: {  	[bflag:$0x0] =	sbarrier.arrive $0xFFFF  }
0x1c: {  	s12 =	simm.s32 $0x0;
	s8 =	rddreg [dreg:$0x4]  }
0x1d: {  	[tilespmem:s19], [sflag:$0x1] =	stream.linear.gather [hbm4b:s8+s12], $0x2D0, $0x38;
	[tilespmem:$0x1CAE0] =	vst v63  }
0x1e: {  	s15 =	rddreg [dreg:$0x5]  }
0x1f: {  	[tilespmem:s20], [sflag:$0x1] =	stream.linear.gather [hbm4b:s15+s12], $0x2D0, $0x38;
	[tilespmem:$0x1CAE0] =	vst v63  }
0x20: {  	s16 =	rddreg [dreg:$0x6]  }
0x21: {  	[tilespmem:s21], [sflag:$0x1] =	stream.linear.gather [hbm4b:s16+s12], $0x2D0, $0x38;
	[tilespmem:$0x1CAE0] =	vst v63  }
0x22: {  	_ =	swait.ge [sflag:s22], $0x2D0  }
0x23: {  	[sflag:s22] =	ssyncset.done $0x0  }
0x24: {  	[sflag:s22] =	ssyncadd.s32 $0xFFFFFD30  }
0x25: {  	_ =	swait.ge [sflag:s22], $0x2D0  }
0x26: {  	[sflag:s22] =	ssyncset.done $0x0  }
0x27: {  	[sflag:s22] =	ssyncadd.s32 $0xFFFFFD30  }
0x28: {  	_ =	swait.ge [sflag:s22], $0x2D0  }
0x29: {  	[sflag:s22] =	ssyncset.done $0x0  }
0x2a: {  	s11 =	simm.s32 $0x0;
	[sflag:s22] =	ssyncadd.s32 $0xFFFFFD30  }
0x2b: {  	[tilespmem:s24], [sflag:$0x3] =	stream.indirect.gather [hbm4b:s4+s23], $0x10, s19, s23, $0xb8;
	[tilespmem:$0x1CAE0] =	vst v63  }
.LBB2_2:
0x2c: {  	p0 =	seq.s32 s11, $0x0;
	s12 =	smul.u32 $0x5A0, s11  }
0x2d: {  	s3 =	simm.s32 @!p0 $0x6  }
0x2e: {  	_ =	swait.ge @!p0 [sflag:s3], $0x2D00;
	s8 =	sadd.s32 s12, s13  }
0x2f: {  	[sflag:s3] =	ssyncset.done @!p0 $0x0;
	s8 =	sshrl.u32 s8, $0x3  }
0x30: {  	s15 =	simm.s32 $0x0;
	[sflag:s3] =	ssyncadd.s32 @!p0 $0xFFFFD300;
	s16 =	sadd.s32 s5, s8  }
0x31: {  	[tilespmem:s25], [sflag:$0x2] =	stream.linear.gather [hbm4b:s16+s15], $0x2D0, $0x38;
	[tilespmem:$0x1CAE0] =	vst v63  }
0x32: {  	s16 =	sadd.s32 s6, s8  }
0x33: {  	[tilespmem:s26], [sflag:$0x2] =	stream.linear.gather [hbm4b:s16+s15], $0x2D0, $0x38;
	[tilespmem:$0x1CAE0] =	vst v63  }
0x34: {  	s16 =	sadd.s32 s7, s8  }
0x35: {  	[tilespmem:s28], [sflag:$0x2] =	stream.linear.gather [hbm4b:s16+s15], $0x2D0, $0x38;
	[tilespmem:$0x1CAE0] =	vst v63  }
0x36: {  	_ =	swait.ge [sflag:s29], $0x2D00  }
0x37: {  	[sflag:s29] =	ssyncset.done $0x0  }
0x38: {  	s15 =	simm.s32 $0x168F0;
	[sflag:s29] =	ssyncadd.s32 $0xFFFFD300  }
0x39: {  	s3 =	simm.s32 $0x40;
	s8 =	simm.s32 $0x0;
	s16 =	simm.s32 $0x168F0;
	v0 =	vld [tilespmem:s15+$0xFFFFFFB0]  }
.LBB2_3:
0x3a: {  	p0 =	sne.s32 s3, $0xB00;
	v1 =	vld [tilespmem:s8+$0x165A0]  }
0x3b: {  	v2 =	vld [tilespmem:s15+$0xFFFFFF90]  }
0x3c: {  	v3 =	vld [tilespmem:s15+$0xFFFFFF80]  }
0x3d: {  	v4 =	vld [tilespmem:s15+$0xFFFFFFA0]  }
0x3e: {  	v5 =	vld [tilespmem:s15+$0xFFFFFFF0]  }
0x3f: {  	v6 =	vbroadcast v1, $0x0;
	v7 =	vbroadcast v1, $0x1;
	v8 =	vld [tilespmem:s15+$0xFFFFFFD0]  }
0x40: {  	v9 =	vbroadcast v1, $0x2;
	v10 =	vbroadcast v1, $0x3;
	v11 =	vld [tilespmem:s15+$0xFFFFFFC0]  }
0x41: {  	v3 =	vmul.f32 v6, v3;
	v2 =	vmul.f32 v2, v7;
	v6 =	vld [tilespmem:s15+$0xFFFFFFE0]  }
0x42: {  	v0 =	vmul.f32 v0, v10;
	v4 =	vmul.f32 v4, v9;
	v7 =	vld [tilespmem:s15+$0x30]  }
0x43: {  	v9 =	vbroadcast v1, $0x5;
	[tilespmem:s15+$0xFFFFFF80] =	vst v3;
	v3 =	vbroadcast v1, $0x4;
	v10 =	vld [tilespmem:s15+$0x10]  }
0x44: {  	v12 =	vbroadcast v1, $0x7;
	[tilespmem:s15+$0xFFFFFF90] =	vst v2;
	v2 =	vbroadcast v1, $0x6;
	v13 =	vld [tilespmem:s15+$0x0]  }
0x45: {  	[tilespmem:s15+$0xFFFFFFA0] =	vst v4;
	v3 =	vmul.f32 v11, v3;
	v4 =	vmul.f32 v8, v9;
	v8 =	vld [tilespmem:s15+$0x20]  }
0x46: {  	[tilespmem:s15+$0xFFFFFFB0] =	vst v0;
	v0 =	vmul.f32 v6, v2;
	v2 =	vmul.f32 v5, v12;
	v5 =	vld [tilespmem:s15+$0x70]  }
0x47: {  	v6 =	vbroadcast v1, $0x9;
	[tilespmem:s15+$0xFFFFFFC0] =	vst v3;
	v3 =	vbroadcast v1, $0x8;
	v9 =	vld [tilespmem:s15+$0x50]  }
0x48: {  	v11 =	vbroadcast v1, $0xB;
	[tilespmem:s15+$0xFFFFFFD0] =	vst v4;
	v4 =	vbroadcast v1, $0xA;
	v12 =	vld [tilespmem:s15+$0x40]  }
0x49: {  	[tilespmem:s15+$0xFFFFFFE0] =	vst v0;
	v0 =	vmul.f32 v13, v3;
	v3 =	vmul.f32 v10, v6;
	v6 =	vld [tilespmem:s15+$0x60]  }
0x4a: {  	[tilespmem:s15+$0xFFFFFFF0] =	vst v2;
	v2 =	vmul.f32 v8, v4;
	v4 =	vmul.f32 v7, v11  }
0x4b: {  	v7 =	vbroadcast v1, $0xD;
	[tilespmem:s15+$0x0] =	vst v0;
	v0 =	vbroadcast v1, $0xC  }
0x4c: {  	[tilespmem:s15+$0x10] =	vst v3;
	v3 =	vbroadcast v1, $0xE;
	v1 =	vbroadcast v1, $0xF  }
0x4d: {  	[tilespmem:s15+$0x20] =	vst v2;
	v0 =	vmul.f32 v12, v0;
	v2 =	vmul.f32 v9, v7  }
.Ltmp0:
0x4e: {  	[tilespmem:s15+$0x30] =	vst v4;
	v3 =	vmul.f32 v6, v3;
	v1 =	vmul.f32 v5, v1;
	(pc) =	sbr.rel @p0 .LBB2_3-.Ltmp0, $4  }
0x4f: {  	[tilespmem:s15+$0x40] =	vst v0  }
0x50: {  	[tilespmem:s15+$0x50] =	vst v2  }
0x51: {  	s15 =	sadd.s32 $0x100, s15;
	[tilespmem:s16+$0x60] =	vst v3  }
0x52: {  	s8 =	sshra.s32 s3, $0x2;
	s3 =	sadd.s32 $0x40, s3;
	v0 =	vld [tilespmem:s15+$0xFFFFFFB0];
	[tilespmem:s16+$0x70] =	vst v1;
	s16 =	smov.u32 s15  }
0x53: {  	v1 =	vld [tilespmem:s8+$0x165A0];
	_ =	sdelay $0x1  }
0x54: {  	v2 =	vld [tilespmem:s15+$0xFFFFFF80]  }
0x55: {  	v3 =	vld [tilespmem:s15+$0xFFFFFF90]  }
0x56: {  	v4 =	vld [tilespmem:s15+$0xFFFFFFA0]  }
0x57: {  	v5 =	vbroadcast v1, $0x0  }
0x58: {  	v7 =	vld [tilespmem:s15+$0xFFFFFFC0];
	v6 =	vbroadcast v1, $0x1  }
0x59: {  	v8 =	vld [tilespmem:s15+$0xFFFFFFD0];
	v9 =	vbroadcast v1, $0x2;
	v2 =	vmul.f32 v5, v2  }
0x5a: {  	v51 =	vld [tilespmem:s15+$0xFFFFFFE0];
	v50 =	vbroadcast v1, $0x3;
	v3 =	vmul.f32 v3, v6  }
0x5b: {  	v53 =	vld [tilespmem:s15+$0x10];
	v4 =	vmul.f32 v4, v9;
	[tilespmem:s15+$0xFFFFFF80] =	vst v2;
	v2 =	vbroadcast v1, $0x4  }
0x5c: {  	v52 =	vbroadcast v1, $0x5;
	v0 =	vmul.f32 v0, v50;
	[tilespmem:s15+$0xFFFFFF90] =	vst v3;
	v3 =	vld [tilespmem:s15+$0x0]  }
0x5d: {  	v10 =	vld [tilespmem:s15+$0xFFFFFFF0];
	v11 =	vbroadcast v1, $0x6;
	[tilespmem:s15+$0xFFFFFFA0] =	vst v4;
	v2 =	vmul.f32 v7, v2  }
0x5e: {  	v55 =	vld [tilespmem:s15+$0x20];
	v56 =	vbroadcast v1, $0x9;
	v5 =	vmul.f32 v8, v52;
	[tilespmem:s15+$0xFFFFFFB0] =	vst v0  }
0x5f: {  	v6 =	vmul.f32 v51, v11;
	v0 =	vld [tilespmem:s15+$0x30];
	[tilespmem:s15+$0xFFFFFFC0] =	vst v2;
	v2 =	vbroadcast v1, $0x8  }
0x60: {  	v57 =	vld [tilespmem:s15+$0x40];
	v54 =	vbroadcast v1, $0x7;
	v60 =	vmul.f32 v53, v56;
	[tilespmem:s15+$0xFFFFFFD0] =	vst v5  }
0x61: {  	v58 =	vld [tilespmem:s15+$0x50];
	v59 =	vbroadcast v1, $0xA;
	[tilespmem:s15+$0xFFFFFFE0] =	vst v6;
	v2 =	vmul.f32 v3, v2  }
0x62: {  	v61 =	vld [tilespmem:s15+$0x60];
	v4 =	vmul.f32 v10, v54;
	[tilespmem:s15+$0x10] =	vst v60;
	v3 =	vbroadcast v1, $0xB  }
0x63: {  	v62 =	vld [tilespmem:s15+$0x70];
	v7 =	vmul.f32 v55, v59;
	[tilespmem:s15+$0x0] =	vst v2;
	v2 =	vbroadcast v1, $0xC  }
0x64: {  	[tilespmem:s15+$0xFFFFFFF0] =	vst v4;
	v0 =	vmul.f32 v0, v3;
	v3 =	vbroadcast v1, $0xD  }
0x65: {  	v63 =	vbroadcast v1, $0xE;
	[tilespmem:s15+$0x20] =	vst v7;
	v2 =	vmul.f32 v57, v2  }
0x66: {  	v1 =	vbroadcast v1, $0xF;
	v3 =	vmul.f32 v58, v3;
	[tilespmem:s15+$0x30] =	vst v0  }
0x67: {  	v0 =	vmul.f32 v61, v63;
	[tilespmem:s15+$0x40] =	vst v2  }
0x68: {  	v1 =	vmul.f32 v62, v1;
	[tilespmem:s15+$0x50] =	vst v3  }
0x69: {  	[tilespmem:s16+$0x60] =	vst v0  }
0x6a: {  	[tilespmem:s16+$0x70] =	vst v1  }
0x6b: {  	_ =	swait.ge [sflag:s30], $0x2D0  }
0x6c: {  	[sflag:s30] =	ssyncset.done $0x0  }
0x6d: {  	[sflag:s30] =	ssyncadd.s32 $0xFFFFFD30  }
0x6e: {  	_ =	swait.ge [sflag:s30], $0x2D0  }
0x6f: {  	[sflag:s30] =	ssyncset.done $0x0  }
0x70: {  	[sflag:s30] =	ssyncadd.s32 $0xFFFFFD30  }
0x71: {  	_ =	swait.ge [sflag:s30], $0x2D0  }
0x72: {  	[sflag:s30] =	ssyncset.done $0x0  }
0x73: {  	[sflag:s30] =	ssyncadd.s32 $0xFFFFFD30  }
0x74: {  	[tilespmem:s31], [sflag:$0x4] =	stream.indirect.gather [hbm4b:s4+s23], $0x10, s25, s23, $0xb8;
	[tilespmem:$0x1CAE0] =	vst v63  }
0x75: {  	_ = 	snop  }
0x76: {  	[spmem:s1] =	stream.indirect.scatter.add.f32 [tilespmem:s24], [sflag:$0x5], $0x10, s20, s23, $0xb8;
	[tilespmem:$0x1CAE0] =	vst v63  }
0x77: {  	s3 =	sadd.s32 s12, s14;
	_ =	swait.ge [sflag:s0], $0x2D00  }
0x78: {  	s3 =	sshrl.u32 s3, $0x3;
	[sflag:s0] =	ssyncset.done $0x0  }
0x79: {  	s12 =	sadd.s32 s5, s3;
	s15 =	simm.s32 $0x0;
	[sflag:s0] =	ssyncadd.s32 $0xFFFFD300  }
0x7a: {  	[tilespmem:s19], [sflag:$0x1] =	stream.linear.gather [hbm4b:s12+s15], $0x2D0, $0x38;
	[tilespmem:$0x1CAE0] =	vst v63  }
0x7b: {  	s16 =	sadd.s32 s6, s3  }
0x7c: {  	[tilespmem:s20], [sflag:$0x1] =	stream.linear.gather [hbm4b:s16+s15], $0x2D0, $0x38;
	[tilespmem:$0x1CAE0] =	vst v63  }
0x7d: {  	s3 =	sadd.s32 s7, s3  }
0x7e: {  	[tilespmem:s21], [sflag:$0x1] =	stream.linear.gather [hbm4b:s3+s15], $0x2D0, $0x38;
	[tilespmem:$0x1CAE0] =	vst v63  }
0x7f: {  	_ =	swait.ge [sflag:s2], $0x2D00  }
0x80: {  	[sflag:s2] =	ssyncset.done $0x0  }
0x81: {  	s12 =	simm.s32 $0x19E60;
	[sflag:s2] =	ssyncadd.s32 $0xFFFFD300  }
0x82: {  	s8 =	simm.s32 $0x0;
	s3 =	simm.s32 $0x40;
	s15 =	simm.s32 $0x19E60;
	v0 =	vld [tilespmem:s12+$0xFFFFFFB0]  }
.LBB2_5:
0x83: {  	p0 =	sne.s32 s3, $0xB00;
	v1 =	vld [tilespmem:s8+$0x19B10]  }
0x84: {  	v2 =	vld [tilespmem:s12+$0xFFFFFF90]  }
0x85: {  	v3 =	vld [tilespmem:s12+$0xFFFFFF80]  }
0x86: {  	v4 =	vld [tilespmem:s12+$0xFFFFFFA0]  }
0x87: {  	v5 =	vld [tilespmem:s12+$0xFFFFFFF0]  }
0x88: {  	v6 =	vbroadcast v1, $0x0;
	v7 =	vbroadcast v1, $0x1;
	v8 =	vld [tilespmem:s12+$0xFFFFFFD0]  }
0x89: {  	v9 =	vbroadcast v1, $0x2;
	v10 =	vbroadcast v1, $0x3;
	v11 =	vld [tilespmem:s12+$0xFFFFFFC0]  }
0x8a: {  	v3 =	vmul.f32 v6, v3;
	v2 =	vmul.f32 v2, v7;
	v6 =	vld [tilespmem:s12+$0xFFFFFFE0]  }
0x8b: {  	v0 =	vmul.f32 v0, v10;
	v4 =	vmul.f32 v4, v9;
	v7 =	vld [tilespmem:s12+$0x30]  }
0x8c: {  	v9 =	vbroadcast v1, $0x5;
	[tilespmem:s12+$0xFFFFFF80] =	vst v3;
	v3 =	vbroadcast v1, $0x4;
	v10 =	vld [tilespmem:s12+$0x10]  }
0x8d: {  	v12 =	vbroadcast v1, $0x7;
	[tilespmem:s12+$0xFFFFFF90] =	vst v2;
	v2 =	vbroadcast v1, $0x6;
	v13 =	vld [tilespmem:s12+$0x0]  }
0x8e: {  	[tilespmem:s12+$0xFFFFFFA0] =	vst v4;
	v3 =	vmul.f32 v11, v3;
	v4 =	vmul.f32 v8, v9;
	v8 =	vld [tilespmem:s12+$0x20]  }
0x8f: {  	[tilespmem:s12+$0xFFFFFFB0] =	vst v0;
	v0 =	vmul.f32 v6, v2;
	v2 =	vmul.f32 v5, v12;
	v5 =	vld [tilespmem:s12+$0x70]  }
0x90: {  	v6 =	vbroadcast v1, $0x9;
	[tilespmem:s12+$0xFFFFFFC0] =	vst v3;
	v3 =	vbroadcast v1, $0x8;
	v9 =	vld [tilespmem:s12+$0x50]  }
0x91: {  	v11 =	vbroadcast v1, $0xB;
	[tilespmem:s12+$0xFFFFFFD0] =	vst v4;
	v4 =	vbroadcast v1, $0xA;
	v12 =	vld [tilespmem:s12+$0x40]  }
0x92: {  	[tilespmem:s12+$0xFFFFFFE0] =	vst v0;
	v0 =	vmul.f32 v13, v3;
	v3 =	vmul.f32 v10, v6;
	v6 =	vld [tilespmem:s12+$0x60]  }
0x93: {  	[tilespmem:s12+$0xFFFFFFF0] =	vst v2;
	v2 =	vmul.f32 v8, v4;
	v4 =	vmul.f32 v7, v11  }
0x94: {  	v7 =	vbroadcast v1, $0xD;
	[tilespmem:s12+$0x0] =	vst v0;
	v0 =	vbroadcast v1, $0xC  }
0x95: {  	[tilespmem:s12+$0x10] =	vst v3;
	v3 =	vbroadcast v1, $0xE;
	v1 =	vbroadcast v1, $0xF  }
0x96: {  	[tilespmem:s12+$0x20] =	vst v2;
	v0 =	vmul.f32 v12, v0;
	v2 =	vmul.f32 v9, v7  }
.Ltmp1:
0x97: {  	[tilespmem:s12+$0x30] =	vst v4;
	v3 =	vmul.f32 v6, v3;
	v1 =	vmul.f32 v5, v1;
	(pc) =	sbr.rel @p0 .LBB2_5-.Ltmp1, $4  }
0x98: {  	[tilespmem:s12+$0x40] =	vst v0  }
0x99: {  	[tilespmem:s12+$0x50] =	vst v2  }
0x9a: {  	s12 =	sadd.s32 $0x100, s12;
	[tilespmem:s15+$0x60] =	vst v3  }
0x9b: {  	s8 =	sshra.s32 s3, $0x2;
	s3 =	sadd.s32 $0x40, s3;
	v0 =	vld [tilespmem:s12+$0xFFFFFFB0];
	[tilespmem:s15+$0x70] =	vst v1;
	s15 =	smov.u32 s12  }
0x9c: {  	v1 =	vld [tilespmem:s8+$0x19B10];
	_ =	sdelay $0x1  }
0x9d: {  	v2 =	vld [tilespmem:s12+$0xFFFFFF80]  }
0x9e: {  	v3 =	vld [tilespmem:s12+$0xFFFFFF90]  }
0x9f: {  	v4 =	vld [tilespmem:s12+$0xFFFFFFA0]  }
0xa0: {  	v5 =	vbroadcast v1, $0x0  }
0xa1: {  	v8 =	vld [tilespmem:s12+$0xFFFFFFD0];
	v6 =	vbroadcast v1, $0x1  }
0xa2: {  	v43 =	vld [tilespmem:s12+$0xFFFFFFE0];
	v9 =	vbroadcast v1, $0x2;
	v2 =	vmul.f32 v5, v2  }
0xa3: {  	v47 =	vld [tilespmem:s12+$0x10];
	v42 =	vbroadcast v1, $0x3;
	v3 =	vmul.f32 v3, v6  }
0xa4: {  	v7 =	vld [tilespmem:s12+$0xFFFFFFC0];
	v45 =	vbroadcast v1, $0x5;
	v4 =	vmul.f32 v4, v9;
	[tilespmem:s12+$0xFFFFFF80] =	vst v2  }
0xa5: {  	v10 =	vld [tilespmem:s12+$0xFFFFFFF0];
	v11 =	vbroadcast v1, $0x6;
	v0 =	vmul.f32 v0, v42;
	[tilespmem:s12+$0xFFFFFF90] =	vst v3  }
0xa6: {  	v49 =	vld [tilespmem:s12+$0x20];
	v52 =	vbroadcast v1, $0x9;
	v5 =	vmul.f32 v8, v45;
	[tilespmem:s12+$0xFFFFFFA0] =	vst v4  }
0xa7: {  	v50 =	vld [tilespmem:s12+$0x30];
	v44 =	vbroadcast v1, $0x4;
	v6 =	vmul.f32 v43, v11;
	[tilespmem:s12+$0xFFFFFFB0] =	vst v0  }
0xa8: {  	v46 =	vld [tilespmem:s12+$0x0];
	v48 =	vbroadcast v1, $0x7;
	v57 =	vmul.f32 v47, v52;
	[tilespmem:s12+$0xFFFFFFD0] =	vst v5  }
0xa9: {  	v54 =	vld [tilespmem:s12+$0x50];
	v55 =	vbroadcast v1, $0xA;
	v2 =	vmul.f32 v7, v44;
	[tilespmem:s12+$0xFFFFFFE0] =	vst v6  }
0xaa: {  	v53 =	vld [tilespmem:s12+$0x40];
	v56 =	vbroadcast v1, $0xB;
	v4 =	vmul.f32 v10, v48;
	[tilespmem:s12+$0x10] =	vst v57  }
0xab: {  	v58 =	vld [tilespmem:s12+$0x60];
	v51 =	vbroadcast v1, $0x8;
	v7 =	vmul.f32 v49, v55;
	[tilespmem:s12+$0xFFFFFFC0] =	vst v2  }
0xac: {  	v59 =	vld [tilespmem:s12+$0x70];
	v61 =	vbroadcast v1, $0xD;
	v0 =	vmul.f32 v50, v56;
	[tilespmem:s12+$0xFFFFFFF0] =	vst v4  }
0xad: {  	v60 =	vbroadcast v1, $0xC;
	v2 =	vmul.f32 v46, v51;
	[tilespmem:s12+$0x20] =	vst v7  }
0xae: {  	v62 =	vbroadcast v1, $0xE;
	v3 =	vmul.f32 v54, v61;
	[tilespmem:s12+$0x30] =	vst v0  }
0xaf: {  	v1 =	vbroadcast v1, $0xF;
	[tilespmem:s12+$0x0] =	vst v2;
	v2 =	vmul.f32 v53, v60  }
0xb0: {  	v63 =	vmul.f32 v58, v62;
	[tilespmem:s12+$0x50] =	vst v3  }
0xb1: {  	v1 =	vmul.f32 v59, v1;
	[tilespmem:s12+$0x40] =	vst v2  }
0xb2: {  	[tilespmem:s15+$0x60] =	vst v63  }
0xb3: {  	[tilespmem:s15+$0x70] =	vst v1  }
0xb4: {  	_ =	swait.ge [sflag:s22], $0x2D0  }
0xb5: {  	[sflag:s22] =	ssyncset.done $0x0  }
0xb6: {  	[sflag:s22] =	ssyncadd.s32 $0xFFFFFD30  }
0xb7: {  	_ =	swait.ge [sflag:s22], $0x2D0  }
0xb8: {  	[sflag:s22] =	ssyncset.done $0x0  }
0xb9: {  	s11 =	sadd.s32 $0x1, s11;
	[sflag:s22] =	ssyncadd.s32 $0xFFFFFD30  }
0xba: {  	p0 =	sne.s32 s11, $0x3E;
	_ =	swait.ge [sflag:s22], $0x2D0  }
.Ltmp2:
0xbb: {  	[sflag:s22] =	ssyncset.done $0x0;
	(pc) =	sbr.rel @p0 .LBB2_2-.Ltmp2, $4  }
0xbc: {  	[sflag:s22] =	ssyncadd.s32 $0xFFFFFD30  }
0xbd: {  	[tilespmem:s24], [sflag:$0x3] =	stream.indirect.gather [hbm4b:s4+s23], $0x10, s19, s23, $0xb8;
	[tilespmem:$0x1CAE0] =	vst v63  }
0xbe: {  	_ = 	snop  }
0xbf: {  	[spmem:s1] =	stream.indirect.scatter.add.f32 [tilespmem:s31], [sflag:$0x6], $0x10, s26, s23, $0xb8;
	[tilespmem:$0x1CAE0] =	vst v63  }
0xc0: {  	s3 =	simm.s32 $0x6  }
0xc1: {  	_ =	swait.ge [sflag:s3], $0x2D00  }
0xc2: {  	[sflag:s3] =	ssyncset.done $0x0  }
0xc3: {  	[sflag:s3] =	ssyncadd.s32 $0xFFFFD300  }
0xc4: {  	_ =	swait.ge [sflag:s29], $0x2D00  }
0xc5: {  	[sflag:s29] =	ssyncset.done $0x0  }
0xc6: {  	s11 =	simm.s32 $0x168F0;
	[sflag:s29] =	ssyncadd.s32 $0xFFFFD300  }
0xc7: {  	s8 =	simm.s32 $0x0;
	s12 =	simm.s32 $0x168F0;
	s3 =	simm.s32 $0x40;
	v0 =	vld [tilespmem:s11+$0xFFFFFFB0]  }
.LBB2_8:
0xc8: {  	p0 =	sne.s32 s3, $0xB00;
	v1 =	vld [tilespmem:s8+$0x165A0]  }
0xc9: {  	v2 =	vld [tilespmem:s11+$0xFFFFFF90]  }
0xca: {  	v3 =	vld [tilespmem:s11+$0xFFFFFF80]  }
0xcb: {  	v4 =	vld [tilespmem:s11+$0xFFFFFFA0]  }
0xcc: {  	v5 =	vld [tilespmem:s11+$0xFFFFFFF0]  }
0xcd: {  	v6 =	vbroadcast v1, $0x0;
	v7 =	vbroadcast v1, $0x1;
	v8 =	vld [tilespmem:s11+$0xFFFFFFD0]  }
0xce: {  	v9 =	vbroadcast v1, $0x2;
	v10 =	vbroadcast v1, $0x3;
	v11 =	vld [tilespmem:s11+$0xFFFFFFC0]  }
0xcf: {  	v3 =	vmul.f32 v6, v3;
	v2 =	vmul.f32 v2, v7;
	v6 =	vld [tilespmem:s11+$0xFFFFFFE0]  }
0xd0: {  	v0 =	vmul.f32 v0, v10;
	v4 =	vmul.f32 v4, v9;
	v7 =	vld [tilespmem:s11+$0x30]  }
0xd1: {  	v9 =	vbroadcast v1, $0x5;
	[tilespmem:s11+$0xFFFFFF80] =	vst v3;
	v3 =	vbroadcast v1, $0x4;
	v10 =	vld [tilespmem:s11+$0x10]  }
0xd2: {  	v12 =	vbroadcast v1, $0x7;
	[tilespmem:s11+$0xFFFFFF90] =	vst v2;
	v2 =	vbroadcast v1, $0x6;
	v13 =	vld [tilespmem:s11+$0x0]  }
0xd3: {  	[tilespmem:s11+$0xFFFFFFA0] =	vst v4;
	v3 =	vmul.f32 v11, v3;
	v4 =	vmul.f32 v8, v9;
	v8 =	vld [tilespmem:s11+$0x20]  }
0xd4: {  	[tilespmem:s11+$0xFFFFFFB0] =	vst v0;
	v0 =	vmul.f32 v6, v2;
	v2 =	vmul.f32 v5, v12;
	v5 =	vld [tilespmem:s11+$0x70]  }
0xd5: {  	v6 =	vbroadcast v1, $0x9;
	[tilespmem:s11+$0xFFFFFFC0] =	vst v3;
	v3 =	vbroadcast v1, $0x8;
	v9 =	vld [tilespmem:s11+$0x50]  }
0xd6: {  	v11 =	vbroadcast v1, $0xB;
	[tilespmem:s11+$0xFFFFFFD0] =	vst v4;
	v4 =	vbroadcast v1, $0xA;
	v12 =	vld [tilespmem:s11+$0x40]  }
0xd7: {  	[tilespmem:s11+$0xFFFFFFE0] =	vst v0;
	v0 =	vmul.f32 v13, v3;
	v3 =	vmul.f32 v10, v6;
	v6 =	vld [tilespmem:s11+$0x60]  }
0xd8: {  	[tilespmem:s11+$0xFFFFFFF0] =	vst v2;
	v2 =	vmul.f32 v8, v4;
	v4 =	vmul.f32 v7, v11  }
0xd9: {  	v7 =	vbroadcast v1, $0xD;
	[tilespmem:s11+$0x0] =	vst v0;
	v0 =	vbroadcast v1, $0xC  }
0xda: {  	[tilespmem:s11+$0x10] =	vst v3;
	v3 =	vbroadcast v1, $0xE;
	v1 =	vbroadcast v1, $0xF  }
0xdb: {  	[tilespmem:s11+$0x20] =	vst v2;
	v0 =	vmul.f32 v12, v0;
	v2 =	vmul.f32 v9, v7  }
.Ltmp3:
0xdc: {  	[tilespmem:s11+$0x30] =	vst v4;
	v3 =	vmul.f32 v6, v3;
	v1 =	vmul.f32 v5, v1;
	(pc) =	sbr.rel @p0 .LBB2_8-.Ltmp3, $4  }
0xdd: {  	[tilespmem:s11+$0x40] =	vst v0  }
0xde: {  	[tilespmem:s11+$0x50] =	vst v2  }
0xdf: {  	s11 =	sadd.s32 $0x100, s11;
	[tilespmem:s12+$0x60] =	vst v3  }
0xe0: {  	s8 =	sshra.s32 s3, $0x2;
	s3 =	sadd.s32 $0x40, s3;
	v0 =	vld [tilespmem:s11+$0xFFFFFFB0];
	[tilespmem:s12+$0x70] =	vst v1;
	s12 =	smov.u32 s11  }
0xe1: {  	v1 =	vld [tilespmem:s8+$0x165A0];
	_ =	sdelay $0x1  }
0xe2: {  	v2 =	vld [tilespmem:s11+$0xFFFFFF80]  }
0xe3: {  	v3 =	vld [tilespmem:s11+$0xFFFFFF90]  }
0xe4: {  	v4 =	vld [tilespmem:s11+$0xFFFFFFA0]  }
0xe5: {  	v5 =	vbroadcast v1, $0x0  }
0xe6: {  	v8 =	vld [tilespmem:s11+$0xFFFFFFD0];
	v6 =	vbroadcast v1, $0x1  }
0xe7: {  	v43 =	vld [tilespmem:s11+$0xFFFFFFE0];
	v9 =	vbroadcast v1, $0x2;
	v2 =	vmul.f32 v5, v2  }
0xe8: {  	v47 =	vld [tilespmem:s11+$0x10];
	v42 =	vbroadcast v1, $0x3;
	v3 =	vmul.f32 v3, v6  }
0xe9: {  	v7 =	vld [tilespmem:s11+$0xFFFFFFC0];
	v45 =	vbroadcast v1, $0x5;
	v4 =	vmul.f32 v4, v9;
	[tilespmem:s11+$0xFFFFFF80] =	vst v2  }
0xea: {  	v10 =	vld [tilespmem:s11+$0xFFFFFFF0];
	v11 =	vbroadcast v1, $0x6;
	v0 =	vmul.f32 v0, v42;
	[tilespmem:s11+$0xFFFFFF90] =	vst v3  }
0xeb: {  	v49 =	vld [tilespmem:s11+$0x20];
	v52 =	vbroadcast v1, $0x9;
	v5 =	vmul.f32 v8, v45;
	[tilespmem:s11+$0xFFFFFFA0] =	vst v4  }
0xec: {  	v50 =	vld [tilespmem:s11+$0x30];
	v44 =	vbroadcast v1, $0x4;
	v6 =	vmul.f32 v43, v11;
	[tilespmem:s11+$0xFFFFFFB0] =	vst v0  }
0xed: {  	v46 =	vld [tilespmem:s11+$0x0];
	v48 =	vbroadcast v1, $0x7;
	v57 =	vmul.f32 v47, v52;
	[tilespmem:s11+$0xFFFFFFD0] =	vst v5  }
0xee: {  	v54 =	vld [tilespmem:s11+$0x50];
	v55 =	vbroadcast v1, $0xA;
	v2 =	vmul.f32 v7, v44;
	[tilespmem:s11+$0xFFFFFFE0] =	vst v6  }
0xef: {  	v53 =	vld [tilespmem:s11+$0x40];
	v56 =	vbroadcast v1, $0xB;
	v4 =	vmul.f32 v10, v48;
	[tilespmem:s11+$0x10] =	vst v57  }
0xf0: {  	v58 =	vld [tilespmem:s11+$0x60];
	v51 =	vbroadcast v1, $0x8;
	v7 =	vmul.f32 v49, v55;
	[tilespmem:s11+$0xFFFFFFC0] =	vst v2  }
0xf1: {  	v59 =	vld [tilespmem:s11+$0x70];
	v61 =	vbroadcast v1, $0xD;
	v0 =	vmul.f32 v50, v56;
	[tilespmem:s11+$0xFFFFFFF0] =	vst v4  }
0xf2: {  	v60 =	vbroadcast v1, $0xC;
	v2 =	vmul.f32 v46, v51;
	[tilespmem:s11+$0x20] =	vst v7  }
0xf3: {  	v62 =	vbroadcast v1, $0xE;
	v3 =	vmul.f32 v54, v61;
	[tilespmem:s11+$0x30] =	vst v0  }
0xf4: {  	v1 =	vbroadcast v1, $0xF;
	[tilespmem:s11+$0x0] =	vst v2;
	v2 =	vmul.f32 v53, v60  }
0xf5: {  	v63 =	vmul.f32 v58, v62;
	[tilespmem:s11+$0x50] =	vst v3  }
0xf6: {  	v1 =	vmul.f32 v59, v1;
	[tilespmem:s11+$0x40] =	vst v2  }
0xf7: {  	[tilespmem:s12+$0x60] =	vst v63  }
0xf8: {  	[tilespmem:s12+$0x70] =	vst v1  }
0xf9: {  	[spmem:s1] =	stream.indirect.scatter.add.f32 [tilespmem:s24], [sflag:$0x5], $0x10, s20, s23, $0xb8;
	[tilespmem:$0x1CAE0] =	vst v63  }
0xfa: {  	_ =	swait.ge [sflag:s0], $0x2D00  }
0xfb: {  	[sflag:s0] =	ssyncset.done $0x0  }
0xfc: {  	[sflag:s0] =	ssyncadd.s32 $0xFFFFD300  }
0xfd: {  	[bflag:$0x0] =	sbarrier.arrive $0xFFFF  }
0xfe: {  	s3 =	rddreg [dreg:$0x7]  }
0xff: {  	[hbm:s3], [sflag:s9] =	dma.local [spmem:s17], $0x2C00  }
0x100: {  	_ =	swait.ge [sflag:s18], $0x2C00  }
0x101: {  	s10 =	sadd.s32 $0x1, s10;
	s16 =	rddreg [dreg:$0x8]  }
0x102: {  	p0 =	sne.s32 s10, s16  }
.Ltmp4:
0x103: {  	_ = 	snop;
	(pc) =	sbr.rel @p0 .LBB2_1-.Ltmp4, $3  }
0x104: {  	_ =	sdelay $0x1  }
0x105: {  	[sflag:s18] =	ssyncset.done $0x0  }
0x106: {  	[sflag:s18] =	ssyncadd.s32 $0xFFFFD400  }
0x107: {  	_ =	sfence.sel $0x180000  }
0x108: {  	[bflag:$0x0] =	sbarrier.arrive $0xFFFF  }
0x109: {  	_ =	strace $0x9000004D  }
0x10a: {  	s0 =	stileid.u32;
	[bflag:$0x2] =	sbarrier.arrive $0xFFFF  }
0x10b: {  	p0 =	sne.s32 s0, $0x0;
	s0 =	rddreg [dreg:$0x2]  }
0x10c: {  	s0 =	sadd.s32 @!p0 $0x100000, s0  }
0x10d: {  	[sflag:s0] =	ssyncadd.tile.s32 @!p0 $0x1;
	_ =	shalt  }
.Lfunc_end2:
_tile_overlayer_lowered:
.L_overlay_start_2:
0x10e: {  	(tag) =	ssettag $0x2  }
0x10f: {  	s0 =	rddreg [dreg:$0x0];
	s2 =	stileid.u32  }
0x110: {  	s1 =	rddreg [dreg:$0x1];
	p0 =	sne.s32 s2, $0x0  }
0x111: {  	s3 =	rddreg [dreg:$0x2];
	[bflag:$0x3] =	sbarrier.arrive $0xFFFF;
	s2 =	simm.s32 @!p0 $0x1C07  }
0x112: {  	[timem:s3], [sflag:s2] =	dma.local @!p0 [hbm:s0], s1  }
0x113: {  	s0 =	simm.s32 @!p0 $0x7  }
0x114: {  	_ =	swait.ge @!p0 [sflag:s0], s1  }
0x115: {  	s1 =	ssub.s32 @!p0 $0x0, s1;
	[sflag:s0] =	ssyncset.done @!p0 $0x0  }
0x116: {  	[sflag:s0] =	ssyncadd.s32 @!p0 s1  }
0x117: {  	[bflag:$0x3] =	sbarrier.arrive $0xFFFF  }
0x118: {  	_ =	shalt  }

// kernel: kernel.15.cloned.1.call-start
scs
__scs_entry_jumppad:
0x0: {  	(pc) =	sbr.rel $0x88, $3  }
0x1: {  	(tag) =	ssettag $0x0;
	lr =	simm.s32 $0x1  }
0x2: {  	[smem:$0x3F92] =	sst lr;
	_ =	strace $0xD0000000  }
0x3: {  	_ = 	snop  }
0x4: {  	_ = 	snop  }
0x5: {  	_ = 	snop  }
0x6: {  	_ = 	snop  }
0x7: {  	_ = 	snop  }
__scs_overlays_trampoline_lowered:
0x8: {  	[smem:$0x3FA1] =	sst s0  }
0x9: {  	[smem:$0x3FA2] =	sst s1  }
0xa: {  	[smem:$0x3FA3] =	sst s2  }
0xb: {  	[smem:$0x3FA4] =	sst s3  }
0xc: {  	[smem:$0x3FA5] =	sst s4  }
0xd: {  	[smem:$0x3FA6] =	sst s5  }
0xe: {  	[smem:$0x3FA7] =	sst s6  }
0xf: {  	[smem:$0x3FA8] =	sst s7  }
0x10: {  	[smem:$0x3FA9] =	sst s8  }
0x11: {  	[smem:$0x3FAA] =	sst s9;
	s0 =	simm.s32 @!p0 $0x0  }
0x12: {  	s1 =	sld [smem:$0x3F90];
	s0 =	simm.s32 @p0 $0x1  }
0x13: {  	[smem:$0x3FAB] =	sst s0;
	s0 =	simm.s32 @!p1 $0x0  }
0x14: {  	s2 =	sld [smem:$0x3F8F];
	s0 =	simm.s32 @p1 $0x1  }
0x15: {  	[smem:$0x3FAC] =	sst s0;
	s0 =	simm.s32 @!p2 $0x0  }
0x16: {  	s3 =	sld [smem:$0x3FDB];
	s0 =	simm.s32 @p2 $0x1  }
0x17: {  	s4 =	simm.s32 $0x1BF5;
	[smem:$0x3FAE] =	sst s0  }
0x18: {  	s0 =	sld [smem:$0x3F91];
	_ =	swait.ge [sflag:s4], $0x0  }
0x19: {  	s7 =	sld [smem:$0x3F92]  }
0x1a: {  	s8 =	sadd.s32 $0xFFFFE003, lr  }
0x1b: {  	s9 =	sadd.s32 $0xFFFFFEF7, lr;
	s5 =	simm.s32 $0xFFFFFFFF;
	p2 =	slt.u32 s8, $0xFFFFF086  }
0x1c: {  	p1 =	slt.u32 s9, $0xF7A;
	s5 =	simm.s32 @!p2 $0x0  }
0x1d: {  	s5 =	simm.s32 @p1 $0x1;
	p0 =	seq.s32 s7, s2  }
0x1e: {  	s7 =	smul.u32 @!p0 $0xF7A, s2;
	p2 =	seq.s32 @!p0 s5, $0x0  }
0x1f: {  	s9 =	smul.u32 $0xF7A, s1;
	s8 =	simm.s32 @!p0 $0x1BF5;
	p2 =	por !p2, p0  }
0x20: {  	[sflag:s8] =	ssyncset.s32 @!p0 $0xFFFFF086;
	s6 =	sadd.s32 @!p0 s3, s7;
	s7 =	simm.s32 @!p0 $0x108  }
0x21: {  	s3 =	sadd.s32 s3, s9;
	s6 =	sadd.s32 @!p0 $0x88, s6;
	s7 =	simm.s32 @p2 $0x1082  }
0x22: {  	[simem:s7], [sflag:s8] =	dma.local @!p0 [hbm:s6], $0xF7A  }
0x23: {  	s9 =	sor.u32 $0xD0000000, s2;
	s6 =	simm.s32 $0x108;
	_ =	swait.ge @!p0 [sflag:s8], $0x0  }
0x24: {  	s3 =	sadd.s32 $0x88, s3;
	s6 =	simm.s32 @!p1 $0x1082;
	[sflag:s4] =	ssyncset.s32 $0xFFFFF086  }
0x25: {  	[simem:s6], [sflag:s4] =	dma.local [hbm:s3], $0xF7A  }
0x26: {  	[smem:$0x3F92] =	sst s1;
	(tag) =	ssettag s2;
	_ =	strace s9  }
0x27: {  	s1 =	sld [smem:$0x3FA2]  }
0x28: {  	s2 =	sld [smem:$0x3FA3]  }
0x29: {  	s4 =	sld [smem:$0x3FA5]  }
0x2a: {  	p0 =	seq.s32 s5, $0x0;
	s5 =	sld [smem:$0x3FA6]  }
0x2b: {  	s6 =	sld [smem:$0x3FA7]  }
0x2c: {  	s7 =	sld [smem:$0x3FA8]  }
0x2d: {  	s3 =	simm.s32 $0x108;
	s8 =	sld [smem:$0x3FA9]  }
0x2e: {  	s3 =	simm.s32 @!p0 $0x1082;
	s9 =	sld [smem:$0x3FAA]  }
0x2f: {  	lr =	sadd.s32 s0, s3;
	s0 =	sld [smem:$0x3FA1]  }
0x30: {  	s3 =	sld [smem:$0x3FA4]  }
0x31: {  	[smem:$0x3FAD] =	sst s10  }
0x32: {  	s10 =	sld [smem:$0x3FAB];
	_ =	sdelay $0x3  }
0x33: {  	p0 =	seq.s32 s10, $0x1;
	s10 =	sld [smem:$0x3FAD];
	_ =	sdelay $0x3  }
0x34: {  	[smem:$0x3FAD] =	sst s10  }
0x35: {  	s10 =	sld [smem:$0x3FAC];
	_ =	sdelay $0x3  }
0x36: {  	p1 =	seq.s32 s10, $0x1;
	s10 =	sld [smem:$0x3FAD];
	_ =	sdelay $0x3  }
0x37: {  	[smem:$0x3FAD] =	sst s10  }
0x38: {  	s10 =	sld [smem:$0x3FAE]  }
0x39: {  	_ = 	snop;
	(pc) =	sbr.ind lr, $3  }
0x3a: {  	_ = 	snop  }
0x3b: {  	_ = 	snop  }
0x3c: {  	p2 =	seq.s32 s10, $0x1;
	s10 =	sld [smem:$0x3FAD]  }
0x3d: {  	_ =	shalt  }
0x3e: {  	_ =	shalt  }
0x3f: {  	_ =	shalt  }
0x40: {  	_ =	shalt  }
0x41: {  	_ =	shalt  }
0x42: {  	_ =	shalt  }
0x43: {  	_ =	shalt  }
0x44: {  	_ =	shalt  }
0x45: {  	_ =	shalt  }
0x46: {  	_ =	shalt  }
0x47: {  	_ =	shalt  }
0x48: {  	_ =	shalt  }
0x49: {  	_ =	shalt  }
0x4a: {  	_ =	shalt  }
0x4b: {  	_ =	shalt  }
0x4c: {  	_ =	shalt  }
0x4d: {  	_ =	shalt  }
0x4e: {  	_ =	shalt  }
0x4f: {  	_ =	shalt  }
0x50: {  	_ =	shalt  }
0x51: {  	_ =	shalt  }
0x52: {  	_ =	shalt  }
0x53: {  	_ =	shalt  }
0x54: {  	_ =	shalt  }
0x55: {  	_ =	shalt  }
0x56: {  	_ =	shalt  }
0x57: {  	_ =	shalt  }
0x58: {  	_ =	shalt  }
0x59: {  	_ =	shalt  }
0x5a: {  	_ =	shalt  }
0x5b: {  	_ =	shalt  }
0x5c: {  	_ =	shalt  }
0x5d: {  	_ =	shalt  }
0x5e: {  	_ =	shalt  }
0x5f: {  	_ =	shalt  }
0x60: {  	_ =	shalt  }
0x61: {  	_ =	shalt  }
0x62: {  	_ =	shalt  }
0x63: {  	_ =	shalt  }
0x64: {  	_ =	shalt  }
0x65: {  	_ =	shalt  }
0x66: {  	_ =	shalt  }
0x67: {  	_ =	shalt  }
0x68: {  	_ =	shalt  }
0x69: {  	_ =	shalt  }
0x6a: {  	_ =	shalt  }
0x6b: {  	_ =	shalt  }
0x6c: {  	_ =	shalt  }
0x6d: {  	_ =	shalt  }
0x6e: {  	_ =	shalt  }
0x6f: {  	_ =	shalt  }
0x70: {  	_ =	shalt  }
0x71: {  	_ =	shalt  }
0x72: {  	_ =	shalt  }
0x73: {  	_ =	shalt  }
0x74: {  	_ =	shalt  }
0x75: {  	_ =	shalt  }
0x76: {  	_ =	shalt  }
0x77: {  	_ =	shalt  }
0x78: {  	_ =	shalt  }
0x79: {  	_ =	shalt  }
0x7a: {  	_ =	shalt  }
0x7b: {  	_ =	shalt  }
0x7c: {  	_ =	shalt  }
0x7d: {  	_ =	shalt  }
0x7e: {  	_ =	shalt  }
0x7f: {  	_ =	shalt  }
0x80: {  	_ =	shalt  }
0x81: {  	_ =	shalt  }
0x82: {  	_ =	shalt  }
0x83: {  	_ =	shalt  }
0x84: {  	_ =	shalt  }
0x85: {  	_ =	shalt  }
0x86: {  	_ =	shalt  }
0x87: {  	_ =	shalt  }
.Lfunc_end0:
.L_simem_size_0:
called_computation.3_lowered:
.L_overlay_start_0:
0x88: {  	s2 =	sld [smem:$0x3FD9]  }
0x89: {  	s3 =	sld [smem:$0x3FFE];
	_ =	sdelay $0x1  }
0x8a: {  	s1 =	srdreg.scid  }
0x8b: {  	s0 =	sand.u32 $0x1, s1  }
0x8c: {  	s16 =	sshll.u32 s0, $0xA;
	s2 =	sadd.s32 s3, s2  }
0x8d: {  	s2 =	sadd.s32 s2, s16  }
0x8e: {  	[smem:$0x3FB9] =	sst s2  }
0x8f: {  	_ = 	snop  }
0x90: {  	(tm) =	ssettm $0x1  }
0x91: {  	s17 =	sld [smem:$0x3FFB];
	_ =	sdelay $0x3  }
0x92: {  	_ =	strace s17  }
0x93: {  	s2 =	sld [smem:$0x3FFC];
	_ =	sdelay $0x3  }
0x94: {  	_ =	strace s2  }
0x95: {  	s2 =	sld [smem:$0x3FFD];
	_ =	sdelay $0x3  }
0x96: {  	_ =	strace s2  }
0x97: {  	_ =	strace $0x8FFFFFFF  }
0x98: {  	s18 =	sld [smem:$0x3FDB];
	_ =	sdelay $0x1  }
0x99: {  	s19 =	simm.s32 $_scs_section_size  }
0x9a: {  	s4 =	simm.s32 $_size__tile_overlayer_lowered;
	s5 =	simm.s32 $_tile_overlayer_lowered  }
0x9b: {  	s22 =	simm.s32 $0x1BFF;
	s21 =	sshll.u32 s5, $0x1;
	s2 =	sadd.s32 s19, s18  }
0x9c: {  	s6 =	simm.s32 $0x0;
	s20 =	sshll.u32 s4, $0x1;
	s4 =	sadd.s32 s21, s2  }
0x9d: {  	[timem:s6], [sflag:s22] =	dma.local [hbm:s4], s20  }
0x9e: {  	_ =	swait.ge [sflag:s22], s20  }
0x9f: {  	s3 =	ssub.s32 $0x0, s20;
	[sflag:s22] =	ssyncset.done $0x0  }
0xa0: {  	[sflag:s22] =	ssyncadd.s32 s3;
	_ =	sdelay $0x1  }
0xa1: {  	s23 =	simm.s32 $0x1B8B  }
0xa2: {  	_ =	swait.ge [sflag:s23], $0x1  }
0xa3: {  	[sflag:s23] =	ssyncset.done $0x0  }
0xa4: {  	s25 =	simm.s32 $0x1B8E;
	s24 =	sld [smem:$0x3FFE];
	[sflag:s23] =	ssyncadd.s32 $0xFFFFFFFF  }
0xa5: {  	s26 =	simm.s32 $execute0_lowered;
	[smem:$0x3FD2] =	sst s25  }
0xa6: {  	s4 =	sshll.u32 s26, $0x1;
	_ =	strace $0x8000004F;
	[dreg:$0x1] =	wrdreg $0xFFFFFFFF  }
0xa7: {  	s28 =	simm.s32 $_size_execute0_lowered;
	s2 =	sadd.s32 s2, s4;
	[dreg:$0x0] =	wrdreg $0x0  }
0xa8: {  	s4 =	sshll.u32 s28, $0x1;
	[dreg:$0x2] =	wrdreg s2  }
0xa9: {  	[dreg:$0x3] =	wrdreg s4  }
0xaa: {  	[dreg:$0x4] =	wrdreg $0xC0  }
0xab: {  	_ =	task [dreg:s6], $0x5FFFF  }
0xac: {  	[dreg:$0x1] =	wrdreg $0xFFFFFFFF  }
0xad: {  	[dreg:$0x0] =	wrdreg $0x60  }
0xae: {  	[dreg:$0x2] =	wrdreg s24  }
0xaf: {  	[dreg:$0x3] =	wrdreg $0x0  }
0xb0: {  	[dreg:$0x4] =	wrdreg $0x9  }
0xb1: {  	_ =	task.clear_ibuf [dreg:s6], $0x5FFFF;
	_ =	strace $0x9000004F  }
0xb2: {  	s29 =	simm.s32 $0x9;
	_ =	strace $0x80000051  }
0xb3: {  	_ =	swait.ge [sflag:s29], $0x1  }
0xb4: {  	[sflag:s29] =	ssyncadd.s32 $0xFFFFFFFF  }
0xb5: {  	_ =	strace $0x90000051  }
0xb6: {  	_ =	sfence  }
0xb7: {  	s30 =	sld [smem:$0x0];
	_ =	sdelay $0x2  }
0xb8: {  	s31 =	sshll.u32 s1, $0xD;
	s1 =	sshrl.u32 s1, $0x2  }
0xb9: {  	s3 =	sand.u32 $0x4000, s31;
	s1 =	sadd.s32 s1, s30  }
0xba: {  	s0 =	sor.u32 s3, s0;
	s1 =	sshll.u32 s1, $0x11  }
0xbb: {  	s0 =	sor.u32 s1, s0  }
0xbc: {  	s0 =	sadd.s32 $0x8F2B, s0  }
0xbd: {  	[sflag:s0] =	ssyncadd.remote.s32 $0x1  }
0xbe: {  	_ =	sfence.sel $0xFFFF  }
0xbf: {  	[dreg:$0x0] =	wrdreg $0xFFFFFFFF;
	(pc) =	sbr.abs _section_cstart, $3  }
0xc0: {  	[dreg:$0x1] =	wrdreg $0xFFFFFFFF  }
0xc1: {  	_ =	task.clear_ibuf [dreg:s6], $0x2FFFF;
	_ =	strace $0x9FFFFFFF  }
0xc2: {  	(tm) =	ssettm $0x7FFFFFFF  }
0xc3: {  	_ =	shalt  }
tec
execute0_lowered:
.L_overlay_start_1:
0x0: {  	(tag) =	ssettag $0x1  }
0x1: {  	s0 =	rddreg [dreg:$0x0]  }
0x2: {  	s1 =	rddreg [dreg:$0x1];
	s2 =	simm.s32 $0x0  }
0x3: {  	s12 =	stileid.u32;
	s18 =	srdreg.scid;
	s28 =	simm.s32 $0x19B10  }
0x4: {  	s29 =	simm.s32 $0x3;
	s30 =	simm.s32 $0x2;
	s31 =	simm.s32 $0x19DE0  }
0x5: {  	[smem:$0x7FF] =	sst s2;
	s4 =	sadd.s32 $0x431400, s0;
	s3 =	smul.u32 $0x16000, s12  }
0x6: {  	s2 =	sand.u32 $0x1, s18;
	s5 =	sadd.s32 $0x61C00, s0;
	s6 =	sadd.s32 $0x9C00, s0  }
0x7: {  	s7 =	sadd.s32 $0xC2000, s0;
	s10 =	sshll.u32 s12, $0x1;
	s21 =	sshll.u32 s12, $0x6  }
0x8: {  	s18 =	simm.s32 $0x7;
	_ =	strace $0x80000050;
	s8 =	smul.u32 $0x160000, s2  }
0x9: {  	s11 =	ssub.s32 $0x2, s2;
	s2 =	sor.u32 s2, s10;
	s10 =	simm.s32 $0x0  }
0xa: {  	s9 =	sshrl.u32 s3, $0x3;
	s19 =	sshrl.u32 s11, $0x1;
	s2 =	smul.u32 $0x15F90, s2  }
0xb: {  	s8 =	sadd.s32 s3, s8;
	s9 =	sadd.s32 s9, s0;
	s20 =	ssub.s32 s11, s19  }
0xc: {  	s3 =	sadd.s32 s3, s1;
	s19 =	simm.s32 $0x16000;
	s8 =	sshrl.u32 s8, $0x3  }
0xd: {  	s22 =	sshrl.u32 s2, $0x3;
	s9 =	sadd.s32 $0x2A5A00, s9;
	s13 =	sadd.s32 $0x2D0, s2  }
0xe: {  	s14 =	sadd.s32 $0x5A0, s2;
	s26 =	smax.u32 s20, $0x1;
	s17 =	sshrl.u32 s3, $0x3  }
0xf: {  	s20 =	simm.s32 $0x162D0;
	s2 =	simm.s32 $0x4;
	[dreg:$0x3] =	wrdreg s9  }
0x10: {  	s0 =	sadd.s32 s8, s0;
	s23 =	sadd.s32 s5, s22;
	[dreg:$0x8] =	wrdreg s26  }
0x11: {  	s9 =	sor.u32 $0x1C07, s21;
	s24 =	sadd.s32 s6, s22;
	[dreg:$0x4] =	wrdreg s23  }
0x12: {  	s25 =	sadd.s32 s7, s22;
	s21 =	simm.s32 $0x165A0;
	[dreg:$0x5] =	wrdreg s24  }
0x13: {  	s22 =	simm.s32 $0x1;
	s26 =	simm.s32 $0x19840;
	[dreg:$0x6] =	wrdreg s25  }
0x14: {  	s0 =	sadd.s32 $0x45D400, s0;
	s23 =	simm.s32 $0x2D0;
	s24 =	simm.s32 $0x16870  }
0x15: {  	s25 =	simm.s32 $0x19570;
	[dreg:$0x7] =	wrdreg s0;
	s0 =	simm.s32 $0x5  }
.LBB2_1:
0x16: {  	s3 =	rddreg [dreg:$0x3]  }
0x17: {  	[spmem:s17], [sflag:s9] =	dma.local [hbm:s3], $0x2C00  }
0x18: {  	_ =	swait.ge [sflag:s18], $0x2C00  }
0x19: {  	[sflag:s18] =	ssyncset.done $0x0  }
0x1a: {  	[sflag:s18] =	ssyncadd.s32 $0xFFFFD400  }
0x1b: {  	[bflag:$0x0] =	sbarrier.arrive $0xFFFF  }
0x1c: {  	s12 =	simm.s32 $0x0;
	s8 =	rddreg [dreg:$0x4]  }
0x1d: {  	[tilespmem:s19], [sflag:$0x1] =	stream.linear.gather [hbm4b:s8+s12], $0x2D0, $0x38;
	[tilespmem:$0x1CAE0] =	vst v63  }
0x1e: {  	s15 =	rddreg [dreg:$0x5]  }
0x1f: {  	[tilespmem:s20], [sflag:$0x1] =	stream.linear.gather [hbm4b:s15+s12], $0x2D0, $0x38;
	[tilespmem:$0x1CAE0] =	vst v63  }
0x20: {  	s16 =	rddreg [dreg:$0x6]  }
0x21: {  	[tilespmem:s21], [sflag:$0x1] =	stream.linear.gather [hbm4b:s16+s12], $0x2D0, $0x38;
	[tilespmem:$0x1CAE0] =	vst v63  }
0x22: {  	_ =	swait.ge [sflag:s22], $0x2D0  }
0x23: {  	[sflag:s22] =	ssyncset.done $0x0  }
0x24: {  	[sflag:s22] =	ssyncadd.s32 $0xFFFFFD30  }
0x25: {  	_ =	swait.ge [sflag:s22], $0x2D0  }
0x26: {  	[sflag:s22] =	ssyncset.done $0x0  }
0x27: {  	[sflag:s22] =	ssyncadd.s32 $0xFFFFFD30  }
0x28: {  	_ =	swait.ge [sflag:s22], $0x2D0  }
0x29: {  	[sflag:s22] =	ssyncset.done $0x0  }
0x2a: {  	s11 =	simm.s32 $0x0;
	[sflag:s22] =	ssyncadd.s32 $0xFFFFFD30  }
0x2b: {  	[tilespmem:s24], [sflag:$0x3] =	stream.indirect.gather [hbm4b:s4+s23], $0x10, s19, s23, $0xb8;
	[tilespmem:$0x1CAE0] =	vst v63  }
.LBB2_2:
0x2c: {  	p0 =	seq.s32 s11, $0x0;
	s12 =	smul.u32 $0x5A0, s11  }
0x2d: {  	s3 =	simm.s32 @!p0 $0x6  }
0x2e: {  	_ =	swait.ge @!p0 [sflag:s3], $0x2D00;
	s8 =	sadd.s32 s12, s13  }
0x2f: {  	[sflag:s3] =	ssyncset.done @!p0 $0x0;
	s8 =	sshrl.u32 s8, $0x3  }
0x30: {  	s15 =	simm.s32 $0x0;
	[sflag:s3] =	ssyncadd.s32 @!p0 $0xFFFFD300;
	s16 =	sadd.s32 s5, s8  }
0x31: {  	[tilespmem:s25], [sflag:$0x2] =	stream.linear.gather [hbm4b:s16+s15], $0x2D0, $0x38;
	[tilespmem:$0x1CAE0] =	vst v63  }
0x32: {  	s16 =	sadd.s32 s6, s8  }
0x33: {  	[tilespmem:s26], [sflag:$0x2] =	stream.linear.gather [hbm4b:s16+s15], $0x2D0, $0x38;
	[tilespmem:$0x1CAE0] =	vst v63  }
0x34: {  	s16 =	sadd.s32 s7, s8  }
0x35: {  	[tilespmem:s28], [sflag:$0x2] =	stream.linear.gather [hbm4b:s16+s15], $0x2D0, $0x38;
	[tilespmem:$0x1CAE0] =	vst v63  }
0x36: {  	_ =	swait.ge [sflag:s29], $0x2D00  }
0x37: {  	[sflag:s29] =	ssyncset.done $0x0  }
0x38: {  	s15 =	simm.s32 $0x168F0;
	[sflag:s29] =	ssyncadd.s32 $0xFFFFD300  }
0x39: {  	s3 =	simm.s32 $0x40;
	s8 =	simm.s32 $0x0;
	s16 =	simm.s32 $0x168F0;
	v0 =	vld [tilespmem:s15+$0xFFFFFFB0]  }
.LBB2_3:
0x3a: {  	p0 =	sne.s32 s3, $0xB00;
	v1 =	vld [tilespmem:s8+$0x165A0]  }
0x3b: {  	v2 =	vld [tilespmem:s15+$0xFFFFFF90]  }
0x3c: {  	v3 =	vld [tilespmem:s15+$0xFFFFFF80]  }
0x3d: {  	v4 =	vld [tilespmem:s15+$0xFFFFFFA0]  }
0x3e: {  	v5 =	vld [tilespmem:s15+$0xFFFFFFF0]  }
0x3f: {  	v6 =	vbroadcast v1, $0x0;
	v7 =	vbroadcast v1, $0x1;
	v8 =	vld [tilespmem:s15+$0xFFFFFFD0]  }
0x40: {  	v9 =	vbroadcast v1, $0x2;
	v10 =	vbroadcast v1, $0x3;
	v11 =	vld [tilespmem:s15+$0xFFFFFFC0]  }
0x41: {  	v3 =	vmul.f32 v6, v3;
	v2 =	vmul.f32 v2, v7;
	v6 =	vld [tilespmem:s15+$0xFFFFFFE0]  }
0x42: {  	v0 =	vmul.f32 v0, v10;
	v4 =	vmul.f32 v4, v9;
	v7 =	vld [tilespmem:s15+$0x30]  }
0x43: {  	v9 =	vbroadcast v1, $0x5;
	[tilespmem:s15+$0xFFFFFF80] =	vst v3;
	v3 =	vbroadcast v1, $0x4;
	v10 =	vld [tilespmem:s15+$0x10]  }
0x44: {  	v12 =	vbroadcast v1, $0x7;
	[tilespmem:s15+$0xFFFFFF90] =	vst v2;
	v2 =	vbroadcast v1, $0x6;
	v13 =	vld [tilespmem:s15+$0x0]  }
0x45: {  	[tilespmem:s15+$0xFFFFFFA0] =	vst v4;
	v3 =	vmul.f32 v11, v3;
	v4 =	vmul.f32 v8, v9;
	v8 =	vld [tilespmem:s15+$0x20]  }
0x46: {  	[tilespmem:s15+$0xFFFFFFB0] =	vst v0;
	v0 =	vmul.f32 v6, v2;
	v2 =	vmul.f32 v5, v12;
	v5 =	vld [tilespmem:s15+$0x70]  }
0x47: {  	v6 =	vbroadcast v1, $0x9;
	[tilespmem:s15+$0xFFFFFFC0] =	vst v3;
	v3 =	vbroadcast v1, $0x8;
	v9 =	vld [tilespmem:s15+$0x50]  }
0x48: {  	v11 =	vbroadcast v1, $0xB;
	[tilespmem:s15+$0xFFFFFFD0] =	vst v4;
	v4 =	vbroadcast v1, $0xA;
	v12 =	vld [tilespmem:s15+$0x40]  }
0x49: {  	[tilespmem:s15+$0xFFFFFFE0] =	vst v0;
	v0 =	vmul.f32 v13, v3;
	v3 =	vmul.f32 v10, v6;
	v6 =	vld [tilespmem:s15+$0x60]  }
0x4a: {  	[tilespmem:s15+$0xFFFFFFF0] =	vst v2;
	v2 =	vmul.f32 v8, v4;
	v4 =	vmul.f32 v7, v11  }
0x4b: {  	v7 =	vbroadcast v1, $0xD;
	[tilespmem:s15+$0x0] =	vst v0;
	v0 =	vbroadcast v1, $0xC  }
0x4c: {  	[tilespmem:s15+$0x10] =	vst v3;
	v3 =	vbroadcast v1, $0xE;
	v1 =	vbroadcast v1, $0xF  }
0x4d: {  	[tilespmem:s15+$0x20] =	vst v2;
	v0 =	vmul.f32 v12, v0;
	v2 =	vmul.f32 v9, v7  }
.Ltmp0:
0x4e: {  	[tilespmem:s15+$0x30] =	vst v4;
	v3 =	vmul.f32 v6, v3;
	v1 =	vmul.f32 v5, v1;
	(pc) =	sbr.rel @p0 .LBB2_3-.Ltmp0, $4  }
0x4f: {  	[tilespmem:s15+$0x40] =	vst v0  }
0x50: {  	[tilespmem:s15+$0x50] =	vst v2  }
0x51: {  	s15 =	sadd.s32 $0x100, s15;
	[tilespmem:s16+$0x60] =	vst v3  }
0x52: {  	s8 =	sshra.s32 s3, $0x2;
	s3 =	sadd.s32 $0x40, s3;
	v0 =	vld [tilespmem:s15+$0xFFFFFFB0];
	[tilespmem:s16+$0x70] =	vst v1;
	s16 =	smov.u32 s15  }
0x53: {  	v1 =	vld [tilespmem:s8+$0x165A0];
	_ =	sdelay $0x1  }
0x54: {  	v2 =	vld [tilespmem:s15+$0xFFFFFF80]  }
0x55: {  	v3 =	vld [tilespmem:s15+$0xFFFFFF90]  }
0x56: {  	v4 =	vld [tilespmem:s15+$0xFFFFFFA0]  }
0x57: {  	v5 =	vbroadcast v1, $0x0  }
0x58: {  	v7 =	vld [tilespmem:s15+$0xFFFFFFC0];
	v6 =	vbroadcast v1, $0x1  }
0x59: {  	v8 =	vld [tilespmem:s15+$0xFFFFFFD0];
	v9 =	vbroadcast v1, $0x2;
	v2 =	vmul.f32 v5, v2  }
0x5a: {  	v51 =	vld [tilespmem:s15+$0xFFFFFFE0];
	v50 =	vbroadcast v1, $0x3;
	v3 =	vmul.f32 v3, v6  }
0x5b: {  	v53 =	vld [tilespmem:s15+$0x10];
	v4 =	vmul.f32 v4, v9;
	[tilespmem:s15+$0xFFFFFF80] =	vst v2;
	v2 =	vbroadcast v1, $0x4  }
0x5c: {  	v52 =	vbroadcast v1, $0x5;
	v0 =	vmul.f32 v0, v50;
	[tilespmem:s15+$0xFFFFFF90] =	vst v3;
	v3 =	vld [tilespmem:s15+$0x0]  }
0x5d: {  	v10 =	vld [tilespmem:s15+$0xFFFFFFF0];
	v11 =	vbroadcast v1, $0x6;
	[tilespmem:s15+$0xFFFFFFA0] =	vst v4;
	v2 =	vmul.f32 v7, v2  }
0x5e: {  	v55 =	vld [tilespmem:s15+$0x20];
	v56 =	vbroadcast v1, $0x9;
	v5 =	vmul.f32 v8, v52;
	[tilespmem:s15+$0xFFFFFFB0] =	vst v0  }
0x5f: {  	v6 =	vmul.f32 v51, v11;
	v0 =	vld [tilespmem:s15+$0x30];
	[tilespmem:s15+$0xFFFFFFC0] =	vst v2;
	v2 =	vbroadcast v1, $0x8  }
0x60: {  	v57 =	vld [tilespmem:s15+$0x40];
	v54 =	vbroadcast v1, $0x7;
	v60 =	vmul.f32 v53, v56;
	[tilespmem:s15+$0xFFFFFFD0] =	vst v5  }
0x61: {  	v58 =	vld [tilespmem:s15+$0x50];
	v59 =	vbroadcast v1, $0xA;
	[tilespmem:s15+$0xFFFFFFE0] =	vst v6;
	v2 =	vmul.f32 v3, v2  }
0x62: {  	v61 =	vld [tilespmem:s15+$0x60];
	v4 =	vmul.f32 v10, v54;
	[tilespmem:s15+$0x10] =	vst v60;
	v3 =	vbroadcast v1, $0xB  }
0x63: {  	v62 =	vld [tilespmem:s15+$0x70];
	v7 =	vmul.f32 v55, v59;
	[tilespmem:s15+$0x0] =	vst v2;
	v2 =	vbroadcast v1, $0xC  }
0x64: {  	[tilespmem:s15+$0xFFFFFFF0] =	vst v4;
	v0 =	vmul.f32 v0, v3;
	v3 =	vbroadcast v1, $0xD  }
0x65: {  	v63 =	vbroadcast v1, $0xE;
	[tilespmem:s15+$0x20] =	vst v7;
	v2 =	vmul.f32 v57, v2  }
0x66: {  	v1 =	vbroadcast v1, $0xF;
	v3 =	vmul.f32 v58, v3;
	[tilespmem:s15+$0x30] =	vst v0  }
0x67: {  	v0 =	vmul.f32 v61, v63;
	[tilespmem:s15+$0x40] =	vst v2  }
0x68: {  	v1 =	vmul.f32 v62, v1;
	[tilespmem:s15+$0x50] =	vst v3  }
0x69: {  	[tilespmem:s16+$0x60] =	vst v0  }
0x6a: {  	[tilespmem:s16+$0x70] =	vst v1  }
0x6b: {  	_ =	swait.ge [sflag:s30], $0x2D0  }
0x6c: {  	[sflag:s30] =	ssyncset.done $0x0  }
0x6d: {  	[sflag:s30] =	ssyncadd.s32 $0xFFFFFD30  }
0x6e: {  	_ =	swait.ge [sflag:s30], $0x2D0  }
0x6f: {  	[sflag:s30] =	ssyncset.done $0x0  }
0x70: {  	[sflag:s30] =	ssyncadd.s32 $0xFFFFFD30  }
0x71: {  	_ =	swait.ge [sflag:s30], $0x2D0  }
0x72: {  	[sflag:s30] =	ssyncset.done $0x0  }
0x73: {  	[sflag:s30] =	ssyncadd.s32 $0xFFFFFD30  }
0x74: {  	[tilespmem:s31], [sflag:$0x4] =	stream.indirect.gather [hbm4b:s4+s23], $0x10, s25, s23, $0xb8;
	[tilespmem:$0x1CAE0] =	vst v63  }
0x75: {  	_ = 	snop  }
0x76: {  	[spmem:s1] =	stream.indirect.scatter.add.f32 [tilespmem:s24], [sflag:$0x5], $0x10, s20, s23, $0xb8;
	[tilespmem:$0x1CAE0] =	vst v63  }
0x77: {  	s3 =	sadd.s32 s12, s14;
	_ =	swait.ge [sflag:s0], $0x2D00  }
0x78: {  	s3 =	sshrl.u32 s3, $0x3;
	[sflag:s0] =	ssyncset.done $0x0  }
0x79: {  	s12 =	sadd.s32 s5, s3;
	s15 =	simm.s32 $0x0;
	[sflag:s0] =	ssyncadd.s32 $0xFFFFD300  }
0x7a: {  	[tilespmem:s19], [sflag:$0x1] =	stream.linear.gather [hbm4b:s12+s15], $0x2D0, $0x38;
	[tilespmem:$0x1CAE0] =	vst v63  }
0x7b: {  	s16 =	sadd.s32 s6, s3  }
0x7c: {  	[tilespmem:s20], [sflag:$0x1] =	stream.linear.gather [hbm4b:s16+s15], $0x2D0, $0x38;
	[tilespmem:$0x1CAE0] =	vst v63  }
0x7d: {  	s3 =	sadd.s32 s7, s3  }
0x7e: {  	[tilespmem:s21], [sflag:$0x1] =	stream.linear.gather [hbm4b:s3+s15], $0x2D0, $0x38;
	[tilespmem:$0x1CAE0] =	vst v63  }
0x7f: {  	_ =	swait.ge [sflag:s2], $0x2D00  }
0x80: {  	[sflag:s2] =	ssyncset.done $0x0  }
0x81: {  	s12 =	simm.s32 $0x19E60;
	[sflag:s2] =	ssyncadd.s32 $0xFFFFD300  }
0x82: {  	s8 =	simm.s32 $0x0;
	s3 =	simm.s32 $0x40;
	s15 =	simm.s32 $0x19E60;
	v0 =	vld [tilespmem:s12+$0xFFFFFFB0]  }
.LBB2_5:
0x83: {  	p0 =	sne.s32 s3, $0xB00;
	v1 =	vld [tilespmem:s8+$0x19B10]  }
0x84: {  	v2 =	vld [tilespmem:s12+$0xFFFFFF90]  }
0x85: {  	v3 =	vld [tilespmem:s12+$0xFFFFFF80]  }
0x86: {  	v4 =	vld [tilespmem:s12+$0xFFFFFFA0]  }
0x87: {  	v5 =	vld [tilespmem:s12+$0xFFFFFFF0]  }
0x88: {  	v6 =	vbroadcast v1, $0x0;
	v7 =	vbroadcast v1, $0x1;
	v8 =	vld [tilespmem:s12+$0xFFFFFFD0]  }
0x89: {  	v9 =	vbroadcast v1, $0x2;
	v10 =	vbroadcast v1, $0x3;
	v11 =	vld [tilespmem:s12+$0xFFFFFFC0]  }
0x8a: {  	v3 =	vmul.f32 v6, v3;
	v2 =	vmul.f32 v2, v7;
	v6 =	vld [tilespmem:s12+$0xFFFFFFE0]  }
0x8b: {  	v0 =	vmul.f32 v0, v10;
	v4 =	vmul.f32 v4, v9;
	v7 =	vld [tilespmem:s12+$0x30]  }
0x8c: {  	v9 =	vbroadcast v1, $0x5;
	[tilespmem:s12+$0xFFFFFF80] =	vst v3;
	v3 =	vbroadcast v1, $0x4;
	v10 =	vld [tilespmem:s12+$0x10]  }
0x8d: {  	v12 =	vbroadcast v1, $0x7;
	[tilespmem:s12+$0xFFFFFF90] =	vst v2;
	v2 =	vbroadcast v1, $0x6;
	v13 =	vld [tilespmem:s12+$0x0]  }
0x8e: {  	[tilespmem:s12+$0xFFFFFFA0] =	vst v4;
	v3 =	vmul.f32 v11, v3;
	v4 =	vmul.f32 v8, v9;
	v8 =	vld [tilespmem:s12+$0x20]  }
0x8f: {  	[tilespmem:s12+$0xFFFFFFB0] =	vst v0;
	v0 =	vmul.f32 v6, v2;
	v2 =	vmul.f32 v5, v12;
	v5 =	vld [tilespmem:s12+$0x70]  }
0x90: {  	v6 =	vbroadcast v1, $0x9;
	[tilespmem:s12+$0xFFFFFFC0] =	vst v3;
	v3 =	vbroadcast v1, $0x8;
	v9 =	vld [tilespmem:s12+$0x50]  }
0x91: {  	v11 =	vbroadcast v1, $0xB;
	[tilespmem:s12+$0xFFFFFFD0] =	vst v4;
	v4 =	vbroadcast v1, $0xA;
	v12 =	vld [tilespmem:s12+$0x40]  }
0x92: {  	[tilespmem:s12+$0xFFFFFFE0] =	vst v0;
	v0 =	vmul.f32 v13, v3;
	v3 =	vmul.f32 v10, v6;
	v6 =	vld [tilespmem:s12+$0x60]  }
0x93: {  	[tilespmem:s12+$0xFFFFFFF0] =	vst v2;
	v2 =	vmul.f32 v8, v4;
	v4 =	vmul.f32 v7, v11  }
0x94: {  	v7 =	vbroadcast v1, $0xD;
	[tilespmem:s12+$0x0] =	vst v0;
	v0 =	vbroadcast v1, $0xC  }
0x95: {  	[tilespmem:s12+$0x10] =	vst v3;
	v3 =	vbroadcast v1, $0xE;
	v1 =	vbroadcast v1, $0xF  }
0x96: {  	[tilespmem:s12+$0x20] =	vst v2;
	v0 =	vmul.f32 v12, v0;
	v2 =	vmul.f32 v9, v7  }
.Ltmp1:
0x97: {  	[tilespmem:s12+$0x30] =	vst v4;
	v3 =	vmul.f32 v6, v3;
	v1 =	vmul.f32 v5, v1;
	(pc) =	sbr.rel @p0 .LBB2_5-.Ltmp1, $4  }
0x98: {  	[tilespmem:s12+$0x40] =	vst v0  }
0x99: {  	[tilespmem:s12+$0x50] =	vst v2  }
0x9a: {  	s12 =	sadd.s32 $0x100, s12;
	[tilespmem:s15+$0x60] =	vst v3  }
0x9b: {  	s8 =	sshra.s32 s3, $0x2;
	s3 =	sadd.s32 $0x40, s3;
	v0 =	vld [tilespmem:s12+$0xFFFFFFB0];
	[tilespmem:s15+$0x70] =	vst v1;
	s15 =	smov.u32 s12  }
0x9c: {  	v1 =	vld [tilespmem:s8+$0x19B10];
	_ =	sdelay $0x1  }
0x9d: {  	v2 =	vld [tilespmem:s12+$0xFFFFFF80]  }
0x9e: {  	v3 =	vld [tilespmem:s12+$0xFFFFFF90]  }
0x9f: {  	v4 =	vld [tilespmem:s12+$0xFFFFFFA0]  }
0xa0: {  	v5 =	vbroadcast v1, $0x0  }
0xa1: {  	v8 =	vld [tilespmem:s12+$0xFFFFFFD0];
	v6 =	vbroadcast v1, $0x1  }
0xa2: {  	v43 =	vld [tilespmem:s12+$0xFFFFFFE0];
	v9 =	vbroadcast v1, $0x2;
	v2 =	vmul.f32 v5, v2  }
0xa3: {  	v47 =	vld [tilespmem:s12+$0x10];
	v42 =	vbroadcast v1, $0x3;
	v3 =	vmul.f32 v3, v6  }
0xa4: {  	v7 =	vld [tilespmem:s12+$0xFFFFFFC0];
	v45 =	vbroadcast v1, $0x5;
	v4 =	vmul.f32 v4, v9;
	[tilespmem:s12+$0xFFFFFF80] =	vst v2  }
0xa5: {  	v10 =	vld [tilespmem:s12+$0xFFFFFFF0];
	v11 =	vbroadcast v1, $0x6;
	v0 =	vmul.f32 v0, v42;
	[tilespmem:s12+$0xFFFFFF90] =	vst v3  }
0xa6: {  	v49 =	vld [tilespmem:s12+$0x20];
	v52 =	vbroadcast v1, $0x9;
	v5 =	vmul.f32 v8, v45;
	[tilespmem:s12+$0xFFFFFFA0] =	vst v4  }
0xa7: {  	v50 =	vld [tilespmem:s12+$0x30];
	v44 =	vbroadcast v1, $0x4;
	v6 =	vmul.f32 v43, v11;
	[tilespmem:s12+$0xFFFFFFB0] =	vst v0  }
0xa8: {  	v46 =	vld [tilespmem:s12+$0x0];
	v48 =	vbroadcast v1, $0x7;
	v57 =	vmul.f32 v47, v52;
	[tilespmem:s12+$0xFFFFFFD0] =	vst v5  }
0xa9: {  	v54 =	vld [tilespmem:s12+$0x50];
	v55 =	vbroadcast v1, $0xA;
	v2 =	vmul.f32 v7, v44;
	[tilespmem:s12+$0xFFFFFFE0] =	vst v6  }
0xaa: {  	v53 =	vld [tilespmem:s12+$0x40];
	v56 =	vbroadcast v1, $0xB;
	v4 =	vmul.f32 v10, v48;
	[tilespmem:s12+$0x10] =	vst v57  }
0xab: {  	v58 =	vld [tilespmem:s12+$0x60];
	v51 =	vbroadcast v1, $0x8;
	v7 =	vmul.f32 v49, v55;
	[tilespmem:s12+$0xFFFFFFC0] =	vst v2  }
0xac: {  	v59 =	vld [tilespmem:s12+$0x70];
	v61 =	vbroadcast v1, $0xD;
	v0 =	vmul.f32 v50, v56;
	[tilespmem:s12+$0xFFFFFFF0] =	vst v4  }
0xad: {  	v60 =	vbroadcast v1, $0xC;
	v2 =	vmul.f32 v46, v51;
	[tilespmem:s12+$0x20] =	vst v7  }
0xae: {  	v62 =	vbroadcast v1, $0xE;
	v3 =	vmul.f32 v54, v61;
	[tilespmem:s12+$0x30] =	vst v0  }
0xaf: {  	v1 =	vbroadcast v1, $0xF;
	[tilespmem:s12+$0x0] =	vst v2;
	v2 =	vmul.f32 v53, v60  }
0xb0: {  	v63 =	vmul.f32 v58, v62;
	[tilespmem:s12+$0x50] =	vst v3  }
0xb1: {  	v1 =	vmul.f32 v59, v1;
	[tilespmem:s12+$0x40] =	vst v2  }
0xb2: {  	[tilespmem:s15+$0x60] =	vst v63  }
0xb3: {  	[tilespmem:s15+$0x70] =	vst v1  }
0xb4: {  	_ =	swait.ge [sflag:s22], $0x2D0  }
0xb5: {  	[sflag:s22] =	ssyncset.done $0x0  }
0xb6: {  	[sflag:s22] =	ssyncadd.s32 $0xFFFFFD30  }
0xb7: {  	_ =	swait.ge [sflag:s22], $0x2D0  }
0xb8: {  	[sflag:s22] =	ssyncset.done $0x0  }
0xb9: {  	s11 =	sadd.s32 $0x1, s11;
	[sflag:s22] =	ssyncadd.s32 $0xFFFFFD30  }
0xba: {  	p0 =	sne.s32 s11, $0x3E;
	_ =	swait.ge [sflag:s22], $0x2D0  }
.Ltmp2:
0xbb: {  	[sflag:s22] =	ssyncset.done $0x0;
	(pc) =	sbr.rel @p0 .LBB2_2-.Ltmp2, $4  }
0xbc: {  	[sflag:s22] =	ssyncadd.s32 $0xFFFFFD30  }
0xbd: {  	[tilespmem:s24], [sflag:$0x3] =	stream.indirect.gather [hbm4b:s4+s23], $0x10, s19, s23, $0xb8;
	[tilespmem:$0x1CAE0] =	vst v63  }
0xbe: {  	_ = 	snop  }
0xbf: {  	[spmem:s1] =	stream.indirect.scatter.add.f32 [tilespmem:s31], [sflag:$0x6], $0x10, s26, s23, $0xb8;
	[tilespmem:$0x1CAE0] =	vst v63  }
0xc0: {  	s3 =	simm.s32 $0x6  }
0xc1: {  	_ =	swait.ge [sflag:s3], $0x2D00  }
0xc2: {  	[sflag:s3] =	ssyncset.done $0x0  }
0xc3: {  	[sflag:s3] =	ssyncadd.s32 $0xFFFFD300  }
0xc4: {  	_ =	swait.ge [sflag:s29], $0x2D00  }
0xc5: {  	[sflag:s29] =	ssyncset.done $0x0  }
0xc6: {  	s11 =	simm.s32 $0x168F0;
	[sflag:s29] =	ssyncadd.s32 $0xFFFFD300  }
0xc7: {  	s8 =	simm.s32 $0x0;
	s12 =	simm.s32 $0x168F0;
	s3 =	simm.s32 $0x40;
	v0 =	vld [tilespmem:s11+$0xFFFFFFB0]  }
.LBB2_8:
0xc8: {  	p0 =	sne.s32 s3, $0xB00;
	v1 =	vld [tilespmem:s8+$0x165A0]  }
0xc9: {  	v2 =	vld [tilespmem:s11+$0xFFFFFF90]  }
0xca: {  	v3 =	vld [tilespmem:s11+$0xFFFFFF80]  }
0xcb: {  	v4 =	vld [tilespmem:s11+$0xFFFFFFA0]  }
0xcc: {  	v5 =	vld [tilespmem:s11+$0xFFFFFFF0]  }
0xcd: {  	v6 =	vbroadcast v1, $0x0;
	v7 =	vbroadcast v1, $0x1;
	v8 =	vld [tilespmem:s11+$0xFFFFFFD0]  }
0xce: {  	v9 =	vbroadcast v1, $0x2;
	v10 =	vbroadcast v1, $0x3;
	v11 =	vld [tilespmem:s11+$0xFFFFFFC0]  }
0xcf: {  	v3 =	vmul.f32 v6, v3;
	v2 =	vmul.f32 v2, v7;
	v6 =	vld [tilespmem:s11+$0xFFFFFFE0]  }
0xd0: {  	v0 =	vmul.f32 v0, v10;
	v4 =	vmul.f32 v4, v9;
	v7 =	vld [tilespmem:s11+$0x30]  }
0xd1: {  	v9 =	vbroadcast v1, $0x5;
	[tilespmem:s11+$0xFFFFFF80] =	vst v3;
	v3 =	vbroadcast v1, $0x4;
	v10 =	vld [tilespmem:s11+$0x10]  }
0xd2: {  	v12 =	vbroadcast v1, $0x7;
	[tilespmem:s11+$0xFFFFFF90] =	vst v2;
	v2 =	vbroadcast v1, $0x6;
	v13 =	vld [tilespmem:s11+$0x0]  }
0xd3: {  	[tilespmem:s11+$0xFFFFFFA0] =	vst v4;
	v3 =	vmul.f32 v11, v3;
	v4 =	vmul.f32 v8, v9;
	v8 =	vld [tilespmem:s11+$0x20]  }
0xd4: {  	[tilespmem:s11+$0xFFFFFFB0] =	vst v0;
	v0 =	vmul.f32 v6, v2;
	v2 =	vmul.f32 v5, v12;
	v5 =	vld [tilespmem:s11+$0x70]  }
0xd5: {  	v6 =	vbroadcast v1, $0x9;
	[tilespmem:s11+$0xFFFFFFC0] =	vst v3;
	v3 =	vbroadcast v1, $0x8;
	v9 =	vld [tilespmem:s11+$0x50]  }
0xd6: {  	v11 =	vbroadcast v1, $0xB;
	[tilespmem:s11+$0xFFFFFFD0] =	vst v4;
	v4 =	vbroadcast v1, $0xA;
	v12 =	vld [tilespmem:s11+$0x40]  }
0xd7: {  	[tilespmem:s11+$0xFFFFFFE0] =	vst v0;
	v0 =	vmul.f32 v13, v3;
	v3 =	vmul.f32 v10, v6;
	v6 =	vld [tilespmem:s11+$0x60]  }
0xd8: {  	[tilespmem:s11+$0xFFFFFFF0] =	vst v2;
	v2 =	vmul.f32 v8, v4;
	v4 =	vmul.f32 v7, v11  }
0xd9: {  	v7 =	vbroadcast v1, $0xD;
	[tilespmem:s11+$0x0] =	vst v0;
	v0 =	vbroadcast v1, $0xC  }
0xda: {  	[tilespmem:s11+$0x10] =	vst v3;
	v3 =	vbroadcast v1, $0xE;
	v1 =	vbroadcast v1, $0xF  }
0xdb: {  	[tilespmem:s11+$0x20] =	vst v2;
	v0 =	vmul.f32 v12, v0;
	v2 =	vmul.f32 v9, v7  }
.Ltmp3:
0xdc: {  	[tilespmem:s11+$0x30] =	vst v4;
	v3 =	vmul.f32 v6, v3;
	v1 =	vmul.f32 v5, v1;
	(pc) =	sbr.rel @p0 .LBB2_8-.Ltmp3, $4  }
0xdd: {  	[tilespmem:s11+$0x40] =	vst v0  }
0xde: {  	[tilespmem:s11+$0x50] =	vst v2  }
0xdf: {  	s11 =	sadd.s32 $0x100, s11;
	[tilespmem:s12+$0x60] =	vst v3  }
0xe0: {  	s8 =	sshra.s32 s3, $0x2;
	s3 =	sadd.s32 $0x40, s3;
	v0 =	vld [tilespmem:s11+$0xFFFFFFB0];
	[tilespmem:s12+$0x70] =	vst v1;
	s12 =	smov.u32 s11  }
0xe1: {  	v1 =	vld [tilespmem:s8+$0x165A0];
	_ =	sdelay $0x1  }
0xe2: {  	v2 =	vld [tilespmem:s11+$0xFFFFFF80]  }
0xe3: {  	v3 =	vld [tilespmem:s11+$0xFFFFFF90]  }
0xe4: {  	v4 =	vld [tilespmem:s11+$0xFFFFFFA0]  }
0xe5: {  	v5 =	vbroadcast v1, $0x0  }
0xe6: {  	v8 =	vld [tilespmem:s11+$0xFFFFFFD0];
	v6 =	vbroadcast v1, $0x1  }
0xe7: {  	v43 =	vld [tilespmem:s11+$0xFFFFFFE0];
	v9 =	vbroadcast v1, $0x2;
	v2 =	vmul.f32 v5, v2  }
0xe8: {  	v47 =	vld [tilespmem:s11+$0x10];
	v42 =	vbroadcast v1, $0x3;
	v3 =	vmul.f32 v3, v6  }
0xe9: {  	v7 =	vld [tilespmem:s11+$0xFFFFFFC0];
	v45 =	vbroadcast v1, $0x5;
	v4 =	vmul.f32 v4, v9;
	[tilespmem:s11+$0xFFFFFF80] =	vst v2  }
0xea: {  	v10 =	vld [tilespmem:s11+$0xFFFFFFF0];
	v11 =	vbroadcast v1, $0x6;
	v0 =	vmul.f32 v0, v42;
	[tilespmem:s11+$0xFFFFFF90] =	vst v3  }
0xeb: {  	v49 =	vld [tilespmem:s11+$0x20];
	v52 =	vbroadcast v1, $0x9;
	v5 =	vmul.f32 v8, v45;
	[tilespmem:s11+$0xFFFFFFA0] =	vst v4  }
0xec: {  	v50 =	vld [tilespmem:s11+$0x30];
	v44 =	vbroadcast v1, $0x4;
	v6 =	vmul.f32 v43, v11;
	[tilespmem:s11+$0xFFFFFFB0] =	vst v0  }
0xed: {  	v46 =	vld [tilespmem:s11+$0x0];
	v48 =	vbroadcast v1, $0x7;
	v57 =	vmul.f32 v47, v52;
	[tilespmem:s11+$0xFFFFFFD0] =	vst v5  }
0xee: {  	v54 =	vld [tilespmem:s11+$0x50];
	v55 =	vbroadcast v1, $0xA;
	v2 =	vmul.f32 v7, v44;
	[tilespmem:s11+$0xFFFFFFE0] =	vst v6  }
0xef: {  	v53 =	vld [tilespmem:s11+$0x40];
	v56 =	vbroadcast v1, $0xB;
	v4 =	vmul.f32 v10, v48;
	[tilespmem:s11+$0x10] =	vst v57  }
0xf0: {  	v58 =	vld [tilespmem:s11+$0x60];
	v51 =	vbroadcast v1, $0x8;
	v7 =	vmul.f32 v49, v55;
	[tilespmem:s11+$0xFFFFFFC0] =	vst v2  }
0xf1: {  	v59 =	vld [tilespmem:s11+$0x70];
	v61 =	vbroadcast v1, $0xD;
	v0 =	vmul.f32 v50, v56;
	[tilespmem:s11+$0xFFFFFFF0] =	vst v4  }
0xf2: {  	v60 =	vbroadcast v1, $0xC;
	v2 =	vmul.f32 v46, v51;
	[tilespmem:s11+$0x20] =	vst v7  }
0xf3: {  	v62 =	vbroadcast v1, $0xE;
	v3 =	vmul.f32 v54, v61;
	[tilespmem:s11+$0x30] =	vst v0  }
0xf4: {  	v1 =	vbroadcast v1, $0xF;
	[tilespmem:s11+$0x0] =	vst v2;
	v2 =	vmul.f32 v53, v60  }
0xf5: {  	v63 =	vmul.f32 v58, v62;
	[tilespmem:s11+$0x50] =	vst v3  }
0xf6: {  	v1 =	vmul.f32 v59, v1;
	[tilespmem:s11+$0x40] =	vst v2  }
0xf7: {  	[tilespmem:s12+$0x60] =	vst v63  }
0xf8: {  	[tilespmem:s12+$0x70] =	vst v1  }
0xf9: {  	[spmem:s1] =	stream.indirect.scatter.add.f32 [tilespmem:s24], [sflag:$0x5], $0x10, s20, s23, $0xb8;
	[tilespmem:$0x1CAE0] =	vst v63  }
0xfa: {  	_ =	swait.ge [sflag:s0], $0x2D00  }
0xfb: {  	[sflag:s0] =	ssyncset.done $0x0  }
0xfc: {  	[sflag:s0] =	ssyncadd.s32 $0xFFFFD300  }
0xfd: {  	[bflag:$0x0] =	sbarrier.arrive $0xFFFF  }
0xfe: {  	s3 =	rddreg [dreg:$0x7]  }
0xff: {  	[hbm:s3], [sflag:s9] =	dma.local [spmem:s17], $0x2C00  }
0x100: {  	_ =	swait.ge [sflag:s18], $0x2C00  }
0x101: {  	s10 =	sadd.s32 $0x1, s10;
	s16 =	rddreg [dreg:$0x8]  }
0x102: {  	p0 =	sne.s32 s10, s16  }
.Ltmp4:
0x103: {  	_ = 	snop;
	(pc) =	sbr.rel @p0 .LBB2_1-.Ltmp4, $3  }
0x104: {  	_ =	sdelay $0x1  }
0x105: {  	[sflag:s18] =	ssyncset.done $0x0  }
0x106: {  	[sflag:s18] =	ssyncadd.s32 $0xFFFFD400  }
0x107: {  	_ =	sfence.sel $0x180000  }
0x108: {  	[bflag:$0x0] =	sbarrier.arrive $0xFFFF  }
0x109: {  	_ =	strace $0x90000050  }
0x10a: {  	s0 =	stileid.u32;
	[bflag:$0x2] =	sbarrier.arrive $0xFFFF  }
0x10b: {  	p0 =	sne.s32 s0, $0x0;
	s0 =	rddreg [dreg:$0x2]  }
0x10c: {  	s0 =	sadd.s32 @!p0 $0x100000, s0  }
0x10d: {  	[sflag:s0] =	ssyncadd.tile.s32 @!p0 $0x1;
	_ =	shalt  }
.Lfunc_end2:
_tile_overlayer_lowered:
.L_overlay_start_2:
0x10e: {  	(tag) =	ssettag $0x2  }
0x10f: {  	s0 =	rddreg [dreg:$0x0];
	s2 =	stileid.u32  }
0x110: {  	s1 =	rddreg [dreg:$0x1];
	p0 =	sne.s32 s2, $0x0  }
0x111: {  	s3 =	rddreg [dreg:$0x2];
	[bflag:$0x3] =	sbarrier.arrive $0xFFFF;
	s2 =	simm.s32 @!p0 $0x1C07  }
0x112: {  	[timem:s3], [sflag:s2] =	dma.local @!p0 [hbm:s0], s1  }
0x113: {  	s0 =	simm.s32 @!p0 $0x7  }
0x114: {  	_ =	swait.ge @!p0 [sflag:s0], s1  }
0x115: {  	s1 =	ssub.s32 @!p0 $0x0, s1;
	[sflag:s0] =	ssyncset.done @!p0 $0x0  }
0x116: {  	[sflag:s0] =	ssyncadd.s32 @!p0 s1  }
0x117: {  	[bflag:$0x3] =	sbarrier.arrive $0xFFFF  }
0x118: {  	_ =	shalt  }

// kernel: kernel.6.cloned.1.call-start
scs
__scs_entry_jumppad:
0x0: {  	(pc) =	sbr.rel $0x88, $3  }
0x1: {  	(tag) =	ssettag $0x0;
	lr =	simm.s32 $0x1  }
0x2: {  	[smem:$0x3F92] =	sst lr;
	_ =	strace $0xD0000000  }
0x3: {  	_ = 	snop  }
0x4: {  	_ = 	snop  }
0x5: {  	_ = 	snop  }
0x6: {  	_ = 	snop  }
0x7: {  	_ = 	snop  }
__scs_overlays_trampoline_lowered:
0x8: {  	[smem:$0x3FA1] =	sst s0  }
0x9: {  	[smem:$0x3FA2] =	sst s1  }
0xa: {  	[smem:$0x3FA3] =	sst s2  }
0xb: {  	[smem:$0x3FA4] =	sst s3  }
0xc: {  	[smem:$0x3FA5] =	sst s4  }
0xd: {  	[smem:$0x3FA6] =	sst s5  }
0xe: {  	[smem:$0x3FA7] =	sst s6  }
0xf: {  	[smem:$0x3FA8] =	sst s7  }
0x10: {  	[smem:$0x3FA9] =	sst s8  }
0x11: {  	[smem:$0x3FAA] =	sst s9;
	s0 =	simm.s32 @!p0 $0x0  }
0x12: {  	s1 =	sld [smem:$0x3F90];
	s0 =	simm.s32 @p0 $0x1  }
0x13: {  	[smem:$0x3FAB] =	sst s0;
	s0 =	simm.s32 @!p1 $0x0  }
0x14: {  	s2 =	sld [smem:$0x3F8F];
	s0 =	simm.s32 @p1 $0x1  }
0x15: {  	[smem:$0x3FAC] =	sst s0;
	s0 =	simm.s32 @!p2 $0x0  }
0x16: {  	s3 =	sld [smem:$0x3FDB];
	s0 =	simm.s32 @p2 $0x1  }
0x17: {  	s4 =	simm.s32 $0x1BF5;
	[smem:$0x3FAE] =	sst s0  }
0x18: {  	s0 =	sld [smem:$0x3F91];
	_ =	swait.ge [sflag:s4], $0x0  }
0x19: {  	s7 =	sld [smem:$0x3F92]  }
0x1a: {  	s8 =	sadd.s32 $0xFFFFE003, lr  }
0x1b: {  	s9 =	sadd.s32 $0xFFFFFEF7, lr;
	s5 =	simm.s32 $0xFFFFFFFF;
	p2 =	slt.u32 s8, $0xFFFFF086  }
0x1c: {  	p1 =	slt.u32 s9, $0xF7A;
	s5 =	simm.s32 @!p2 $0x0  }
0x1d: {  	s5 =	simm.s32 @p1 $0x1;
	p0 =	seq.s32 s7, s2  }
0x1e: {  	s7 =	smul.u32 @!p0 $0xF7A, s2;
	p2 =	seq.s32 @!p0 s5, $0x0  }
0x1f: {  	s9 =	smul.u32 $0xF7A, s1;
	s8 =	simm.s32 @!p0 $0x1BF5;
	p2 =	por !p2, p0  }
0x20: {  	[sflag:s8] =	ssyncset.s32 @!p0 $0xFFFFF086;
	s6 =	sadd.s32 @!p0 s3, s7;
	s7 =	simm.s32 @!p0 $0x108  }
0x21: {  	s3 =	sadd.s32 s3, s9;
	s6 =	sadd.s32 @!p0 $0x88, s6;
	s7 =	simm.s32 @p2 $0x1082  }
0x22: {  	[simem:s7], [sflag:s8] =	dma.local @!p0 [hbm:s6], $0xF7A  }
0x23: {  	s9 =	sor.u32 $0xD0000000, s2;
	s6 =	simm.s32 $0x108;
	_ =	swait.ge @!p0 [sflag:s8], $0x0  }
0x24: {  	s3 =	sadd.s32 $0x88, s3;
	s6 =	simm.s32 @!p1 $0x1082;
	[sflag:s4] =	ssyncset.s32 $0xFFFFF086  }
0x25: {  	[simem:s6], [sflag:s4] =	dma.local [hbm:s3], $0xF7A  }
0x26: {  	[smem:$0x3F92] =	sst s1;
	(tag) =	ssettag s2;
	_ =	strace s9  }
0x27: {  	s1 =	sld [smem:$0x3FA2]  }
0x28: {  	s2 =	sld [smem:$0x3FA3]  }
0x29: {  	s4 =	sld [smem:$0x3FA5]  }
0x2a: {  	p0 =	seq.s32 s5, $0x0;
	s5 =	sld [smem:$0x3FA6]  }
0x2b: {  	s6 =	sld [smem:$0x3FA7]  }
0x2c: {  	s7 =	sld [smem:$0x3FA8]  }
0x2d: {  	s3 =	simm.s32 $0x108;
	s8 =	sld [smem:$0x3FA9]  }
0x2e: {  	s3 =	simm.s32 @!p0 $0x1082;
	s9 =	sld [smem:$0x3FAA]  }
0x2f: {  	lr =	sadd.s32 s0, s3;
	s0 =	sld [smem:$0x3FA1]  }
0x30: {  	s3 =	sld [smem:$0x3FA4]  }
0x31: {  	[smem:$0x3FAD] =	sst s10  }
0x32: {  	s10 =	sld [smem:$0x3FAB];
	_ =	sdelay $0x3  }
0x33: {  	p0 =	seq.s32 s10, $0x1;
	s10 =	sld [smem:$0x3FAD];
	_ =	sdelay $0x3  }
0x34: {  	[smem:$0x3FAD] =	sst s10  }
0x35: {  	s10 =	sld [smem:$0x3FAC];
	_ =	sdelay $0x3  }
0x36: {  	p1 =	seq.s32 s10, $0x1;
	s10 =	sld [smem:$0x3FAD];
	_ =	sdelay $0x3  }
0x37: {  	[smem:$0x3FAD] =	sst s10  }
0x38: {  	s10 =	sld [smem:$0x3FAE]  }
0x39: {  	_ = 	snop;
	(pc) =	sbr.ind lr, $3  }
0x3a: {  	_ = 	snop  }
0x3b: {  	_ = 	snop  }
0x3c: {  	p2 =	seq.s32 s10, $0x1;
	s10 =	sld [smem:$0x3FAD]  }
0x3d: {  	_ =	shalt  }
0x3e: {  	_ =	shalt  }
0x3f: {  	_ =	shalt  }
0x40: {  	_ =	shalt  }
0x41: {  	_ =	shalt  }
0x42: {  	_ =	shalt  }
0x43: {  	_ =	shalt  }
0x44: {  	_ =	shalt  }
0x45: {  	_ =	shalt  }
0x46: {  	_ =	shalt  }
0x47: {  	_ =	shalt  }
0x48: {  	_ =	shalt  }
0x49: {  	_ =	shalt  }
0x4a: {  	_ =	shalt  }
0x4b: {  	_ =	shalt  }
0x4c: {  	_ =	shalt  }
0x4d: {  	_ =	shalt  }
0x4e: {  	_ =	shalt  }
0x4f: {  	_ =	shalt  }
0x50: {  	_ =	shalt  }
0x51: {  	_ =	shalt  }
0x52: {  	_ =	shalt  }
0x53: {  	_ =	shalt  }
0x54: {  	_ =	shalt  }
0x55: {  	_ =	shalt  }
0x56: {  	_ =	shalt  }
0x57: {  	_ =	shalt  }
0x58: {  	_ =	shalt  }
0x59: {  	_ =	shalt  }
0x5a: {  	_ =	shalt  }
0x5b: {  	_ =	shalt  }
0x5c: {  	_ =	shalt  }
0x5d: {  	_ =	shalt  }
0x5e: {  	_ =	shalt  }
0x5f: {  	_ =	shalt  }
0x60: {  	_ =	shalt  }
0x61: {  	_ =	shalt  }
0x62: {  	_ =	shalt  }
0x63: {  	_ =	shalt  }
0x64: {  	_ =	shalt  }
0x65: {  	_ =	shalt  }
0x66: {  	_ =	shalt  }
0x67: {  	_ =	shalt  }
0x68: {  	_ =	shalt  }
0x69: {  	_ =	shalt  }
0x6a: {  	_ =	shalt  }
0x6b: {  	_ =	shalt  }
0x6c: {  	_ =	shalt  }
0x6d: {  	_ =	shalt  }
0x6e: {  	_ =	shalt  }
0x6f: {  	_ =	shalt  }
0x70: {  	_ =	shalt  }
0x71: {  	_ =	shalt  }
0x72: {  	_ =	shalt  }
0x73: {  	_ =	shalt  }
0x74: {  	_ =	shalt  }
0x75: {  	_ =	shalt  }
0x76: {  	_ =	shalt  }
0x77: {  	_ =	shalt  }
0x78: {  	_ =	shalt  }
0x79: {  	_ =	shalt  }
0x7a: {  	_ =	shalt  }
0x7b: {  	_ =	shalt  }
0x7c: {  	_ =	shalt  }
0x7d: {  	_ =	shalt  }
0x7e: {  	_ =	shalt  }
0x7f: {  	_ =	shalt  }
0x80: {  	_ =	shalt  }
0x81: {  	_ =	shalt  }
0x82: {  	_ =	shalt  }
0x83: {  	_ =	shalt  }
0x84: {  	_ =	shalt  }
0x85: {  	_ =	shalt  }
0x86: {  	_ =	shalt  }
0x87: {  	_ =	shalt  }
.Lfunc_end0:
.L_simem_size_0:
called_computation_lowered:
.L_overlay_start_0:
0x88: {  	s2 =	sld [smem:$0x3FD9]  }
0x89: {  	s3 =	sld [smem:$0x3FFE];
	_ =	sdelay $0x1  }
0x8a: {  	s1 =	srdreg.scid  }
0x8b: {  	s0 =	sand.u32 $0x1, s1  }
0x8c: {  	s17 =	sshll.u32 s0, $0xA;
	s2 =	sadd.s32 s3, s2  }
0x8d: {  	s2 =	sadd.s32 s2, s17  }
0x8e: {  	[smem:$0x3FB9] =	sst s2  }
0x8f: {  	_ = 	snop  }
0x90: {  	s2 =	sld [smem:$0x3FC7];
	(tm) =	ssettm $0x1  }
0x91: {  	s18 =	sld [smem:$0x3FFB];
	_ =	sdelay $0x3  }
0x92: {  	_ =	strace s18  }
0x93: {  	s3 =	sld [smem:$0x3FFC];
	_ =	sdelay $0x3  }
0x94: {  	_ =	strace s3  }
0x95: {  	s3 =	sld [smem:$0x3FFD];
	_ =	sdelay $0x3  }
0x96: {  	_ =	strace s3  }
0x97: {  	_ =	strace $0x8FFFFFFF  }
0x98: {  	s19 =	sld [smem:$0x3FDB];
	_ =	sdelay $0x1  }
0x99: {  	s4 =	simm.s32 $_scs_section_size  }
0x9a: {  	s5 =	simm.s32 $_size__tile_overlayer_lowered;
	s6 =	simm.s32 $_tile_overlayer_lowered  }
0x9b: {  	s22 =	simm.s32 $0x1BFF;
	s21 =	sshll.u32 s6, $0x1;
	s3 =	sadd.s32 s4, s19  }
0x9c: {  	s7 =	simm.s32 $0x0;
	s20 =	sshll.u32 s5, $0x1;
	s5 =	sadd.s32 s21, s3  }
0x9d: {  	[timem:s7], [sflag:s22] =	dma.local [hbm:s5], s20  }
0x9e: {  	_ =	swait.ge [sflag:s22], s20  }
0x9f: {  	s4 =	ssub.s32 $0x0, s20;
	[sflag:s22] =	ssyncset.done $0x0  }
0xa0: {  	[sflag:s22] =	ssyncadd.s32 s4;
	_ =	sdelay $0x1  }
0xa1: {  	s23 =	simm.s32 $0x1B8B  }
0xa2: {  	_ =	swait.ge [sflag:s23], $0x1  }
0xa3: {  	[sflag:s23] =	ssyncset.done $0x0  }
0xa4: {  	s25 =	simm.s32 $0x1B8E;
	s24 =	sld [smem:$0x3FFE];
	[sflag:s23] =	ssyncadd.s32 $0xFFFFFFFF  }
0xa5: {  	s26 =	simm.s32 $execute0_lowered;
	[smem:$0x3FD2] =	sst s25  }
0xa6: {  	s5 =	sshll.u32 s26, $0x1;
	_ =	strace $0x80000046;
	[dreg:$0x1] =	wrdreg $0xFFFFFFFF  }
0xa7: {  	s28 =	simm.s32 $_size_execute0_lowered;
	s3 =	sadd.s32 s3, s5;
	[dreg:$0x0] =	wrdreg $0x0  }
0xa8: {  	s5 =	sshll.u32 s28, $0x1;
	[dreg:$0x2] =	wrdreg s3  }
0xa9: {  	[dreg:$0x3] =	wrdreg s5  }
0xaa: {  	[dreg:$0x4] =	wrdreg $0xC0  }
0xab: {  	_ =	task [dreg:s7], $0x5FFFF  }
0xac: {  	[dreg:$0x1] =	wrdreg $0xFFFFFFFF  }
0xad: {  	[dreg:$0x0] =	wrdreg $0x60  }
0xae: {  	[dreg:$0x2] =	wrdreg s24  }
0xaf: {  	[dreg:$0x3] =	wrdreg s2  }
0xb0: {  	[dreg:$0x4] =	wrdreg $0x0  }
0xb1: {  	[dreg:$0x5] =	wrdreg $0x9  }
0xb2: {  	_ =	task.clear_ibuf [dreg:s7], $0x6FFFF;
	_ =	strace $0x90000046  }
0xb3: {  	s29 =	simm.s32 $0x9;
	_ =	strace $0x80000048  }
0xb4: {  	_ =	swait.ge [sflag:s29], $0x1  }
0xb5: {  	[sflag:s29] =	ssyncadd.s32 $0xFFFFFFFF  }
0xb6: {  	_ =	strace $0x90000048  }
0xb7: {  	_ =	sfence  }
0xb8: {  	s30 =	sld [smem:$0x0];
	_ =	sdelay $0x2  }
0xb9: {  	s31 =	sshll.u32 s1, $0xD;
	s1 =	sshrl.u32 s1, $0x2  }
0xba: {  	s3 =	sand.u32 $0x4000, s31;
	s1 =	sadd.s32 s1, s30  }
0xbb: {  	s0 =	sor.u32 s3, s0;
	s1 =	sshll.u32 s1, $0x11  }
0xbc: {  	s0 =	sor.u32 s1, s0  }
0xbd: {  	s0 =	sadd.s32 $0x8F2B, s0  }
0xbe: {  	[sflag:s0] =	ssyncadd.remote.s32 $0x1  }
0xbf: {  	_ =	sfence.sel $0xFFFF  }
0xc0: {  	[dreg:$0x0] =	wrdreg $0xFFFFFFFF;
	(pc) =	sbr.abs _section_cstart, $3  }
0xc1: {  	[dreg:$0x1] =	wrdreg $0xFFFFFFFF  }
0xc2: {  	_ =	task.clear_ibuf [dreg:s7], $0x2FFFF;
	_ =	strace $0x9FFFFFFF  }
0xc3: {  	(tm) =	ssettm $0x7FFFFFFF  }
tec
execute0_lowered:
.L_overlay_start_1:
0x0: {  	(tag) =	ssettag $0x1  }
0x1: {  	s0 =	rddreg [dreg:$0x0]  }
0x2: {  	s30 =	rddreg [dreg:$0x1]  }
0x3: {  	s13 =	rddreg [dreg:$0x2]  }
0x4: {  	s16 =	simm.s32 $0x0;
	s12 =	stileid.u32;
	s2 =	srdreg.scid  }
0x5: {  	s28 =	simm.s32 $0x1770;
	s31 =	simm.s32 $0xA2A0;
	s18 =	simm.s32 $0x8B30  }
0x6: {  	[smem:$0x7FF] =	sst s16;
	s1 =	smul.u32 $0x1600, s12;
	s5 =	sadd.s32 $0x4400, s0  }
0x7: {  	s2 =	sand.u32 $0x1, s2;
	s6 =	sadd.s32 $0x7000, s0;
	s7 =	sadd.s32 $0x61C00, s0  }
0x8: {  	s8 =	sadd.s32 $0x9C00, s0;
	s9 =	sadd.s32 $0xC2000, s0;
	s10 =	sshll.u32 s12, $0x1  }
0x9: {  	s21 =	sshll.u32 s12, $0x6;
	s12 =	simm.s32 $0x4;
	_ =	strace $0x80000047  }
0xa: {  	s4 =	smul.u32 $0x16000, s2;
	s11 =	ssub.s32 $0x2, s2;
	s2 =	sor.u32 s2, s10  }
0xb: {  	s3 =	sshrl.u32 s1, $0x3;
	s19 =	sshrl.u32 s11, $0x1;
	s10 =	smul.u32 $0x15F90, s2  }
0xc: {  	s3 =	sadd.s32 s3, s0;
	s4 =	sadd.s32 s1, s4;
	s20 =	ssub.s32 s11, s19  }
0xd: {  	s1 =	sadd.s32 s1, s13;
	s11 =	simm.s32 $0x3;
	s13 =	simm.s32 $0x2  }
0xe: {  	s19 =	simm.s32 $0x7;
	s4 =	sshrl.u32 s4, $0x3;
	s3 =	sadd.s32 $0xB9C00, s3  }
0xf: {  	s22 =	sshrl.u32 s10, $0x3;
	s26 =	sadd.s32 $0x1770, s10;
	[dreg:$0x4] =	wrdreg s3  }
0x10: {  	s17 =	smov.u32 s10;
	s10 =	sadd.s32 $0x2EE0, s10;
	[dreg:$0x9] =	wrdreg s26  }
0x11: {  	s29 =	smax.u32 s20, $0x1;
	s2 =	sshrl.u32 s1, $0x3;
	[dreg:$0xa] =	wrdreg s10  }
0x12: {  	s20 =	simm.s32 $0x5;
	s0 =	sadd.s32 s4, s0;
	[dreg:$0xd] =	wrdreg s29  }
0x13: {  	s4 =	sor.u32 $0x1C09, s21;
	s23 =	sadd.s32 s7, s22;
	[dreg:$0xe] =	wrdreg s2  }
0x14: {  	s24 =	sadd.s32 s8, s22;
	s25 =	sadd.s32 s30, s22;
	[dreg:$0x6] =	wrdreg s23  }
0x15: {  	s3 =	sadd.s32 s9, s22;
	s26 =	simm.s32 $0x1;
	[dreg:$0x7] =	wrdreg s24  }
0x16: {  	s21 =	simm.s32 $0x117D0;
	s10 =	simm.s32 $0x0;
	[dreg:$0x8] =	wrdreg s25  }
0x17: {  	s3 =	sadd.s32 $0x2904, s3;
	s0 =	sadd.s32 $0xBC800, s0;
	[dreg:$0x5] =	wrdreg s4  }
0x18: {  	s23 =	simm.s32 $0x1600;
	s24 =	simm.s32 $0x2D70;
	[dreg:$0xb] =	wrdreg s3  }
0x19: {  	[dreg:$0xc] =	wrdreg s0;
	s3 =	simm.s32 $0x9;
	s0 =	simm.s32 $0xBA10  }
.LBB2_1:
0x1a: {  	[dreg:$0xf] =	wrdreg s10  }
0x1b: {  	s1 =	rddreg [dreg:$0x4]  }
0x1c: {  	[spmem:s2], [sflag:s4] =	dma.local [hbm:s1], $0x2C0  }
0x1d: {  	_ =	swait.ge [sflag:s3], $0x2C0  }
0x1e: {  	[sflag:s3] =	ssyncset.done $0x0  }
0x1f: {  	[sflag:s3] =	ssyncadd.s32 $0xFFFFFD40  }
0x20: {  	[bflag:$0x0] =	sbarrier.arrive $0xFFFF  }
0x21: {  	s10 =	rddreg [dreg:$0x6]  }
0x22: {  	[tilespmem:s23], [sflag:$0x1] =	stream.linear.gather [hbm4b:s10+s16], $0x1770, $0x38;
	[tilespmem:$0x12F40] =	vst v63  }
0x23: {  	s14 =	rddreg [dreg:$0x7]  }
0x24: {  	[tilespmem:s24], [sflag:$0x1] =	stream.linear.gather [hbm4b:s14+s16], $0x1770, $0x38;
	[tilespmem:$0x12F40] =	vst v63  }
0x25: {  	s22 =	simm.s32 $0x44E0;
	s15 =	rddreg [dreg:$0x8]  }
0x26: {  	[tilespmem:s22], [sflag:$0x1] =	stream.linear.gather [hbm4b:s15+s16], $0x1770, $0x38;
	[tilespmem:$0x12F40] =	vst v63  }
0x27: {  	_ =	swait.ge [sflag:s26], $0x1770  }
0x28: {  	[sflag:s26] =	ssyncset.done $0x0  }
0x29: {  	[sflag:s26] =	ssyncadd.s32 $0xFFFFE890  }
0x2a: {  	_ =	swait.ge [sflag:s26], $0x1770  }
0x2b: {  	[sflag:s26] =	ssyncset.done $0x0  }
0x2c: {  	[sflag:s26] =	ssyncadd.s32 $0xFFFFE890  }
0x2d: {  	_ =	swait.ge [sflag:s26], $0x1770  }
0x2e: {  	[sflag:s26] =	ssyncset.done $0x0  }
0x2f: {  	s25 =	simm.s32 $0x5C50;
	[sflag:s26] =	ssyncadd.s32 $0xFFFFE890  }
0x30: {  	[tilespmem:s25], [sflag:$0x3] =	stream.indirect.gather [hbm4b:s5+s28], $0x1, s23, s28, $0xb8;
	[tilespmem:$0x12F40] =	vst v63  }
0x31: {  	s29 =	simm.s32 $0x73C0;
	s22 =	simm.s32 $0x0  }
0x32: {  	[tilespmem:s29], [sflag:$0x3] =	stream.indirect.gather [hbm4b:s6+s28], $0x1, s24, s28, $0xb8;
	[tilespmem:$0x12F40] =	vst v63  }
.LBB2_2:
0x33: {  	p0 =	seq.s32 s22, $0x0  }
0x34: {  	s1 =	simm.s32 @!p0 $0x8  }
0x35: {  	_ =	swait.ge @!p0 [sflag:s1], $0x1770  }
0x36: {  	[sflag:s1] =	ssyncset.done @!p0 $0x0  }
0x37: {  	[sflag:s1] =	ssyncadd.s32 @!p0 $0xFFFFE890;
	s1 =	simm.s32 @!p0 $0x6  }
0x38: {  	s14 =	smul.u32 $0x2EE0, s22;
	_ =	swait.ge @!p0 [sflag:s1], $0x1770  }
0x39: {  	s2 =	rddreg [dreg:$0x9]  }
0x3a: {  	s2 =	sadd.s32 s14, s2  }
0x3b: {  	[sflag:s1] =	ssyncset.done @!p0 $0x0;
	s2 =	sshrl.u32 s2, $0x3  }
0x3c: {  	s3 =	simm.s32 $0x0;
	[sflag:s1] =	ssyncadd.s32 @!p0 $0xFFFFE890;
	s15 =	sadd.s32 s7, s2  }
0x3d: {  	[tilespmem:s31], [sflag:$0x2] =	stream.linear.gather [hbm4b:s15+s3], $0x1770, $0x38;
	[tilespmem:$0x12F40] =	vst v63  }
0x3e: {  	s16 =	sadd.s32 s8, s2  }
0x3f: {  	[tilespmem:s0], [sflag:$0x2] =	stream.linear.gather [hbm4b:s16+s3], $0x1770, $0x38;
	[tilespmem:$0x12F40] =	vst v63  }
0x40: {  	s4 =	simm.s32 $0xD180;
	s25 =	sadd.s32 s30, s2  }
0x41: {  	[tilespmem:s4], [sflag:$0x2] =	stream.linear.gather [hbm4b:s25+s3], $0x1770, $0x38;
	[tilespmem:$0x12F40] =	vst v63  }
0x42: {  	_ =	swait.ge [sflag:s11], $0x1770  }
0x43: {  	[sflag:s11] =	ssyncset.done $0x0  }
0x44: {  	[sflag:s11] =	ssyncadd.s32 $0xFFFFE890  }
0x45: {  	_ =	swait.ge [sflag:s11], $0x1770  }
0x46: {  	[sflag:s11] =	ssyncset.done $0x0  }
0x47: {  	s25 =	simm.s32 $0x0;
	[sflag:s11] =	ssyncadd.s32 $0xFFFFE890  }
0x48: {  	v0 =	vld [tilespmem:s25+$0x5C50]  }
0x49: {  	v1 =	vld [tilespmem:s25+$0x73C0];
	_ =	sdelay $0x4  }
0x4a: {  	s16 =	smov.u32 s30;
	s30 =	simm.s32 $0x10;
	v0 =	vadd.f32 v1, v0  }
0x4b: {  	v2 =	vld [tilespmem:s30+$0x73C0]  }
0x4c: {  	v1 =	vld [tilespmem:s30+$0x5C50];
	v0 =	vsub.f32 $0.0e+00, v0;
	_ =	sdelay $0x1  }
0x4d: {  	s15 =	simm.s32 $0x20;
	v0 =	vmul.f32 $1.442695020e+00, v0  }
0x4e: {  	v3 =	vld [tilespmem:s15+$0x5C50]  }
0x4f: {  	(erf) = vpow2.f32 v0;
	v0 =	vld [tilespmem:s15+$0x73C0]  }
0x50: {  	v1 =	vadd.f32 v2, v1;
	_ =	sdelay $0x1  }
0x51: {  	v1 =	vsub.f32 $0.0e+00, v1;
	_ =	sdelay $0x1  }
0x52: {  	s29 =	simm.s32 $0x30;
	v1 =	vmul.f32 $1.442695020e+00, v1;
	v0 =	vadd.f32 v0, v3  }
0x53: {  	v2 =	vld [tilespmem:s29+$0x5C50]  }
0x54: {  	(erf) = vpow2.f32 v1;
	v1 =	vld [tilespmem:s29+$0x73C0];
	v0 =	vsub.f32 $0.0e+00, v0;
	_ =	sdelay $0x1  }
0x55: {  	s4 =	simm.s32 $0x40;
	v0 =	vmul.f32 $1.442695020e+00, v0  }
0x56: {  	v4 =	vld [tilespmem:s4+$0x5C50];
	v3 =	vpop (erf)  }
0x57: {  	v3 =	vadd.f32 $1.000000000e+00, v3;
	(erf) = vpow2.f32 v0;
	v0 =	vld [tilespmem:s4+$0x73C0]  }
0x58: {  	v1 =	vadd.f32 v1, v2  }
0x59: {  	(erf) = vrcp.f32 v3  }
0x5a: {  	v1 =	vsub.f32 $0.0e+00, v1;
	_ =	sdelay $0x1  }
0x5b: {  	s1 =	simm.s32 $0x50;
	v3 =	vmul.f32 $1.442695020e+00, v1;
	v2 =	vadd.f32 v0, v4;
	v0 =	vpop (erf)  }
0x5c: {  	v1 =	vld [tilespmem:s1+$0x5C50];
	v4 =	vadd.f32 $1.000000000e+00, v0  }
0x5d: {  	(erf) = vpow2.f32 v3;
	v0 =	vld [tilespmem:s25+$0x44E0]  }
0x5e: {  	v5 =	vsub.f32 $0.0e+00, v2;
	v2 =	vld [tilespmem:s1+$0x73C0];
	(erf) = vrcp.f32 v4;
	_ =	sdelay $0x1  }
0x5f: {  	v3 =	vpop (erf)  }
0x60: {  	s3 =	simm.s32 $0x180;
	v5 =	vmul.f32 $1.442695020e+00, v5;
	v4 =	vpop (erf)  }
.LBB2_3:
0x61: {  	s10 =	sshra.s32 s3, $0x2;
	v3 =	vadd.f32 $1.000000000e+00, v3;
	v4 =	vmul.f32 v4, v0;
	v0 =	vld [tilespmem:s30+$0x44E0];
	p0 =	sne.s32 s3, $0x5D80  }
.Ltmp0:
0x62: {  	v6 =	vadd.f32 v2, v1;
	v1 =	vld [tilespmem:s10+$0x5C50];
	(erf) = vpow2.f32 v5;
	(pc) =	sbr.rel @p0 .LBB2_3-.Ltmp0, $4  }
0x63: {  	s3 =	sadd.s32 $0x40, s3;
	v2 =	vld [tilespmem:s10+$0x73C0];
	(erf) = vrcp.f32 v3;
	[tilespmem:s25+$0x8B30] =	vst v4;
	s25 =	smov.u32 s30  }
0x64: {  	s30 =	smov.u32 s15;
	s15 =	smov.u32 s29;
	s29 =	smov.u32 s4;
	v6 =	vsub.f32 $0.0e+00, v6  }
0x65: {  	s4 =	smov.u32 s1;
	s1 =	smov.u32 s10;
	v3 =	vpop (erf)  }
0x66: {  	v5 =	vmul.f32 $1.442695020e+00, v6;
	v4 =	vpop (erf)  }
0x67: {  	_ = 	snop  }
0x68: {  	v1 =	vadd.f32 v2, v1  }
0x69: {  	v2 =	vadd.f32 $1.000000000e+00, v3  }
0x6a: {  	v1 =	vsub.f32 $0.0e+00, v1;
	_ =	sdelay $0x1  }
0x6b: {  	(erf) = vpow2.f32 v5;
	v1 =	vmul.f32 $1.442695020e+00, v1  }
0x6c: {  	(erf) = vrcp.f32 v2;
	v2 =	vpop (erf)  }
0x6d: {  	v2 =	vadd.f32 $1.000000000e+00, v2;
	(erf) = vpow2.f32 v1;
	v1 =	vld [tilespmem:s30+$0x44E0];
	_ =	sdelay $0x2  }
0x6e: {  	v0 =	vmul.f32 v4, v0  }
0x6f: {  	(erf) = vrcp.f32 v2;
	v2 =	vpop (erf)  }
0x70: {  	[tilespmem:s25+$0x8B30] =	vst v0;
	v0 =	vmul.f32 v2, v1;
	_ =	sdelay $0x2  }
0x71: {  	v1 =	vld [tilespmem:s15+$0x44E0];
	v2 =	vpop (erf)  }
0x72: {  	[tilespmem:s30+$0x8B30] =	vst v0;
	v0 =	vpop (erf)  }
0x73: {  	v2 =	vadd.f32 $1.000000000e+00, v2;
	v3 =	vld [tilespmem:s29+$0x44E0];
	v4 =	vpop (erf)  }
0x74: {  	v4 =	vadd.f32 $1.000000000e+00, v4  }
0x75: {  	(erf) = vrcp.f32 v2  }
0x76: {  	v0 =	vmul.f32 v0, v1;
	(erf) = vrcp.f32 v4  }
0x77: {  	v1 =	vpop (erf)  }
0x78: {  	[tilespmem:s15+$0x8B30] =	vst v0;
	v0 =	vmul.f32 v1, v3;
	_ =	sdelay $0x1  }
0x79: {  	v1 =	vld [tilespmem:s4+$0x44E0];
	[tilespmem:s29+$0x8B30] =	vst v0  }
0x7a: {  	v0 =	vld [tilespmem:s1+$0x44E0];
	_ =	sdelay $0x2  }
0x7b: {  	v2 =	vpop (erf)  }
0x7c: {  	v1 =	vmul.f32 v2, v1;
	v2 =	vpop (erf)  }
0x7d: {  	v0 =	vmul.f32 v2, v0  }
0x7e: {  	[tilespmem:s4+$0x8B30] =	vst v1  }
0x7f: {  	[tilespmem:s1+$0x8B30] =	vst v0  }
0x80: {  	_ =	swait.ge [sflag:s13], $0x1770  }
0x81: {  	[sflag:s13] =	ssyncset.done $0x0  }
0x82: {  	[sflag:s13] =	ssyncadd.s32 $0xFFFFE890  }
0x83: {  	_ =	swait.ge [sflag:s13], $0x1770  }
0x84: {  	[sflag:s13] =	ssyncset.done $0x0  }
0x85: {  	[sflag:s13] =	ssyncadd.s32 $0xFFFFE890  }
0x86: {  	_ =	swait.ge [sflag:s13], $0x1770  }
0x87: {  	[sflag:s13] =	ssyncset.done $0x0  }
0x88: {  	s3 =	sadd.s32 s17, s14;
	s15 =	simm.s32 $0xE8F0;
	[sflag:s13] =	ssyncadd.s32 $0xFFFFE890  }
0x89: {  	[tilespmem:s15], [sflag:$0x4] =	stream.indirect.gather [hbm4b:s5+s28], $0x1, s31, s28, $0xb8;
	[tilespmem:$0x12F40] =	vst v63  }
0x8a: {  	s25 =	simm.s32 $0x10060;
	s1 =	sshrl.u32 s3, $0x3  }
0x8b: {  	[tilespmem:s25], [sflag:$0x4] =	stream.indirect.gather [hbm4b:s6+s28], $0x1, s0, s28, $0xb8;
	[tilespmem:$0x12F40] =	vst v63  }
0x8c: {  	s3 =	simm.s32 $0x0;
	s1 =	sadd.s32 s9, s1  }
0x8d: {  	[hbm4b:s1+s3] =	stream.linear.scatter [tilespmem:s18], [sflag:$0x5], $0x1770, $0x38;
	[tilespmem:$0x12F40] =	vst v63  }
0x8e: {  	s4 =	rddreg [dreg:$0x2]  }
0x8f: {  	[spmem:s4] =	stream.indirect.scatter.add.f32 [tilespmem:s18], [sflag:$0x7], $0x1, s24, s28, $0xb8;
	[tilespmem:$0x12F40] =	vst v63  }
0x90: {  	_ =	swait.ge [sflag:s19], $0x1770  }
0x91: {  	[sflag:s19] =	ssyncset.done $0x0  }
0x92: {  	[sflag:s19] =	ssyncadd.s32 $0xFFFFE890  }
0x93: {  	_ =	swait.ge [sflag:s20], $0x1770  }
0x94: {  	s10 =	rddreg [dreg:$0xa]  }
0x95: {  	s1 =	sadd.s32 s14, s10  }
0x96: {  	[sflag:s20] =	ssyncset.done $0x0;
	s1 =	sshrl.u32 s1, $0x3  }
0x97: {  	[sflag:s20] =	ssyncadd.s32 $0xFFFFE890;
	s14 =	sadd.s32 s7, s1  }
0x98: {  	[tilespmem:s23], [sflag:$0x1] =	stream.linear.gather [hbm4b:s14+s3], $0x1770, $0x38;
	[tilespmem:$0x12F40] =	vst v63  }
0x99: {  	s15 =	sadd.s32 s8, s1  }
0x9a: {  	[tilespmem:s24], [sflag:$0x1] =	stream.linear.gather [hbm4b:s15+s3], $0x1770, $0x38;
	[tilespmem:$0x12F40] =	vst v63  }
0x9b: {  	s25 =	simm.s32 $0x44E0;
	s1 =	sadd.s32 s16, s1  }
0x9c: {  	[tilespmem:s25], [sflag:$0x1] =	stream.linear.gather [hbm4b:s1+s3], $0x1770, $0x38;
	[tilespmem:$0x12F40] =	vst v63  }
0x9d: {  	_ =	swait.ge [sflag:s12], $0x1770  }
0x9e: {  	[sflag:s12] =	ssyncset.done $0x0  }
0x9f: {  	[sflag:s12] =	ssyncadd.s32 $0xFFFFE890  }
0xa0: {  	_ =	swait.ge [sflag:s12], $0x1770  }
0xa1: {  	[sflag:s12] =	ssyncset.done $0x0  }
0xa2: {  	s15 =	simm.s32 $0x0;
	[sflag:s12] =	ssyncadd.s32 $0xFFFFE890  }
0xa3: {  	v0 =	vld [tilespmem:s15+$0xE8F0]  }
0xa4: {  	v1 =	vld [tilespmem:s15+$0x10060];
	_ =	sdelay $0x4  }
0xa5: {  	s29 =	simm.s32 $0x10;
	v0 =	vadd.f32 v1, v0  }
0xa6: {  	v2 =	vld [tilespmem:s29+$0x10060]  }
0xa7: {  	v1 =	vld [tilespmem:s29+$0xE8F0];
	v0 =	vsub.f32 $0.0e+00, v0;
	_ =	sdelay $0x1  }
0xa8: {  	s14 =	simm.s32 $0x20;
	v0 =	vmul.f32 $1.442695020e+00, v0  }
0xa9: {  	v3 =	vld [tilespmem:s14+$0xE8F0]  }
0xaa: {  	(erf) = vpow2.f32 v0;
	v0 =	vld [tilespmem:s14+$0x10060]  }
0xab: {  	v1 =	vadd.f32 v2, v1;
	_ =	sdelay $0x1  }
0xac: {  	v1 =	vsub.f32 $0.0e+00, v1;
	_ =	sdelay $0x1  }
0xad: {  	s25 =	simm.s32 $0x30;
	v1 =	vmul.f32 $1.442695020e+00, v1;
	v0 =	vadd.f32 v0, v3  }
0xae: {  	v2 =	vld [tilespmem:s25+$0xE8F0]  }
0xaf: {  	(erf) = vpow2.f32 v1;
	v1 =	vld [tilespmem:s25+$0x10060];
	v0 =	vsub.f32 $0.0e+00, v0;
	_ =	sdelay $0x1  }
0xb0: {  	s4 =	simm.s32 $0x40;
	v0 =	vmul.f32 $1.442695020e+00, v0  }
0xb1: {  	v4 =	vld [tilespmem:s4+$0xE8F0];
	v3 =	vpop (erf)  }
0xb2: {  	v3 =	vadd.f32 $1.000000000e+00, v3;
	(erf) = vpow2.f32 v0;
	v0 =	vld [tilespmem:s4+$0x10060]  }
0xb3: {  	v1 =	vadd.f32 v1, v2  }
0xb4: {  	(erf) = vrcp.f32 v3  }
0xb5: {  	v1 =	vsub.f32 $0.0e+00, v1;
	_ =	sdelay $0x1  }
0xb6: {  	s1 =	simm.s32 $0x50;
	v3 =	vmul.f32 $1.442695020e+00, v1;
	v2 =	vadd.f32 v0, v4;
	v0 =	vpop (erf)  }
0xb7: {  	v1 =	vld [tilespmem:s1+$0xE8F0];
	v4 =	vadd.f32 $1.000000000e+00, v0  }
0xb8: {  	(erf) = vpow2.f32 v3;
	v0 =	vld [tilespmem:s15+$0xD180]  }
0xb9: {  	v5 =	vsub.f32 $0.0e+00, v2;
	v2 =	vld [tilespmem:s1+$0x10060];
	(erf) = vrcp.f32 v4;
	_ =	sdelay $0x1  }
0xba: {  	v3 =	vpop (erf)  }
0xbb: {  	s30 =	smov.u32 s16;
	s3 =	simm.s32 $0x180;
	v5 =	vmul.f32 $1.442695020e+00, v5;
	v4 =	vpop (erf)  }
.LBB2_5:
0xbc: {  	s10 =	sshra.s32 s3, $0x2;
	v3 =	vadd.f32 $1.000000000e+00, v3;
	v4 =	vmul.f32 v4, v0;
	v0 =	vld [tilespmem:s29+$0xD180];
	p0 =	sne.s32 s3, $0x5D80  }
.Ltmp1:
0xbd: {  	v6 =	vadd.f32 v2, v1;
	v1 =	vld [tilespmem:s10+$0xE8F0];
	(erf) = vpow2.f32 v5;
	(pc) =	sbr.rel @p0 .LBB2_5-.Ltmp1, $4  }
0xbe: {  	s3 =	sadd.s32 $0x40, s3;
	v2 =	vld [tilespmem:s10+$0x10060];
	(erf) = vrcp.f32 v3;
	[tilespmem:s15+$0x117D0] =	vst v4;
	s15 =	smov.u32 s29  }
0xbf: {  	s29 =	smov.u32 s14;
	s14 =	smov.u32 s25;
	s25 =	smov.u32 s4;
	v6 =	vsub.f32 $0.0e+00, v6  }
0xc0: {  	s4 =	smov.u32 s1;
	s1 =	smov.u32 s10;
	v3 =	vpop (erf)  }
0xc1: {  	v5 =	vmul.f32 $1.442695020e+00, v6;
	v4 =	vpop (erf)  }
0xc2: {  	_ = 	snop  }
0xc3: {  	v1 =	vadd.f32 v2, v1;
	_ =	sdelay $0x1  }
0xc4: {  	v1 =	vsub.f32 $0.0e+00, v1  }
0xc5: {  	v50 =	vadd.f32 $1.000000000e+00, v3  }
0xc6: {  	(erf) = vpow2.f32 v5;
	v1 =	vmul.f32 $1.442695020e+00, v1  }
0xc7: {  	(erf) = vrcp.f32 v50  }
0xc8: {  	(erf) = vpow2.f32 v1  }
0xc9: {  	v51 =	vld [tilespmem:s29+$0xD180];
	v52 =	vpop (erf)  }
0xca: {  	v2 =	vadd.f32 $1.000000000e+00, v52;
	_ =	sdelay $0x1  }
0xcb: {  	(erf) = vrcp.f32 v2  }
0xcc: {  	v0 =	vmul.f32 v4, v0;
	v53 =	vpop (erf)  }
0xcd: {  	v54 =	vmul.f32 v53, v51  }
0xce: {  	[tilespmem:s15+$0x117D0] =	vst v0;
	v56 =	vpop (erf)  }
0xcf: {  	v55 =	vld [tilespmem:s14+$0xD180];
	[tilespmem:s29+$0x117D0] =	vst v54;
	v57 =	vpop (erf)  }
0xd0: {  	v58 =	vld [tilespmem:s25+$0xD180];
	v2 =	vadd.f32 $1.000000000e+00, v56;
	v59 =	vpop (erf)  }
0xd1: {  	v4 =	vadd.f32 $1.000000000e+00, v59  }
0xd2: {  	(erf) = vrcp.f32 v2  }
0xd3: {  	(erf) = vrcp.f32 v4  }
0xd4: {  	v0 =	vmul.f32 v57, v55;
	v60 =	vpop (erf)  }
0xd5: {  	v61 =	vmul.f32 v60, v58  }
0xd6: {  	[tilespmem:s14+$0x117D0] =	vst v0  }
0xd7: {  	v62 =	vld [tilespmem:s4+$0xD180];
	[tilespmem:s25+$0x117D0] =	vst v61  }
0xd8: {  	v0 =	vld [tilespmem:s1+$0xD180];
	_ =	sdelay $0x2  }
0xd9: {  	v2 =	vpop (erf)  }
0xda: {  	v1 =	vmul.f32 v2, v62;
	v63 =	vpop (erf)  }
0xdb: {  	v0 =	vmul.f32 v63, v0  }
0xdc: {  	[tilespmem:s4+$0x117D0] =	vst v1  }
0xdd: {  	[tilespmem:s1+$0x117D0] =	vst v0  }
0xde: {  	_ =	swait.ge [sflag:s26], $0x1770  }
0xdf: {  	[sflag:s26] =	ssyncset.done $0x0  }
0xe0: {  	[sflag:s26] =	ssyncadd.s32 $0xFFFFE890  }
0xe1: {  	_ =	swait.ge [sflag:s26], $0x1770  }
0xe2: {  	[sflag:s26] =	ssyncset.done $0x0  }
0xe3: {  	[sflag:s26] =	ssyncadd.s32 $0xFFFFE890  }
0xe4: {  	_ =	swait.ge [sflag:s26], $0x1770  }
0xe5: {  	[sflag:s26] =	ssyncset.done $0x0  }
0xe6: {  	s22 =	sadd.s32 $0x1, s22;
	s15 =	simm.s32 $0x5C50;
	[sflag:s26] =	ssyncadd.s32 $0xFFFFE890  }
0xe7: {  	[tilespmem:s15], [sflag:$0x3] =	stream.indirect.gather [hbm4b:s5+s28], $0x1, s23, s28, $0xb8;
	[tilespmem:$0x12F40] =	vst v63  }
0xe8: {  	s16 =	simm.s32 $0x73C0;
	p0 =	sne.s32 s22, $0x7  }
0xe9: {  	[tilespmem:s16], [sflag:$0x3] =	stream.indirect.gather [hbm4b:s6+s28], $0x1, s24, s28, $0xb8;
	[tilespmem:$0x12F40] =	vst v63  }
.Ltmp2:
0xea: {  	_ = 	snop;
	(pc) =	sbr.rel @p0 .LBB2_2-.Ltmp2, $4  }
0xeb: {  	s25 =	sadd.s32 s9, s2;
	s16 =	simm.s32 $0x0  }
0xec: {  	[hbm4b:s25+s16] =	stream.linear.scatter [tilespmem:s21], [sflag:$0x6], $0x1770, $0x38;
	[tilespmem:$0x12F40] =	vst v63  }
0xed: {  	s29 =	rddreg [dreg:$0x2]  }
0xee: {  	[spmem:s29] =	stream.indirect.scatter.add.f32 [tilespmem:s21], [sflag:$0x8], $0x1, s0, s28, $0xb8;
	[tilespmem:$0x12F40] =	vst v63  }
0xef: {  	s1 =	simm.s32 $0x8  }
0xf0: {  	_ =	swait.ge [sflag:s1], $0x1770  }
0xf1: {  	[sflag:s1] =	ssyncset.done $0x0  }
0xf2: {  	s29 =	simm.s32 $0x6;
	[sflag:s1] =	ssyncadd.s32 $0xFFFFE890  }
0xf3: {  	_ =	swait.ge [sflag:s29], $0x1770  }
0xf4: {  	[sflag:s29] =	ssyncset.done $0x0  }
0xf5: {  	[sflag:s29] =	ssyncadd.s32 $0xFFFFE890  }
0xf6: {  	_ =	swait.ge [sflag:s11], $0x1770  }
0xf7: {  	[sflag:s11] =	ssyncset.done $0x0  }
0xf8: {  	[sflag:s11] =	ssyncadd.s32 $0xFFFFE890  }
0xf9: {  	_ =	swait.ge [sflag:s11], $0x1770  }
0xfa: {  	[sflag:s11] =	ssyncset.done $0x0  }
0xfb: {  	s14 =	simm.s32 $0x0;
	[sflag:s11] =	ssyncadd.s32 $0xFFFFE890  }
0xfc: {  	v0 =	vld [tilespmem:s14+$0x5C50]  }
0xfd: {  	v1 =	vld [tilespmem:s14+$0x73C0];
	_ =	sdelay $0x4  }
0xfe: {  	s22 =	simm.s32 $0x10;
	v0 =	vadd.f32 v1, v0  }
0xff: {  	v2 =	vld [tilespmem:s22+$0x73C0]  }
0x100: {  	v1 =	vld [tilespmem:s22+$0x5C50];
	v0 =	vsub.f32 $0.0e+00, v0;
	_ =	sdelay $0x1  }
0x101: {  	s2 =	simm.s32 $0x20;
	v0 =	vmul.f32 $1.442695020e+00, v0  }
0x102: {  	v3 =	vld [tilespmem:s2+$0x5C50]  }
0x103: {  	(erf) = vpow2.f32 v0;
	v0 =	vld [tilespmem:s2+$0x73C0]  }
0x104: {  	v1 =	vadd.f32 v2, v1;
	_ =	sdelay $0x1  }
0x105: {  	v1 =	vsub.f32 $0.0e+00, v1;
	_ =	sdelay $0x1  }
0x106: {  	s15 =	simm.s32 $0x30;
	v1 =	vmul.f32 $1.442695020e+00, v1;
	v0 =	vadd.f32 v0, v3  }
0x107: {  	v2 =	vld [tilespmem:s15+$0x5C50]  }
0x108: {  	(erf) = vpow2.f32 v1;
	v1 =	vld [tilespmem:s15+$0x73C0];
	v0 =	vsub.f32 $0.0e+00, v0;
	_ =	sdelay $0x1  }
0x109: {  	s4 =	simm.s32 $0x40;
	v0 =	vmul.f32 $1.442695020e+00, v0  }
0x10a: {  	v4 =	vld [tilespmem:s4+$0x5C50];
	v3 =	vpop (erf)  }
0x10b: {  	v3 =	vadd.f32 $1.000000000e+00, v3;
	(erf) = vpow2.f32 v0;
	v0 =	vld [tilespmem:s4+$0x73C0]  }
0x10c: {  	v1 =	vadd.f32 v1, v2  }
0x10d: {  	(erf) = vrcp.f32 v3  }
0x10e: {  	v1 =	vsub.f32 $0.0e+00, v1;
	_ =	sdelay $0x1  }
0x10f: {  	s1 =	simm.s32 $0x50;
	v3 =	vmul.f32 $1.442695020e+00, v1;
	v2 =	vadd.f32 v0, v4;
	v0 =	vpop (erf)  }
0x110: {  	v1 =	vld [tilespmem:s1+$0x5C50];
	v4 =	vadd.f32 $1.000000000e+00, v0  }
0x111: {  	(erf) = vpow2.f32 v3;
	v0 =	vld [tilespmem:s14+$0x44E0]  }
0x112: {  	v5 =	vsub.f32 $0.0e+00, v2;
	v2 =	vld [tilespmem:s1+$0x73C0];
	(erf) = vrcp.f32 v4;
	_ =	sdelay $0x1  }
0x113: {  	v3 =	vpop (erf)  }
0x114: {  	s3 =	simm.s32 $0x180;
	v5 =	vmul.f32 $1.442695020e+00, v5;
	v4 =	vpop (erf)  }
.LBB2_8:
0x115: {  	s10 =	sshra.s32 s3, $0x2;
	v3 =	vadd.f32 $1.000000000e+00, v3;
	v4 =	vmul.f32 v4, v0;
	v0 =	vld [tilespmem:s22+$0x44E0];
	p0 =	sne.s32 s3, $0x5D80  }
.Ltmp3:
0x116: {  	v6 =	vadd.f32 v2, v1;
	v1 =	vld [tilespmem:s10+$0x5C50];
	(erf) = vpow2.f32 v5;
	(pc) =	sbr.rel @p0 .LBB2_8-.Ltmp3, $4  }
0x117: {  	s3 =	sadd.s32 $0x40, s3;
	v2 =	vld [tilespmem:s10+$0x73C0];
	(erf) = vrcp.f32 v3;
	[tilespmem:s14+$0x8B30] =	vst v4;
	s14 =	smov.u32 s22  }
0x118: {  	s22 =	smov.u32 s2;
	s2 =	smov.u32 s15;
	s15 =	smov.u32 s4;
	v6 =	vsub.f32 $0.0e+00, v6  }
0x119: {  	s4 =	smov.u32 s1;
	s1 =	smov.u32 s10;
	v3 =	vpop (erf)  }
0x11a: {  	v5 =	vmul.f32 $1.442695020e+00, v6;
	v4 =	vpop (erf)  }
0x11b: {  	_ = 	snop  }
0x11c: {  	v1 =	vadd.f32 v2, v1;
	_ =	sdelay $0x1  }
0x11d: {  	v1 =	vsub.f32 $0.0e+00, v1  }
0x11e: {  	v50 =	vadd.f32 $1.000000000e+00, v3  }
0x11f: {  	(erf) = vpow2.f32 v5;
	v1 =	vmul.f32 $1.442695020e+00, v1  }
0x120: {  	(erf) = vrcp.f32 v50  }
0x121: {  	(erf) = vpow2.f32 v1  }
0x122: {  	v51 =	vld [tilespmem:s22+$0x44E0];
	v52 =	vpop (erf)  }
0x123: {  	v2 =	vadd.f32 $1.000000000e+00, v52;
	_ =	sdelay $0x1  }
0x124: {  	(erf) = vrcp.f32 v2  }
0x125: {  	v0 =	vmul.f32 v4, v0;
	v53 =	vpop (erf)  }
0x126: {  	v54 =	vmul.f32 v53, v51  }
0x127: {  	[tilespmem:s14+$0x8B30] =	vst v0;
	v56 =	vpop (erf)  }
0x128: {  	v55 =	vld [tilespmem:s2+$0x44E0];
	[tilespmem:s22+$0x8B30] =	vst v54;
	v57 =	vpop (erf)  }
0x129: {  	v58 =	vld [tilespmem:s15+$0x44E0];
	v2 =	vadd.f32 $1.000000000e+00, v56;
	v59 =	vpop (erf)  }
0x12a: {  	v4 =	vadd.f32 $1.000000000e+00, v59  }
0x12b: {  	(erf) = vrcp.f32 v2  }
0x12c: {  	(erf) = vrcp.f32 v4  }
0x12d: {  	v0 =	vmul.f32 v57, v55;
	v60 =	vpop (erf)  }
0x12e: {  	v61 =	vmul.f32 v60, v58  }
0x12f: {  	[tilespmem:s2+$0x8B30] =	vst v0  }
0x130: {  	v62 =	vld [tilespmem:s4+$0x44E0];
	[tilespmem:s15+$0x8B30] =	vst v61  }
0x131: {  	v0 =	vld [tilespmem:s1+$0x44E0];
	_ =	sdelay $0x2  }
0x132: {  	v2 =	vpop (erf)  }
0x133: {  	v1 =	vmul.f32 v2, v62;
	v63 =	vpop (erf)  }
0x134: {  	v0 =	vmul.f32 v63, v0  }
0x135: {  	[tilespmem:s4+$0x8B30] =	vst v1  }
0x136: {  	s15 =	rddreg [dreg:$0xb];
	[tilespmem:s1+$0x8B30] =	vst v0  }
0x137: {  	[hbm4b:s15+s16] =	stream.linear.scatter [tilespmem:s18], [sflag:$0x5], $0x1770, $0x38;
	[tilespmem:$0x12F40] =	vst v63  }
0x138: {  	s22 =	rddreg [dreg:$0x2]  }
0x139: {  	[spmem:s22] =	stream.indirect.scatter.add.f32 [tilespmem:s18], [sflag:$0x7], $0x1, s24, s28, $0xb8;
	[tilespmem:$0x12F40] =	vst v63  }
0x13a: {  	_ =	swait.ge [sflag:s19], $0x1770  }
0x13b: {  	[sflag:s19] =	ssyncset.done $0x0  }
0x13c: {  	[sflag:s19] =	ssyncadd.s32 $0xFFFFE890  }
0x13d: {  	_ =	swait.ge [sflag:s20], $0x1770  }
0x13e: {  	[sflag:s20] =	ssyncset.done $0x0  }
0x13f: {  	[sflag:s20] =	ssyncadd.s32 $0xFFFFE890  }
0x140: {  	[bflag:$0x0] =	sbarrier.arrive $0xFFFF  }
0x141: {  	s4 =	rddreg [dreg:$0x5]  }
0x142: {  	s25 =	rddreg [dreg:$0xc]  }
0x143: {  	s3 =	simm.s32 $0x9;
	s2 =	rddreg [dreg:$0xe]  }
0x144: {  	[hbm:s25], [sflag:s4] =	dma.local [spmem:s2], $0x2C0  }
0x145: {  	_ =	swait.ge [sflag:s3], $0x2C0  }
0x146: {  	s10 =	rddreg [dreg:$0xf]  }
0x147: {  	s29 =	rddreg [dreg:$0xd];
	s10 =	sadd.s32 $0x1, s10  }
0x148: {  	p0 =	sne.s32 s10, s29  }
.Ltmp4:
0x149: {  	_ = 	snop;
	(pc) =	sbr.rel @p0 .LBB2_1-.Ltmp4, $3  }
0x14a: {  	_ =	sdelay $0x1  }
0x14b: {  	[sflag:s3] =	ssyncset.done $0x0  }
0x14c: {  	[sflag:s3] =	ssyncadd.s32 $0xFFFFFD40  }
0x14d: {  	_ =	sfence.sel $0x180000  }
0x14e: {  	[bflag:$0x0] =	sbarrier.arrive $0xFFFF  }
0x14f: {  	_ =	strace $0x90000047  }
0x150: {  	s0 =	stileid.u32;
	[bflag:$0x2] =	sbarrier.arrive $0xFFFF  }
0x151: {  	p0 =	sne.s32 s0, $0x0;
	s0 =	rddreg [dreg:$0x3]  }
0x152: {  	s0 =	sadd.s32 @!p0 $0x100000, s0  }
0x153: {  	[sflag:s0] =	ssyncadd.tile.s32 @!p0 $0x1;
	_ =	shalt  }
.Lfunc_end2:
_tile_overlayer_lowered:
.L_overlay_start_2:
0x154: {  	(tag) =	ssettag $0x2  }
0x155: {  	s0 =	rddreg [dreg:$0x0];
	s2 =	stileid.u32  }
0x156: {  	s1 =	rddreg [dreg:$0x1];
	p0 =	sne.s32 s2, $0x0  }
0x157: {  	s3 =	rddreg [dreg:$0x2];
	[bflag:$0x3] =	sbarrier.arrive $0xFFFF;
	s2 =	simm.s32 @!p0 $0x1C09  }
0x158: {  	[timem:s3], [sflag:s2] =	dma.local @!p0 [hbm:s0], s1  }
0x159: {  	s0 =	simm.s32 @!p0 $0x9  }
0x15a: {  	_ =	swait.ge @!p0 [sflag:s0], s1  }
0x15b: {  	s1 =	ssub.s32 @!p0 $0x0, s1;
	[sflag:s0] =	ssyncset.done @!p0 $0x0  }
0x15c: {  	[sflag:s0] =	ssyncadd.s32 @!p0 s1  }
0x15d: {  	[bflag:$0x3] =	sbarrier.arrive $0xFFFF  }
0x15e: {  	_ =	shalt  }

// kernel: kernel.9.cloned.1.call-start
scs
__scs_entry_jumppad:
0x0: {  	(pc) =	sbr.rel $0x88, $3  }
0x1: {  	(tag) =	ssettag $0x0;
	lr =	simm.s32 $0x1  }
0x2: {  	[smem:$0x3F92] =	sst lr;
	_ =	strace $0xD0000000  }
0x3: {  	_ = 	snop  }
0x4: {  	_ = 	snop  }
0x5: {  	_ = 	snop  }
0x6: {  	_ = 	snop  }
0x7: {  	_ = 	snop  }
__scs_overlays_trampoline_lowered:
0x8: {  	[smem:$0x3FA1] =	sst s0  }
0x9: {  	[smem:$0x3FA2] =	sst s1  }
0xa: {  	[smem:$0x3FA3] =	sst s2  }
0xb: {  	[smem:$0x3FA4] =	sst s3  }
0xc: {  	[smem:$0x3FA5] =	sst s4  }
0xd: {  	[smem:$0x3FA6] =	sst s5  }
0xe: {  	[smem:$0x3FA7] =	sst s6  }
0xf: {  	[smem:$0x3FA8] =	sst s7  }
0x10: {  	[smem:$0x3FA9] =	sst s8  }
0x11: {  	[smem:$0x3FAA] =	sst s9;
	s0 =	simm.s32 @!p0 $0x0  }
0x12: {  	s1 =	sld [smem:$0x3F90];
	s0 =	simm.s32 @p0 $0x1  }
0x13: {  	[smem:$0x3FAB] =	sst s0;
	s0 =	simm.s32 @!p1 $0x0  }
0x14: {  	s2 =	sld [smem:$0x3F8F];
	s0 =	simm.s32 @p1 $0x1  }
0x15: {  	[smem:$0x3FAC] =	sst s0;
	s0 =	simm.s32 @!p2 $0x0  }
0x16: {  	s3 =	sld [smem:$0x3FDB];
	s0 =	simm.s32 @p2 $0x1  }
0x17: {  	s4 =	simm.s32 $0x1BF5;
	[smem:$0x3FAE] =	sst s0  }
0x18: {  	s0 =	sld [smem:$0x3F91];
	_ =	swait.ge [sflag:s4], $0x0  }
0x19: {  	s7 =	sld [smem:$0x3F92]  }
0x1a: {  	s8 =	sadd.s32 $0xFFFFE003, lr  }
0x1b: {  	s9 =	sadd.s32 $0xFFFFFEF7, lr;
	s5 =	simm.s32 $0xFFFFFFFF;
	p2 =	slt.u32 s8, $0xFFFFF086  }
0x1c: {  	p1 =	slt.u32 s9, $0xF7A;
	s5 =	simm.s32 @!p2 $0x0  }
0x1d: {  	s5 =	simm.s32 @p1 $0x1;
	p0 =	seq.s32 s7, s2  }
0x1e: {  	s7 =	smul.u32 @!p0 $0xF7A, s2;
	p2 =	seq.s32 @!p0 s5, $0x0  }
0x1f: {  	s9 =	smul.u32 $0xF7A, s1;
	s8 =	simm.s32 @!p0 $0x1BF5;
	p2 =	por !p2, p0  }
0x20: {  	[sflag:s8] =	ssyncset.s32 @!p0 $0xFFFFF086;
	s6 =	sadd.s32 @!p0 s3, s7;
	s7 =	simm.s32 @!p0 $0x108  }
0x21: {  	s3 =	sadd.s32 s3, s9;
	s6 =	sadd.s32 @!p0 $0x88, s6;
	s7 =	simm.s32 @p2 $0x1082  }
0x22: {  	[simem:s7], [sflag:s8] =	dma.local @!p0 [hbm:s6], $0xF7A  }
0x23: {  	s9 =	sor.u32 $0xD0000000, s2;
	s6 =	simm.s32 $0x108;
	_ =	swait.ge @!p0 [sflag:s8], $0x0  }
0x24: {  	s3 =	sadd.s32 $0x88, s3;
	s6 =	simm.s32 @!p1 $0x1082;
	[sflag:s4] =	ssyncset.s32 $0xFFFFF086  }
0x25: {  	[simem:s6], [sflag:s4] =	dma.local [hbm:s3], $0xF7A  }
0x26: {  	[smem:$0x3F92] =	sst s1;
	(tag) =	ssettag s2;
	_ =	strace s9  }
0x27: {  	s1 =	sld [smem:$0x3FA2]  }
0x28: {  	s2 =	sld [smem:$0x3FA3]  }
0x29: {  	s4 =	sld [smem:$0x3FA5]  }
0x2a: {  	p0 =	seq.s32 s5, $0x0;
	s5 =	sld [smem:$0x3FA6]  }
0x2b: {  	s6 =	sld [smem:$0x3FA7]  }
0x2c: {  	s7 =	sld [smem:$0x3FA8]  }
0x2d: {  	s3 =	simm.s32 $0x108;
	s8 =	sld [smem:$0x3FA9]  }
0x2e: {  	s3 =	simm.s32 @!p0 $0x1082;
	s9 =	sld [smem:$0x3FAA]  }
0x2f: {  	lr =	sadd.s32 s0, s3;
	s0 =	sld [smem:$0x3FA1]  }
0x30: {  	s3 =	sld [smem:$0x3FA4]  }
0x31: {  	[smem:$0x3FAD] =	sst s10  }
0x32: {  	s10 =	sld [smem:$0x3FAB];
	_ =	sdelay $0x3  }
0x33: {  	p0 =	seq.s32 s10, $0x1;
	s10 =	sld [smem:$0x3FAD];
	_ =	sdelay $0x3  }
0x34: {  	[smem:$0x3FAD] =	sst s10  }
0x35: {  	s10 =	sld [smem:$0x3FAC];
	_ =	sdelay $0x3  }
0x36: {  	p1 =	seq.s32 s10, $0x1;
	s10 =	sld [smem:$0x3FAD];
	_ =	sdelay $0x3  }
0x37: {  	[smem:$0x3FAD] =	sst s10  }
0x38: {  	s10 =	sld [smem:$0x3FAE]  }
0x39: {  	_ = 	snop;
	(pc) =	sbr.ind lr, $3  }
0x3a: {  	_ = 	snop  }
0x3b: {  	_ = 	snop  }
0x3c: {  	p2 =	seq.s32 s10, $0x1;
	s10 =	sld [smem:$0x3FAD]  }
0x3d: {  	_ =	shalt  }
0x3e: {  	_ =	shalt  }
0x3f: {  	_ =	shalt  }
0x40: {  	_ =	shalt  }
0x41: {  	_ =	shalt  }
0x42: {  	_ =	shalt  }
0x43: {  	_ =	shalt  }
0x44: {  	_ =	shalt  }
0x45: {  	_ =	shalt  }
0x46: {  	_ =	shalt  }
0x47: {  	_ =	shalt  }
0x48: {  	_ =	shalt  }
0x49: {  	_ =	shalt  }
0x4a: {  	_ =	shalt  }
0x4b: {  	_ =	shalt  }
0x4c: {  	_ =	shalt  }
0x4d: {  	_ =	shalt  }
0x4e: {  	_ =	shalt  }
0x4f: {  	_ =	shalt  }
0x50: {  	_ =	shalt  }
0x51: {  	_ =	shalt  }
0x52: {  	_ =	shalt  }
0x53: {  	_ =	shalt  }
0x54: {  	_ =	shalt  }
0x55: {  	_ =	shalt  }
0x56: {  	_ =	shalt  }
0x57: {  	_ =	shalt  }
0x58: {  	_ =	shalt  }
0x59: {  	_ =	shalt  }
0x5a: {  	_ =	shalt  }
0x5b: {  	_ =	shalt  }
0x5c: {  	_ =	shalt  }
0x5d: {  	_ =	shalt  }
0x5e: {  	_ =	shalt  }
0x5f: {  	_ =	shalt  }
0x60: {  	_ =	shalt  }
0x61: {  	_ =	shalt  }
0x62: {  	_ =	shalt  }
0x63: {  	_ =	shalt  }
0x64: {  	_ =	shalt  }
0x65: {  	_ =	shalt  }
0x66: {  	_ =	shalt  }
0x67: {  	_ =	shalt  }
0x68: {  	_ =	shalt  }
0x69: {  	_ =	shalt  }
0x6a: {  	_ =	shalt  }
0x6b: {  	_ =	shalt  }
0x6c: {  	_ =	shalt  }
0x6d: {  	_ =	shalt  }
0x6e: {  	_ =	shalt  }
0x6f: {  	_ =	shalt  }
0x70: {  	_ =	shalt  }
0x71: {  	_ =	shalt  }
0x72: {  	_ =	shalt  }
0x73: {  	_ =	shalt  }
0x74: {  	_ =	shalt  }
0x75: {  	_ =	shalt  }
0x76: {  	_ =	shalt  }
0x77: {  	_ =	shalt  }
0x78: {  	_ =	shalt  }
0x79: {  	_ =	shalt  }
0x7a: {  	_ =	shalt  }
0x7b: {  	_ =	shalt  }
0x7c: {  	_ =	shalt  }
0x7d: {  	_ =	shalt  }
0x7e: {  	_ =	shalt  }
0x7f: {  	_ =	shalt  }
0x80: {  	_ =	shalt  }
0x81: {  	_ =	shalt  }
0x82: {  	_ =	shalt  }
0x83: {  	_ =	shalt  }
0x84: {  	_ =	shalt  }
0x85: {  	_ =	shalt  }
0x86: {  	_ =	shalt  }
0x87: {  	_ =	shalt  }
.Lfunc_end0:
.L_simem_size_0:
called_computation.1_lowered:
.L_overlay_start_0:
0x88: {  	s2 =	sld [smem:$0x3FD9]  }
0x89: {  	s3 =	sld [smem:$0x3FFE];
	_ =	sdelay $0x1  }
0x8a: {  	s1 =	srdreg.scid  }
0x8b: {  	s0 =	sand.u32 $0x1, s1  }
0x8c: {  	s16 =	sshll.u32 s0, $0xA;
	s2 =	sadd.s32 s3, s2  }
0x8d: {  	s2 =	sadd.s32 s2, s16  }
0x8e: {  	[smem:$0x3FB9] =	sst s2  }
0x8f: {  	_ = 	snop  }
0x90: {  	(tm) =	ssettm $0x1  }
0x91: {  	s17 =	sld [smem:$0x3FFB];
	_ =	sdelay $0x3  }
0x92: {  	_ =	strace s17  }
0x93: {  	s2 =	sld [smem:$0x3FFC];
	_ =	sdelay $0x3  }
0x94: {  	_ =	strace s2  }
0x95: {  	s2 =	sld [smem:$0x3FFD];
	_ =	sdelay $0x3  }
0x96: {  	_ =	strace s2  }
0x97: {  	_ =	strace $0x8FFFFFFF  }
0x98: {  	s18 =	sld [smem:$0x3FDB];
	_ =	sdelay $0x1  }
0x99: {  	s19 =	simm.s32 $_scs_section_size  }
0x9a: {  	s4 =	simm.s32 $_size__tile_overlayer_lowered;
	s5 =	simm.s32 $_tile_overlayer_lowered  }
0x9b: {  	s22 =	simm.s32 $0x1BFF;
	s21 =	sshll.u32 s5, $0x1;
	s2 =	sadd.s32 s19, s18  }
0x9c: {  	s6 =	simm.s32 $0x0;
	s20 =	sshll.u32 s4, $0x1;
	s4 =	sadd.s32 s21, s2  }
0x9d: {  	[timem:s6], [sflag:s22] =	dma.local [hbm:s4], s20  }
0x9e: {  	_ =	swait.ge [sflag:s22], s20  }
0x9f: {  	s3 =	ssub.s32 $0x0, s20;
	[sflag:s22] =	ssyncset.done $0x0  }
0xa0: {  	[sflag:s22] =	ssyncadd.s32 s3;
	_ =	sdelay $0x1  }
0xa1: {  	s23 =	simm.s32 $0x1B8B  }
0xa2: {  	_ =	swait.ge [sflag:s23], $0x1  }
0xa3: {  	[sflag:s23] =	ssyncset.done $0x0  }
0xa4: {  	s25 =	simm.s32 $0x1B8E;
	s24 =	sld [smem:$0x3FFE];
	[sflag:s23] =	ssyncadd.s32 $0xFFFFFFFF  }
0xa5: {  	s26 =	simm.s32 $execute0_lowered;
	[smem:$0x3FD2] =	sst s25  }
0xa6: {  	s4 =	sshll.u32 s26, $0x1;
	_ =	strace $0x80000049;
	[dreg:$0x1] =	wrdreg $0xFFFFFFFF  }
0xa7: {  	s28 =	simm.s32 $_size_execute0_lowered;
	s2 =	sadd.s32 s2, s4;
	[dreg:$0x0] =	wrdreg $0x0  }
0xa8: {  	s4 =	sshll.u32 s28, $0x1;
	[dreg:$0x2] =	wrdreg s2  }
0xa9: {  	[dreg:$0x3] =	wrdreg s4  }
0xaa: {  	[dreg:$0x4] =	wrdreg $0xC0  }
0xab: {  	_ =	task [dreg:s6], $0x5FFFF  }
0xac: {  	[dreg:$0x1] =	wrdreg $0xFFFFFFFF  }
0xad: {  	[dreg:$0x0] =	wrdreg $0x60  }
0xae: {  	[dreg:$0x2] =	wrdreg s24  }
0xaf: {  	[dreg:$0x3] =	wrdreg $0x0  }
0xb0: {  	[dreg:$0x4] =	wrdreg $0x9  }
0xb1: {  	_ =	task.clear_ibuf [dreg:s6], $0x5FFFF;
	_ =	strace $0x90000049  }
0xb2: {  	s29 =	simm.s32 $0x9;
	_ =	strace $0x8000004B  }
0xb3: {  	_ =	swait.ge [sflag:s29], $0x1  }
0xb4: {  	[sflag:s29] =	ssyncadd.s32 $0xFFFFFFFF  }
0xb5: {  	_ =	strace $0x9000004B  }
0xb6: {  	_ =	sfence  }
0xb7: {  	s30 =	sld [smem:$0x0];
	_ =	sdelay $0x2  }
0xb8: {  	s31 =	sshll.u32 s1, $0xD;
	s1 =	sshrl.u32 s1, $0x2  }
0xb9: {  	s3 =	sand.u32 $0x4000, s31;
	s1 =	sadd.s32 s1, s30  }
0xba: {  	s0 =	sor.u32 s3, s0;
	s1 =	sshll.u32 s1, $0x11  }
0xbb: {  	s0 =	sor.u32 s1, s0  }
0xbc: {  	s0 =	sadd.s32 $0x8F2B, s0  }
0xbd: {  	[sflag:s0] =	ssyncadd.remote.s32 $0x1  }
0xbe: {  	_ =	sfence.sel $0xFFFF  }
0xbf: {  	[dreg:$0x0] =	wrdreg $0xFFFFFFFF;
	(pc) =	sbr.abs _section_cstart, $3  }
0xc0: {  	[dreg:$0x1] =	wrdreg $0xFFFFFFFF  }
0xc1: {  	_ =	task.clear_ibuf [dreg:s6], $0x2FFFF;
	_ =	strace $0x9FFFFFFF  }
0xc2: {  	(tm) =	ssettm $0x7FFFFFFF  }
0xc3: {  	_ =	shalt  }
tec
execute0_lowered:
.L_overlay_start_1:
0x0: {  	(tag) =	ssettag $0x1  }
0x1: {  	s0 =	rddreg [dreg:$0x0]  }
0x2: {  	s1 =	rddreg [dreg:$0x1];
	s2 =	simm.s32 $0x0  }
0x3: {  	s12 =	stileid.u32;
	s18 =	srdreg.scid;
	s28 =	simm.s32 $0x19B10  }
0x4: {  	s29 =	simm.s32 $0x3;
	s30 =	simm.s32 $0x2;
	s31 =	simm.s32 $0x19DE0  }
0x5: {  	[smem:$0x7FF] =	sst s2;
	s4 =	sadd.s32 $0x279A00, s0;
	s3 =	smul.u32 $0x16000, s12  }
0x6: {  	s2 =	sand.u32 $0x1, s18;
	s5 =	sadd.s32 $0x61C00, s0;
	s6 =	sadd.s32 $0x9C00, s0  }
0x7: {  	s7 =	sadd.s32 $0xC2000, s0;
	s10 =	sshll.u32 s12, $0x1;
	s21 =	sshll.u32 s12, $0x6  }
0x8: {  	s18 =	simm.s32 $0x7;
	_ =	strace $0x8000004A;
	s8 =	smul.u32 $0x160000, s2  }
0x9: {  	s11 =	ssub.s32 $0x2, s2;
	s2 =	sor.u32 s2, s10;
	s10 =	simm.s32 $0x0  }
0xa: {  	s9 =	sshrl.u32 s3, $0x3;
	s19 =	sshrl.u32 s11, $0x1;
	s2 =	smul.u32 $0x15F90, s2  }
0xb: {  	s8 =	sadd.s32 s3, s8;
	s9 =	sadd.s32 s9, s0;
	s20 =	ssub.s32 s11, s19  }
0xc: {  	s3 =	sadd.s32 s3, s1;
	s19 =	simm.s32 $0x16000;
	s8 =	sshrl.u32 s8, $0x3  }
0xd: {  	s22 =	sshrl.u32 s2, $0x3;
	s9 =	sadd.s32 $0x2A5A00, s9;
	s13 =	sadd.s32 $0x2D0, s2  }
0xe: {  	s14 =	sadd.s32 $0x5A0, s2;
	s26 =	smax.u32 s20, $0x1;
	s17 =	sshrl.u32 s3, $0x3  }
0xf: {  	s20 =	simm.s32 $0x162D0;
	s2 =	simm.s32 $0x4;
	[dreg:$0x3] =	wrdreg s9  }
0x10: {  	s0 =	sadd.s32 s8, s0;
	s23 =	sadd.s32 s5, s22;
	[dreg:$0x8] =	wrdreg s26  }
0x11: {  	s9 =	sor.u32 $0x1C07, s21;
	s24 =	sadd.s32 s6, s22;
	[dreg:$0x4] =	wrdreg s23  }
0x12: {  	s25 =	sadd.s32 s7, s22;
	s21 =	simm.s32 $0x165A0;
	[dreg:$0x5] =	wrdreg s24  }
0x13: {  	s22 =	simm.s32 $0x1;
	s26 =	simm.s32 $0x19840;
	[dreg:$0x6] =	wrdreg s25  }
0x14: {  	s0 =	sadd.s32 $0x2D1A00, s0;
	s23 =	simm.s32 $0x2D0;
	s24 =	simm.s32 $0x16870  }
0x15: {  	s25 =	simm.s32 $0x19570;
	[dreg:$0x7] =	wrdreg s0;
	s0 =	simm.s32 $0x5  }
.LBB2_1:
0x16: {  	s3 =	rddreg [dreg:$0x3]  }
0x17: {  	[spmem:s17], [sflag:s9] =	dma.local [hbm:s3], $0x2C00  }
0x18: {  	_ =	swait.ge [sflag:s18], $0x2C00  }
0x19: {  	[sflag:s18] =	ssyncset.done $0x0  }
0x1a: {  	[sflag:s18] =	ssyncadd.s32 $0xFFFFD400  }
0x1b: {  	[bflag:$0x0] =	sbarrier.arrive $0xFFFF  }
0x1c: {  	s12 =	simm.s32 $0x0;
	s8 =	rddreg [dreg:$0x4]  }
0x1d: {  	[tilespmem:s19], [sflag:$0x1] =	stream.linear.gather [hbm4b:s8+s12], $0x2D0, $0x38;
	[tilespmem:$0x1CAE0] =	vst v63  }
0x1e: {  	s15 =	rddreg [dreg:$0x5]  }
0x1f: {  	[tilespmem:s20], [sflag:$0x1] =	stream.linear.gather [hbm4b:s15+s12], $0x2D0, $0x38;
	[tilespmem:$0x1CAE0] =	vst v63  }
0x20: {  	s16 =	rddreg [dreg:$0x6]  }
0x21: {  	[tilespmem:s21], [sflag:$0x1] =	stream.linear.gather [hbm4b:s16+s12], $0x2D0, $0x38;
	[tilespmem:$0x1CAE0] =	vst v63  }
0x22: {  	_ =	swait.ge [sflag:s22], $0x2D0  }
0x23: {  	[sflag:s22] =	ssyncset.done $0x0  }
0x24: {  	[sflag:s22] =	ssyncadd.s32 $0xFFFFFD30  }
0x25: {  	_ =	swait.ge [sflag:s22], $0x2D0  }
0x26: {  	[sflag:s22] =	ssyncset.done $0x0  }
0x27: {  	[sflag:s22] =	ssyncadd.s32 $0xFFFFFD30  }
0x28: {  	_ =	swait.ge [sflag:s22], $0x2D0  }
0x29: {  	[sflag:s22] =	ssyncset.done $0x0  }
0x2a: {  	s11 =	simm.s32 $0x0;
	[sflag:s22] =	ssyncadd.s32 $0xFFFFFD30  }
0x2b: {  	[tilespmem:s24], [sflag:$0x3] =	stream.indirect.gather [hbm4b:s4+s23], $0x10, s19, s23, $0xb8;
	[tilespmem:$0x1CAE0] =	vst v63  }
.LBB2_2:
0x2c: {  	p0 =	seq.s32 s11, $0x0;
	s12 =	smul.u32 $0x5A0, s11  }
0x2d: {  	s3 =	simm.s32 @!p0 $0x6  }
0x2e: {  	_ =	swait.ge @!p0 [sflag:s3], $0x2D00;
	s8 =	sadd.s32 s12, s13  }
0x2f: {  	[sflag:s3] =	ssyncset.done @!p0 $0x0;
	s8 =	sshrl.u32 s8, $0x3  }
0x30: {  	s15 =	simm.s32 $0x0;
	[sflag:s3] =	ssyncadd.s32 @!p0 $0xFFFFD300;
	s16 =	sadd.s32 s5, s8  }
0x31: {  	[tilespmem:s25], [sflag:$0x2] =	stream.linear.gather [hbm4b:s16+s15], $0x2D0, $0x38;
	[tilespmem:$0x1CAE0] =	vst v63  }
0x32: {  	s16 =	sadd.s32 s6, s8  }
0x33: {  	[tilespmem:s26], [sflag:$0x2] =	stream.linear.gather [hbm4b:s16+s15], $0x2D0, $0x38;
	[tilespmem:$0x1CAE0] =	vst v63  }
0x34: {  	s16 =	sadd.s32 s7, s8  }
0x35: {  	[tilespmem:s28], [sflag:$0x2] =	stream.linear.gather [hbm4b:s16+s15], $0x2D0, $0x38;
	[tilespmem:$0x1CAE0] =	vst v63  }
0x36: {  	_ =	swait.ge [sflag:s29], $0x2D00  }
0x37: {  	[sflag:s29] =	ssyncset.done $0x0  }
0x38: {  	s15 =	simm.s32 $0x168F0;
	[sflag:s29] =	ssyncadd.s32 $0xFFFFD300  }
0x39: {  	s3 =	simm.s32 $0x40;
	s8 =	simm.s32 $0x0;
	s16 =	simm.s32 $0x168F0;
	v0 =	vld [tilespmem:s15+$0xFFFFFFB0]  }
.LBB2_3:
0x3a: {  	p0 =	sne.s32 s3, $0xB00;
	v1 =	vld [tilespmem:s8+$0x165A0]  }
0x3b: {  	v2 =	vld [tilespmem:s15+$0xFFFFFF90]  }
0x3c: {  	v3 =	vld [tilespmem:s15+$0xFFFFFF80]  }
0x3d: {  	v4 =	vld [tilespmem:s15+$0xFFFFFFA0]  }
0x3e: {  	v5 =	vld [tilespmem:s15+$0xFFFFFFF0]  }
0x3f: {  	v6 =	vbroadcast v1, $0x0;
	v7 =	vbroadcast v1, $0x1;
	v8 =	vld [tilespmem:s15+$0xFFFFFFD0]  }
0x40: {  	v9 =	vbroadcast v1, $0x2;
	v10 =	vbroadcast v1, $0x3;
	v11 =	vld [tilespmem:s15+$0xFFFFFFC0]  }
0x41: {  	v3 =	vmul.f32 v6, v3;
	v2 =	vmul.f32 v2, v7;
	v6 =	vld [tilespmem:s15+$0xFFFFFFE0]  }
0x42: {  	v0 =	vmul.f32 v0, v10;
	v4 =	vmul.f32 v4, v9;
	v7 =	vld [tilespmem:s15+$0x30]  }
0x43: {  	v9 =	vbroadcast v1, $0x5;
	[tilespmem:s15+$0xFFFFFF80] =	vst v3;
	v3 =	vbroadcast v1, $0x4;
	v10 =	vld [tilespmem:s15+$0x10]  }
0x44: {  	v12 =	vbroadcast v1, $0x7;
	[tilespmem:s15+$0xFFFFFF90] =	vst v2;
	v2 =	vbroadcast v1, $0x6;
	v13 =	vld [tilespmem:s15+$0x0]  }
0x45: {  	[tilespmem:s15+$0xFFFFFFA0] =	vst v4;
	v3 =	vmul.f32 v11, v3;
	v4 =	vmul.f32 v8, v9;
	v8 =	vld [tilespmem:s15+$0x20]  }
0x46: {  	[tilespmem:s15+$0xFFFFFFB0] =	vst v0;
	v0 =	vmul.f32 v6, v2;
	v2 =	vmul.f32 v5, v12;
	v5 =	vld [tilespmem:s15+$0x70]  }
0x47: {  	v6 =	vbroadcast v1, $0x9;
	[tilespmem:s15+$0xFFFFFFC0] =	vst v3;
	v3 =	vbroadcast v1, $0x8;
	v9 =	vld [tilespmem:s15+$0x50]  }
0x48: {  	v11 =	vbroadcast v1, $0xB;
	[tilespmem:s15+$0xFFFFFFD0] =	vst v4;
	v4 =	vbroadcast v1, $0xA;
	v12 =	vld [tilespmem:s15+$0x40]  }
0x49: {  	[tilespmem:s15+$0xFFFFFFE0] =	vst v0;
	v0 =	vmul.f32 v13, v3;
	v3 =	vmul.f32 v10, v6;
	v6 =	vld [tilespmem:s15+$0x60]  }
0x4a: {  	[tilespmem:s15+$0xFFFFFFF0] =	vst v2;
	v2 =	vmul.f32 v8, v4;
	v4 =	vmul.f32 v7, v11  }
0x4b: {  	v7 =	vbroadcast v1, $0xD;
	[tilespmem:s15+$0x0] =	vst v0;
	v0 =	vbroadcast v1, $0xC  }
0x4c: {  	[tilespmem:s15+$0x10] =	vst v3;
	v3 =	vbroadcast v1, $0xE;
	v1 =	vbroadcast v1, $0xF  }
0x4d: {  	[tilespmem:s15+$0x20] =	vst v2;
	v0 =	vmul.f32 v12, v0;
	v2 =	vmul.f32 v9, v7  }
.Ltmp0:
0x4e: {  	[tilespmem:s15+$0x30] =	vst v4;
	v3 =	vmul.f32 v6, v3;
	v1 =	vmul.f32 v5, v1;
	(pc) =	sbr.rel @p0 .LBB2_3-.Ltmp0, $4  }
0x4f: {  	[tilespmem:s15+$0x40] =	vst v0  }
0x50: {  	[tilespmem:s15+$0x50] =	vst v2  }
0x51: {  	s15 =	sadd.s32 $0x100, s15;
	[tilespmem:s16+$0x60] =	vst v3  }
0x52: {  	s8 =	sshra.s32 s3, $0x2;
	s3 =	sadd.s32 $0x40, s3;
	v0 =	vld [tilespmem:s15+$0xFFFFFFB0];
	[tilespmem:s16+$0x70] =	vst v1;
	s16 =	smov.u32 s15  }
0x53: {  	v1 =	vld [tilespmem:s8+$0x165A0];
	_ =	sdelay $0x1  }
0x54: {  	v2 =	vld [tilespmem:s15+$0xFFFFFF80]  }
0x55: {  	v3 =	vld [tilespmem:s15+$0xFFFFFF90]  }
0x56: {  	v4 =	vld [tilespmem:s15+$0xFFFFFFA0]  }
0x57: {  	v5 =	vbroadcast v1, $0x0  }
0x58: {  	v7 =	vld [tilespmem:s15+$0xFFFFFFC0];
	v6 =	vbroadcast v1, $0x1  }
0x59: {  	v8 =	vld [tilespmem:s15+$0xFFFFFFD0];
	v9 =	vbroadcast v1, $0x2;
	v2 =	vmul.f32 v5, v2  }
0x5a: {  	v51 =	vld [tilespmem:s15+$0xFFFFFFE0];
	v50 =	vbroadcast v1, $0x3;
	v3 =	vmul.f32 v3, v6  }
0x5b: {  	v53 =	vld [tilespmem:s15+$0x10];
	v4 =	vmul.f32 v4, v9;
	[tilespmem:s15+$0xFFFFFF80] =	vst v2;
	v2 =	vbroadcast v1, $0x4  }
0x5c: {  	v52 =	vbroadcast v1, $0x5;
	v0 =	vmul.f32 v0, v50;
	[tilespmem:s15+$0xFFFFFF90] =	vst v3;
	v3 =	vld [tilespmem:s15+$0x0]  }
0x5d: {  	v10 =	vld [tilespmem:s15+$0xFFFFFFF0];
	v11 =	vbroadcast v1, $0x6;
	[tilespmem:s15+$0xFFFFFFA0] =	vst v4;
	v2 =	vmul.f32 v7, v2  }
0x5e: {  	v55 =	vld [tilespmem:s15+$0x20];
	v56 =	vbroadcast v1, $0x9;
	v5 =	vmul.f32 v8, v52;
	[tilespmem:s15+$0xFFFFFFB0] =	vst v0  }
0x5f: {  	v6 =	vmul.f32 v51, v11;
	v0 =	vld [tilespmem:s15+$0x30];
	[tilespmem:s15+$0xFFFFFFC0] =	vst v2;
	v2 =	vbroadcast v1, $0x8  }
0x60: {  	v57 =	vld [tilespmem:s15+$0x40];
	v54 =	vbroadcast v1, $0x7;
	v60 =	vmul.f32 v53, v56;
	[tilespmem:s15+$0xFFFFFFD0] =	vst v5  }
0x61: {  	v58 =	vld [tilespmem:s15+$0x50];
	v59 =	vbroadcast v1, $0xA;
	[tilespmem:s15+$0xFFFFFFE0] =	vst v6;
	v2 =	vmul.f32 v3, v2  }
0x62: {  	v61 =	vld [tilespmem:s15+$0x60];
	v4 =	vmul.f32 v10, v54;
	[tilespmem:s15+$0x10] =	vst v60;
	v3 =	vbroadcast v1, $0xB  }
0x63: {  	v62 =	vld [tilespmem:s15+$0x70];
	v7 =	vmul.f32 v55, v59;
	[tilespmem:s15+$0x0] =	vst v2;
	v2 =	vbroadcast v1, $0xC  }
0x64: {  	[tilespmem:s15+$0xFFFFFFF0] =	vst v4;
	v0 =	vmul.f32 v0, v3;
	v3 =	vbroadcast v1, $0xD  }
0x65: {  	v63 =	vbroadcast v1, $0xE;
	[tilespmem:s15+$0x20] =	vst v7;
	v2 =	vmul.f32 v57, v2  }
0x66: {  	v1 =	vbroadcast v1, $0xF;
	v3 =	vmul.f32 v58, v3;
	[tilespmem:s15+$0x30] =	vst v0  }
0x67: {  	v0 =	vmul.f32 v61, v63;
	[tilespmem:s15+$0x40] =	vst v2  }
0x68: {  	v1 =	vmul.f32 v62, v1;
	[tilespmem:s15+$0x50] =	vst v3  }
0x69: {  	[tilespmem:s16+$0x60] =	vst v0  }
0x6a: {  	[tilespmem:s16+$0x70] =	vst v1  }
0x6b: {  	_ =	swait.ge [sflag:s30], $0x2D0  }
0x6c: {  	[sflag:s30] =	ssyncset.done $0x0  }
0x6d: {  	[sflag:s30] =	ssyncadd.s32 $0xFFFFFD30  }
0x6e: {  	_ =	swait.ge [sflag:s30], $0x2D0  }
0x6f: {  	[sflag:s30] =	ssyncset.done $0x0  }
0x70: {  	[sflag:s30] =	ssyncadd.s32 $0xFFFFFD30  }
0x71: {  	_ =	swait.ge [sflag:s30], $0x2D0  }
0x72: {  	[sflag:s30] =	ssyncset.done $0x0  }
0x73: {  	[sflag:s30] =	ssyncadd.s32 $0xFFFFFD30  }
0x74: {  	[tilespmem:s31], [sflag:$0x4] =	stream.indirect.gather [hbm4b:s4+s23], $0x10, s25, s23, $0xb8;
	[tilespmem:$0x1CAE0] =	vst v63  }
0x75: {  	_ = 	snop  }
0x76: {  	[spmem:s1] =	stream.indirect.scatter.add.f32 [tilespmem:s24], [sflag:$0x5], $0x10, s20, s23, $0xb8;
	[tilespmem:$0x1CAE0] =	vst v63  }
0x77: {  	s3 =	sadd.s32 s12, s14;
	_ =	swait.ge [sflag:s0], $0x2D00  }
0x78: {  	s3 =	sshrl.u32 s3, $0x3;
	[sflag:s0] =	ssyncset.done $0x0  }
0x79: {  	s12 =	sadd.s32 s5, s3;
	s15 =	simm.s32 $0x0;
	[sflag:s0] =	ssyncadd.s32 $0xFFFFD300  }
0x7a: {  	[tilespmem:s19], [sflag:$0x1] =	stream.linear.gather [hbm4b:s12+s15], $0x2D0, $0x38;
	[tilespmem:$0x1CAE0] =	vst v63  }
0x7b: {  	s16 =	sadd.s32 s6, s3  }
0x7c: {  	[tilespmem:s20], [sflag:$0x1] =	stream.linear.gather [hbm4b:s16+s15], $0x2D0, $0x38;
	[tilespmem:$0x1CAE0] =	vst v63  }
0x7d: {  	s3 =	sadd.s32 s7, s3  }
0x7e: {  	[tilespmem:s21], [sflag:$0x1] =	stream.linear.gather [hbm4b:s3+s15], $0x2D0, $0x38;
	[tilespmem:$0x1CAE0] =	vst v63  }
0x7f: {  	_ =	swait.ge [sflag:s2], $0x2D00  }
0x80: {  	[sflag:s2] =	ssyncset.done $0x0  }
0x81: {  	s12 =	simm.s32 $0x19E60;
	[sflag:s2] =	ssyncadd.s32 $0xFFFFD300  }
0x82: {  	s8 =	simm.s32 $0x0;
	s3 =	simm.s32 $0x40;
	s15 =	simm.s32 $0x19E60;
	v0 =	vld [tilespmem:s12+$0xFFFFFFB0]  }
.LBB2_5:
0x83: {  	p0 =	sne.s32 s3, $0xB00;
	v1 =	vld [tilespmem:s8+$0x19B10]  }
0x84: {  	v2 =	vld [tilespmem:s12+$0xFFFFFF90]  }
0x85: {  	v3 =	vld [tilespmem:s12+$0xFFFFFF80]  }
0x86: {  	v4 =	vld [tilespmem:s12+$0xFFFFFFA0]  }
0x87: {  	v5 =	vld [tilespmem:s12+$0xFFFFFFF0]  }
0x88: {  	v6 =	vbroadcast v1, $0x0;
	v7 =	vbroadcast v1, $0x1;
	v8 =	vld [tilespmem:s12+$0xFFFFFFD0]  }
0x89: {  	v9 =	vbroadcast v1, $0x2;
	v10 =	vbroadcast v1, $0x3;
	v11 =	vld [tilespmem:s12+$0xFFFFFFC0]  }
0x8a: {  	v3 =	vmul.f32 v6, v3;
	v2 =	vmul.f32 v2, v7;
	v6 =	vld [tilespmem:s12+$0xFFFFFFE0]  }
0x8b: {  	v0 =	vmul.f32 v0, v10;
	v4 =	vmul.f32 v4, v9;
	v7 =	vld [tilespmem:s12+$0x30]  }
0x8c: {  	v9 =	vbroadcast v1, $0x5;
	[tilespmem:s12+$0xFFFFFF80] =	vst v3;
	v3 =	vbroadcast v1, $0x4;
	v10 =	vld [tilespmem:s12+$0x10]  }
0x8d: {  	v12 =	vbroadcast v1, $0x7;
	[tilespmem:s12+$0xFFFFFF90] =	vst v2;
	v2 =	vbroadcast v1, $0x6;
	v13 =	vld [tilespmem:s12+$0x0]  }
0x8e: {  	[tilespmem:s12+$0xFFFFFFA0] =	vst v4;
	v3 =	vmul.f32 v11, v3;
	v4 =	vmul.f32 v8, v9;
	v8 =	vld [tilespmem:s12+$0x20]  }
0x8f: {  	[tilespmem:s12+$0xFFFFFFB0] =	vst v0;
	v0 =	vmul.f32 v6, v2;
	v2 =	vmul.f32 v5, v12;
	v5 =	vld [tilespmem:s12+$0x70]  }
0x90: {  	v6 =	vbroadcast v1, $0x9;
	[tilespmem:s12+$0xFFFFFFC0] =	vst v3;
	v3 =	vbroadcast v1, $0x8;
	v9 =	vld [tilespmem:s12+$0x50]  }
0x91: {  	v11 =	vbroadcast v1, $0xB;
	[tilespmem:s12+$0xFFFFFFD0] =	vst v4;
	v4 =	vbroadcast v1, $0xA;
	v12 =	vld [tilespmem:s12+$0x40]  }
0x92: {  	[tilespmem:s12+$0xFFFFFFE0] =	vst v0;
	v0 =	vmul.f32 v13, v3;
	v3 =	vmul.f32 v10, v6;
	v6 =	vld [tilespmem:s12+$0x60]  }
0x93: {  	[tilespmem:s12+$0xFFFFFFF0] =	vst v2;
	v2 =	vmul.f32 v8, v4;
	v4 =	vmul.f32 v7, v11  }
0x94: {  	v7 =	vbroadcast v1, $0xD;
	[tilespmem:s12+$0x0] =	vst v0;
	v0 =	vbroadcast v1, $0xC  }
0x95: {  	[tilespmem:s12+$0x10] =	vst v3;
	v3 =	vbroadcast v1, $0xE;
	v1 =	vbroadcast v1, $0xF  }
0x96: {  	[tilespmem:s12+$0x20] =	vst v2;
	v0 =	vmul.f32 v12, v0;
	v2 =	vmul.f32 v9, v7  }
.Ltmp1:
0x97: {  	[tilespmem:s12+$0x30] =	vst v4;
	v3 =	vmul.f32 v6, v3;
	v1 =	vmul.f32 v5, v1;
	(pc) =	sbr.rel @p0 .LBB2_5-.Ltmp1, $4  }
0x98: {  	[tilespmem:s12+$0x40] =	vst v0  }
0x99: {  	[tilespmem:s12+$0x50] =	vst v2  }
0x9a: {  	s12 =	sadd.s32 $0x100, s12;
	[tilespmem:s15+$0x60] =	vst v3  }
0x9b: {  	s8 =	sshra.s32 s3, $0x2;
	s3 =	sadd.s32 $0x40, s3;
	v0 =	vld [tilespmem:s12+$0xFFFFFFB0];
	[tilespmem:s15+$0x70] =	vst v1;
	s15 =	smov.u32 s12  }
0x9c: {  	v1 =	vld [tilespmem:s8+$0x19B10];
	_ =	sdelay $0x1  }
0x9d: {  	v2 =	vld [tilespmem:s12+$0xFFFFFF80]  }
0x9e: {  	v3 =	vld [tilespmem:s12+$0xFFFFFF90]  }
0x9f: {  	v4 =	vld [tilespmem:s12+$0xFFFFFFA0]  }
0xa0: {  	v5 =	vbroadcast v1, $0x0  }
0xa1: {  	v8 =	vld [tilespmem:s12+$0xFFFFFFD0];
	v6 =	vbroadcast v1, $0x1  }
0xa2: {  	v43 =	vld [tilespmem:s12+$0xFFFFFFE0];
	v9 =	vbroadcast v1, $0x2;
	v2 =	vmul.f32 v5, v2  }
0xa3: {  	v47 =	vld [tilespmem:s12+$0x10];
	v42 =	vbroadcast v1, $0x3;
	v3 =	vmul.f32 v3, v6  }
0xa4: {  	v7 =	vld [tilespmem:s12+$0xFFFFFFC0];
	v45 =	vbroadcast v1, $0x5;
	v4 =	vmul.f32 v4, v9;
	[tilespmem:s12+$0xFFFFFF80] =	vst v2  }
0xa5: {  	v10 =	vld [tilespmem:s12+$0xFFFFFFF0];
	v11 =	vbroadcast v1, $0x6;
	v0 =	vmul.f32 v0, v42;
	[tilespmem:s12+$0xFFFFFF90] =	vst v3  }
0xa6: {  	v49 =	vld [tilespmem:s12+$0x20];
	v52 =	vbroadcast v1, $0x9;
	v5 =	vmul.f32 v8, v45;
	[tilespmem:s12+$0xFFFFFFA0] =	vst v4  }
0xa7: {  	v50 =	vld [tilespmem:s12+$0x30];
	v44 =	vbroadcast v1, $0x4;
	v6 =	vmul.f32 v43, v11;
	[tilespmem:s12+$0xFFFFFFB0] =	vst v0  }
0xa8: {  	v46 =	vld [tilespmem:s12+$0x0];
	v48 =	vbroadcast v1, $0x7;
	v57 =	vmul.f32 v47, v52;
	[tilespmem:s12+$0xFFFFFFD0] =	vst v5  }
0xa9: {  	v54 =	vld [tilespmem:s12+$0x50];
	v55 =	vbroadcast v1, $0xA;
	v2 =	vmul.f32 v7, v44;
	[tilespmem:s12+$0xFFFFFFE0] =	vst v6  }
0xaa: {  	v53 =	vld [tilespmem:s12+$0x40];
	v56 =	vbroadcast v1, $0xB;
	v4 =	vmul.f32 v10, v48;
	[tilespmem:s12+$0x10] =	vst v57  }
0xab: {  	v58 =	vld [tilespmem:s12+$0x60];
	v51 =	vbroadcast v1, $0x8;
	v7 =	vmul.f32 v49, v55;
	[tilespmem:s12+$0xFFFFFFC0] =	vst v2  }
0xac: {  	v59 =	vld [tilespmem:s12+$0x70];
	v61 =	vbroadcast v1, $0xD;
	v0 =	vmul.f32 v50, v56;
	[tilespmem:s12+$0xFFFFFFF0] =	vst v4  }
0xad: {  	v60 =	vbroadcast v1, $0xC;
	v2 =	vmul.f32 v46, v51;
	[tilespmem:s12+$0x20] =	vst v7  }
0xae: {  	v62 =	vbroadcast v1, $0xE;
	v3 =	vmul.f32 v54, v61;
	[tilespmem:s12+$0x30] =	vst v0  }
0xaf: {  	v1 =	vbroadcast v1, $0xF;
	[tilespmem:s12+$0x0] =	vst v2;
	v2 =	vmul.f32 v53, v60  }
0xb0: {  	v63 =	vmul.f32 v58, v62;
	[tilespmem:s12+$0x50] =	vst v3  }
0xb1: {  	v1 =	vmul.f32 v59, v1;
	[tilespmem:s12+$0x40] =	vst v2  }
0xb2: {  	[tilespmem:s15+$0x60] =	vst v63  }
0xb3: {  	[tilespmem:s15+$0x70] =	vst v1  }
0xb4: {  	_ =	swait.ge [sflag:s22], $0x2D0  }
0xb5: {  	[sflag:s22] =	ssyncset.done $0x0  }
0xb6: {  	[sflag:s22] =	ssyncadd.s32 $0xFFFFFD30  }
0xb7: {  	_ =	swait.ge [sflag:s22], $0x2D0  }
0xb8: {  	[sflag:s22] =	ssyncset.done $0x0  }
0xb9: {  	s11 =	sadd.s32 $0x1, s11;
	[sflag:s22] =	ssyncadd.s32 $0xFFFFFD30  }
0xba: {  	p0 =	sne.s32 s11, $0x3E;
	_ =	swait.ge [sflag:s22], $0x2D0  }
.Ltmp2:
0xbb: {  	[sflag:s22] =	ssyncset.done $0x0;
	(pc) =	sbr.rel @p0 .LBB2_2-.Ltmp2, $4  }
0xbc: {  	[sflag:s22] =	ssyncadd.s32 $0xFFFFFD30  }
0xbd: {  	[tilespmem:s24], [sflag:$0x3] =	stream.indirect.gather [hbm4b:s4+s23], $0x10, s19, s23, $0xb8;
	[tilespmem:$0x1CAE0] =	vst v63  }
0xbe: {  	_ = 	snop  }
0xbf: {  	[spmem:s1] =	stream.indirect.scatter.add.f32 [tilespmem:s31], [sflag:$0x6], $0x10, s26, s23, $0xb8;
	[tilespmem:$0x1CAE0] =	vst v63  }
0xc0: {  	s3 =	simm.s32 $0x6  }
0xc1: {  	_ =	swait.ge [sflag:s3], $0x2D00  }
0xc2: {  	[sflag:s3] =	ssyncset.done $0x0  }
0xc3: {  	[sflag:s3] =	ssyncadd.s32 $0xFFFFD300  }
0xc4: {  	_ =	swait.ge [sflag:s29], $0x2D00  }
0xc5: {  	[sflag:s29] =	ssyncset.done $0x0  }
0xc6: {  	s11 =	simm.s32 $0x168F0;
	[sflag:s29] =	ssyncadd.s32 $0xFFFFD300  }
0xc7: {  	s8 =	simm.s32 $0x0;
	s12 =	simm.s32 $0x168F0;
	s3 =	simm.s32 $0x40;
	v0 =	vld [tilespmem:s11+$0xFFFFFFB0]  }
.LBB2_8:
0xc8: {  	p0 =	sne.s32 s3, $0xB00;
	v1 =	vld [tilespmem:s8+$0x165A0]  }
0xc9: {  	v2 =	vld [tilespmem:s11+$0xFFFFFF90]  }
0xca: {  	v3 =	vld [tilespmem:s11+$0xFFFFFF80]  }
0xcb: {  	v4 =	vld [tilespmem:s11+$0xFFFFFFA0]  }
0xcc: {  	v5 =	vld [tilespmem:s11+$0xFFFFFFF0]  }
0xcd: {  	v6 =	vbroadcast v1, $0x0;
	v7 =	vbroadcast v1, $0x1;
	v8 =	vld [tilespmem:s11+$0xFFFFFFD0]  }
0xce: {  	v9 =	vbroadcast v1, $0x2;
	v10 =	vbroadcast v1, $0x3;
	v11 =	vld [tilespmem:s11+$0xFFFFFFC0]  }
0xcf: {  	v3 =	vmul.f32 v6, v3;
	v2 =	vmul.f32 v2, v7;
	v6 =	vld [tilespmem:s11+$0xFFFFFFE0]  }
0xd0: {  	v0 =	vmul.f32 v0, v10;
	v4 =	vmul.f32 v4, v9;
	v7 =	vld [tilespmem:s11+$0x30]  }
0xd1: {  	v9 =	vbroadcast v1, $0x5;
	[tilespmem:s11+$0xFFFFFF80] =	vst v3;
	v3 =	vbroadcast v1, $0x4;
	v10 =	vld [tilespmem:s11+$0x10]  }
0xd2: {  	v12 =	vbroadcast v1, $0x7;
	[tilespmem:s11+$0xFFFFFF90] =	vst v2;
	v2 =	vbroadcast v1, $0x6;
	v13 =	vld [tilespmem:s11+$0x0]  }
0xd3: {  	[tilespmem:s11+$0xFFFFFFA0] =	vst v4;
	v3 =	vmul.f32 v11, v3;
	v4 =	vmul.f32 v8, v9;
	v8 =	vld [tilespmem:s11+$0x20]  }
0xd4: {  	[tilespmem:s11+$0xFFFFFFB0] =	vst v0;
	v0 =	vmul.f32 v6, v2;
	v2 =	vmul.f32 v5, v12;
	v5 =	vld [tilespmem:s11+$0x70]  }
0xd5: {  	v6 =	vbroadcast v1, $0x9;
	[tilespmem:s11+$0xFFFFFFC0] =	vst v3;
	v3 =	vbroadcast v1, $0x8;
	v9 =	vld [tilespmem:s11+$0x50]  }
0xd6: {  	v11 =	vbroadcast v1, $0xB;
	[tilespmem:s11+$0xFFFFFFD0] =	vst v4;
	v4 =	vbroadcast v1, $0xA;
	v12 =	vld [tilespmem:s11+$0x40]  }
0xd7: {  	[tilespmem:s11+$0xFFFFFFE0] =	vst v0;
	v0 =	vmul.f32 v13, v3;
	v3 =	vmul.f32 v10, v6;
	v6 =	vld [tilespmem:s11+$0x60]  }
0xd8: {  	[tilespmem:s11+$0xFFFFFFF0] =	vst v2;
	v2 =	vmul.f32 v8, v4;
	v4 =	vmul.f32 v7, v11  }
0xd9: {  	v7 =	vbroadcast v1, $0xD;
	[tilespmem:s11+$0x0] =	vst v0;
	v0 =	vbroadcast v1, $0xC  }
0xda: {  	[tilespmem:s11+$0x10] =	vst v3;
	v3 =	vbroadcast v1, $0xE;
	v1 =	vbroadcast v1, $0xF  }
0xdb: {  	[tilespmem:s11+$0x20] =	vst v2;
	v0 =	vmul.f32 v12, v0;
	v2 =	vmul.f32 v9, v7  }
.Ltmp3:
0xdc: {  	[tilespmem:s11+$0x30] =	vst v4;
	v3 =	vmul.f32 v6, v3;
	v1 =	vmul.f32 v5, v1;
	(pc) =	sbr.rel @p0 .LBB2_8-.Ltmp3, $4  }
0xdd: {  	[tilespmem:s11+$0x40] =	vst v0  }
0xde: {  	[tilespmem:s11+$0x50] =	vst v2  }
0xdf: {  	s11 =	sadd.s32 $0x100, s11;
	[tilespmem:s12+$0x60] =	vst v3  }
0xe0: {  	s8 =	sshra.s32 s3, $0x2;
	s3 =	sadd.s32 $0x40, s3;
	v0 =	vld [tilespmem:s11+$0xFFFFFFB0];
	[tilespmem:s12+$0x70] =	vst v1;
	s12 =	smov.u32 s11  }
0xe1: {  	v1 =	vld [tilespmem:s8+$0x165A0];
	_ =	sdelay $0x1  }
0xe2: {  	v2 =	vld [tilespmem:s11+$0xFFFFFF80]  }
0xe3: {  	v3 =	vld [tilespmem:s11+$0xFFFFFF90]  }
0xe4: {  	v4 =	vld [tilespmem:s11+$0xFFFFFFA0]  }
0xe5: {  	v5 =	vbroadcast v1, $0x0  }
0xe6: {  	v8 =	vld [tilespmem:s11+$0xFFFFFFD0];
	v6 =	vbroadcast v1, $0x1  }
0xe7: {  	v43 =	vld [tilespmem:s11+$0xFFFFFFE0];
	v9 =	vbroadcast v1, $0x2;
	v2 =	vmul.f32 v5, v2  }
0xe8: {  	v47 =	vld [tilespmem:s11+$0x10];
	v42 =	vbroadcast v1, $0x3;
	v3 =	vmul.f32 v3, v6  }
0xe9: {  	v7 =	vld [tilespmem:s11+$0xFFFFFFC0];
	v45 =	vbroadcast v1, $0x5;
	v4 =	vmul.f32 v4, v9;
	[tilespmem:s11+$0xFFFFFF80] =	vst v2  }
0xea: {  	v10 =	vld [tilespmem:s11+$0xFFFFFFF0];
	v11 =	vbroadcast v1, $0x6;
	v0 =	vmul.f32 v0, v42;
	[tilespmem:s11+$0xFFFFFF90] =	vst v3  }
0xeb: {  	v49 =	vld [tilespmem:s11+$0x20];
	v52 =	vbroadcast v1, $0x9;
	v5 =	vmul.f32 v8, v45;
	[tilespmem:s11+$0xFFFFFFA0] =	vst v4  }
0xec: {  	v50 =	vld [tilespmem:s11+$0x30];
	v44 =	vbroadcast v1, $0x4;
	v6 =	vmul.f32 v43, v11;
	[tilespmem:s11+$0xFFFFFFB0] =	vst v0  }
0xed: {  	v46 =	vld [tilespmem:s11+$0x0];
	v48 =	vbroadcast v1, $0x7;
	v57 =	vmul.f32 v47, v52;
	[tilespmem:s11+$0xFFFFFFD0] =	vst v5  }
0xee: {  	v54 =	vld [tilespmem:s11+$0x50];
	v55 =	vbroadcast v1, $0xA;
	v2 =	vmul.f32 v7, v44;
	[tilespmem:s11+$0xFFFFFFE0] =	vst v6  }
0xef: {  	v53 =	vld [tilespmem:s11+$0x40];
	v56 =	vbroadcast v1, $0xB;
	v4 =	vmul.f32 v10, v48;
	[tilespmem:s11+$0x10] =	vst v57  }
0xf0: {  	v58 =	vld [tilespmem:s11+$0x60];
	v51 =	vbroadcast v1, $0x8;
	v7 =	vmul.f32 v49, v55;
	[tilespmem:s11+$0xFFFFFFC0] =	vst v2  }
0xf1: {  	v59 =	vld [tilespmem:s11+$0x70];
	v61 =	vbroadcast v1, $0xD;
	v0 =	vmul.f32 v50, v56;
	[tilespmem:s11+$0xFFFFFFF0] =	vst v4  }
0xf2: {  	v60 =	vbroadcast v1, $0xC;
	v2 =	vmul.f32 v46, v51;
	[tilespmem:s11+$0x20] =	vst v7  }
0xf3: {  	v62 =	vbroadcast v1, $0xE;
	v3 =	vmul.f32 v54, v61;
	[tilespmem:s11+$0x30] =	vst v0  }
0xf4: {  	v1 =	vbroadcast v1, $0xF;
	[tilespmem:s11+$0x0] =	vst v2;
	v2 =	vmul.f32 v53, v60  }
0xf5: {  	v63 =	vmul.f32 v58, v62;
	[tilespmem:s11+$0x50] =	vst v3  }
0xf6: {  	v1 =	vmul.f32 v59, v1;
	[tilespmem:s11+$0x40] =	vst v2  }
0xf7: {  	[tilespmem:s12+$0x60] =	vst v63  }
0xf8: {  	[tilespmem:s12+$0x70] =	vst v1  }
0xf9: {  	[spmem:s1] =	stream.indirect.scatter.add.f32 [tilespmem:s24], [sflag:$0x5], $0x10, s20, s23, $0xb8;
	[tilespmem:$0x1CAE0] =	vst v63  }
0xfa: {  	_ =	swait.ge [sflag:s0], $0x2D00  }
0xfb: {  	[sflag:s0] =	ssyncset.done $0x0  }
0xfc: {  	[sflag:s0] =	ssyncadd.s32 $0xFFFFD300  }
0xfd: {  	[bflag:$0x0] =	sbarrier.arrive $0xFFFF  }
0xfe: {  	s3 =	rddreg [dreg:$0x7]  }
0xff: {  	[hbm:s3], [sflag:s9] =	dma.local [spmem:s17], $0x2C00  }
0x100: {  	_ =	swait.ge [sflag:s18], $0x2C00  }
0x101: {  	s10 =	sadd.s32 $0x1, s10;
	s16 =	rddreg [dreg:$0x8]  }
0x102: {  	p0 =	sne.s32 s10, s16  }
.Ltmp4:
0x103: {  	_ = 	snop;
	(pc) =	sbr.rel @p0 .LBB2_1-.Ltmp4, $3  }
0x104: {  	_ =	sdelay $0x1  }
0x105: {  	[sflag:s18] =	ssyncset.done $0x0  }
0x106: {  	[sflag:s18] =	ssyncadd.s32 $0xFFFFD400  }
0x107: {  	_ =	sfence.sel $0x180000  }
0x108: {  	[bflag:$0x0] =	sbarrier.arrive $0xFFFF  }
0x109: {  	_ =	strace $0x9000004A  }
0x10a: {  	s0 =	stileid.u32;
	[bflag:$0x2] =	sbarrier.arrive $0xFFFF  }
0x10b: {  	p0 =	sne.s32 s0, $0x0;
	s0 =	rddreg [dreg:$0x2]  }
0x10c: {  	s0 =	sadd.s32 @!p0 $0x100000, s0  }
0x10d: {  	[sflag:s0] =	ssyncadd.tile.s32 @!p0 $0x1;
	_ =	shalt  }
.Lfunc_end2:
_tile_overlayer_lowered:
.L_overlay_start_2:
0x10e: {  	(tag) =	ssettag $0x2  }
0x10f: {  	s0 =	rddreg [dreg:$0x0];
	s2 =	stileid.u32  }
0x110: {  	s1 =	rddreg [dreg:$0x1];
	p0 =	sne.s32 s2, $0x0  }
0x111: {  	s3 =	rddreg [dreg:$0x2];
	[bflag:$0x3] =	sbarrier.arrive $0xFFFF;
	s2 =	simm.s32 @!p0 $0x1C07  }
0x112: {  	[timem:s3], [sflag:s2] =	dma.local @!p0 [hbm:s0], s1  }
0x113: {  	s0 =	simm.s32 @!p0 $0x7  }
0x114: {  	_ =	swait.ge @!p0 [sflag:s0], s1  }
0x115: {  	s1 =	ssub.s32 @!p0 $0x0, s1;
	[sflag:s0] =	ssyncset.done @!p0 $0x0  }
0x116: {  	[sflag:s0] =	ssyncadd.s32 @!p0 s1  }
0x117: {  	[bflag:$0x3] =	sbarrier.arrive $0xFFFF  }
0x118: {  	_ =	shalt  }

</sc_bundles>
